<compile_context>
chip_gen: v7x
topology: tpu7x:2x2x1
jax: 0.10.2.dev20260603
libtpu: 0.0.44.dev20260713+nightly
codegen_flags: <defaults>
</compile_context>

<pallas_src>
import functools

import jax
import jax.numpy as jnp
from jax import lax
from jax.experimental import pallas as pl
from jax.experimental.pallas import tpu as pltpu
from jax.experimental.pallas import tpu_sc as plsc

_INFO = plsc.get_sparse_core_info()
_NC = _INFO.num_cores
_NS = _INFO.num_subcores
_NW = _NC * _NS

_C = 256


@jax.jit
def _sc_lookup(table, idx_t):
    S, T = idx_t.shape
    V, D = table.shape
    t_per_w = T // _NW
    n_chunks = S * (t_per_w // _C)
    mesh = plsc.VectorSubcoreMesh(core_axis_name="c", subcore_axis_name="s")

    @functools.partial(
        pl.kernel,
        mesh=mesh,
        compiler_params=pltpu.CompilerParams(
            use_tc_tiling_on_sc=False, needs_layout_passes=False),
        out_type=jax.ShapeDtypeStruct((S, D // 8, T // 128, 8, 128),
                                      jnp.float32),
        scratch_types=[
            pltpu.VMEM((2, 1, _C), jnp.int32),
            pltpu.VMEM((_C, D), jnp.float32),
            pltpu.VMEM((_C, D), jnp.float32),
            pltpu.VMEM((_C * (D + 1) + 64,), jnp.float32),
            pltpu.VMEM((D // 8, _C // 128, 8, 128), jnp.float32),
            pltpu.VMEM((D // 8, _C // 128, 8, 128), jnp.float32),
            pltpu.SemaphoreType.DMA,
            pltpu.SemaphoreType.DMA,
            pltpu.SemaphoreType.DMA,
            pltpu.SemaphoreType.DMA,
            pltpu.SemaphoreType.DMA,
            pltpu.SemaphoreType.DMA,
        ],
    )
    def k(table_hbm, idx_hbm, out_hbm, idx_v, rows0, rows1, rp, tb0, tb1,
          gs0, gs1, ws0, ws1, is0, is1):
        wid = lax.axis_index("s") * _NC + lax.axis_index("c")
        t0w = wid * t_per_w
        rows = (rows0, rows1)
        tbs = (tb0, tb1)
        gsem = (gs0, gs1)
        wsem = (ws0, ws1)
        isem = (is0, is1)
        cpb = t_per_w // _C
        lane = lax.iota(jnp.int32, 16)

        def idx_load(n, b):
            s = n // cpb
            toff = t0w + (n % cpb) * _C
            return pltpu.make_async_copy(
                idx_hbm.at[pl.ds(s, 1), pl.ds(toff, _C)], idx_v.at[b],
                isem[b])

        def gather(b):
            return pltpu.make_async_copy(
                table_hbm.at[idx_v.at[b, 0]], rows[b], gsem[b])

        def block_write(n, b):
            s = n // cpb
            tt0 = wid * (t_per_w // 128) + (n % cpb) * (_C // 128)
            return pltpu.make_async_copy(
                tbs[b], out_hbm.at[s, :, pl.ds(tt0, _C // 128), :, :],
                wsem[b])

        P = D + 1
        laneP_dd = [lane * P + dd for dd in range(8)]

        def transpose(b):
            rb = rows[b]
            tb = tbs[b]

            @plsc.parallel_loop(0, _C // 8)
            def repitch(j8):
                j0 = j8 * 8
                vs = [rb[jj + j0, pl.ds(q * 16, 16)]
                      for jj in range(8) for q in range(D // 16)]
                i = 0
                for jj in range(8):
                    for q in range(D // 16):
                        rp[pl.ds((j0 + jj) * P + q * 16, 16)] = vs[i]
                        i += 1

            @plsc.parallel_loop(0, (_C // 128) * 8)
            def body(m):
                tj = m >> 3
                kk = m & 7
                sofs = pl.multiple_of((tj * 128 + kk * 16) * P, 8)
                dbase = kk * 16
                for g2 in range(D // 16):
                    rs0 = rp.at[pl.ds(sofs + 16 * g2, 1024)]
                    rs1 = rp.at[pl.ds(sofs + 16 * g2 + 8, 1024)]
                    vs = ([plsc.load_gather(rs0, [laneP_dd[dd]])
                           for dd in range(8)] +
                          [plsc.load_gather(rs1, [laneP_dd[dd]])
                           for dd in range(8)])
                    for h in range(2):
                        for dd in range(8):
                            tb[2 * g2 + h, tj, dd, pl.ds(dbase, 16)] = \
                                vs[8 * h + dd]

        idx_load(0, 0).start()
        idx_load(1, 1).start()
        idx_load(0, 0).wait()
        gather(0).start()

        def chunk(n, b):
            gather(b).wait()

            @pl.when(n + 2 < n_chunks)
            def _():
                idx_load(n + 2, b).start()

            @pl.when(n + 1 < n_chunks)
            def _():
                idx_load(n + 1, 1 - b).wait()
                gather(1 - b).start()

            @pl.when(n >= 2)
            def _():
                block_write(n - 2, b).wait()
            transpose(b)
            block_write(n, b).start()

        def pair(j, carry):
            chunk(2 * j, 0)
            chunk(2 * j + 1, 1)
            return carry

        lax.fori_loop(0, n_chunks // 2, pair, 0)
        block_write(n_chunks - 2, 0).wait()
        block_write(n_chunks - 1, 1).wait()

    return k(table, idx_t)


def kernel(inputs, embedding_weights):
    B0, B1 = inputs.shape
    V, D = embedding_weights.shape
    idx_t = jnp.swapaxes(inputs, 0, 1).astype(jnp.int32)
    out5 = _sc_lookup(embedding_weights, idx_t)
    return out5.transpose(2, 4, 0, 1, 3).reshape(B0, B1, D)

# --- scband reference (transcript-rebuilt; emitter-appended) ---
"""Pipeline reference for scband-embedding-lookup-65128884076894 (READ-ONLY COPY).

The authoritative reference and input builder live on the scoring server;
editing this copy changes nothing except your own understanding.
"""

import jax, jax.numpy as jnp
import numpy as np

N_TOKENS = 1000000
EMBED_DIM = 64


def setup_inputs(seed: int = 0) -> dict:
    key = jax.random.key(seed)
    k1, k2 = jax.random.split(key)
    inputs = jax.random.randint(k1, (16384, 50), 0, N_TOKENS, dtype=jnp.int64 if jax.config.jax_enable_x64 else jnp.int32)
    embedding_weights = jax.random.uniform(k2, (N_TOKENS, EMBED_DIM), dtype=jnp.float32, minval=-1.0, maxval=1.0)
    return {"inputs": inputs, "embedding_weights": embedding_weights}


def reference(inputs, embedding_weights):
    # tf.nn.embedding_lookup(embedding_weights, inputs)
    return jnp.take(embedding_weights, inputs, axis=0)

if __name__ == "__main__":
    import jax
    _d = setup_inputs()
    print(jax.jit(kernel)(*tuple(_d.values())))

</pallas_src>

<mosaic_0001>
#map = affine_map<(d0, d1) -> (0, 0)>
#map1 = affine_map<(d0, d1) -> (0, 0, 0, 0, 0)>
module attributes {stable_mosaic.version = 14 : i64} {
  func.func @k(%arg0: i32, %arg1: i32, %arg2: memref<1000000x64xf32, #tpu.memory_space<hbm>>, %arg3: memref<50x16384xi32, #tpu.memory_space<hbm>>, %arg4: memref<50x8x128x8x128xf32, #tpu.memory_space<hbm>>, %arg5: memref<2x1x256xi32, #tpu.memory_space<vmem>>, %arg6: memref<256x64xf32, #tpu.memory_space<vmem>>, %arg7: memref<256x64xf32, #tpu.memory_space<vmem>>, %arg8: memref<16704xf32, #tpu.memory_space<vmem>>, %arg9: memref<8x2x8x128xf32, #tpu.memory_space<vmem>>, %arg10: memref<8x2x8x128xf32, #tpu.memory_space<vmem>>, %arg11: memref<!tpu.dma_semaphore, #tpu.memory_space<semaphore_mem>>, %arg12: memref<!tpu.dma_semaphore, #tpu.memory_space<semaphore_mem>>, %arg13: memref<!tpu.dma_semaphore, #tpu.memory_space<semaphore_mem>>, %arg14: memref<!tpu.dma_semaphore, #tpu.memory_space<semaphore_mem>>, %arg15: memref<!tpu.dma_semaphore, #tpu.memory_space<semaphore_mem>>, %arg16: memref<!tpu.dma_semaphore, #tpu.memory_space<semaphore_mem>>) attributes {dimension_semantics = [#tpu.dimension_semantics<core_parallel>, #tpu.dimension_semantics<subcore_parallel>], iteration_bounds = array<i64: 2, 16>, scalar_prefetch = 0 : i64, scratch_operands = 12 : i64, tpu.core_type = #tpu.core_type<sc_vector_subcore>, window_params = [{transform_indices = #map}, {transform_indices = #map}, {transform_indices = #map1}]} {
    %mul3A = arith.constant 2 : i32
    %mul3A_0 = arith.muli %arg1, %mul3A : i32
    %add3A = arith.addi %mul3A_0, %arg0 : i32
    %mul3A_1 = arith.constant 512 : i32
    %mul3A_2 = arith.muli %add3A, %mul3A_1 : i32
    %iota3A = tpu.iota {dimensions = array<i32: 0>} : vector<16xi32>
    %mul3A_3 = arith.constant 65 : i32
    %mul3A_4 = vector.broadcast %mul3A_3 : i32 to vector<16xi32>
    %mul3A_5 = arith.muli %iota3A, %mul3A_4 : vector<16xi32>
    %add3A_6 = arith.constant 0 : i32
    %add3A_7 = vector.broadcast %add3A_6 : i32 to vector<16xi32>
    %add3A_8 = arith.addi %mul3A_5, %add3A_7 : vector<16xi32>
    %mul3A_9 = arith.constant 65 : i32
    %mul3A_10 = vector.broadcast %mul3A_9 : i32 to vector<16xi32>
    %mul3A_11 = arith.muli %iota3A, %mul3A_10 : vector<16xi32>
    %add3A_12 = arith.constant 1 : i32
    %add3A_13 = vector.broadcast %add3A_12 : i32 to vector<16xi32>
    %add3A_14 = arith.addi %mul3A_11, %add3A_13 : vector<16xi32>
    %mul3A_15 = arith.constant 65 : i32
    %mul3A_16 = vector.broadcast %mul3A_15 : i32 to vector<16xi32>
    %mul3A_17 = arith.muli %iota3A, %mul3A_16 : vector<16xi32>
    %add3A_18 = arith.constant 2 : i32
    %add3A_19 = vector.broadcast %add3A_18 : i32 to vector<16xi32>
    %add3A_20 = arith.addi %mul3A_17, %add3A_19 : vector<16xi32>
    %mul3A_21 = arith.constant 65 : i32
    %mul3A_22 = vector.broadcast %mul3A_21 : i32 to vector<16xi32>
    %mul3A_23 = arith.muli %iota3A, %mul3A_22 : vector<16xi32>
    %add3A_24 = arith.constant 3 : i32
    %add3A_25 = vector.broadcast %add3A_24 : i32 to vector<16xi32>
    %add3A_26 = arith.addi %mul3A_23, %add3A_25 : vector<16xi32>
    %mul3A_27 = arith.constant 65 : i32
    %mul3A_28 = vector.broadcast %mul3A_27 : i32 to vector<16xi32>
    %mul3A_29 = arith.muli %iota3A, %mul3A_28 : vector<16xi32>
    %add3A_30 = arith.constant 4 : i32
    %add3A_31 = vector.broadcast %add3A_30 : i32 to vector<16xi32>
    %add3A_32 = arith.addi %mul3A_29, %add3A_31 : vector<16xi32>
    %mul3A_33 = arith.constant 65 : i32
    %mul3A_34 = vector.broadcast %mul3A_33 : i32 to vector<16xi32>
    %mul3A_35 = arith.muli %iota3A, %mul3A_34 : vector<16xi32>
    %add3A_36 = arith.constant 5 : i32
    %add3A_37 = vector.broadcast %add3A_36 : i32 to vector<16xi32>
    %add3A_38 = arith.addi %mul3A_35, %add3A_37 : vector<16xi32>
    %mul3A_39 = arith.constant 65 : i32
    %mul3A_40 = vector.broadcast %mul3A_39 : i32 to vector<16xi32>
    %mul3A_41 = arith.muli %iota3A, %mul3A_40 : vector<16xi32>
    %add3A_42 = arith.constant 6 : i32
    %add3A_43 = vector.broadcast %add3A_42 : i32 to vector<16xi32>
    %add3A_44 = arith.addi %mul3A_41, %add3A_43 : vector<16xi32>
    %mul3A_45 = arith.constant 65 : i32
    %mul3A_46 = vector.broadcast %mul3A_45 : i32 to vector<16xi32>
    %mul3A_47 = arith.muli %iota3A, %mul3A_46 : vector<16xi32>
    %add3A_48 = arith.constant 7 : i32
    %add3A_49 = vector.broadcast %add3A_48 : i32 to vector<16xi32>
    %add3A_50 = arith.addi %mul3A_47, %add3A_49 : vector<16xi32>
    %add3A_51 = arith.constant 0 : i32
    %add3A_52 = arith.addi %mul3A_2, %add3A_51 : i32
    %dma_start3A = arith.constant 0 : i32
    %dma_start3A_53 = arith.constant 0 : i32
    %dma_start3A_54 = arith.constant 0 : i32
    %dma_start3A_55 = tpu.memref_slice %arg5[%dma_start3A, %dma_start3A_53, %dma_start3A_54] : memref<2x1x256xi32, #tpu.memory_space<vmem>> -> memref<1x1x256xi32, #tpu.memory_space<vmem>>
    %dma_start3A_56 = tpu.memref_squeeze %dma_start3A_55 : memref<1x1x256xi32, #tpu.memory_space<vmem>> -> memref<1x256xi32, #tpu.memory_space<vmem>>
    %dma_start3A_57 = arith.constant 0 : i32
    %dma_start3A_58 = tpu.memref_slice %arg3[%dma_start3A_57, %add3A_52] : memref<50x16384xi32, #tpu.memory_space<hbm>> -> memref<1x256xi32, #tpu.memory_space<hbm>>
    %dma_start3A_59 = arith.constant 0 : i32
    %dma_start3A_60 = arith.constant 0 : i32
    %dma_start3A_61 = tpu.memref_slice %arg5[%dma_start3A, %dma_start3A_59, %dma_start3A_60] : memref<2x1x256xi32, #tpu.memory_space<vmem>> -> memref<1x1x256xi32, #tpu.memory_space<vmem>>
    %dma_start3A_62 = tpu.memref_squeeze %dma_start3A_61 : memref<1x1x256xi32, #tpu.memory_space<vmem>> -> memref<1x256xi32, #tpu.memory_space<vmem>>
    %dma_start3A_63 = arith.constant 0 : i32
    %dma_start3A_64 = tpu.memref_slice %arg3[%dma_start3A_63, %add3A_52] : memref<50x16384xi32, #tpu.memory_space<hbm>> -> memref<1x256xi32, #tpu.memory_space<hbm>>
    tpu.enqueue_dma source(%dma_start3A_64 : memref<1x256xi32, #tpu.memory_space<hbm>>) target(%dma_start3A_62 : memref<1x256xi32, #tpu.memory_space<vmem>>) target_semaphore(%arg15 : memref<!tpu.dma_semaphore, #tpu.memory_space<semaphore_mem>>)
    %add3A_65 = arith.constant 256 : i32
    %add3A_66 = arith.addi %mul3A_2, %add3A_65 : i32
    %dma_start3A_67 = arith.constant 1 : i32
    %dma_start3A_68 = arith.constant 0 : i32
    %dma_start3A_69 = arith.constant 0 : i32
    %dma_start3A_70 = tpu.memref_slice %arg5[%dma_start3A_67, %dma_start3A_68, %dma_start3A_69] : memref<2x1x256xi32, #tpu.memory_space<vmem>> -> memref<1x1x256xi32, #tpu.memory_space<vmem>>
    %dma_start3A_71 = tpu.memref_squeeze %dma_start3A_70 : memref<1x1x256xi32, #tpu.memory_space<vmem>> -> memref<1x256xi32, #tpu.memory_space<vmem>>
    %dma_start3A_72 = arith.constant 0 : i32
    %dma_start3A_73 = tpu.memref_slice %arg3[%dma_start3A_72, %add3A_66] : memref<50x16384xi32, #tpu.memory_space<hbm>> -> memref<1x256xi32, #tpu.memory_space<hbm>>
    %dma_start3A_74 = arith.constant 0 : i32
    %dma_start3A_75 = arith.constant 0 : i32
    %dma_start3A_76 = tpu.memref_slice %arg5[%dma_start3A_67, %dma_start3A_74, %dma_start3A_75] : memref<2x1x256xi32, #tpu.memory_space<vmem>> -> memref<1x1x256xi32, #tpu.memory_space<vmem>>
    %dma_start3A_77 = tpu.memref_squeeze %dma_start3A_76 : memref<1x1x256xi32, #tpu.memory_space<vmem>> -> memref<1x256xi32, #tpu.memory_space<vmem>>
    %dma_start3A_78 = arith.constant 0 : i32
    %dma_start3A_79 = tpu.memref_slice %arg3[%dma_start3A_78, %add3A_66] : memref<50x16384xi32, #tpu.memory_space<hbm>> -> memref<1x256xi32, #tpu.memory_space<hbm>>
    tpu.enqueue_dma source(%dma_start3A_79 : memref<1x256xi32, #tpu.memory_space<hbm>>) target(%dma_start3A_77 : memref<1x256xi32, #tpu.memory_space<vmem>>) target_semaphore(%arg16 : memref<!tpu.dma_semaphore, #tpu.memory_space<semaphore_mem>>)
    %add3A_80 = arith.constant 0 : i32
    %add3A_81 = arith.addi %mul3A_2, %add3A_80 : i32
    %dma_wait3A = arith.constant 0 : i32
    %dma_wait3A_82 = arith.constant 0 : i32
    %dma_wait3A_83 = arith.constant 0 : i32
    %dma_wait3A_84 = tpu.memref_slice %arg5[%dma_wait3A, %dma_wait3A_82, %dma_wait3A_83] : memref<2x1x256xi32, #tpu.memory_space<vmem>> -> memref<1x1x256xi32, #tpu.memory_space<vmem>>
    %dma_wait3A_85 = tpu.memref_squeeze %dma_wait3A_84 : memref<1x1x256xi32, #tpu.memory_space<vmem>> -> memref<1x256xi32, #tpu.memory_space<vmem>>
    %dma_wait3A_86 = arith.constant 0 : i32
    %dma_wait3A_87 = tpu.memref_slice %arg3[%dma_wait3A_86, %add3A_81] : memref<50x16384xi32, #tpu.memory_space<hbm>> -> memref<1x256xi32, #tpu.memory_space<hbm>>
    %dma_wait3A_88 = arith.constant 0 : i32
    %dma_wait3A_89 = arith.constant 0 : i32
    %dma_wait3A_90 = tpu.memref_slice %arg5[%dma_wait3A, %dma_wait3A_88, %dma_wait3A_89] : memref<2x1x256xi32, #tpu.memory_space<vmem>> -> memref<1x1x256xi32, #tpu.memory_space<vmem>>
    %dma_wait3A_91 = tpu.memref_squeeze %dma_wait3A_90 : memref<1x1x256xi32, #tpu.memory_space<vmem>> -> memref<1x256xi32, #tpu.memory_space<vmem>>
    %dma_wait3A_92 = arith.constant 0 : i32
    %dma_wait3A_93 = tpu.memref_slice %arg3[%dma_wait3A_92, %add3A_81] : memref<50x16384xi32, #tpu.memory_space<hbm>> -> memref<1x256xi32, #tpu.memory_space<hbm>>
    tpu.wait_dma2 semaphore(%arg15 : memref<!tpu.dma_semaphore, #tpu.memory_space<semaphore_mem>>) src(%dma_wait3A_93 : memref<1x256xi32, #tpu.memory_space<hbm>>) dst(%dma_wait3A_91 : memref<1x256xi32, #tpu.memory_space<vmem>>)
    %dma_start3A_94 = arith.constant 0 : i32
    %dma_start3A_95 = arith.constant 0 : i32
    %dma_start3A_96 = arith.constant 0 : i32
    %dma_start3A_97 = tpu.memref_slice %arg5[%dma_start3A_94, %dma_start3A_95, %dma_start3A_96] : memref<2x1x256xi32, #tpu.memory_space<vmem>> -> memref<1x1x256xi32, #tpu.memory_space<vmem>>
    %dma_start3A_98 = tpu.memref_squeeze %dma_start3A_97 : memref<1x1x256xi32, #tpu.memory_space<vmem>> -> memref<256xi32, #tpu.memory_space<vmem>>
    %dma_start3A_99 = arith.constant 0 : i32
    %dma_start3A_100 = arith.constant 0 : i32
    %dma_start3A_101 = tpu.memref_slice %arg2[%dma_start3A_99, %dma_start3A_100] : memref<1000000x64xf32, #tpu.memory_space<hbm>> -> memref<1000000x64xf32, #tpu.memory_space<hbm>>
    tpu.enqueue_indirect_dma source(%dma_start3A_101 : memref<1000000x64xf32, #tpu.memory_space<hbm>>) target(%arg6 : memref<256x64xf32, #tpu.memory_space<vmem>>) offsets(%dma_start3A_98 : memref<256xi32, #tpu.memory_space<vmem>>) semaphore(%arg11 : memref<!tpu.dma_semaphore, #tpu.memory_space<semaphore_mem>>)
    %scan3A = arith.constant 0 : i32
    %scan3A_102 = arith.constant 0 : i32
    %scan3A_103 = arith.constant 50 : i32
    %scan3A_104 = arith.addi %scan3A_102, %scan3A_103 : i32
    %scan3A_105 = arith.constant 1 : i32
    scf.for %scan3A_137 = %scan3A_102 to %scan3A_104 step %scan3A_105  : i32 {
      %mul3A_138 = arith.constant 2 : i32
      %mul3A_139 = arith.muli %mul3A_138, %scan3A_137 : i32
      %dma_wait3A_140 = arith.constant 0 : i32
      %dma_wait3A_141 = arith.constant 0 : i32
      %dma_wait3A_142 = arith.constant 0 : i32
      %dma_wait3A_143 = tpu.memref_slice %arg5[%dma_wait3A_140, %dma_wait3A_141, %dma_wait3A_142] : memref<2x1x256xi32, #tpu.memory_space<vmem>> -> memref<1x1x256xi32, #tpu.memory_space<vmem>>
      %dma_wait3A_144 = tpu.memref_squeeze %dma_wait3A_143 : memref<1x1x256xi32, #tpu.memory_space<vmem>> -> memref<256xi32, #tpu.memory_space<vmem>>
      %dma_wait3A_145 = arith.constant 0 : i32
      %dma_wait3A_146 = arith.constant 0 : i32
      %dma_wait3A_147 = tpu.memref_slice %arg2[%dma_wait3A_145, %dma_wait3A_146] : memref<1000000x64xf32, #tpu.memory_space<hbm>> -> memref<1000000x64xf32, #tpu.memory_space<hbm>>
      tpu.wait_indirect_dma semaphore(%arg11 : memref<!tpu.dma_semaphore, #tpu.memory_space<semaphore_mem>>) src(%dma_wait3A_147 : memref<1000000x64xf32, #tpu.memory_space<hbm>>) dst(%arg6 : memref<256x64xf32, #tpu.memory_space<vmem>>)
      %add3A_148 = arith.constant 2 : i32
      %add3A_149 = arith.addi %mul3A_139, %add3A_148 : i32
      %lt3A = arith.constant 100 : i32
      %lt3A_150 = arith.cmpi slt, %add3A_149, %lt3A : i32
      %convert_element_type3A = arith.extui %lt3A_150 : i1 to i32
      %cond3A = arith.constant 0 : i32
      %cond3A_151 = arith.cmpi ne, %convert_element_type3A, %cond3A : i32
      scf.if %cond3A_151 {
        %add3A_306 = arith.constant 2 : i32
        %add3A_307 = arith.addi %mul3A_139, %add3A_306 : i32
        %jit3A_308 = arith.constant 2 : i32
        %div3A_309 = arith.divsi %add3A_307, %jit3A_308 : i32
        %sign3A_310 = arith.constant 0 : i32
        %sign3A_311 = arith.cmpi sgt, %add3A_307, %sign3A_310 : i32
        %sign3A_312 = arith.extui %sign3A_311 : i1 to i32
        %sign3A_313 = arith.constant 0 : i32
        %sign3A_314 = arith.cmpi slt, %add3A_307, %sign3A_313 : i32
        %sign3A_315 = arith.extui %sign3A_314 : i1 to i32
        %sign3A_316 = arith.subi %sign3A_312, %sign3A_315 : i32
        %sign3A_317 = arith.constant 0 : i32
        %sign3A_318 = arith.cmpi sgt, %jit3A_308, %sign3A_317 : i32
        %sign3A_319 = arith.extui %sign3A_318 : i1 to i32
        %sign3A_320 = arith.constant 0 : i32
        %sign3A_321 = arith.cmpi slt, %jit3A_308, %sign3A_320 : i32
        %sign3A_322 = arith.extui %sign3A_321 : i1 to i32
        %sign3A_323 = arith.subi %sign3A_319, %sign3A_322 : i32
        %ne3A_324 = arith.cmpi ne, %sign3A_316, %sign3A_323 : i32
        %rem3A_325 = arith.remsi %add3A_307, %jit3A_308 : i32
        %ne3A_326 = arith.constant 0 : i32
        %ne3A_327 = arith.cmpi ne, %rem3A_325, %ne3A_326 : i32
        %and3A_328 = arith.andi %ne3A_324, %ne3A_327 : i1
        %sub3A_329 = arith.constant 1 : i32
        %sub3A_330 = arith.subi %div3A_309, %sub3A_329 : i32
        %select_n3A_331 = arith.select %and3A_328, %sub3A_330, %div3A_309 : i32
        %jit3A_332 = arith.constant 2 : i32
        %eq3A_333 = arith.constant 0 : i32
        %eq3A_334 = arith.cmpi eq, %jit3A_332, %eq3A_333 : i32
        %jit3A_335 = arith.constant 1 : i32
        %select_n3A_336 = arith.select %eq3A_334, %jit3A_335, %jit3A_332 : i32
        %rem3A_337 = arith.remsi %add3A_307, %select_n3A_336 : i32
        %ne3A_338 = arith.constant 0 : i32
        %ne3A_339 = arith.cmpi ne, %rem3A_337, %ne3A_338 : i32
        %lt3A_340 = arith.constant 0 : i32
        %lt3A_341 = arith.cmpi slt, %rem3A_337, %lt3A_340 : i32
        %lt3A_342 = arith.constant 0 : i32
        %lt3A_343 = arith.cmpi slt, %select_n3A_336, %lt3A_342 : i32
        %ne3A_344 = arith.xori %lt3A_341, %lt3A_343 : i1
        %and3A_345 = arith.andi %ne3A_344, %ne3A_339 : i1
        %add3A_346 = arith.addi %rem3A_337, %select_n3A_336 : i32
        %select_n3A_347 = arith.select %and3A_345, %add3A_346, %rem3A_337 : i32
        %mul3A_348 = arith.constant 256 : i32
        %mul3A_349 = arith.muli %select_n3A_347, %mul3A_348 : i32
        %add3A_350 = arith.addi %mul3A_2, %mul3A_349 : i32
        %dma_start3A_351 = arith.constant 0 : i32
        %dma_start3A_352 = arith.constant 0 : i32
        %dma_start3A_353 = arith.constant 0 : i32
        %dma_start3A_354 = tpu.memref_slice %arg5[%dma_start3A_351, %dma_start3A_352, %dma_start3A_353] : memref<2x1x256xi32, #tpu.memory_space<vmem>> -> memref<1x1x256xi32, #tpu.memory_space<vmem>>
        %dma_start3A_355 = tpu.memref_squeeze %dma_start3A_354 : memref<1x1x256xi32, #tpu.memory_space<vmem>> -> memref<1x256xi32, #tpu.memory_space<vmem>>
        %dma_start3A_356 = tpu.memref_slice %arg3[%select_n3A_331, %add3A_350] : memref<50x16384xi32, #tpu.memory_space<hbm>> -> memref<1x256xi32, #tpu.memory_space<hbm>>
        %dma_start3A_357 = arith.constant 0 : i32
        %dma_start3A_358 = arith.constant 0 : i32
        %dma_start3A_359 = tpu.memref_slice %arg5[%dma_start3A_351, %dma_start3A_357, %dma_start3A_358] : memref<2x1x256xi32, #tpu.memory_space<vmem>> -> memref<1x1x256xi32, #tpu.memory_space<vmem>>
        %dma_start3A_360 = tpu.memref_squeeze %dma_start3A_359 : memref<1x1x256xi32, #tpu.memory_space<vmem>> -> memref<1x256xi32, #tpu.memory_space<vmem>>
        %dma_start3A_361 = tpu.memref_slice %arg3[%select_n3A_331, %add3A_350] : memref<50x16384xi32, #tpu.memory_space<hbm>> -> memref<1x256xi32, #tpu.memory_space<hbm>>
        tpu.enqueue_dma source(%dma_start3A_361 : memref<1x256xi32, #tpu.memory_space<hbm>>) target(%dma_start3A_360 : memref<1x256xi32, #tpu.memory_space<vmem>>) target_semaphore(%arg15 : memref<!tpu.dma_semaphore, #tpu.memory_space<semaphore_mem>>)
      } else {
      }
      %add3A_152 = arith.constant 1 : i32
      %add3A_153 = arith.addi %mul3A_139, %add3A_152 : i32
      %lt3A_154 = arith.constant 100 : i32
      %lt3A_155 = arith.cmpi slt, %add3A_153, %lt3A_154 : i32
      %convert_element_type3A_156 = arith.extui %lt3A_155 : i1 to i32
      %cond3A_157 = arith.constant 0 : i32
      %cond3A_158 = arith.cmpi ne, %convert_element_type3A_156, %cond3A_157 : i32
      scf.if %cond3A_158 {
        %add3A_306 = arith.constant 1 : i32
        %add3A_307 = arith.addi %mul3A_139, %add3A_306 : i32
        %jit3A_308 = arith.constant 2 : i32
        %div3A_309 = arith.divsi %add3A_307, %jit3A_308 : i32
        %sign3A_310 = arith.constant 0 : i32
        %sign3A_311 = arith.cmpi sgt, %add3A_307, %sign3A_310 : i32
        %sign3A_312 = arith.extui %sign3A_311 : i1 to i32
        %sign3A_313 = arith.constant 0 : i32
        %sign3A_314 = arith.cmpi slt, %add3A_307, %sign3A_313 : i32
        %sign3A_315 = arith.extui %sign3A_314 : i1 to i32
        %sign3A_316 = arith.subi %sign3A_312, %sign3A_315 : i32
        %sign3A_317 = arith.constant 0 : i32
        %sign3A_318 = arith.cmpi sgt, %jit3A_308, %sign3A_317 : i32
        %sign3A_319 = arith.extui %sign3A_318 : i1 to i32
        %sign3A_320 = arith.constant 0 : i32
        %sign3A_321 = arith.cmpi slt, %jit3A_308, %sign3A_320 : i32
        %sign3A_322 = arith.extui %sign3A_321 : i1 to i32
        %sign3A_323 = arith.subi %sign3A_319, %sign3A_322 : i32
        %ne3A_324 = arith.cmpi ne, %sign3A_316, %sign3A_323 : i32
        %rem3A_325 = arith.remsi %add3A_307, %jit3A_308 : i32
        %ne3A_326 = arith.constant 0 : i32
        %ne3A_327 = arith.cmpi ne, %rem3A_325, %ne3A_326 : i32
        %and3A_328 = arith.andi %ne3A_324, %ne3A_327 : i1
        %sub3A_329 = arith.constant 1 : i32
        %sub3A_330 = arith.subi %div3A_309, %sub3A_329 : i32
        %select_n3A_331 = arith.select %and3A_328, %sub3A_330, %div3A_309 : i32
        %jit3A_332 = arith.constant 2 : i32
        %eq3A_333 = arith.constant 0 : i32
        %eq3A_334 = arith.cmpi eq, %jit3A_332, %eq3A_333 : i32
        %jit3A_335 = arith.constant 1 : i32
        %select_n3A_336 = arith.select %eq3A_334, %jit3A_335, %jit3A_332 : i32
        %rem3A_337 = arith.remsi %add3A_307, %select_n3A_336 : i32
        %ne3A_338 = arith.constant 0 : i32
        %ne3A_339 = arith.cmpi ne, %rem3A_337, %ne3A_338 : i32
        %lt3A_340 = arith.constant 0 : i32
        %lt3A_341 = arith.cmpi slt, %rem3A_337, %lt3A_340 : i32
        %lt3A_342 = arith.constant 0 : i32
        %lt3A_343 = arith.cmpi slt, %select_n3A_336, %lt3A_342 : i32
        %ne3A_344 = arith.xori %lt3A_341, %lt3A_343 : i1
        %and3A_345 = arith.andi %ne3A_344, %ne3A_339 : i1
        %add3A_346 = arith.addi %rem3A_337, %select_n3A_336 : i32
        %select_n3A_347 = arith.select %and3A_345, %add3A_346, %rem3A_337 : i32
        %mul3A_348 = arith.constant 256 : i32
        %mul3A_349 = arith.muli %select_n3A_347, %mul3A_348 : i32
        %add3A_350 = arith.addi %mul3A_2, %mul3A_349 : i32
        %dma_wait3A_351 = arith.constant 1 : i32
        %dma_wait3A_352 = arith.constant 0 : i32
        %dma_wait3A_353 = arith.constant 0 : i32
        %dma_wait3A_354 = tpu.memref_slice %arg5[%dma_wait3A_351, %dma_wait3A_352, %dma_wait3A_353] : memref<2x1x256xi32, #tpu.memory_space<vmem>> -> memref<1x1x256xi32, #tpu.memory_space<vmem>>
        %dma_wait3A_355 = tpu.memref_squeeze %dma_wait3A_354 : memref<1x1x256xi32, #tpu.memory_space<vmem>> -> memref<1x256xi32, #tpu.memory_space<vmem>>
        %dma_wait3A_356 = tpu.memref_slice %arg3[%select_n3A_331, %add3A_350] : memref<50x16384xi32, #tpu.memory_space<hbm>> -> memref<1x256xi32, #tpu.memory_space<hbm>>
        %dma_wait3A_357 = arith.constant 0 : i32
        %dma_wait3A_358 = arith.constant 0 : i32
        %dma_wait3A_359 = tpu.memref_slice %arg5[%dma_wait3A_351, %dma_wait3A_357, %dma_wait3A_358] : memref<2x1x256xi32, #tpu.memory_space<vmem>> -> memref<1x1x256xi32, #tpu.memory_space<vmem>>
        %dma_wait3A_360 = tpu.memref_squeeze %dma_wait3A_359 : memref<1x1x256xi32, #tpu.memory_space<vmem>> -> memref<1x256xi32, #tpu.memory_space<vmem>>
        %dma_wait3A_361 = tpu.memref_slice %arg3[%select_n3A_331, %add3A_350] : memref<50x16384xi32, #tpu.memory_space<hbm>> -> memref<1x256xi32, #tpu.memory_space<hbm>>
        tpu.wait_dma2 semaphore(%arg16 : memref<!tpu.dma_semaphore, #tpu.memory_space<semaphore_mem>>) src(%dma_wait3A_361 : memref<1x256xi32, #tpu.memory_space<hbm>>) dst(%dma_wait3A_360 : memref<1x256xi32, #tpu.memory_space<vmem>>)
        %dma_start3A_362 = arith.constant 1 : i32
        %dma_start3A_363 = arith.constant 0 : i32
        %dma_start3A_364 = arith.constant 0 : i32
        %dma_start3A_365 = tpu.memref_slice %arg5[%dma_start3A_362, %dma_start3A_363, %dma_start3A_364] : memref<2x1x256xi32, #tpu.memory_space<vmem>> -> memref<1x1x256xi32, #tpu.memory_space<vmem>>
        %dma_start3A_366 = tpu.memref_squeeze %dma_start3A_365 : memref<1x1x256xi32, #tpu.memory_space<vmem>> -> memref<256xi32, #tpu.memory_space<vmem>>
        %dma_start3A_367 = arith.constant 0 : i32
        %dma_start3A_368 = arith.constant 0 : i32
        %dma_start3A_369 = tpu.memref_slice %arg2[%dma_start3A_367, %dma_start3A_368] : memref<1000000x64xf32, #tpu.memory_space<hbm>> -> memref<1000000x64xf32, #tpu.memory_space<hbm>>
        tpu.enqueue_indirect_dma source(%dma_start3A_369 : memref<1000000x64xf32, #tpu.memory_space<hbm>>) target(%arg7 : memref<256x64xf32, #tpu.memory_space<vmem>>) offsets(%dma_start3A_366 : memref<256xi32, #tpu.memory_space<vmem>>) semaphore(%arg12 : memref<!tpu.dma_semaphore, #tpu.memory_space<semaphore_mem>>)
      } else {
      }
      %ge3A = arith.constant 2 : i32
      %ge3A_159 = arith.cmpi sge, %mul3A_139, %ge3A : i32
      %convert_element_type3A_160 = arith.extui %ge3A_159 : i1 to i32
      %cond3A_161 = arith.constant 0 : i32
      %cond3A_162 = arith.cmpi ne, %convert_element_type3A_160, %cond3A_161 : i32
      scf.if %cond3A_162 {
        %sub3A_306 = arith.constant 2 : i32
        %sub3A_307 = arith.subi %mul3A_139, %sub3A_306 : i32
        %jit3A_308 = arith.constant 2 : i32
        %div3A_309 = arith.divsi %sub3A_307, %jit3A_308 : i32
        %sign3A_310 = arith.constant 0 : i32
        %sign3A_311 = arith.cmpi sgt, %sub3A_307, %sign3A_310 : i32
        %sign3A_312 = arith.extui %sign3A_311 : i1 to i32
        %sign3A_313 = arith.constant 0 : i32
        %sign3A_314 = arith.cmpi slt, %sub3A_307, %sign3A_313 : i32
        %sign3A_315 = arith.extui %sign3A_314 : i1 to i32
        %sign3A_316 = arith.subi %sign3A_312, %sign3A_315 : i32
        %sign3A_317 = arith.constant 0 : i32
        %sign3A_318 = arith.cmpi sgt, %jit3A_308, %sign3A_317 : i32
        %sign3A_319 = arith.extui %sign3A_318 : i1 to i32
        %sign3A_320 = arith.constant 0 : i32
        %sign3A_321 = arith.cmpi slt, %jit3A_308, %sign3A_320 : i32
        %sign3A_322 = arith.extui %sign3A_321 : i1 to i32
        %sign3A_323 = arith.subi %sign3A_319, %sign3A_322 : i32
        %ne3A_324 = arith.cmpi ne, %sign3A_316, %sign3A_323 : i32
        %rem3A_325 = arith.remsi %sub3A_307, %jit3A_308 : i32
        %ne3A_326 = arith.constant 0 : i32
        %ne3A_327 = arith.cmpi ne, %rem3A_325, %ne3A_326 : i32
        %and3A_328 = arith.andi %ne3A_324, %ne3A_327 : i1
        %sub3A_329 = arith.constant 1 : i32
        %sub3A_330 = arith.subi %div3A_309, %sub3A_329 : i32
        %select_n3A_331 = arith.select %and3A_328, %sub3A_330, %div3A_309 : i32
        %mul3A_332 = arith.constant 4 : i32
        %mul3A_333 = arith.muli %add3A, %mul3A_332 : i32
        %jit3A_334 = arith.constant 2 : i32
        %eq3A_335 = arith.constant 0 : i32
        %eq3A_336 = arith.cmpi eq, %jit3A_334, %eq3A_335 : i32
        %jit3A_337 = arith.constant 1 : i32
        %select_n3A_338 = arith.select %eq3A_336, %jit3A_337, %jit3A_334 : i32
        %rem3A_339 = arith.remsi %sub3A_307, %select_n3A_338 : i32
        %ne3A_340 = arith.constant 0 : i32
        %ne3A_341 = arith.cmpi ne, %rem3A_339, %ne3A_340 : i32
        %lt3A_342 = arith.constant 0 : i32
        %lt3A_343 = arith.cmpi slt, %rem3A_339, %lt3A_342 : i32
        %lt3A_344 = arith.constant 0 : i32
        %lt3A_345 = arith.cmpi slt, %select_n3A_338, %lt3A_344 : i32
        %ne3A_346 = arith.xori %lt3A_343, %lt3A_345 : i1
        %and3A_347 = arith.andi %ne3A_346, %ne3A_341 : i1
        %add3A_348 = arith.addi %rem3A_339, %select_n3A_338 : i32
        %select_n3A_349 = arith.select %and3A_347, %add3A_348, %rem3A_339 : i32
        %mul3A_350 = arith.constant 2 : i32
        %mul3A_351 = arith.muli %select_n3A_349, %mul3A_350 : i32
        %add3A_352 = arith.addi %mul3A_333, %mul3A_351 : i32
        %dma_wait3A_353 = arith.constant 0 : i32
        %dma_wait3A_354 = arith.constant 0 : i32
        %dma_wait3A_355 = arith.constant 0 : i32
        %dma_wait3A_356 = tpu.memref_slice %arg4[%select_n3A_331, %dma_wait3A_353, %add3A_352, %dma_wait3A_354, %dma_wait3A_355] : memref<50x8x128x8x128xf32, #tpu.memory_space<hbm>> -> memref<1x8x2x8x128xf32, #tpu.memory_space<hbm>>
        %dma_wait3A_357 = tpu.memref_squeeze %dma_wait3A_356 : memref<1x8x2x8x128xf32, #tpu.memory_space<hbm>> -> memref<8x2x8x128xf32, #tpu.memory_space<hbm>>
        %dma_wait3A_358 = arith.constant 0 : i32
        %dma_wait3A_359 = arith.constant 0 : i32
        %dma_wait3A_360 = arith.constant 0 : i32
        %dma_wait3A_361 = tpu.memref_slice %arg4[%select_n3A_331, %dma_wait3A_358, %add3A_352, %dma_wait3A_359, %dma_wait3A_360] : memref<50x8x128x8x128xf32, #tpu.memory_space<hbm>> -> memref<1x8x2x8x128xf32, #tpu.memory_space<hbm>>
        %dma_wait3A_362 = tpu.memref_squeeze %dma_wait3A_361 : memref<1x8x2x8x128xf32, #tpu.memory_space<hbm>> -> memref<8x2x8x128xf32, #tpu.memory_space<hbm>>
        tpu.wait_dma2 semaphore(%arg13 : memref<!tpu.dma_semaphore, #tpu.memory_space<semaphore_mem>>) src(%arg9 : memref<8x2x8x128xf32, #tpu.memory_space<vmem>>) dst(%dma_wait3A_362 : memref<8x2x8x128xf32, #tpu.memory_space<hbm>>)
      } else {
      }
      %parallel_loop3A = arith.constant 0 : i32
      %parallel_loop3A_163 = arith.constant 32 : i32
      %parallel_loop3A_164 = arith.constant 1 : i32
      scf.for %parallel_loop3A_306 = %parallel_loop3A to %parallel_loop3A_163 step %parallel_loop3A_164  : i32 {
        %parallel_loop3A_307 = arith.constant 8 : i32
        %parallel_loop3A_308 = arith.muli %parallel_loop3A_306, %parallel_loop3A_307 : i32
        %parallel_loop3A_309 = arith.constant 0 : i32
        %parallel_loop3A_310 = arith.addi %parallel_loop3A_309, %parallel_loop3A_308 : i32
        %parallel_loop3A_311 = arith.index_cast %parallel_loop3A_310 : i32 to index
        %parallel_loop3A_312 = arith.constant 0 : index
        %parallel_loop3A_313 = tpu.vector_load %arg6[%parallel_loop3A_311, %parallel_loop3A_312] {strides = array<i32>} : memref<256x64xf32, #tpu.memory_space<vmem>>, vector<16xf32>,
        %parallel_loop3A_314 = arith.constant 0 : i32
        %parallel_loop3A_315 = arith.addi %parallel_loop3A_314, %parallel_loop3A_308 : i32
        %parallel_loop3A_316 = arith.index_cast %parallel_loop3A_315 : i32 to index
        %parallel_loop3A_317 = arith.constant 16 : index
        %parallel_loop3A_318 = tpu.vector_load %arg6[%parallel_loop3A_316, %parallel_loop3A_317] {strides = array<i32>} : memref<256x64xf32, #tpu.memory_space<vmem>>, vector<16xf32>,
        %parallel_loop3A_319 = arith.constant 0 : i32
        %parallel_loop3A_320 = arith.addi %parallel_loop3A_319, %parallel_loop3A_308 : i32
        %parallel_loop3A_321 = arith.index_cast %parallel_loop3A_320 : i32 to index
        %parallel_loop3A_322 = arith.constant 32 : index
        %parallel_loop3A_323 = tpu.vector_load %arg6[%parallel_loop3A_321, %parallel_loop3A_322] {strides = array<i32>} : memref<256x64xf32, #tpu.memory_space<vmem>>, vector<16xf32>,
        %parallel_loop3A_324 = arith.constant 0 : i32
        %parallel_loop3A_325 = arith.addi %parallel_loop3A_324, %parallel_loop3A_308 : i32
        %parallel_loop3A_326 = arith.index_cast %parallel_loop3A_325 : i32 to index
        %parallel_loop3A_327 = arith.constant 48 : index
        %parallel_loop3A_328 = tpu.vector_load %arg6[%parallel_loop3A_326, %parallel_loop3A_327] {strides = array<i32>} : memref<256x64xf32, #tpu.memory_space<vmem>>, vector<16xf32>,
        %parallel_loop3A_329 = arith.constant 1 : i32
        %parallel_loop3A_330 = arith.addi %parallel_loop3A_329, %parallel_loop3A_308 : i32
        %parallel_loop3A_331 = arith.index_cast %parallel_loop3A_330 : i32 to index
        %parallel_loop3A_332 = arith.constant 0 : index
        %parallel_loop3A_333 = tpu.vector_load %arg6[%parallel_loop3A_331, %parallel_loop3A_332] {strides = array<i32>} : memref<256x64xf32, #tpu.memory_space<vmem>>, vector<16xf32>,
        %parallel_loop3A_334 = arith.constant 1 : i32
        %parallel_loop3A_335 = arith.addi %parallel_loop3A_334, %parallel_loop3A_308 : i32
        %parallel_loop3A_336 = arith.index_cast %parallel_loop3A_335 : i32 to index
        %parallel_loop3A_337 = arith.constant 16 : index
        %parallel_loop3A_338 = tpu.vector_load %arg6[%parallel_loop3A_336, %parallel_loop3A_337] {strides = array<i32>} : memref<256x64xf32, #tpu.memory_space<vmem>>, vector<16xf32>,
        %parallel_loop3A_339 = arith.constant 1 : i32
        %parallel_loop3A_340 = arith.addi %parallel_loop3A_339, %parallel_loop3A_308 : i32
        %parallel_loop3A_341 = arith.index_cast %parallel_loop3A_340 : i32 to index
        %parallel_loop3A_342 = arith.constant 32 : index
        %parallel_loop3A_343 = tpu.vector_load %arg6[%parallel_loop3A_341, %parallel_loop3A_342] {strides = array<i32>} : memref<256x64xf32, #tpu.memory_space<vmem>>, vector<16xf32>,
        %parallel_loop3A_344 = arith.constant 1 : i32
        %parallel_loop3A_345 = arith.addi %parallel_loop3A_344, %parallel_loop3A_308 : i32
        %parallel_loop3A_346 = arith.index_cast %parallel_loop3A_345 : i32 to index
        %parallel_loop3A_347 = arith.constant 48 : index
        %parallel_loop3A_348 = tpu.vector_load %arg6[%parallel_loop3A_346, %parallel_loop3A_347] {strides = array<i32>} : memref<256x64xf32, #tpu.memory_space<vmem>>, vector<16xf32>,
        %parallel_loop3A_349 = arith.constant 2 : i32
        %parallel_loop3A_350 = arith.addi %parallel_loop3A_349, %parallel_loop3A_308 : i32
        %parallel_loop3A_351 = arith.index_cast %parallel_loop3A_350 : i32 to index
        %parallel_loop3A_352 = arith.constant 0 : index
        %parallel_loop3A_353 = tpu.vector_load %arg6[%parallel_loop3A_351, %parallel_loop3A_352] {strides = array<i32>} : memref<256x64xf32, #tpu.memory_space<vmem>>, vector<16xf32>,
        %parallel_loop3A_354 = arith.constant 2 : i32
        %parallel_loop3A_355 = arith.addi %parallel_loop3A_354, %parallel_loop3A_308 : i32
        %parallel_loop3A_356 = arith.index_cast %parallel_loop3A_355 : i32 to index
        %parallel_loop3A_357 = arith.constant 16 : index
        %parallel_loop3A_358 = tpu.vector_load %arg6[%parallel_loop3A_356, %parallel_loop3A_357] {strides = array<i32>} : memref<256x64xf32, #tpu.memory_space<vmem>>, vector<16xf32>,
        %parallel_loop3A_359 = arith.constant 2 : i32
        %parallel_loop3A_360 = arith.addi %parallel_loop3A_359, %parallel_loop3A_308 : i32
        %parallel_loop3A_361 = arith.index_cast %parallel_loop3A_360 : i32 to index
        %parallel_loop3A_362 = arith.constant 32 : index
        %parallel_loop3A_363 = tpu.vector_load %arg6[%parallel_loop3A_361, %parallel_loop3A_362] {strides = array<i32>} : memref<256x64xf32, #tpu.memory_space<vmem>>, vector<16xf32>,
        %parallel_loop3A_364 = arith.constant 2 : i32
        %parallel_loop3A_365 = arith.addi %parallel_loop3A_364, %parallel_loop3A_308 : i32
        %parallel_loop3A_366 = arith.index_cast %parallel_loop3A_365 : i32 to index
        %parallel_loop3A_367 = arith.constant 48 : index
        %parallel_loop3A_368 = tpu.vector_load %arg6[%parallel_loop3A_366, %parallel_loop3A_367] {strides = array<i32>} : memref<256x64xf32, #tpu.memory_space<vmem>>, vector<16xf32>,
        %parallel_loop3A_369 = arith.constant 3 : i32
        %parallel_loop3A_370 = arith.addi %parallel_loop3A_369, %parallel_loop3A_308 : i32
        %parallel_loop3A_371 = arith.index_cast %parallel_loop3A_370 : i32 to index
        %parallel_loop3A_372 = arith.constant 0 : index
        %parallel_loop3A_373 = tpu.vector_load %arg6[%parallel_loop3A_371, %parallel_loop3A_372] {strides = array<i32>} : memref<256x64xf32, #tpu.memory_space<vmem>>, vector<16xf32>,
        %parallel_loop3A_374 = arith.constant 3 : i32
        %parallel_loop3A_375 = arith.addi %parallel_loop3A_374, %parallel_loop3A_308 : i32
        %parallel_loop3A_376 = arith.index_cast %parallel_loop3A_375 : i32 to index
        %parallel_loop3A_377 = arith.constant 16 : index
        %parallel_loop3A_378 = tpu.vector_load %arg6[%parallel_loop3A_376, %parallel_loop3A_377] {strides = array<i32>} : memref<256x64xf32, #tpu.memory_space<vmem>>, vector<16xf32>,
        %parallel_loop3A_379 = arith.constant 3 : i32
        %parallel_loop3A_380 = arith.addi %parallel_loop3A_379, %parallel_loop3A_308 : i32
        %parallel_loop3A_381 = arith.index_cast %parallel_loop3A_380 : i32 to index
        %parallel_loop3A_382 = arith.constant 32 : index
        %parallel_loop3A_383 = tpu.vector_load %arg6[%parallel_loop3A_381, %parallel_loop3A_382] {strides = array<i32>} : memref<256x64xf32, #tpu.memory_space<vmem>>, vector<16xf32>,
        %parallel_loop3A_384 = arith.constant 3 : i32
        %parallel_loop3A_385 = arith.addi %parallel_loop3A_384, %parallel_loop3A_308 : i32
        %parallel_loop3A_386 = arith.index_cast %parallel_loop3A_385 : i32 to index
        %parallel_loop3A_387 = arith.constant 48 : index
        %parallel_loop3A_388 = tpu.vector_load %arg6[%parallel_loop3A_386, %parallel_loop3A_387] {strides = array<i32>} : memref<256x64xf32, #tpu.memory_space<vmem>>, vector<16xf32>,
        %parallel_loop3A_389 = arith.constant 4 : i32
        %parallel_loop3A_390 = arith.addi %parallel_loop3A_389, %parallel_loop3A_308 : i32
        %parallel_loop3A_391 = arith.index_cast %parallel_loop3A_390 : i32 to index
        %parallel_loop3A_392 = arith.constant 0 : index
        %parallel_loop3A_393 = tpu.vector_load %arg6[%parallel_loop3A_391, %parallel_loop3A_392] {strides = array<i32>} : memref<256x64xf32, #tpu.memory_space<vmem>>, vector<16xf32>,
        %parallel_loop3A_394 = arith.constant 4 : i32
        %parallel_loop3A_395 = arith.addi %parallel_loop3A_394, %parallel_loop3A_308 : i32
        %parallel_loop3A_396 = arith.index_cast %parallel_loop3A_395 : i32 to index
        %parallel_loop3A_397 = arith.constant 16 : index
        %parallel_loop3A_398 = tpu.vector_load %arg6[%parallel_loop3A_396, %parallel_loop3A_397] {strides = array<i32>} : memref<256x64xf32, #tpu.memory_space<vmem>>, vector<16xf32>,
        %parallel_loop3A_399 = arith.constant 4 : i32
        %parallel_loop3A_400 = arith.addi %parallel_loop3A_399, %parallel_loop3A_308 : i32
        %parallel_loop3A_401 = arith.index_cast %parallel_loop3A_400 : i32 to index
        %parallel_loop3A_402 = arith.constant 32 : index
        %parallel_loop3A_403 = tpu.vector_load %arg6[%parallel_loop3A_401, %parallel_loop3A_402] {strides = array<i32>} : memref<256x64xf32, #tpu.memory_space<vmem>>, vector<16xf32>,
        %parallel_loop3A_404 = arith.constant 4 : i32
        %parallel_loop3A_405 = arith.addi %parallel_loop3A_404, %parallel_loop3A_308 : i32
        %parallel_loop3A_406 = arith.index_cast %parallel_loop3A_405 : i32 to index
        %parallel_loop3A_407 = arith.constant 48 : index
        %parallel_loop3A_408 = tpu.vector_load %arg6[%parallel_loop3A_406, %parallel_loop3A_407] {strides = array<i32>} : memref<256x64xf32, #tpu.memory_space<vmem>>, vector<16xf32>,
        %parallel_loop3A_409 = arith.constant 5 : i32
        %parallel_loop3A_410 = arith.addi %parallel_loop3A_409, %parallel_loop3A_308 : i32
        %parallel_loop3A_411 = arith.index_cast %parallel_loop3A_410 : i32 to index
        %parallel_loop3A_412 = arith.constant 0 : index
        %parallel_loop3A_413 = tpu.vector_load %arg6[%parallel_loop3A_411, %parallel_loop3A_412] {strides = array<i32>} : memref<256x64xf32, #tpu.memory_space<vmem>>, vector<16xf32>,
        %parallel_loop3A_414 = arith.constant 5 : i32
        %parallel_loop3A_415 = arith.addi %parallel_loop3A_414, %parallel_loop3A_308 : i32
        %parallel_loop3A_416 = arith.index_cast %parallel_loop3A_415 : i32 to index
        %parallel_loop3A_417 = arith.constant 16 : index
        %parallel_loop3A_418 = tpu.vector_load %arg6[%parallel_loop3A_416, %parallel_loop3A_417] {strides = array<i32>} : memref<256x64xf32, #tpu.memory_space<vmem>>, vector<16xf32>,
        %parallel_loop3A_419 = arith.constant 5 : i32
        %parallel_loop3A_420 = arith.addi %parallel_loop3A_419, %parallel_loop3A_308 : i32
        %parallel_loop3A_421 = arith.index_cast %parallel_loop3A_420 : i32 to index
        %parallel_loop3A_422 = arith.constant 32 : index
        %parallel_loop3A_423 = tpu.vector_load %arg6[%parallel_loop3A_421, %parallel_loop3A_422] {strides = array<i32>} : memref<256x64xf32, #tpu.memory_space<vmem>>, vector<16xf32>,
        %parallel_loop3A_424 = arith.constant 5 : i32
        %parallel_loop3A_425 = arith.addi %parallel_loop3A_424, %parallel_loop3A_308 : i32
        %parallel_loop3A_426 = arith.index_cast %parallel_loop3A_425 : i32 to index
        %parallel_loop3A_427 = arith.constant 48 : index
        %parallel_loop3A_428 = tpu.vector_load %arg6[%parallel_loop3A_426, %parallel_loop3A_427] {strides = array<i32>} : memref<256x64xf32, #tpu.memory_space<vmem>>, vector<16xf32>,
        %parallel_loop3A_429 = arith.constant 6 : i32
        %parallel_loop3A_430 = arith.addi %parallel_loop3A_429, %parallel_loop3A_308 : i32
        %parallel_loop3A_431 = arith.index_cast %parallel_loop3A_430 : i32 to index
        %parallel_loop3A_432 = arith.constant 0 : index
        %parallel_loop3A_433 = tpu.vector_load %arg6[%parallel_loop3A_431, %parallel_loop3A_432] {strides = array<i32>} : memref<256x64xf32, #tpu.memory_space<vmem>>, vector<16xf32>,
        %parallel_loop3A_434 = arith.constant 6 : i32
        %parallel_loop3A_435 = arith.addi %parallel_loop3A_434, %parallel_loop3A_308 : i32
        %parallel_loop3A_436 = arith.index_cast %parallel_loop3A_435 : i32 to index
        %parallel_loop3A_437 = arith.constant 16 : index
        %parallel_loop3A_438 = tpu.vector_load %arg6[%parallel_loop3A_436, %parallel_loop3A_437] {strides = array<i32>} : memref<256x64xf32, #tpu.memory_space<vmem>>, vector<16xf32>,
        %parallel_loop3A_439 = arith.constant 6 : i32
        %parallel_loop3A_440 = arith.addi %parallel_loop3A_439, %parallel_loop3A_308 : i32
        %parallel_loop3A_441 = arith.index_cast %parallel_loop3A_440 : i32 to index
        %parallel_loop3A_442 = arith.constant 32 : index
        %parallel_loop3A_443 = tpu.vector_load %arg6[%parallel_loop3A_441, %parallel_loop3A_442] {strides = array<i32>} : memref<256x64xf32, #tpu.memory_space<vmem>>, vector<16xf32>,
        %parallel_loop3A_444 = arith.constant 6 : i32
        %parallel_loop3A_445 = arith.addi %parallel_loop3A_444, %parallel_loop3A_308 : i32
        %parallel_loop3A_446 = arith.index_cast %parallel_loop3A_445 : i32 to index
        %parallel_loop3A_447 = arith.constant 48 : index
        %parallel_loop3A_448 = tpu.vector_load %arg6[%parallel_loop3A_446, %parallel_loop3A_447] {strides = array<i32>} : memref<256x64xf32, #tpu.memory_space<vmem>>, vector<16xf32>,
        %parallel_loop3A_449 = arith.constant 7 : i32
        %parallel_loop3A_450 = arith.addi %parallel_loop3A_449, %parallel_loop3A_308 : i32
        %parallel_loop3A_451 = arith.index_cast %parallel_loop3A_450 : i32 to index
        %parallel_loop3A_452 = arith.constant 0 : index
        %parallel_loop3A_453 = tpu.vector_load %arg6[%parallel_loop3A_451, %parallel_loop3A_452] {strides = array<i32>} : memref<256x64xf32, #tpu.memory_space<vmem>>, vector<16xf32>,
        %parallel_loop3A_454 = arith.constant 7 : i32
        %parallel_loop3A_455 = arith.addi %parallel_loop3A_454, %parallel_loop3A_308 : i32
        %parallel_loop3A_456 = arith.index_cast %parallel_loop3A_455 : i32 to index
        %parallel_loop3A_457 = arith.constant 16 : index
        %parallel_loop3A_458 = tpu.vector_load %arg6[%parallel_loop3A_456, %parallel_loop3A_457] {strides = array<i32>} : memref<256x64xf32, #tpu.memory_space<vmem>>, vector<16xf32>,
        %parallel_loop3A_459 = arith.constant 7 : i32
        %parallel_loop3A_460 = arith.addi %parallel_loop3A_459, %parallel_loop3A_308 : i32
        %parallel_loop3A_461 = arith.index_cast %parallel_loop3A_460 : i32 to index
        %parallel_loop3A_462 = arith.constant 32 : index
        %parallel_loop3A_463 = tpu.vector_load %arg6[%parallel_loop3A_461, %parallel_loop3A_462] {strides = array<i32>} : memref<256x64xf32, #tpu.memory_space<vmem>>, vector<16xf32>,
        %parallel_loop3A_464 = arith.constant 7 : i32
        %parallel_loop3A_465 = arith.addi %parallel_loop3A_464, %parallel_loop3A_308 : i32
        %parallel_loop3A_466 = arith.index_cast %parallel_loop3A_465 : i32 to index
        %parallel_loop3A_467 = arith.constant 48 : index
        %parallel_loop3A_468 = tpu.vector_load %arg6[%parallel_loop3A_466, %parallel_loop3A_467] {strides = array<i32>} : memref<256x64xf32, #tpu.memory_space<vmem>>, vector<16xf32>,
        %parallel_loop3A_469 = arith.constant 0 : i32
        %parallel_loop3A_470 = arith.addi %parallel_loop3A_308, %parallel_loop3A_469 : i32
        %parallel_loop3A_471 = arith.constant 65 : i32
        %parallel_loop3A_472 = arith.muli %parallel_loop3A_470, %parallel_loop3A_471 : i32
        %parallel_loop3A_473 = arith.constant 0 : i32
        %parallel_loop3A_474 = arith.addi %parallel_loop3A_472, %parallel_loop3A_473 : i32
        %parallel_loop3A_475 = arith.index_cast %parallel_loop3A_474 : i32 to index
        %parallel_loop3A_476 = tpu.vector_load %arg8[%parallel_loop3A_475] {strides = array<i32>} : memref<16704xf32, #tpu.memory_space<vmem>>, vector<16xf32>,
        tpu.vector_store %arg8[%parallel_loop3A_475], %parallel_loop3A_313 {strides = array<i32>} : memref<16704xf32, #tpu.memory_space<vmem>>, vector<16xf32>,
        %parallel_loop3A_477 = arith.constant 0 : i32
        %parallel_loop3A_478 = arith.addi %parallel_loop3A_308, %parallel_loop3A_477 : i32
        %parallel_loop3A_479 = arith.constant 65 : i32
        %parallel_loop3A_480 = arith.muli %parallel_loop3A_478, %parallel_loop3A_479 : i32
        %parallel_loop3A_481 = arith.constant 16 : i32
        %parallel_loop3A_482 = arith.addi %parallel_loop3A_480, %parallel_loop3A_481 : i32
        %parallel_loop3A_483 = arith.index_cast %parallel_loop3A_482 : i32 to index
        %parallel_loop3A_484 = tpu.vector_load %arg8[%parallel_loop3A_483] {strides = array<i32>} : memref<16704xf32, #tpu.memory_space<vmem>>, vector<16xf32>,
        tpu.vector_store %arg8[%parallel_loop3A_483], %parallel_loop3A_318 {strides = array<i32>} : memref<16704xf32, #tpu.memory_space<vmem>>, vector<16xf32>,
        %parallel_loop3A_485 = arith.constant 0 : i32
        %parallel_loop3A_486 = arith.addi %parallel_loop3A_308, %parallel_loop3A_485 : i32
        %parallel_loop3A_487 = arith.constant 65 : i32
        %parallel_loop3A_488 = arith.muli %parallel_loop3A_486, %parallel_loop3A_487 : i32
        %parallel_loop3A_489 = arith.constant 32 : i32
        %parallel_loop3A_490 = arith.addi %parallel_loop3A_488, %parallel_loop3A_489 : i32
        %parallel_loop3A_491 = arith.index_cast %parallel_loop3A_490 : i32 to index
        %parallel_loop3A_492 = tpu.vector_load %arg8[%parallel_loop3A_491] {strides = array<i32>} : memref<16704xf32, #tpu.memory_space<vmem>>, vector<16xf32>,
        tpu.vector_store %arg8[%parallel_loop3A_491], %parallel_loop3A_323 {strides = array<i32>} : memref<16704xf32, #tpu.memory_space<vmem>>, vector<16xf32>,
        %parallel_loop3A_493 = arith.constant 0 : i32
        %parallel_loop3A_494 = arith.addi %parallel_loop3A_308, %parallel_loop3A_493 : i32
        %parallel_loop3A_495 = arith.constant 65 : i32
        %parallel_loop3A_496 = arith.muli %parallel_loop3A_494, %parallel_loop3A_495 : i32
        %parallel_loop3A_497 = arith.constant 48 : i32
        %parallel_loop3A_498 = arith.addi %parallel_loop3A_496, %parallel_loop3A_497 : i32
        %parallel_loop3A_499 = arith.index_cast %parallel_loop3A_498 : i32 to index
        %parallel_loop3A_500 = tpu.vector_load %arg8[%parallel_loop3A_499] {strides = array<i32>} : memref<16704xf32, #tpu.memory_space<vmem>>, vector<16xf32>,
        tpu.vector_store %arg8[%parallel_loop3A_499], %parallel_loop3A_328 {strides = array<i32>} : memref<16704xf32, #tpu.memory_space<vmem>>, vector<16xf32>,
        %parallel_loop3A_501 = arith.constant 1 : i32
        %parallel_loop3A_502 = arith.addi %parallel_loop3A_308, %parallel_loop3A_501 : i32
        %parallel_loop3A_503 = arith.constant 65 : i32
        %parallel_loop3A_504 = arith.muli %parallel_loop3A_502, %parallel_loop3A_503 : i32
        %parallel_loop3A_505 = arith.constant 0 : i32
        %parallel_loop3A_506 = arith.addi %parallel_loop3A_504, %parallel_loop3A_505 : i32
        %parallel_loop3A_507 = arith.index_cast %parallel_loop3A_506 : i32 to index
        %parallel_loop3A_508 = tpu.vector_load %arg8[%parallel_loop3A_507] {strides = array<i32>} : memref<16704xf32, #tpu.memory_space<vmem>>, vector<16xf32>,
        tpu.vector_store %arg8[%parallel_loop3A_507], %parallel_loop3A_333 {strides = array<i32>} : memref<16704xf32, #tpu.memory_space<vmem>>, vector<16xf32>,
        %parallel_loop3A_509 = arith.constant 1 : i32
        %parallel_loop3A_510 = arith.addi %parallel_loop3A_308, %parallel_loop3A_509 : i32
        %parallel_loop3A_511 = arith.constant 65 : i32
        %parallel_loop3A_512 = arith.muli %parallel_loop3A_510, %parallel_loop3A_511 : i32
        %parallel_loop3A_513 = arith.constant 16 : i32
        %parallel_loop3A_514 = arith.addi %parallel_loop3A_512, %parallel_loop3A_513 : i32
        %parallel_loop3A_515 = arith.index_cast %parallel_loop3A_514 : i32 to index
        %parallel_loop3A_516 = tpu.vector_load %arg8[%parallel_loop3A_515] {strides = array<i32>} : memref<16704xf32, #tpu.memory_space<vmem>>, vector<16xf32>,
        tpu.vector_store %arg8[%parallel_loop3A_515], %parallel_loop3A_338 {strides = array<i32>} : memref<16704xf32, #tpu.memory_space<vmem>>, vector<16xf32>,
        %parallel_loop3A_517 = arith.constant 1 : i32
        %parallel_loop3A_518 = arith.addi %parallel_loop3A_308, %parallel_loop3A_517 : i32
        %parallel_loop3A_519 = arith.constant 65 : i32
        %parallel_loop3A_520 = arith.muli %parallel_loop3A_518, %parallel_loop3A_519 : i32
        %parallel_loop3A_521 = arith.constant 32 : i32
        %parallel_loop3A_522 = arith.addi %parallel_loop3A_520, %parallel_loop3A_521 : i32
        %parallel_loop3A_523 = arith.index_cast %parallel_loop3A_522 : i32 to index
        %parallel_loop3A_524 = tpu.vector_load %arg8[%parallel_loop3A_523] {strides = array<i32>} : memref<16704xf32, #tpu.memory_space<vmem>>, vector<16xf32>,
        tpu.vector_store %arg8[%parallel_loop3A_523], %parallel_loop3A_343 {strides = array<i32>} : memref<16704xf32, #tpu.memory_space<vmem>>, vector<16xf32>,
        %parallel_loop3A_525 = arith.constant 1 : i32
        %parallel_loop3A_526 = arith.addi %parallel_loop3A_308, %parallel_loop3A_525 : i32
        %parallel_loop3A_527 = arith.constant 65 : i32
        %parallel_loop3A_528 = arith.muli %parallel_loop3A_526, %parallel_loop3A_527 : i32
        %parallel_loop3A_529 = arith.constant 48 : i32
        %parallel_loop3A_530 = arith.addi %parallel_loop3A_528, %parallel_loop3A_529 : i32
        %parallel_loop3A_531 = arith.index_cast %parallel_loop3A_530 : i32 to index
        %parallel_loop3A_532 = tpu.vector_load %arg8[%parallel_loop3A_531] {strides = array<i32>} : memref<16704xf32, #tpu.memory_space<vmem>>, vector<16xf32>,
        tpu.vector_store %arg8[%parallel_loop3A_531], %parallel_loop3A_348 {strides = array<i32>} : memref<16704xf32, #tpu.memory_space<vmem>>, vector<16xf32>,
        %parallel_loop3A_533 = arith.constant 2 : i32
        %parallel_loop3A_534 = arith.addi %parallel_loop3A_308, %parallel_loop3A_533 : i32
        %parallel_loop3A_535 = arith.constant 65 : i32
        %parallel_loop3A_536 = arith.muli %parallel_loop3A_534, %parallel_loop3A_535 : i32
        %parallel_loop3A_537 = arith.constant 0 : i32
        %parallel_loop3A_538 = arith.addi %parallel_loop3A_536, %parallel_loop3A_537 : i32
        %parallel_loop3A_539 = arith.index_cast %parallel_loop3A_538 : i32 to index
        %parallel_loop3A_540 = tpu.vector_load %arg8[%parallel_loop3A_539] {strides = array<i32>} : memref<16704xf32, #tpu.memory_space<vmem>>, vector<16xf32>,
        tpu.vector_store %arg8[%parallel_loop3A_539], %parallel_loop3A_353 {strides = array<i32>} : memref<16704xf32, #tpu.memory_space<vmem>>, vector<16xf32>,
        %parallel_loop3A_541 = arith.constant 2 : i32
        %parallel_loop3A_542 = arith.addi %parallel_loop3A_308, %parallel_loop3A_541 : i32
        %parallel_loop3A_543 = arith.constant 65 : i32
        %parallel_loop3A_544 = arith.muli %parallel_loop3A_542, %parallel_loop3A_543 : i32
        %parallel_loop3A_545 = arith.constant 16 : i32
        %parallel_loop3A_546 = arith.addi %parallel_loop3A_544, %parallel_loop3A_545 : i32
        %parallel_loop3A_547 = arith.index_cast %parallel_loop3A_546 : i32 to index
        %parallel_loop3A_548 = tpu.vector_load %arg8[%parallel_loop3A_547] {strides = array<i32>} : memref<16704xf32, #tpu.memory_space<vmem>>, vector<16xf32>,
        tpu.vector_store %arg8[%parallel_loop3A_547], %parallel_loop3A_358 {strides = array<i32>} : memref<16704xf32, #tpu.memory_space<vmem>>, vector<16xf32>,
        %parallel_loop3A_549 = arith.constant 2 : i32
        %parallel_loop3A_550 = arith.addi %parallel_loop3A_308, %parallel_loop3A_549 : i32
        %parallel_loop3A_551 = arith.constant 65 : i32
        %parallel_loop3A_552 = arith.muli %parallel_loop3A_550, %parallel_loop3A_551 : i32
        %parallel_loop3A_553 = arith.constant 32 : i32
        %parallel_loop3A_554 = arith.addi %parallel_loop3A_552, %parallel_loop3A_553 : i32
        %parallel_loop3A_555 = arith.index_cast %parallel_loop3A_554 : i32 to index
        %parallel_loop3A_556 = tpu.vector_load %arg8[%parallel_loop3A_555] {strides = array<i32>} : memref<16704xf32, #tpu.memory_space<vmem>>, vector<16xf32>,
        tpu.vector_store %arg8[%parallel_loop3A_555], %parallel_loop3A_363 {strides = array<i32>} : memref<16704xf32, #tpu.memory_space<vmem>>, vector<16xf32>,
        %parallel_loop3A_557 = arith.constant 2 : i32
        %parallel_loop3A_558 = arith.addi %parallel_loop3A_308, %parallel_loop3A_557 : i32
        %parallel_loop3A_559 = arith.constant 65 : i32
        %parallel_loop3A_560 = arith.muli %parallel_loop3A_558, %parallel_loop3A_559 : i32
        %parallel_loop3A_561 = arith.constant 48 : i32
        %parallel_loop3A_562 = arith.addi %parallel_loop3A_560, %parallel_loop3A_561 : i32
        %parallel_loop3A_563 = arith.index_cast %parallel_loop3A_562 : i32 to index
        %parallel_loop3A_564 = tpu.vector_load %arg8[%parallel_loop3A_563] {strides = array<i32>} : memref<16704xf32, #tpu.memory_space<vmem>>, vector<16xf32>,
        tpu.vector_store %arg8[%parallel_loop3A_563], %parallel_loop3A_368 {strides = array<i32>} : memref<16704xf32, #tpu.memory_space<vmem>>, vector<16xf32>,
        %parallel_loop3A_565 = arith.constant 3 : i32
        %parallel_loop3A_566 = arith.addi %parallel_loop3A_308, %parallel_loop3A_565 : i32
        %parallel_loop3A_567 = arith.constant 65 : i32
        %parallel_loop3A_568 = arith.muli %parallel_loop3A_566, %parallel_loop3A_567 : i32
        %parallel_loop3A_569 = arith.constant 0 : i32
        %parallel_loop3A_570 = arith.addi %parallel_loop3A_568, %parallel_loop3A_569 : i32
        %parallel_loop3A_571 = arith.index_cast %parallel_loop3A_570 : i32 to index
        %parallel_loop3A_572 = tpu.vector_load %arg8[%parallel_loop3A_571] {strides = array<i32>} : memref<16704xf32, #tpu.memory_space<vmem>>, vector<16xf32>,
        tpu.vector_store %arg8[%parallel_loop3A_571], %parallel_loop3A_373 {strides = array<i32>} : memref<16704xf32, #tpu.memory_space<vmem>>, vector<16xf32>,
        %parallel_loop3A_573 = arith.constant 3 : i32
        %parallel_loop3A_574 = arith.addi %parallel_loop3A_308, %parallel_loop3A_573 : i32
        %parallel_loop3A_575 = arith.constant 65 : i32
        %parallel_loop3A_576 = arith.muli %parallel_loop3A_574, %parallel_loop3A_575 : i32
        %parallel_loop3A_577 = arith.constant 16 : i32
        %parallel_loop3A_578 = arith.addi %parallel_loop3A_576, %parallel_loop3A_577 : i32
        %parallel_loop3A_579 = arith.index_cast %parallel_loop3A_578 : i32 to index
        %parallel_loop3A_580 = tpu.vector_load %arg8[%parallel_loop3A_579] {strides = array<i32>} : memref<16704xf32, #tpu.memory_space<vmem>>, vector<16xf32>,
        tpu.vector_store %arg8[%parallel_loop3A_579], %parallel_loop3A_378 {strides = array<i32>} : memref<16704xf32, #tpu.memory_space<vmem>>, vector<16xf32>,
        %parallel_loop3A_581 = arith.constant 3 : i32
        %parallel_loop3A_582 = arith.addi %parallel_loop3A_308, %parallel_loop3A_581 : i32
        %parallel_loop3A_583 = arith.constant 65 : i32
        %parallel_loop3A_584 = arith.muli %parallel_loop3A_582, %parallel_loop3A_583 : i32
        %parallel_loop3A_585 = arith.constant 32 : i32
        %parallel_loop3A_586 = arith.addi %parallel_loop3A_584, %parallel_loop3A_585 : i32
        %parallel_loop3A_587 = arith.index_cast %parallel_loop3A_586 : i32 to index
        %parallel_loop3A_588 = tpu.vector_load %arg8[%parallel_loop3A_587] {strides = array<i32>} : memref<16704xf32, #tpu.memory_space<vmem>>, vector<16xf32>,
        tpu.vector_store %arg8[%parallel_loop3A_587], %parallel_loop3A_383 {strides = array<i32>} : memref<16704xf32, #tpu.memory_space<vmem>>, vector<16xf32>,
        %parallel_loop3A_589 = arith.constant 3 : i32
        %parallel_loop3A_590 = arith.addi %parallel_loop3A_308, %parallel_loop3A_589 : i32
        %parallel_loop3A_591 = arith.constant 65 : i32
        %parallel_loop3A_592 = arith.muli %parallel_loop3A_590, %parallel_loop3A_591 : i32
        %parallel_loop3A_593 = arith.constant 48 : i32
        %parallel_loop3A_594 = arith.addi %parallel_loop3A_592, %parallel_loop3A_593 : i32
        %parallel_loop3A_595 = arith.index_cast %parallel_loop3A_594 : i32 to index
        %parallel_loop3A_596 = tpu.vector_load %arg8[%parallel_loop3A_595] {strides = array<i32>} : memref<16704xf32, #tpu.memory_space<vmem>>, vector<16xf32>,
        tpu.vector_store %arg8[%parallel_loop3A_595], %parallel_loop3A_388 {strides = array<i32>} : memref<16704xf32, #tpu.memory_space<vmem>>, vector<16xf32>,
        %parallel_loop3A_597 = arith.constant 4 : i32
        %parallel_loop3A_598 = arith.addi %parallel_loop3A_308, %parallel_loop3A_597 : i32
        %parallel_loop3A_599 = arith.constant 65 : i32
        %parallel_loop3A_600 = arith.muli %parallel_loop3A_598, %parallel_loop3A_599 : i32
        %parallel_loop3A_601 = arith.constant 0 : i32
        %parallel_loop3A_602 = arith.addi %parallel_loop3A_600, %parallel_loop3A_601 : i32
        %parallel_loop3A_603 = arith.index_cast %parallel_loop3A_602 : i32 to index
        %parallel_loop3A_604 = tpu.vector_load %arg8[%parallel_loop3A_603] {strides = array<i32>} : memref<16704xf32, #tpu.memory_space<vmem>>, vector<16xf32>,
        tpu.vector_store %arg8[%parallel_loop3A_603], %parallel_loop3A_393 {strides = array<i32>} : memref<16704xf32, #tpu.memory_space<vmem>>, vector<16xf32>,
        %parallel_loop3A_605 = arith.constant 4 : i32
        %parallel_loop3A_606 = arith.addi %parallel_loop3A_308, %parallel_loop3A_605 : i32
        %parallel_loop3A_607 = arith.constant 65 : i32
        %parallel_loop3A_608 = arith.muli %parallel_loop3A_606, %parallel_loop3A_607 : i32
        %parallel_loop3A_609 = arith.constant 16 : i32
        %parallel_loop3A_610 = arith.addi %parallel_loop3A_608, %parallel_loop3A_609 : i32
        %parallel_loop3A_611 = arith.index_cast %parallel_loop3A_610 : i32 to index
        %parallel_loop3A_612 = tpu.vector_load %arg8[%parallel_loop3A_611] {strides = array<i32>} : memref<16704xf32, #tpu.memory_space<vmem>>, vector<16xf32>,
        tpu.vector_store %arg8[%parallel_loop3A_611], %parallel_loop3A_398 {strides = array<i32>} : memref<16704xf32, #tpu.memory_space<vmem>>, vector<16xf32>,
        %parallel_loop3A_613 = arith.constant 4 : i32
        %parallel_loop3A_614 = arith.addi %parallel_loop3A_308, %parallel_loop3A_613 : i32
        %parallel_loop3A_615 = arith.constant 65 : i32
        %parallel_loop3A_616 = arith.muli %parallel_loop3A_614, %parallel_loop3A_615 : i32
        %parallel_loop3A_617 = arith.constant 32 : i32
        %parallel_loop3A_618 = arith.addi %parallel_loop3A_616, %parallel_loop3A_617 : i32
        %parallel_loop3A_619 = arith.index_cast %parallel_loop3A_618 : i32 to index
        %parallel_loop3A_620 = tpu.vector_load %arg8[%parallel_loop3A_619] {strides = array<i32>} : memref<16704xf32, #tpu.memory_space<vmem>>, vector<16xf32>,
        tpu.vector_store %arg8[%parallel_loop3A_619], %parallel_loop3A_403 {strides = array<i32>} : memref<16704xf32, #tpu.memory_space<vmem>>, vector<16xf32>,
        %parallel_loop3A_621 = arith.constant 4 : i32
        %parallel_loop3A_622 = arith.addi %parallel_loop3A_308, %parallel_loop3A_621 : i32
        %parallel_loop3A_623 = arith.constant 65 : i32
        %parallel_loop3A_624 = arith.muli %parallel_loop3A_622, %parallel_loop3A_623 : i32
        %parallel_loop3A_625 = arith.constant 48 : i32
        %parallel_loop3A_626 = arith.addi %parallel_loop3A_624, %parallel_loop3A_625 : i32
        %parallel_loop3A_627 = arith.index_cast %parallel_loop3A_626 : i32 to index
        %parallel_loop3A_628 = tpu.vector_load %arg8[%parallel_loop3A_627] {strides = array<i32>} : memref<16704xf32, #tpu.memory_space<vmem>>, vector<16xf32>,
        tpu.vector_store %arg8[%parallel_loop3A_627], %parallel_loop3A_408 {strides = array<i32>} : memref<16704xf32, #tpu.memory_space<vmem>>, vector<16xf32>,
        %parallel_loop3A_629 = arith.constant 5 : i32
        %parallel_loop3A_630 = arith.addi %parallel_loop3A_308, %parallel_loop3A_629 : i32
        %parallel_loop3A_631 = arith.constant 65 : i32
        %parallel_loop3A_632 = arith.muli %parallel_loop3A_630, %parallel_loop3A_631 : i32
        %parallel_loop3A_633 = arith.constant 0 : i32
        %parallel_loop3A_634 = arith.addi %parallel_loop3A_632, %parallel_loop3A_633 : i32
        %parallel_loop3A_635 = arith.index_cast %parallel_loop3A_634 : i32 to index
        %parallel_loop3A_636 = tpu.vector_load %arg8[%parallel_loop3A_635] {strides = array<i32>} : memref<16704xf32, #tpu.memory_space<vmem>>, vector<16xf32>,
        tpu.vector_store %arg8[%parallel_loop3A_635], %parallel_loop3A_413 {strides = array<i32>} : memref<16704xf32, #tpu.memory_space<vmem>>, vector<16xf32>,
        %parallel_loop3A_637 = arith.constant 5 : i32
        %parallel_loop3A_638 = arith.addi %parallel_loop3A_308, %parallel_loop3A_637 : i32
        %parallel_loop3A_639 = arith.constant 65 : i32
        %parallel_loop3A_640 = arith.muli %parallel_loop3A_638, %parallel_loop3A_639 : i32
        %parallel_loop3A_641 = arith.constant 16 : i32
        %parallel_loop3A_642 = arith.addi %parallel_loop3A_640, %parallel_loop3A_641 : i32
        %parallel_loop3A_643 = arith.index_cast %parallel_loop3A_642 : i32 to index
        %parallel_loop3A_644 = tpu.vector_load %arg8[%parallel_loop3A_643] {strides = array<i32>} : memref<16704xf32, #tpu.memory_space<vmem>>, vector<16xf32>,
        tpu.vector_store %arg8[%parallel_loop3A_643], %parallel_loop3A_418 {strides = array<i32>} : memref<16704xf32, #tpu.memory_space<vmem>>, vector<16xf32>,
        %parallel_loop3A_645 = arith.constant 5 : i32
        %parallel_loop3A_646 = arith.addi %parallel_loop3A_308, %parallel_loop3A_645 : i32
        %parallel_loop3A_647 = arith.constant 65 : i32
        %parallel_loop3A_648 = arith.muli %parallel_loop3A_646, %parallel_loop3A_647 : i32
        %parallel_loop3A_649 = arith.constant 32 : i32
        %parallel_loop3A_650 = arith.addi %parallel_loop3A_648, %parallel_loop3A_649 : i32
        %parallel_loop3A_651 = arith.index_cast %parallel_loop3A_650 : i32 to index
        %parallel_loop3A_652 = tpu.vector_load %arg8[%parallel_loop3A_651] {strides = array<i32>} : memref<16704xf32, #tpu.memory_space<vmem>>, vector<16xf32>,
        tpu.vector_store %arg8[%parallel_loop3A_651], %parallel_loop3A_423 {strides = array<i32>} : memref<16704xf32, #tpu.memory_space<vmem>>, vector<16xf32>,
        %parallel_loop3A_653 = arith.constant 5 : i32
        %parallel_loop3A_654 = arith.addi %parallel_loop3A_308, %parallel_loop3A_653 : i32
        %parallel_loop3A_655 = arith.constant 65 : i32
        %parallel_loop3A_656 = arith.muli %parallel_loop3A_654, %parallel_loop3A_655 : i32
        %parallel_loop3A_657 = arith.constant 48 : i32
        %parallel_loop3A_658 = arith.addi %parallel_loop3A_656, %parallel_loop3A_657 : i32
        %parallel_loop3A_659 = arith.index_cast %parallel_loop3A_658 : i32 to index
        %parallel_loop3A_660 = tpu.vector_load %arg8[%parallel_loop3A_659] {strides = array<i32>} : memref<16704xf32, #tpu.memory_space<vmem>>, vector<16xf32>,
        tpu.vector_store %arg8[%parallel_loop3A_659], %parallel_loop3A_428 {strides = array<i32>} : memref<16704xf32, #tpu.memory_space<vmem>>, vector<16xf32>,
        %parallel_loop3A_661 = arith.constant 6 : i32
        %parallel_loop3A_662 = arith.addi %parallel_loop3A_308, %parallel_loop3A_661 : i32
        %parallel_loop3A_663 = arith.constant 65 : i32
        %parallel_loop3A_664 = arith.muli %parallel_loop3A_662, %parallel_loop3A_663 : i32
        %parallel_loop3A_665 = arith.constant 0 : i32
        %parallel_loop3A_666 = arith.addi %parallel_loop3A_664, %parallel_loop3A_665 : i32
        %parallel_loop3A_667 = arith.index_cast %parallel_loop3A_666 : i32 to index
        %parallel_loop3A_668 = tpu.vector_load %arg8[%parallel_loop3A_667] {strides = array<i32>} : memref<16704xf32, #tpu.memory_space<vmem>>, vector<16xf32>,
        tpu.vector_store %arg8[%parallel_loop3A_667], %parallel_loop3A_433 {strides = array<i32>} : memref<16704xf32, #tpu.memory_space<vmem>>, vector<16xf32>,
        %parallel_loop3A_669 = arith.constant 6 : i32
        %parallel_loop3A_670 = arith.addi %parallel_loop3A_308, %parallel_loop3A_669 : i32
        %parallel_loop3A_671 = arith.constant 65 : i32
        %parallel_loop3A_672 = arith.muli %parallel_loop3A_670, %parallel_loop3A_671 : i32
        %parallel_loop3A_673 = arith.constant 16 : i32
        %parallel_loop3A_674 = arith.addi %parallel_loop3A_672, %parallel_loop3A_673 : i32
        %parallel_loop3A_675 = arith.index_cast %parallel_loop3A_674 : i32 to index
        %parallel_loop3A_676 = tpu.vector_load %arg8[%parallel_loop3A_675] {strides = array<i32>} : memref<16704xf32, #tpu.memory_space<vmem>>, vector<16xf32>,
        tpu.vector_store %arg8[%parallel_loop3A_675], %parallel_loop3A_438 {strides = array<i32>} : memref<16704xf32, #tpu.memory_space<vmem>>, vector<16xf32>,
        %parallel_loop3A_677 = arith.constant 6 : i32
        %parallel_loop3A_678 = arith.addi %parallel_loop3A_308, %parallel_loop3A_677 : i32
        %parallel_loop3A_679 = arith.constant 65 : i32
        %parallel_loop3A_680 = arith.muli %parallel_loop3A_678, %parallel_loop3A_679 : i32
        %parallel_loop3A_681 = arith.constant 32 : i32
        %parallel_loop3A_682 = arith.addi %parallel_loop3A_680, %parallel_loop3A_681 : i32
        %parallel_loop3A_683 = arith.index_cast %parallel_loop3A_682 : i32 to index
        %parallel_loop3A_684 = tpu.vector_load %arg8[%parallel_loop3A_683] {strides = array<i32>} : memref<16704xf32, #tpu.memory_space<vmem>>, vector<16xf32>,
        tpu.vector_store %arg8[%parallel_loop3A_683], %parallel_loop3A_443 {strides = array<i32>} : memref<16704xf32, #tpu.memory_space<vmem>>, vector<16xf32>,
        %parallel_loop3A_685 = arith.constant 6 : i32
        %parallel_loop3A_686 = arith.addi %parallel_loop3A_308, %parallel_loop3A_685 : i32
        %parallel_loop3A_687 = arith.constant 65 : i32
        %parallel_loop3A_688 = arith.muli %parallel_loop3A_686, %parallel_loop3A_687 : i32
        %parallel_loop3A_689 = arith.constant 48 : i32
        %parallel_loop3A_690 = arith.addi %parallel_loop3A_688, %parallel_loop3A_689 : i32
        %parallel_loop3A_691 = arith.index_cast %parallel_loop3A_690 : i32 to index
        %parallel_loop3A_692 = tpu.vector_load %arg8[%parallel_loop3A_691] {strides = array<i32>} : memref<16704xf32, #tpu.memory_space<vmem>>, vector<16xf32>,
        tpu.vector_store %arg8[%parallel_loop3A_691], %parallel_loop3A_448 {strides = array<i32>} : memref<16704xf32, #tpu.memory_space<vmem>>, vector<16xf32>,
        %parallel_loop3A_693 = arith.constant 7 : i32
        %parallel_loop3A_694 = arith.addi %parallel_loop3A_308, %parallel_loop3A_693 : i32
        %parallel_loop3A_695 = arith.constant 65 : i32
        %parallel_loop3A_696 = arith.muli %parallel_loop3A_694, %parallel_loop3A_695 : i32
        %parallel_loop3A_697 = arith.constant 0 : i32
        %parallel_loop3A_698 = arith.addi %parallel_loop3A_696, %parallel_loop3A_697 : i32
        %parallel_loop3A_699 = arith.index_cast %parallel_loop3A_698 : i32 to index
        %parallel_loop3A_700 = tpu.vector_load %arg8[%parallel_loop3A_699] {strides = array<i32>} : memref<16704xf32, #tpu.memory_space<vmem>>, vector<16xf32>,
        tpu.vector_store %arg8[%parallel_loop3A_699], %parallel_loop3A_453 {strides = array<i32>} : memref<16704xf32, #tpu.memory_space<vmem>>, vector<16xf32>,
        %parallel_loop3A_701 = arith.constant 7 : i32
        %parallel_loop3A_702 = arith.addi %parallel_loop3A_308, %parallel_loop3A_701 : i32
        %parallel_loop3A_703 = arith.constant 65 : i32
        %parallel_loop3A_704 = arith.muli %parallel_loop3A_702, %parallel_loop3A_703 : i32
        %parallel_loop3A_705 = arith.constant 16 : i32
        %parallel_loop3A_706 = arith.addi %parallel_loop3A_704, %parallel_loop3A_705 : i32
        %parallel_loop3A_707 = arith.index_cast %parallel_loop3A_706 : i32 to index
        %parallel_loop3A_708 = tpu.vector_load %arg8[%parallel_loop3A_707] {strides = array<i32>} : memref<16704xf32, #tpu.memory_space<vmem>>, vector<16xf32>,
        tpu.vector_store %arg8[%parallel_loop3A_707], %parallel_loop3A_458 {strides = array<i32>} : memref<16704xf32, #tpu.memory_space<vmem>>, vector<16xf32>,
        %parallel_loop3A_709 = arith.constant 7 : i32
        %parallel_loop3A_710 = arith.addi %parallel_loop3A_308, %parallel_loop3A_709 : i32
        %parallel_loop3A_711 = arith.constant 65 : i32
        %parallel_loop3A_712 = arith.muli %parallel_loop3A_710, %parallel_loop3A_711 : i32
        %parallel_loop3A_713 = arith.constant 32 : i32
        %parallel_loop3A_714 = arith.addi %parallel_loop3A_712, %parallel_loop3A_713 : i32
        %parallel_loop3A_715 = arith.index_cast %parallel_loop3A_714 : i32 to index
        %parallel_loop3A_716 = tpu.vector_load %arg8[%parallel_loop3A_715] {strides = array<i32>} : memref<16704xf32, #tpu.memory_space<vmem>>, vector<16xf32>,
        tpu.vector_store %arg8[%parallel_loop3A_715], %parallel_loop3A_463 {strides = array<i32>} : memref<16704xf32, #tpu.memory_space<vmem>>, vector<16xf32>,
        %parallel_loop3A_717 = arith.constant 7 : i32
        %parallel_loop3A_718 = arith.addi %parallel_loop3A_308, %parallel_loop3A_717 : i32
        %parallel_loop3A_719 = arith.constant 65 : i32
        %parallel_loop3A_720 = arith.muli %parallel_loop3A_718, %parallel_loop3A_719 : i32
        %parallel_loop3A_721 = arith.constant 48 : i32
        %parallel_loop3A_722 = arith.addi %parallel_loop3A_720, %parallel_loop3A_721 : i32
        %parallel_loop3A_723 = arith.index_cast %parallel_loop3A_722 : i32 to index
        %parallel_loop3A_724 = tpu.vector_load %arg8[%parallel_loop3A_723] {strides = array<i32>} : memref<16704xf32, #tpu.memory_space<vmem>>, vector<16xf32>,
        tpu.vector_store %arg8[%parallel_loop3A_723], %parallel_loop3A_468 {strides = array<i32>} : memref<16704xf32, #tpu.memory_space<vmem>>, vector<16xf32>,
      } {sc.loop_unroll_factor = 1 : i64, sc.parallel_access}
      %parallel_loop3A_165 = arith.constant 0 : i32
      %parallel_loop3A_166 = arith.constant 16 : i32
      %parallel_loop3A_167 = arith.constant 1 : i32
      scf.for %parallel_loop3A_306 = %parallel_loop3A_165 to %parallel_loop3A_166 step %parallel_loop3A_167  : i32 {
        %parallel_loop3A_307 = arith.constant 3 : i32
        %parallel_loop3A_308 = arith.shrsi %parallel_loop3A_306, %parallel_loop3A_307 : i32
        %parallel_loop3A_309 = arith.constant 7 : i32
        %parallel_loop3A_310 = arith.andi %parallel_loop3A_306, %parallel_loop3A_309 : i32
        %parallel_loop3A_311 = arith.constant 128 : i32
        %parallel_loop3A_312 = arith.muli %parallel_loop3A_308, %parallel_loop3A_311 : i32
        %parallel_loop3A_313 = arith.constant 16 : i32
        %parallel_loop3A_314 = arith.muli %parallel_loop3A_310, %parallel_loop3A_313 : i32
        %parallel_loop3A_315 = arith.addi %parallel_loop3A_312, %parallel_loop3A_314 : i32
        %parallel_loop3A_316 = arith.constant 65 : i32
        %parallel_loop3A_317 = arith.muli %parallel_loop3A_315, %parallel_loop3A_316 : i32
        %parallel_loop3A_318 = tpu.assume_multiple %parallel_loop3A_317, 8 : i32
        %parallel_loop3A_319 = arith.constant 16 : i32
        %parallel_loop3A_320 = arith.muli %parallel_loop3A_310, %parallel_loop3A_319 : i32
        %parallel_loop3A_321 = arith.constant 0 : i32
        %parallel_loop3A_322 = arith.addi %parallel_loop3A_318, %parallel_loop3A_321 : i32
        %parallel_loop3A_323 = arith.constant 0 : i32
        %parallel_loop3A_324 = arith.addi %parallel_loop3A_318, %parallel_loop3A_323 : i32
        %parallel_loop3A_325 = arith.constant 8 : i32
        %parallel_loop3A_326 = arith.addi %parallel_loop3A_324, %parallel_loop3A_325 : i32
        %parallel_loop3A_327 = tpu.memref_slice %arg8[%parallel_loop3A_322] : memref<16704xf32, #tpu.memory_space<vmem>> -> memref<1024xf32, #tpu.memory_space<vmem>>
        %parallel_loop3A_328 = tpu.vector_load_idx %parallel_loop3A_327[%add3A_8] : memref<1024xf32, #tpu.memory_space<vmem>>[vector<16xi32>], vector<16xf32>,
        %parallel_loop3A_329 = tpu.memref_slice %arg8[%parallel_loop3A_322] : memref<16704xf32, #tpu.memory_space<vmem>> -> memref<1024xf32, #tpu.memory_space<vmem>>
        %parallel_loop3A_330 = tpu.vector_load_idx %parallel_loop3A_329[%add3A_14] : memref<1024xf32, #tpu.memory_space<vmem>>[vector<16xi32>], vector<16xf32>,
        %parallel_loop3A_331 = tpu.memref_slice %arg8[%parallel_loop3A_322] : memref<16704xf32, #tpu.memory_space<vmem>> -> memref<1024xf32, #tpu.memory_space<vmem>>
        %parallel_loop3A_332 = tpu.vector_load_idx %parallel_loop3A_331[%add3A_20] : memref<1024xf32, #tpu.memory_space<vmem>>[vector<16xi32>], vector<16xf32>,
        %parallel_loop3A_333 = tpu.memref_slice %arg8[%parallel_loop3A_322] : memref<16704xf32, #tpu.memory_space<vmem>> -> memref<1024xf32, #tpu.memory_space<vmem>>
        %parallel_loop3A_334 = tpu.vector_load_idx %parallel_loop3A_333[%add3A_26] : memref<1024xf32, #tpu.memory_space<vmem>>[vector<16xi32>], vector<16xf32>,
        %parallel_loop3A_335 = tpu.memref_slice %arg8[%parallel_loop3A_322] : memref<16704xf32, #tpu.memory_space<vmem>> -> memref<1024xf32, #tpu.memory_space<vmem>>
        %parallel_loop3A_336 = tpu.vector_load_idx %parallel_loop3A_335[%add3A_32] : memref<1024xf32, #tpu.memory_space<vmem>>[vector<16xi32>], vector<16xf32>,
        %parallel_loop3A_337 = tpu.memref_slice %arg8[%parallel_loop3A_322] : memref<16704xf32, #tpu.memory_space<vmem>> -> memref<1024xf32, #tpu.memory_space<vmem>>
        %parallel_loop3A_338 = tpu.vector_load_idx %parallel_loop3A_337[%add3A_38] : memref<1024xf32, #tpu.memory_space<vmem>>[vector<16xi32>], vector<16xf32>,
        %parallel_loop3A_339 = tpu.memref_slice %arg8[%parallel_loop3A_322] : memref<16704xf32, #tpu.memory_space<vmem>> -> memref<1024xf32, #tpu.memory_space<vmem>>
        %parallel_loop3A_340 = tpu.vector_load_idx %parallel_loop3A_339[%add3A_44] : memref<1024xf32, #tpu.memory_space<vmem>>[vector<16xi32>], vector<16xf32>,
        %parallel_loop3A_341 = tpu.memref_slice %arg8[%parallel_loop3A_322] : memref<16704xf32, #tpu.memory_space<vmem>> -> memref<1024xf32, #tpu.memory_space<vmem>>
        %parallel_loop3A_342 = tpu.vector_load_idx %parallel_loop3A_341[%add3A_50] : memref<1024xf32, #tpu.memory_space<vmem>>[vector<16xi32>], vector<16xf32>,
        %parallel_loop3A_343 = tpu.memref_slice %arg8[%parallel_loop3A_326] : memref<16704xf32, #tpu.memory_space<vmem>> -> memref<1024xf32, #tpu.memory_space<vmem>>
        %parallel_loop3A_344 = tpu.vector_load_idx %parallel_loop3A_343[%add3A_8] : memref<1024xf32, #tpu.memory_space<vmem>>[vector<16xi32>], vector<16xf32>,
        %parallel_loop3A_345 = tpu.memref_slice %arg8[%parallel_loop3A_326] : memref<16704xf32, #tpu.memory_space<vmem>> -> memref<1024xf32, #tpu.memory_space<vmem>>
        %parallel_loop3A_346 = tpu.vector_load_idx %parallel_loop3A_345[%add3A_14] : memref<1024xf32, #tpu.memory_space<vmem>>[vector<16xi32>], vector<16xf32>,
        %parallel_loop3A_347 = tpu.memref_slice %arg8[%parallel_loop3A_326] : memref<16704xf32, #tpu.memory_space<vmem>> -> memref<1024xf32, #tpu.memory_space<vmem>>
        %parallel_loop3A_348 = tpu.vector_load_idx %parallel_loop3A_347[%add3A_20] : memref<1024xf32, #tpu.memory_space<vmem>>[vector<16xi32>], vector<16xf32>,
        %parallel_loop3A_349 = tpu.memref_slice %arg8[%parallel_loop3A_326] : memref<16704xf32, #tpu.memory_space<vmem>> -> memref<1024xf32, #tpu.memory_space<vmem>>
        %parallel_loop3A_350 = tpu.vector_load_idx %parallel_loop3A_349[%add3A_26] : memref<1024xf32, #tpu.memory_space<vmem>>[vector<16xi32>], vector<16xf32>,
        %parallel_loop3A_351 = tpu.memref_slice %arg8[%parallel_loop3A_326] : memref<16704xf32, #tpu.memory_space<vmem>> -> memref<1024xf32, #tpu.memory_space<vmem>>
        %parallel_loop3A_352 = tpu.vector_load_idx %parallel_loop3A_351[%add3A_32] : memref<1024xf32, #tpu.memory_space<vmem>>[vector<16xi32>], vector<16xf32>,
        %parallel_loop3A_353 = tpu.memref_slice %arg8[%parallel_loop3A_326] : memref<16704xf32, #tpu.memory_space<vmem>> -> memref<1024xf32, #tpu.memory_space<vmem>>
        %parallel_loop3A_354 = tpu.vector_load_idx %parallel_loop3A_353[%add3A_38] : memref<1024xf32, #tpu.memory_space<vmem>>[vector<16xi32>], vector<16xf32>,
        %parallel_loop3A_355 = tpu.memref_slice %arg8[%parallel_loop3A_326] : memref<16704xf32, #tpu.memory_space<vmem>> -> memref<1024xf32, #tpu.memory_space<vmem>>
        %parallel_loop3A_356 = tpu.vector_load_idx %parallel_loop3A_355[%add3A_44] : memref<1024xf32, #tpu.memory_space<vmem>>[vector<16xi32>], vector<16xf32>,
        %parallel_loop3A_357 = tpu.memref_slice %arg8[%parallel_loop3A_326] : memref<16704xf32, #tpu.memory_space<vmem>> -> memref<1024xf32, #tpu.memory_space<vmem>>
        %parallel_loop3A_358 = tpu.vector_load_idx %parallel_loop3A_357[%add3A_50] : memref<1024xf32, #tpu.memory_space<vmem>>[vector<16xi32>], vector<16xf32>,
        %parallel_loop3A_359 = arith.constant 0 : i32
        %parallel_loop3A_360 = arith.constant 0 : i32
        %parallel_loop3A_361 = arith.index_cast %parallel_loop3A_359 : i32 to index
        %parallel_loop3A_362 = arith.index_cast %parallel_loop3A_308 : i32 to index
        %parallel_loop3A_363 = arith.index_cast %parallel_loop3A_360 : i32 to index
        %parallel_loop3A_364 = arith.index_cast %parallel_loop3A_320 : i32 to index
        %parallel_loop3A_365 = tpu.vector_load %arg9[%parallel_loop3A_361, %parallel_loop3A_362, %parallel_loop3A_363, %parallel_loop3A_364] {strides = array<i32>} : memref<8x2x8x128xf32, #tpu.memory_space<vmem>>, vector<16xf32>,
        tpu.vector_store %arg9[%parallel_loop3A_361, %parallel_loop3A_362, %parallel_loop3A_363, %parallel_loop3A_364], %parallel_loop3A_328 {strides = array<i32>} : memref<8x2x8x128xf32, #tpu.memory_space<vmem>>, vector<16xf32>,
        %parallel_loop3A_366 = arith.constant 0 : i32
        %parallel_loop3A_367 = arith.constant 1 : i32
        %parallel_loop3A_368 = arith.index_cast %parallel_loop3A_366 : i32 to index
        %parallel_loop3A_369 = arith.index_cast %parallel_loop3A_308 : i32 to index
        %parallel_loop3A_370 = arith.index_cast %parallel_loop3A_367 : i32 to index
        %parallel_loop3A_371 = arith.index_cast %parallel_loop3A_320 : i32 to index
        %parallel_loop3A_372 = tpu.vector_load %arg9[%parallel_loop3A_368, %parallel_loop3A_369, %parallel_loop3A_370, %parallel_loop3A_371] {strides = array<i32>} : memref<8x2x8x128xf32, #tpu.memory_space<vmem>>, vector<16xf32>,
        tpu.vector_store %arg9[%parallel_loop3A_368, %parallel_loop3A_369, %parallel_loop3A_370, %parallel_loop3A_371], %parallel_loop3A_330 {strides = array<i32>} : memref<8x2x8x128xf32, #tpu.memory_space<vmem>>, vector<16xf32>,
        %parallel_loop3A_373 = arith.constant 0 : i32
        %parallel_loop3A_374 = arith.constant 2 : i32
        %parallel_loop3A_375 = arith.index_cast %parallel_loop3A_373 : i32 to index
        %parallel_loop3A_376 = arith.index_cast %parallel_loop3A_308 : i32 to index
        %parallel_loop3A_377 = arith.index_cast %parallel_loop3A_374 : i32 to index
        %parallel_loop3A_378 = arith.index_cast %parallel_loop3A_320 : i32 to index
        %parallel_loop3A_379 = tpu.vector_load %arg9[%parallel_loop3A_375, %parallel_loop3A_376, %parallel_loop3A_377, %parallel_loop3A_378] {strides = array<i32>} : memref<8x2x8x128xf32, #tpu.memory_space<vmem>>, vector<16xf32>,
        tpu.vector_store %arg9[%parallel_loop3A_375, %parallel_loop3A_376, %parallel_loop3A_377, %parallel_loop3A_378], %parallel_loop3A_332 {strides = array<i32>} : memref<8x2x8x128xf32, #tpu.memory_space<vmem>>, vector<16xf32>,
        %parallel_loop3A_380 = arith.constant 0 : i32
        %parallel_loop3A_381 = arith.constant 3 : i32
        %parallel_loop3A_382 = arith.index_cast %parallel_loop3A_380 : i32 to index
        %parallel_loop3A_383 = arith.index_cast %parallel_loop3A_308 : i32 to index
        %parallel_loop3A_384 = arith.index_cast %parallel_loop3A_381 : i32 to index
        %parallel_loop3A_385 = arith.index_cast %parallel_loop3A_320 : i32 to index
        %parallel_loop3A_386 = tpu.vector_load %arg9[%parallel_loop3A_382, %parallel_loop3A_383, %parallel_loop3A_384, %parallel_loop3A_385] {strides = array<i32>} : memref<8x2x8x128xf32, #tpu.memory_space<vmem>>, vector<16xf32>,
        tpu.vector_store %arg9[%parallel_loop3A_382, %parallel_loop3A_383, %parallel_loop3A_384, %parallel_loop3A_385], %parallel_loop3A_334 {strides = array<i32>} : memref<8x2x8x128xf32, #tpu.memory_space<vmem>>, vector<16xf32>,
        %parallel_loop3A_387 = arith.constant 0 : i32
        %parallel_loop3A_388 = arith.constant 4 : i32
        %parallel_loop3A_389 = arith.index_cast %parallel_loop3A_387 : i32 to index
        %parallel_loop3A_390 = arith.index_cast %parallel_loop3A_308 : i32 to index
        %parallel_loop3A_391 = arith.index_cast %parallel_loop3A_388 : i32 to index
        %parallel_loop3A_392 = arith.index_cast %parallel_loop3A_320 : i32 to index
        %parallel_loop3A_393 = tpu.vector_load %arg9[%parallel_loop3A_389, %parallel_loop3A_390, %parallel_loop3A_391, %parallel_loop3A_392] {strides = array<i32>} : memref<8x2x8x128xf32, #tpu.memory_space<vmem>>, vector<16xf32>,
        tpu.vector_store %arg9[%parallel_loop3A_389, %parallel_loop3A_390, %parallel_loop3A_391, %parallel_loop3A_392], %parallel_loop3A_336 {strides = array<i32>} : memref<8x2x8x128xf32, #tpu.memory_space<vmem>>, vector<16xf32>,
        %parallel_loop3A_394 = arith.constant 0 : i32
        %parallel_loop3A_395 = arith.constant 5 : i32
        %parallel_loop3A_396 = arith.index_cast %parallel_loop3A_394 : i32 to index
        %parallel_loop3A_397 = arith.index_cast %parallel_loop3A_308 : i32 to index
        %parallel_loop3A_398 = arith.index_cast %parallel_loop3A_395 : i32 to index
        %parallel_loop3A_399 = arith.index_cast %parallel_loop3A_320 : i32 to index
        %parallel_loop3A_400 = tpu.vector_load %arg9[%parallel_loop3A_396, %parallel_loop3A_397, %parallel_loop3A_398, %parallel_loop3A_399] {strides = array<i32>} : memref<8x2x8x128xf32, #tpu.memory_space<vmem>>, vector<16xf32>,
        tpu.vector_store %arg9[%parallel_loop3A_396, %parallel_loop3A_397, %parallel_loop3A_398, %parallel_loop3A_399], %parallel_loop3A_338 {strides = array<i32>} : memref<8x2x8x128xf32, #tpu.memory_space<vmem>>, vector<16xf32>,
        %parallel_loop3A_401 = arith.constant 0 : i32
        %parallel_loop3A_402 = arith.constant 6 : i32
        %parallel_loop3A_403 = arith.index_cast %parallel_loop3A_401 : i32 to index
        %parallel_loop3A_404 = arith.index_cast %parallel_loop3A_308 : i32 to index
        %parallel_loop3A_405 = arith.index_cast %parallel_loop3A_402 : i32 to index
        %parallel_loop3A_406 = arith.index_cast %parallel_loop3A_320 : i32 to index
        %parallel_loop3A_407 = tpu.vector_load %arg9[%parallel_loop3A_403, %parallel_loop3A_404, %parallel_loop3A_405, %parallel_loop3A_406] {strides = array<i32>} : memref<8x2x8x128xf32, #tpu.memory_space<vmem>>, vector<16xf32>,
        tpu.vector_store %arg9[%parallel_loop3A_403, %parallel_loop3A_404, %parallel_loop3A_405, %parallel_loop3A_406], %parallel_loop3A_340 {strides = array<i32>} : memref<8x2x8x128xf32, #tpu.memory_space<vmem>>, vector<16xf32>,
        %parallel_loop3A_408 = arith.constant 0 : i32
        %parallel_loop3A_409 = arith.constant 7 : i32
        %parallel_loop3A_410 = arith.index_cast %parallel_loop3A_408 : i32 to index
        %parallel_loop3A_411 = arith.index_cast %parallel_loop3A_308 : i32 to index
        %parallel_loop3A_412 = arith.index_cast %parallel_loop3A_409 : i32 to index
        %parallel_loop3A_413 = arith.index_cast %parallel_loop3A_320 : i32 to index
        %parallel_loop3A_414 = tpu.vector_load %arg9[%parallel_loop3A_410, %parallel_loop3A_411, %parallel_loop3A_412, %parallel_loop3A_413] {strides = array<i32>} : memref<8x2x8x128xf32, #tpu.memory_space<vmem>>, vector<16xf32>,
        tpu.vector_store %arg9[%parallel_loop3A_410, %parallel_loop3A_411, %parallel_loop3A_412, %parallel_loop3A_413], %parallel_loop3A_342 {strides = array<i32>} : memref<8x2x8x128xf32, #tpu.memory_space<vmem>>, vector<16xf32>,
        %parallel_loop3A_415 = arith.constant 1 : i32
        %parallel_loop3A_416 = arith.constant 0 : i32
        %parallel_loop3A_417 = arith.index_cast %parallel_loop3A_415 : i32 to index
        %parallel_loop3A_418 = arith.index_cast %parallel_loop3A_308 : i32 to index
        %parallel_loop3A_419 = arith.index_cast %parallel_loop3A_416 : i32 to index
        %parallel_loop3A_420 = arith.index_cast %parallel_loop3A_320 : i32 to index
        %parallel_loop3A_421 = tpu.vector_load %arg9[%parallel_loop3A_417, %parallel_loop3A_418, %parallel_loop3A_419, %parallel_loop3A_420] {strides = array<i32>} : memref<8x2x8x128xf32, #tpu.memory_space<vmem>>, vector<16xf32>,
        tpu.vector_store %arg9[%parallel_loop3A_417, %parallel_loop3A_418, %parallel_loop3A_419, %parallel_loop3A_420], %parallel_loop3A_344 {strides = array<i32>} : memref<8x2x8x128xf32, #tpu.memory_space<vmem>>, vector<16xf32>,
        %parallel_loop3A_422 = arith.constant 1 : i32
        %parallel_loop3A_423 = arith.constant 1 : i32
        %parallel_loop3A_424 = arith.index_cast %parallel_loop3A_422 : i32 to index
        %parallel_loop3A_425 = arith.index_cast %parallel_loop3A_308 : i32 to index
        %parallel_loop3A_426 = arith.index_cast %parallel_loop3A_423 : i32 to index
        %parallel_loop3A_427 = arith.index_cast %parallel_loop3A_320 : i32 to index
        %parallel_loop3A_428 = tpu.vector_load %arg9[%parallel_loop3A_424, %parallel_loop3A_425, %parallel_loop3A_426, %parallel_loop3A_427] {strides = array<i32>} : memref<8x2x8x128xf32, #tpu.memory_space<vmem>>, vector<16xf32>,
        tpu.vector_store %arg9[%parallel_loop3A_424, %parallel_loop3A_425, %parallel_loop3A_426, %parallel_loop3A_427], %parallel_loop3A_346 {strides = array<i32>} : memref<8x2x8x128xf32, #tpu.memory_space<vmem>>, vector<16xf32>,
        %parallel_loop3A_429 = arith.constant 1 : i32
        %parallel_loop3A_430 = arith.constant 2 : i32
        %parallel_loop3A_431 = arith.index_cast %parallel_loop3A_429 : i32 to index
        %parallel_loop3A_432 = arith.index_cast %parallel_loop3A_308 : i32 to index
        %parallel_loop3A_433 = arith.index_cast %parallel_loop3A_430 : i32 to index
        %parallel_loop3A_434 = arith.index_cast %parallel_loop3A_320 : i32 to index
        %parallel_loop3A_435 = tpu.vector_load %arg9[%parallel_loop3A_431, %parallel_loop3A_432, %parallel_loop3A_433, %parallel_loop3A_434] {strides = array<i32>} : memref<8x2x8x128xf32, #tpu.memory_space<vmem>>, vector<16xf32>,
        tpu.vector_store %arg9[%parallel_loop3A_431, %parallel_loop3A_432, %parallel_loop3A_433, %parallel_loop3A_434], %parallel_loop3A_348 {strides = array<i32>} : memref<8x2x8x128xf32, #tpu.memory_space<vmem>>, vector<16xf32>,
        %parallel_loop3A_436 = arith.constant 1 : i32
        %parallel_loop3A_437 = arith.constant 3 : i32
        %parallel_loop3A_438 = arith.index_cast %parallel_loop3A_436 : i32 to index
        %parallel_loop3A_439 = arith.index_cast %parallel_loop3A_308 : i32 to index
        %parallel_loop3A_440 = arith.index_cast %parallel_loop3A_437 : i32 to index
        %parallel_loop3A_441 = arith.index_cast %parallel_loop3A_320 : i32 to index
        %parallel_loop3A_442 = tpu.vector_load %arg9[%parallel_loop3A_438, %parallel_loop3A_439, %parallel_loop3A_440, %parallel_loop3A_441] {strides = array<i32>} : memref<8x2x8x128xf32, #tpu.memory_space<vmem>>, vector<16xf32>,
        tpu.vector_store %arg9[%parallel_loop3A_438, %parallel_loop3A_439, %parallel_loop3A_440, %parallel_loop3A_441], %parallel_loop3A_350 {strides = array<i32>} : memref<8x2x8x128xf32, #tpu.memory_space<vmem>>, vector<16xf32>,
        %parallel_loop3A_443 = arith.constant 1 : i32
        %parallel_loop3A_444 = arith.constant 4 : i32
        %parallel_loop3A_445 = arith.index_cast %parallel_loop3A_443 : i32 to index
        %parallel_loop3A_446 = arith.index_cast %parallel_loop3A_308 : i32 to index
        %parallel_loop3A_447 = arith.index_cast %parallel_loop3A_444 : i32 to index
        %parallel_loop3A_448 = arith.index_cast %parallel_loop3A_320 : i32 to index
        %parallel_loop3A_449 = tpu.vector_load %arg9[%parallel_loop3A_445, %parallel_loop3A_446, %parallel_loop3A_447, %parallel_loop3A_448] {strides = array<i32>} : memref<8x2x8x128xf32, #tpu.memory_space<vmem>>, vector<16xf32>,
        tpu.vector_store %arg9[%parallel_loop3A_445, %parallel_loop3A_446, %parallel_loop3A_447, %parallel_loop3A_448], %parallel_loop3A_352 {strides = array<i32>} : memref<8x2x8x128xf32, #tpu.memory_space<vmem>>, vector<16xf32>,
        %parallel_loop3A_450 = arith.constant 1 : i32
        %parallel_loop3A_451 = arith.constant 5 : i32
        %parallel_loop3A_452 = arith.index_cast %parallel_loop3A_450 : i32 to index
        %parallel_loop3A_453 = arith.index_cast %parallel_loop3A_308 : i32 to index
        %parallel_loop3A_454 = arith.index_cast %parallel_loop3A_451 : i32 to index
        %parallel_loop3A_455 = arith.index_cast %parallel_loop3A_320 : i32 to index
        %parallel_loop3A_456 = tpu.vector_load %arg9[%parallel_loop3A_452, %parallel_loop3A_453, %parallel_loop3A_454, %parallel_loop3A_455] {strides = array<i32>} : memref<8x2x8x128xf32, #tpu.memory_space<vmem>>, vector<16xf32>,
        tpu.vector_store %arg9[%parallel_loop3A_452, %parallel_loop3A_453, %parallel_loop3A_454, %parallel_loop3A_455], %parallel_loop3A_354 {strides = array<i32>} : memref<8x2x8x128xf32, #tpu.memory_space<vmem>>, vector<16xf32>,
        %parallel_loop3A_457 = arith.constant 1 : i32
        %parallel_loop3A_458 = arith.constant 6 : i32
        %parallel_loop3A_459 = arith.index_cast %parallel_loop3A_457 : i32 to index
        %parallel_loop3A_460 = arith.index_cast %parallel_loop3A_308 : i32 to index
        %parallel_loop3A_461 = arith.index_cast %parallel_loop3A_458 : i32 to index
        %parallel_loop3A_462 = arith.index_cast %parallel_loop3A_320 : i32 to index
        %parallel_loop3A_463 = tpu.vector_load %arg9[%parallel_loop3A_459, %parallel_loop3A_460, %parallel_loop3A_461, %parallel_loop3A_462] {strides = array<i32>} : memref<8x2x8x128xf32, #tpu.memory_space<vmem>>, vector<16xf32>,
        tpu.vector_store %arg9[%parallel_loop3A_459, %parallel_loop3A_460, %parallel_loop3A_461, %parallel_loop3A_462], %parallel_loop3A_356 {strides = array<i32>} : memref<8x2x8x128xf32, #tpu.memory_space<vmem>>, vector<16xf32>,
        %parallel_loop3A_464 = arith.constant 1 : i32
        %parallel_loop3A_465 = arith.constant 7 : i32
        %parallel_loop3A_466 = arith.index_cast %parallel_loop3A_464 : i32 to index
        %parallel_loop3A_467 = arith.index_cast %parallel_loop3A_308 : i32 to index
        %parallel_loop3A_468 = arith.index_cast %parallel_loop3A_465 : i32 to index
        %parallel_loop3A_469 = arith.index_cast %parallel_loop3A_320 : i32 to index
        %parallel_loop3A_470 = tpu.vector_load %arg9[%parallel_loop3A_466, %parallel_loop3A_467, %parallel_loop3A_468, %parallel_loop3A_469] {strides = array<i32>} : memref<8x2x8x128xf32, #tpu.memory_space<vmem>>, vector<16xf32>,
        tpu.vector_store %arg9[%parallel_loop3A_466, %parallel_loop3A_467, %parallel_loop3A_468, %parallel_loop3A_469], %parallel_loop3A_358 {strides = array<i32>} : memref<8x2x8x128xf32, #tpu.memory_space<vmem>>, vector<16xf32>,
        %parallel_loop3A_471 = arith.constant 16 : i32
        %parallel_loop3A_472 = arith.addi %parallel_loop3A_318, %parallel_loop3A_471 : i32
        %parallel_loop3A_473 = arith.constant 16 : i32
        %parallel_loop3A_474 = arith.addi %parallel_loop3A_318, %parallel_loop3A_473 : i32
        %parallel_loop3A_475 = arith.constant 8 : i32
        %parallel_loop3A_476 = arith.addi %parallel_loop3A_474, %parallel_loop3A_475 : i32
        %parallel_loop3A_477 = tpu.memref_slice %arg8[%parallel_loop3A_472] : memref<16704xf32, #tpu.memory_space<vmem>> -> memref<1024xf32, #tpu.memory_space<vmem>>
        %parallel_loop3A_478 = tpu.vector_load_idx %parallel_loop3A_477[%add3A_8] : memref<1024xf32, #tpu.memory_space<vmem>>[vector<16xi32>], vector<16xf32>,
        %parallel_loop3A_479 = tpu.memref_slice %arg8[%parallel_loop3A_472] : memref<16704xf32, #tpu.memory_space<vmem>> -> memref<1024xf32, #tpu.memory_space<vmem>>
        %parallel_loop3A_480 = tpu.vector_load_idx %parallel_loop3A_479[%add3A_14] : memref<1024xf32, #tpu.memory_space<vmem>>[vector<16xi32>], vector<16xf32>,
        %parallel_loop3A_481 = tpu.memref_slice %arg8[%parallel_loop3A_472] : memref<16704xf32, #tpu.memory_space<vmem>> -> memref<1024xf32, #tpu.memory_space<vmem>>
        %parallel_loop3A_482 = tpu.vector_load_idx %parallel_loop3A_481[%add3A_20] : memref<1024xf32, #tpu.memory_space<vmem>>[vector<16xi32>], vector<16xf32>,
        %parallel_loop3A_483 = tpu.memref_slice %arg8[%parallel_loop3A_472] : memref<16704xf32, #tpu.memory_space<vmem>> -> memref<1024xf32, #tpu.memory_space<vmem>>
        %parallel_loop3A_484 = tpu.vector_load_idx %parallel_loop3A_483[%add3A_26] : memref<1024xf32, #tpu.memory_space<vmem>>[vector<16xi32>], vector<16xf32>,
        %parallel_loop3A_485 = tpu.memref_slice %arg8[%parallel_loop3A_472] : memref<16704xf32, #tpu.memory_space<vmem>> -> memref<1024xf32, #tpu.memory_space<vmem>>
        %parallel_loop3A_486 = tpu.vector_load_idx %parallel_loop3A_485[%add3A_32] : memref<1024xf32, #tpu.memory_space<vmem>>[vector<16xi32>], vector<16xf32>,
        %parallel_loop3A_487 = tpu.memref_slice %arg8[%parallel_loop3A_472] : memref<16704xf32, #tpu.memory_space<vmem>> -> memref<1024xf32, #tpu.memory_space<vmem>>
        %parallel_loop3A_488 = tpu.vector_load_idx %parallel_loop3A_487[%add3A_38] : memref<1024xf32, #tpu.memory_space<vmem>>[vector<16xi32>], vector<16xf32>,
        %parallel_loop3A_489 = tpu.memref_slice %arg8[%parallel_loop3A_472] : memref<16704xf32, #tpu.memory_space<vmem>> -> memref<1024xf32, #tpu.memory_space<vmem>>
        %parallel_loop3A_490 = tpu.vector_load_idx %parallel_loop3A_489[%add3A_44] : memref<1024xf32, #tpu.memory_space<vmem>>[vector<16xi32>], vector<16xf32>,
        %parallel_loop3A_491 = tpu.memref_slice %arg8[%parallel_loop3A_472] : memref<16704xf32, #tpu.memory_space<vmem>> -> memref<1024xf32, #tpu.memory_space<vmem>>
        %parallel_loop3A_492 = tpu.vector_load_idx %parallel_loop3A_491[%add3A_50] : memref<1024xf32, #tpu.memory_space<vmem>>[vector<16xi32>], vector<16xf32>,
        %parallel_loop3A_493 = tpu.memref_slice %arg8[%parallel_loop3A_476] : memref<16704xf32, #tpu.memory_space<vmem>> -> memref<1024xf32, #tpu.memory_space<vmem>>
        %parallel_loop3A_494 = tpu.vector_load_idx %parallel_loop3A_493[%add3A_8] : memref<1024xf32, #tpu.memory_space<vmem>>[vector<16xi32>], vector<16xf32>,
        %parallel_loop3A_495 = tpu.memref_slice %arg8[%parallel_loop3A_476] : memref<16704xf32, #tpu.memory_space<vmem>> -> memref<1024xf32, #tpu.memory_space<vmem>>
        %parallel_loop3A_496 = tpu.vector_load_idx %parallel_loop3A_495[%add3A_14] : memref<1024xf32, #tpu.memory_space<vmem>>[vector<16xi32>], vector<16xf32>,
        %parallel_loop3A_497 = tpu.memref_slice %arg8[%parallel_loop3A_476] : memref<16704xf32, #tpu.memory_space<vmem>> -> memref<1024xf32, #tpu.memory_space<vmem>>
        %parallel_loop3A_498 = tpu.vector_load_idx %parallel_loop3A_497[%add3A_20] : memref<1024xf32, #tpu.memory_space<vmem>>[vector<16xi32>], vector<16xf32>,
        %parallel_loop3A_499 = tpu.memref_slice %arg8[%parallel_loop3A_476] : memref<16704xf32, #tpu.memory_space<vmem>> -> memref<1024xf32, #tpu.memory_space<vmem>>
        %parallel_loop3A_500 = tpu.vector_load_idx %parallel_loop3A_499[%add3A_26] : memref<1024xf32, #tpu.memory_space<vmem>>[vector<16xi32>], vector<16xf32>,
        %parallel_loop3A_501 = tpu.memref_slice %arg8[%parallel_loop3A_476] : memref<16704xf32, #tpu.memory_space<vmem>> -> memref<1024xf32, #tpu.memory_space<vmem>>
        %parallel_loop3A_502 = tpu.vector_load_idx %parallel_loop3A_501[%add3A_32] : memref<1024xf32, #tpu.memory_space<vmem>>[vector<16xi32>], vector<16xf32>,
        %parallel_loop3A_503 = tpu.memref_slice %arg8[%parallel_loop3A_476] : memref<16704xf32, #tpu.memory_space<vmem>> -> memref<1024xf32, #tpu.memory_space<vmem>>
        %parallel_loop3A_504 = tpu.vector_load_idx %parallel_loop3A_503[%add3A_38] : memref<1024xf32, #tpu.memory_space<vmem>>[vector<16xi32>], vector<16xf32>,
        %parallel_loop3A_505 = tpu.memref_slice %arg8[%parallel_loop3A_476] : memref<16704xf32, #tpu.memory_space<vmem>> -> memref<1024xf32, #tpu.memory_space<vmem>>
        %parallel_loop3A_506 = tpu.vector_load_idx %parallel_loop3A_505[%add3A_44] : memref<1024xf32, #tpu.memory_space<vmem>>[vector<16xi32>], vector<16xf32>,
        %parallel_loop3A_507 = tpu.memref_slice %arg8[%parallel_loop3A_476] : memref<16704xf32, #tpu.memory_space<vmem>> -> memref<1024xf32, #tpu.memory_space<vmem>>
        %parallel_loop3A_508 = tpu.vector_load_idx %parallel_loop3A_507[%add3A_50] : memref<1024xf32, #tpu.memory_space<vmem>>[vector<16xi32>], vector<16xf32>,
        %parallel_loop3A_509 = arith.constant 2 : i32
        %parallel_loop3A_510 = arith.constant 0 : i32
        %parallel_loop3A_511 = arith.index_cast %parallel_loop3A_509 : i32 to index
        %parallel_loop3A_512 = arith.index_cast %parallel_loop3A_308 : i32 to index
        %parallel_loop3A_513 = arith.index_cast %parallel_loop3A_510 : i32 to index
        %parallel_loop3A_514 = arith.index_cast %parallel_loop3A_320 : i32 to index
        %parallel_loop3A_515 = tpu.vector_load %arg9[%parallel_loop3A_511, %parallel_loop3A_512, %parallel_loop3A_513, %parallel_loop3A_514] {strides = array<i32>} : memref<8x2x8x128xf32, #tpu.memory_space<vmem>>, vector<16xf32>,
        tpu.vector_store %arg9[%parallel_loop3A_511, %parallel_loop3A_512, %parallel_loop3A_513, %parallel_loop3A_514], %parallel_loop3A_478 {strides = array<i32>} : memref<8x2x8x128xf32, #tpu.memory_space<vmem>>, vector<16xf32>,
        %parallel_loop3A_516 = arith.constant 2 : i32
        %parallel_loop3A_517 = arith.constant 1 : i32
        %parallel_loop3A_518 = arith.index_cast %parallel_loop3A_516 : i32 to index
        %parallel_loop3A_519 = arith.index_cast %parallel_loop3A_308 : i32 to index
        %parallel_loop3A_520 = arith.index_cast %parallel_loop3A_517 : i32 to index
        %parallel_loop3A_521 = arith.index_cast %parallel_loop3A_320 : i32 to index
        %parallel_loop3A_522 = tpu.vector_load %arg9[%parallel_loop3A_518, %parallel_loop3A_519, %parallel_loop3A_520, %parallel_loop3A_521] {strides = array<i32>} : memref<8x2x8x128xf32, #tpu.memory_space<vmem>>, vector<16xf32>,
        tpu.vector_store %arg9[%parallel_loop3A_518, %parallel_loop3A_519, %parallel_loop3A_520, %parallel_loop3A_521], %parallel_loop3A_480 {strides = array<i32>} : memref<8x2x8x128xf32, #tpu.memory_space<vmem>>, vector<16xf32>,
        %parallel_loop3A_523 = arith.constant 2 : i32
        %parallel_loop3A_524 = arith.constant 2 : i32
        %parallel_loop3A_525 = arith.index_cast %parallel_loop3A_523 : i32 to index
        %parallel_loop3A_526 = arith.index_cast %parallel_loop3A_308 : i32 to index
        %parallel_loop3A_527 = arith.index_cast %parallel_loop3A_524 : i32 to index
        %parallel_loop3A_528 = arith.index_cast %parallel_loop3A_320 : i32 to index
        %parallel_loop3A_529 = tpu.vector_load %arg9[%parallel_loop3A_525, %parallel_loop3A_526, %parallel_loop3A_527, %parallel_loop3A_528] {strides = array<i32>} : memref<8x2x8x128xf32, #tpu.memory_space<vmem>>, vector<16xf32>,
        tpu.vector_store %arg9[%parallel_loop3A_525, %parallel_loop3A_526, %parallel_loop3A_527, %parallel_loop3A_528], %parallel_loop3A_482 {strides = array<i32>} : memref<8x2x8x128xf32, #tpu.memory_space<vmem>>, vector<16xf32>,
        %parallel_loop3A_530 = arith.constant 2 : i32
        %parallel_loop3A_531 = arith.constant 3 : i32
        %parallel_loop3A_532 = arith.index_cast %parallel_loop3A_530 : i32 to index
        %parallel_loop3A_533 = arith.index_cast %parallel_loop3A_308 : i32 to index
        %parallel_loop3A_534 = arith.index_cast %parallel_loop3A_531 : i32 to index
        %parallel_loop3A_535 = arith.index_cast %parallel_loop3A_320 : i32 to index
        %parallel_loop3A_536 = tpu.vector_load %arg9[%parallel_loop3A_532, %parallel_loop3A_533, %parallel_loop3A_534, %parallel_loop3A_535] {strides = array<i32>} : memref<8x2x8x128xf32, #tpu.memory_space<vmem>>, vector<16xf32>,
        tpu.vector_store %arg9[%parallel_loop3A_532, %parallel_loop3A_533, %parallel_loop3A_534, %parallel_loop3A_535], %parallel_loop3A_484 {strides = array<i32>} : memref<8x2x8x128xf32, #tpu.memory_space<vmem>>, vector<16xf32>,
        %parallel_loop3A_537 = arith.constant 2 : i32
        %parallel_loop3A_538 = arith.constant 4 : i32
        %parallel_loop3A_539 = arith.index_cast %parallel_loop3A_537 : i32 to index
        %parallel_loop3A_540 = arith.index_cast %parallel_loop3A_308 : i32 to index
        %parallel_loop3A_541 = arith.index_cast %parallel_loop3A_538 : i32 to index
        %parallel_loop3A_542 = arith.index_cast %parallel_loop3A_320 : i32 to index
        %parallel_loop3A_543 = tpu.vector_load %arg9[%parallel_loop3A_539, %parallel_loop3A_540, %parallel_loop3A_541, %parallel_loop3A_542] {strides = array<i32>} : memref<8x2x8x128xf32, #tpu.memory_space<vmem>>, vector<16xf32>,
        tpu.vector_store %arg9[%parallel_loop3A_539, %parallel_loop3A_540, %parallel_loop3A_541, %parallel_loop3A_542], %parallel_loop3A_486 {strides = array<i32>} : memref<8x2x8x128xf32, #tpu.memory_space<vmem>>, vector<16xf32>,
        %parallel_loop3A_544 = arith.constant 2 : i32
        %parallel_loop3A_545 = arith.constant 5 : i32
        %parallel_loop3A_546 = arith.index_cast %parallel_loop3A_544 : i32 to index
        %parallel_loop3A_547 = arith.index_cast %parallel_loop3A_308 : i32 to index
        %parallel_loop3A_548 = arith.index_cast %parallel_loop3A_545 : i32 to index
        %parallel_loop3A_549 = arith.index_cast %parallel_loop3A_320 : i32 to index
        %parallel_loop3A_550 = tpu.vector_load %arg9[%parallel_loop3A_546, %parallel_loop3A_547, %parallel_loop3A_548, %parallel_loop3A_549] {strides = array<i32>} : memref<8x2x8x128xf32, #tpu.memory_space<vmem>>, vector<16xf32>,
        tpu.vector_store %arg9[%parallel_loop3A_546, %parallel_loop3A_547, %parallel_loop3A_548, %parallel_loop3A_549], %parallel_loop3A_488 {strides = array<i32>} : memref<8x2x8x128xf32, #tpu.memory_space<vmem>>, vector<16xf32>,
        %parallel_loop3A_551 = arith.constant 2 : i32
        %parallel_loop3A_552 = arith.constant 6 : i32
        %parallel_loop3A_553 = arith.index_cast %parallel_loop3A_551 : i32 to index
        %parallel_loop3A_554 = arith.index_cast %parallel_loop3A_308 : i32 to index
        %parallel_loop3A_555 = arith.index_cast %parallel_loop3A_552 : i32 to index
        %parallel_loop3A_556 = arith.index_cast %parallel_loop3A_320 : i32 to index
        %parallel_loop3A_557 = tpu.vector_load %arg9[%parallel_loop3A_553, %parallel_loop3A_554, %parallel_loop3A_555, %parallel_loop3A_556] {strides = array<i32>} : memref<8x2x8x128xf32, #tpu.memory_space<vmem>>, vector<16xf32>,
        tpu.vector_store %arg9[%parallel_loop3A_553, %parallel_loop3A_554, %parallel_loop3A_555, %parallel_loop3A_556], %parallel_loop3A_490 {strides = array<i32>} : memref<8x2x8x128xf32, #tpu.memory_space<vmem>>, vector<16xf32>,
        %parallel_loop3A_558 = arith.constant 2 : i32
        %parallel_loop3A_559 = arith.constant 7 : i32
        %parallel_loop3A_560 = arith.index_cast %parallel_loop3A_558 : i32 to index
        %parallel_loop3A_561 = arith.index_cast %parallel_loop3A_308 : i32 to index
        %parallel_loop3A_562 = arith.index_cast %parallel_loop3A_559 : i32 to index
        %parallel_loop3A_563 = arith.index_cast %parallel_loop3A_320 : i32 to index
        %parallel_loop3A_564 = tpu.vector_load %arg9[%parallel_loop3A_560, %parallel_loop3A_561, %parallel_loop3A_562, %parallel_loop3A_563] {strides = array<i32>} : memref<8x2x8x128xf32, #tpu.memory_space<vmem>>, vector<16xf32>,
        tpu.vector_store %arg9[%parallel_loop3A_560, %parallel_loop3A_561, %parallel_loop3A_562, %parallel_loop3A_563], %parallel_loop3A_492 {strides = array<i32>} : memref<8x2x8x128xf32, #tpu.memory_space<vmem>>, vector<16xf32>,
        %parallel_loop3A_565 = arith.constant 3 : i32
        %parallel_loop3A_566 = arith.constant 0 : i32
        %parallel_loop3A_567 = arith.index_cast %parallel_loop3A_565 : i32 to index
        %parallel_loop3A_568 = arith.index_cast %parallel_loop3A_308 : i32 to index
        %parallel_loop3A_569 = arith.index_cast %parallel_loop3A_566 : i32 to index
        %parallel_loop3A_570 = arith.index_cast %parallel_loop3A_320 : i32 to index
        %parallel_loop3A_571 = tpu.vector_load %arg9[%parallel_loop3A_567, %parallel_loop3A_568, %parallel_loop3A_569, %parallel_loop3A_570] {strides = array<i32>} : memref<8x2x8x128xf32, #tpu.memory_space<vmem>>, vector<16xf32>,
        tpu.vector_store %arg9[%parallel_loop3A_567, %parallel_loop3A_568, %parallel_loop3A_569, %parallel_loop3A_570], %parallel_loop3A_494 {strides = array<i32>} : memref<8x2x8x128xf32, #tpu.memory_space<vmem>>, vector<16xf32>,
        %parallel_loop3A_572 = arith.constant 3 : i32
        %parallel_loop3A_573 = arith.constant 1 : i32
        %parallel_loop3A_574 = arith.index_cast %parallel_loop3A_572 : i32 to index
        %parallel_loop3A_575 = arith.index_cast %parallel_loop3A_308 : i32 to index
        %parallel_loop3A_576 = arith.index_cast %parallel_loop3A_573 : i32 to index
        %parallel_loop3A_577 = arith.index_cast %parallel_loop3A_320 : i32 to index
        %parallel_loop3A_578 = tpu.vector_load %arg9[%parallel_loop3A_574, %parallel_loop3A_575, %parallel_loop3A_576, %parallel_loop3A_577] {strides = array<i32>} : memref<8x2x8x128xf32, #tpu.memory_space<vmem>>, vector<16xf32>,
        tpu.vector_store %arg9[%parallel_loop3A_574, %parallel_loop3A_575, %parallel_loop3A_576, %parallel_loop3A_577], %parallel_loop3A_496 {strides = array<i32>} : memref<8x2x8x128xf32, #tpu.memory_space<vmem>>, vector<16xf32>,
        %parallel_loop3A_579 = arith.constant 3 : i32
        %parallel_loop3A_580 = arith.constant 2 : i32
        %parallel_loop3A_581 = arith.index_cast %parallel_loop3A_579 : i32 to index
        %parallel_loop3A_582 = arith.index_cast %parallel_loop3A_308 : i32 to index
        %parallel_loop3A_583 = arith.index_cast %parallel_loop3A_580 : i32 to index
        %parallel_loop3A_584 = arith.index_cast %parallel_loop3A_320 : i32 to index
        %parallel_loop3A_585 = tpu.vector_load %arg9[%parallel_loop3A_581, %parallel_loop3A_582, %parallel_loop3A_583, %parallel_loop3A_584] {strides = array<i32>} : memref<8x2x8x128xf32, #tpu.memory_space<vmem>>, vector<16xf32>,
        tpu.vector_store %arg9[%parallel_loop3A_581, %parallel_loop3A_582, %parallel_loop3A_583, %parallel_loop3A_584], %parallel_loop3A_498 {strides = array<i32>} : memref<8x2x8x128xf32, #tpu.memory_space<vmem>>, vector<16xf32>,
        %parallel_loop3A_586 = arith.constant 3 : i32
        %parallel_loop3A_587 = arith.constant 3 : i32
        %parallel_loop3A_588 = arith.index_cast %parallel_loop3A_586 : i32 to index
        %parallel_loop3A_589 = arith.index_cast %parallel_loop3A_308 : i32 to index
        %parallel_loop3A_590 = arith.index_cast %parallel_loop3A_587 : i32 to index
        %parallel_loop3A_591 = arith.index_cast %parallel_loop3A_320 : i32 to index
        %parallel_loop3A_592 = tpu.vector_load %arg9[%parallel_loop3A_588, %parallel_loop3A_589, %parallel_loop3A_590, %parallel_loop3A_591] {strides = array<i32>} : memref<8x2x8x128xf32, #tpu.memory_space<vmem>>, vector<16xf32>,
        tpu.vector_store %arg9[%parallel_loop3A_588, %parallel_loop3A_589, %parallel_loop3A_590, %parallel_loop3A_591], %parallel_loop3A_500 {strides = array<i32>} : memref<8x2x8x128xf32, #tpu.memory_space<vmem>>, vector<16xf32>,
        %parallel_loop3A_593 = arith.constant 3 : i32
        %parallel_loop3A_594 = arith.constant 4 : i32
        %parallel_loop3A_595 = arith.index_cast %parallel_loop3A_593 : i32 to index
        %parallel_loop3A_596 = arith.index_cast %parallel_loop3A_308 : i32 to index
        %parallel_loop3A_597 = arith.index_cast %parallel_loop3A_594 : i32 to index
        %parallel_loop3A_598 = arith.index_cast %parallel_loop3A_320 : i32 to index
        %parallel_loop3A_599 = tpu.vector_load %arg9[%parallel_loop3A_595, %parallel_loop3A_596, %parallel_loop3A_597, %parallel_loop3A_598] {strides = array<i32>} : memref<8x2x8x128xf32, #tpu.memory_space<vmem>>, vector<16xf32>,
        tpu.vector_store %arg9[%parallel_loop3A_595, %parallel_loop3A_596, %parallel_loop3A_597, %parallel_loop3A_598], %parallel_loop3A_502 {strides = array<i32>} : memref<8x2x8x128xf32, #tpu.memory_space<vmem>>, vector<16xf32>,
        %parallel_loop3A_600 = arith.constant 3 : i32
        %parallel_loop3A_601 = arith.constant 5 : i32
        %parallel_loop3A_602 = arith.index_cast %parallel_loop3A_600 : i32 to index
        %parallel_loop3A_603 = arith.index_cast %parallel_loop3A_308 : i32 to index
        %parallel_loop3A_604 = arith.index_cast %parallel_loop3A_601 : i32 to index
        %parallel_loop3A_605 = arith.index_cast %parallel_loop3A_320 : i32 to index
        %parallel_loop3A_606 = tpu.vector_load %arg9[%parallel_loop3A_602, %parallel_loop3A_603, %parallel_loop3A_604, %parallel_loop3A_605] {strides = array<i32>} : memref<8x2x8x128xf32, #tpu.memory_space<vmem>>, vector<16xf32>,
        tpu.vector_store %arg9[%parallel_loop3A_602, %parallel_loop3A_603, %parallel_loop3A_604, %parallel_loop3A_605], %parallel_loop3A_504 {strides = array<i32>} : memref<8x2x8x128xf32, #tpu.memory_space<vmem>>, vector<16xf32>,
        %parallel_loop3A_607 = arith.constant 3 : i32
        %parallel_loop3A_608 = arith.constant 6 : i32
        %parallel_loop3A_609 = arith.index_cast %parallel_loop3A_607 : i32 to index
        %parallel_loop3A_610 = arith.index_cast %parallel_loop3A_308 : i32 to index
        %parallel_loop3A_611 = arith.index_cast %parallel_loop3A_608 : i32 to index
        %parallel_loop3A_612 = arith.index_cast %parallel_loop3A_320 : i32 to index
        %parallel_loop3A_613 = tpu.vector_load %arg9[%parallel_loop3A_609, %parallel_loop3A_610, %parallel_loop3A_611, %parallel_loop3A_612] {strides = array<i32>} : memref<8x2x8x128xf32, #tpu.memory_space<vmem>>, vector<16xf32>,
        tpu.vector_store %arg9[%parallel_loop3A_609, %parallel_loop3A_610, %parallel_loop3A_611, %parallel_loop3A_612], %parallel_loop3A_506 {strides = array<i32>} : memref<8x2x8x128xf32, #tpu.memory_space<vmem>>, vector<16xf32>,
        %parallel_loop3A_614 = arith.constant 3 : i32
        %parallel_loop3A_615 = arith.constant 7 : i32
        %parallel_loop3A_616 = arith.index_cast %parallel_loop3A_614 : i32 to index
        %parallel_loop3A_617 = arith.index_cast %parallel_loop3A_308 : i32 to index
        %parallel_loop3A_618 = arith.index_cast %parallel_loop3A_615 : i32 to index
        %parallel_loop3A_619 = arith.index_cast %parallel_loop3A_320 : i32 to index
        %parallel_loop3A_620 = tpu.vector_load %arg9[%parallel_loop3A_616, %parallel_loop3A_617, %parallel_loop3A_618, %parallel_loop3A_619] {strides = array<i32>} : memref<8x2x8x128xf32, #tpu.memory_space<vmem>>, vector<16xf32>,
        tpu.vector_store %arg9[%parallel_loop3A_616, %parallel_loop3A_617, %parallel_loop3A_618, %parallel_loop3A_619], %parallel_loop3A_508 {strides = array<i32>} : memref<8x2x8x128xf32, #tpu.memory_space<vmem>>, vector<16xf32>,
        %parallel_loop3A_621 = arith.constant 32 : i32
        %parallel_loop3A_622 = arith.addi %parallel_loop3A_318, %parallel_loop3A_621 : i32
        %parallel_loop3A_623 = arith.constant 32 : i32
        %parallel_loop3A_624 = arith.addi %parallel_loop3A_318, %parallel_loop3A_623 : i32
        %parallel_loop3A_625 = arith.constant 8 : i32
        %parallel_loop3A_626 = arith.addi %parallel_loop3A_624, %parallel_loop3A_625 : i32
        %parallel_loop3A_627 = tpu.memref_slice %arg8[%parallel_loop3A_622] : memref<16704xf32, #tpu.memory_space<vmem>> -> memref<1024xf32, #tpu.memory_space<vmem>>
        %parallel_loop3A_628 = tpu.vector_load_idx %parallel_loop3A_627[%add3A_8] : memref<1024xf32, #tpu.memory_space<vmem>>[vector<16xi32>], vector<16xf32>,
        %parallel_loop3A_629 = tpu.memref_slice %arg8[%parallel_loop3A_622] : memref<16704xf32, #tpu.memory_space<vmem>> -> memref<1024xf32, #tpu.memory_space<vmem>>
        %parallel_loop3A_630 = tpu.vector_load_idx %parallel_loop3A_629[%add3A_14] : memref<1024xf32, #tpu.memory_space<vmem>>[vector<16xi32>], vector<16xf32>,
        %parallel_loop3A_631 = tpu.memref_slice %arg8[%parallel_loop3A_622] : memref<16704xf32, #tpu.memory_space<vmem>> -> memref<1024xf32, #tpu.memory_space<vmem>>
        %parallel_loop3A_632 = tpu.vector_load_idx %parallel_loop3A_631[%add3A_20] : memref<1024xf32, #tpu.memory_space<vmem>>[vector<16xi32>], vector<16xf32>,
        %parallel_loop3A_633 = tpu.memref_slice %arg8[%parallel_loop3A_622] : memref<16704xf32, #tpu.memory_space<vmem>> -> memref<1024xf32, #tpu.memory_space<vmem>>
        %parallel_loop3A_634 = tpu.vector_load_idx %parallel_loop3A_633[%add3A_26] : memref<1024xf32, #tpu.memory_space<vmem>>[vector<16xi32>], vector<16xf32>,
        %parallel_loop3A_635 = tpu.memref_slice %arg8[%parallel_loop3A_622] : memref<16704xf32, #tpu.memory_space<vmem>> -> memref<1024xf32, #tpu.memory_space<vmem>>
        %parallel_loop3A_636 = tpu.vector_load_idx %parallel_loop3A_635[%add3A_32] : memref<1024xf32, #tpu.memory_space<vmem>>[vector<16xi32>], vector<16xf32>,
        %parallel_loop3A_637 = tpu.memref_slice %arg8[%parallel_loop3A_622] : memref<16704xf32, #tpu.memory_space<vmem>> -> memref<1024xf32, #tpu.memory_space<vmem>>
        %parallel_loop3A_638 = tpu.vector_load_idx %parallel_loop3A_637[%add3A_38] : memref<1024xf32, #tpu.memory_space<vmem>>[vector<16xi32>], vector<16xf32>,
        %parallel_loop3A_639 = tpu.memref_slice %arg8[%parallel_loop3A_622] : memref<16704xf32, #tpu.memory_space<vmem>> -> memref<1024xf32, #tpu.memory_space<vmem>>
        %parallel_loop3A_640 = tpu.vector_load_idx %parallel_loop3A_639[%add3A_44] : memref<1024xf32, #tpu.memory_space<vmem>>[vector<16xi32>], vector<16xf32>,
        %parallel_loop3A_641 = tpu.memref_slice %arg8[%parallel_loop3A_622] : memref<16704xf32, #tpu.memory_space<vmem>> -> memref<1024xf32, #tpu.memory_space<vmem>>
        %parallel_loop3A_642 = tpu.vector_load_idx %parallel_loop3A_641[%add3A_50] : memref<1024xf32, #tpu.memory_space<vmem>>[vector<16xi32>], vector<16xf32>,
        %parallel_loop3A_643 = tpu.memref_slice %arg8[%parallel_loop3A_626] : memref<16704xf32, #tpu.memory_space<vmem>> -> memref<1024xf32, #tpu.memory_space<vmem>>
        %parallel_loop3A_644 = tpu.vector_load_idx %parallel_loop3A_643[%add3A_8] : memref<1024xf32, #tpu.memory_space<vmem>>[vector<16xi32>], vector<16xf32>,
        %parallel_loop3A_645 = tpu.memref_slice %arg8[%parallel_loop3A_626] : memref<16704xf32, #tpu.memory_space<vmem>> -> memref<1024xf32, #tpu.memory_space<vmem>>
        %parallel_loop3A_646 = tpu.vector_load_idx %parallel_loop3A_645[%add3A_14] : memref<1024xf32, #tpu.memory_space<vmem>>[vector<16xi32>], vector<16xf32>,
        %parallel_loop3A_647 = tpu.memref_slice %arg8[%parallel_loop3A_626] : memref<16704xf32, #tpu.memory_space<vmem>> -> memref<1024xf32, #tpu.memory_space<vmem>>
        %parallel_loop3A_648 = tpu.vector_load_idx %parallel_loop3A_647[%add3A_20] : memref<1024xf32, #tpu.memory_space<vmem>>[vector<16xi32>], vector<16xf32>,
        %parallel_loop3A_649 = tpu.memref_slice %arg8[%parallel_loop3A_626] : memref<16704xf32, #tpu.memory_space<vmem>> -> memref<1024xf32, #tpu.memory_space<vmem>>
        %parallel_loop3A_650 = tpu.vector_load_idx %parallel_loop3A_649[%add3A_26] : memref<1024xf32, #tpu.memory_space<vmem>>[vector<16xi32>], vector<16xf32>,
        %parallel_loop3A_651 = tpu.memref_slice %arg8[%parallel_loop3A_626] : memref<16704xf32, #tpu.memory_space<vmem>> -> memref<1024xf32, #tpu.memory_space<vmem>>
        %parallel_loop3A_652 = tpu.vector_load_idx %parallel_loop3A_651[%add3A_32] : memref<1024xf32, #tpu.memory_space<vmem>>[vector<16xi32>], vector<16xf32>,
        %parallel_loop3A_653 = tpu.memref_slice %arg8[%parallel_loop3A_626] : memref<16704xf32, #tpu.memory_space<vmem>> -> memref<1024xf32, #tpu.memory_space<vmem>>
        %parallel_loop3A_654 = tpu.vector_load_idx %parallel_loop3A_653[%add3A_38] : memref<1024xf32, #tpu.memory_space<vmem>>[vector<16xi32>], vector<16xf32>,
        %parallel_loop3A_655 = tpu.memref_slice %arg8[%parallel_loop3A_626] : memref<16704xf32, #tpu.memory_space<vmem>> -> memref<1024xf32, #tpu.memory_space<vmem>>
        %parallel_loop3A_656 = tpu.vector_load_idx %parallel_loop3A_655[%add3A_44] : memref<1024xf32, #tpu.memory_space<vmem>>[vector<16xi32>], vector<16xf32>,
        %parallel_loop3A_657 = tpu.memref_slice %arg8[%parallel_loop3A_626] : memref<16704xf32, #tpu.memory_space<vmem>> -> memref<1024xf32, #tpu.memory_space<vmem>>
        %parallel_loop3A_658 = tpu.vector_load_idx %parallel_loop3A_657[%add3A_50] : memref<1024xf32, #tpu.memory_space<vmem>>[vector<16xi32>], vector<16xf32>,
        %parallel_loop3A_659 = arith.constant 4 : i32
        %parallel_loop3A_660 = arith.constant 0 : i32
        %parallel_loop3A_661 = arith.index_cast %parallel_loop3A_659 : i32 to index
        %parallel_loop3A_662 = arith.index_cast %parallel_loop3A_308 : i32 to index
        %parallel_loop3A_663 = arith.index_cast %parallel_loop3A_660 : i32 to index
        %parallel_loop3A_664 = arith.index_cast %parallel_loop3A_320 : i32 to index
        %parallel_loop3A_665 = tpu.vector_load %arg9[%parallel_loop3A_661, %parallel_loop3A_662, %parallel_loop3A_663, %parallel_loop3A_664] {strides = array<i32>} : memref<8x2x8x128xf32, #tpu.memory_space<vmem>>, vector<16xf32>,
        tpu.vector_store %arg9[%parallel_loop3A_661, %parallel_loop3A_662, %parallel_loop3A_663, %parallel_loop3A_664], %parallel_loop3A_628 {strides = array<i32>} : memref<8x2x8x128xf32, #tpu.memory_space<vmem>>, vector<16xf32>,
        %parallel_loop3A_666 = arith.constant 4 : i32
        %parallel_loop3A_667 = arith.constant 1 : i32
        %parallel_loop3A_668 = arith.index_cast %parallel_loop3A_666 : i32 to index
        %parallel_loop3A_669 = arith.index_cast %parallel_loop3A_308 : i32 to index
        %parallel_loop3A_670 = arith.index_cast %parallel_loop3A_667 : i32 to index
        %parallel_loop3A_671 = arith.index_cast %parallel_loop3A_320 : i32 to index
        %parallel_loop3A_672 = tpu.vector_load %arg9[%parallel_loop3A_668, %parallel_loop3A_669, %parallel_loop3A_670, %parallel_loop3A_671] {strides = array<i32>} : memref<8x2x8x128xf32, #tpu.memory_space<vmem>>, vector<16xf32>,
        tpu.vector_store %arg9[%parallel_loop3A_668, %parallel_loop3A_669, %parallel_loop3A_670, %parallel_loop3A_671], %parallel_loop3A_630 {strides = array<i32>} : memref<8x2x8x128xf32, #tpu.memory_space<vmem>>, vector<16xf32>,
        %parallel_loop3A_673 = arith.constant 4 : i32
        %parallel_loop3A_674 = arith.constant 2 : i32
        %parallel_loop3A_675 = arith.index_cast %parallel_loop3A_673 : i32 to index
        %parallel_loop3A_676 = arith.index_cast %parallel_loop3A_308 : i32 to index
        %parallel_loop3A_677 = arith.index_cast %parallel_loop3A_674 : i32 to index
        %parallel_loop3A_678 = arith.index_cast %parallel_loop3A_320 : i32 to index
        %parallel_loop3A_679 = tpu.vector_load %arg9[%parallel_loop3A_675, %parallel_loop3A_676, %parallel_loop3A_677, %parallel_loop3A_678] {strides = array<i32>} : memref<8x2x8x128xf32, #tpu.memory_space<vmem>>, vector<16xf32>,
        tpu.vector_store %arg9[%parallel_loop3A_675, %parallel_loop3A_676, %parallel_loop3A_677, %parallel_loop3A_678], %parallel_loop3A_632 {strides = array<i32>} : memref<8x2x8x128xf32, #tpu.memory_space<vmem>>, vector<16xf32>,
        %parallel_loop3A_680 = arith.constant 4 : i32
        %parallel_loop3A_681 = arith.constant 3 : i32
        %parallel_loop3A_682 = arith.index_cast %parallel_loop3A_680 : i32 to index
        %parallel_loop3A_683 = arith.index_cast %parallel_loop3A_308 : i32 to index
        %parallel_loop3A_684 = arith.index_cast %parallel_loop3A_681 : i32 to index
        %parallel_loop3A_685 = arith.index_cast %parallel_loop3A_320 : i32 to index
        %parallel_loop3A_686 = tpu.vector_load %arg9[%parallel_loop3A_682, %parallel_loop3A_683, %parallel_loop3A_684, %parallel_loop3A_685] {strides = array<i32>} : memref<8x2x8x128xf32, #tpu.memory_space<vmem>>, vector<16xf32>,
        tpu.vector_store %arg9[%parallel_loop3A_682, %parallel_loop3A_683, %parallel_loop3A_684, %parallel_loop3A_685], %parallel_loop3A_634 {strides = array<i32>} : memref<8x2x8x128xf32, #tpu.memory_space<vmem>>, vector<16xf32>,
        %parallel_loop3A_687 = arith.constant 4 : i32
        %parallel_loop3A_688 = arith.constant 4 : i32
        %parallel_loop3A_689 = arith.index_cast %parallel_loop3A_687 : i32 to index
        %parallel_loop3A_690 = arith.index_cast %parallel_loop3A_308 : i32 to index
        %parallel_loop3A_691 = arith.index_cast %parallel_loop3A_688 : i32 to index
        %parallel_loop3A_692 = arith.index_cast %parallel_loop3A_320 : i32 to index
        %parallel_loop3A_693 = tpu.vector_load %arg9[%parallel_loop3A_689, %parallel_loop3A_690, %parallel_loop3A_691, %parallel_loop3A_692] {strides = array<i32>} : memref<8x2x8x128xf32, #tpu.memory_space<vmem>>, vector<16xf32>,
        tpu.vector_store %arg9[%parallel_loop3A_689, %parallel_loop3A_690, %parallel_loop3A_691, %parallel_loop3A_692], %parallel_loop3A_636 {strides = array<i32>} : memref<8x2x8x128xf32, #tpu.memory_space<vmem>>, vector<16xf32>,
        %parallel_loop3A_694 = arith.constant 4 : i32
        %parallel_loop3A_695 = arith.constant 5 : i32
        %parallel_loop3A_696 = arith.index_cast %parallel_loop3A_694 : i32 to index
        %parallel_loop3A_697 = arith.index_cast %parallel_loop3A_308 : i32 to index
        %parallel_loop3A_698 = arith.index_cast %parallel_loop3A_695 : i32 to index
        %parallel_loop3A_699 = arith.index_cast %parallel_loop3A_320 : i32 to index
        %parallel_loop3A_700 = tpu.vector_load %arg9[%parallel_loop3A_696, %parallel_loop3A_697, %parallel_loop3A_698, %parallel_loop3A_699] {strides = array<i32>} : memref<8x2x8x128xf32, #tpu.memory_space<vmem>>, vector<16xf32>,
        tpu.vector_store %arg9[%parallel_loop3A_696, %parallel_loop3A_697, %parallel_loop3A_698, %parallel_loop3A_699], %parallel_loop3A_638 {strides = array<i32>} : memref<8x2x8x128xf32, #tpu.memory_space<vmem>>, vector<16xf32>,
        %parallel_loop3A_701 = arith.constant 4 : i32
        %parallel_loop3A_702 = arith.constant 6 : i32
        %parallel_loop3A_703 = arith.index_cast %parallel_loop3A_701 : i32 to index
        %parallel_loop3A_704 = arith.index_cast %parallel_loop3A_308 : i32 to index
        %parallel_loop3A_705 = arith.index_cast %parallel_loop3A_702 : i32 to index
        %parallel_loop3A_706 = arith.index_cast %parallel_loop3A_320 : i32 to index
        %parallel_loop3A_707 = tpu.vector_load %arg9[%parallel_loop3A_703, %parallel_loop3A_704, %parallel_loop3A_705, %parallel_loop3A_706] {strides = array<i32>} : memref<8x2x8x128xf32, #tpu.memory_space<vmem>>, vector<16xf32>,
        tpu.vector_store %arg9[%parallel_loop3A_703, %parallel_loop3A_704, %parallel_loop3A_705, %parallel_loop3A_706], %parallel_loop3A_640 {strides = array<i32>} : memref<8x2x8x128xf32, #tpu.memory_space<vmem>>, vector<16xf32>,
        %parallel_loop3A_708 = arith.constant 4 : i32
        %parallel_loop3A_709 = arith.constant 7 : i32
        %parallel_loop3A_710 = arith.index_cast %parallel_loop3A_708 : i32 to index
        %parallel_loop3A_711 = arith.index_cast %parallel_loop3A_308 : i32 to index
        %parallel_loop3A_712 = arith.index_cast %parallel_loop3A_709 : i32 to index
        %parallel_loop3A_713 = arith.index_cast %parallel_loop3A_320 : i32 to index
        %parallel_loop3A_714 = tpu.vector_load %arg9[%parallel_loop3A_710, %parallel_loop3A_711, %parallel_loop3A_712, %parallel_loop3A_713] {strides = array<i32>} : memref<8x2x8x128xf32, #tpu.memory_space<vmem>>, vector<16xf32>,
        tpu.vector_store %arg9[%parallel_loop3A_710, %parallel_loop3A_711, %parallel_loop3A_712, %parallel_loop3A_713], %parallel_loop3A_642 {strides = array<i32>} : memref<8x2x8x128xf32, #tpu.memory_space<vmem>>, vector<16xf32>,
        %parallel_loop3A_715 = arith.constant 5 : i32
        %parallel_loop3A_716 = arith.constant 0 : i32
        %parallel_loop3A_717 = arith.index_cast %parallel_loop3A_715 : i32 to index
        %parallel_loop3A_718 = arith.index_cast %parallel_loop3A_308 : i32 to index
        %parallel_loop3A_719 = arith.index_cast %parallel_loop3A_716 : i32 to index
        %parallel_loop3A_720 = arith.index_cast %parallel_loop3A_320 : i32 to index
        %parallel_loop3A_721 = tpu.vector_load %arg9[%parallel_loop3A_717, %parallel_loop3A_718, %parallel_loop3A_719, %parallel_loop3A_720] {strides = array<i32>} : memref<8x2x8x128xf32, #tpu.memory_space<vmem>>, vector<16xf32>,
        tpu.vector_store %arg9[%parallel_loop3A_717, %parallel_loop3A_718, %parallel_loop3A_719, %parallel_loop3A_720], %parallel_loop3A_644 {strides = array<i32>} : memref<8x2x8x128xf32, #tpu.memory_space<vmem>>, vector<16xf32>,
        %parallel_loop3A_722 = arith.constant 5 : i32
        %parallel_loop3A_723 = arith.constant 1 : i32
        %parallel_loop3A_724 = arith.index_cast %parallel_loop3A_722 : i32 to index
        %parallel_loop3A_725 = arith.index_cast %parallel_loop3A_308 : i32 to index
        %parallel_loop3A_726 = arith.index_cast %parallel_loop3A_723 : i32 to index
        %parallel_loop3A_727 = arith.index_cast %parallel_loop3A_320 : i32 to index
        %parallel_loop3A_728 = tpu.vector_load %arg9[%parallel_loop3A_724, %parallel_loop3A_725, %parallel_loop3A_726, %parallel_loop3A_727] {strides = array<i32>} : memref<8x2x8x128xf32, #tpu.memory_space<vmem>>, vector<16xf32>,
        tpu.vector_store %arg9[%parallel_loop3A_724, %parallel_loop3A_725, %parallel_loop3A_726, %parallel_loop3A_727], %parallel_loop3A_646 {strides = array<i32>} : memref<8x2x8x128xf32, #tpu.memory_space<vmem>>, vector<16xf32>,
        %parallel_loop3A_729 = arith.constant 5 : i32
        %parallel_loop3A_730 = arith.constant 2 : i32
        %parallel_loop3A_731 = arith.index_cast %parallel_loop3A_729 : i32 to index
        %parallel_loop3A_732 = arith.index_cast %parallel_loop3A_308 : i32 to index
        %parallel_loop3A_733 = arith.index_cast %parallel_loop3A_730 : i32 to index
        %parallel_loop3A_734 = arith.index_cast %parallel_loop3A_320 : i32 to index
        %parallel_loop3A_735 = tpu.vector_load %arg9[%parallel_loop3A_731, %parallel_loop3A_732, %parallel_loop3A_733, %parallel_loop3A_734] {strides = array<i32>} : memref<8x2x8x128xf32, #tpu.memory_space<vmem>>, vector<16xf32>,
        tpu.vector_store %arg9[%parallel_loop3A_731, %parallel_loop3A_732, %parallel_loop3A_733, %parallel_loop3A_734], %parallel_loop3A_648 {strides = array<i32>} : memref<8x2x8x128xf32, #tpu.memory_space<vmem>>, vector<16xf32>,
        %parallel_loop3A_736 = arith.constant 5 : i32
        %parallel_loop3A_737 = arith.constant 3 : i32
        %parallel_loop3A_738 = arith.index_cast %parallel_loop3A_736 : i32 to index
        %parallel_loop3A_739 = arith.index_cast %parallel_loop3A_308 : i32 to index
        %parallel_loop3A_740 = arith.index_cast %parallel_loop3A_737 : i32 to index
        %parallel_loop3A_741 = arith.index_cast %parallel_loop3A_320 : i32 to index
        %parallel_loop3A_742 = tpu.vector_load %arg9[%parallel_loop3A_738, %parallel_loop3A_739, %parallel_loop3A_740, %parallel_loop3A_741] {strides = array<i32>} : memref<8x2x8x128xf32, #tpu.memory_space<vmem>>, vector<16xf32>,
        tpu.vector_store %arg9[%parallel_loop3A_738, %parallel_loop3A_739, %parallel_loop3A_740, %parallel_loop3A_741], %parallel_loop3A_650 {strides = array<i32>} : memref<8x2x8x128xf32, #tpu.memory_space<vmem>>, vector<16xf32>,
        %parallel_loop3A_743 = arith.constant 5 : i32
        %parallel_loop3A_744 = arith.constant 4 : i32
        %parallel_loop3A_745 = arith.index_cast %parallel_loop3A_743 : i32 to index
        %parallel_loop3A_746 = arith.index_cast %parallel_loop3A_308 : i32 to index
        %parallel_loop3A_747 = arith.index_cast %parallel_loop3A_744 : i32 to index
        %parallel_loop3A_748 = arith.index_cast %parallel_loop3A_320 : i32 to index
        %parallel_loop3A_749 = tpu.vector_load %arg9[%parallel_loop3A_745, %parallel_loop3A_746, %parallel_loop3A_747, %parallel_loop3A_748] {strides = array<i32>} : memref<8x2x8x128xf32, #tpu.memory_space<vmem>>, vector<16xf32>,
        tpu.vector_store %arg9[%parallel_loop3A_745, %parallel_loop3A_746, %parallel_loop3A_747, %parallel_loop3A_748], %parallel_loop3A_652 {strides = array<i32>} : memref<8x2x8x128xf32, #tpu.memory_space<vmem>>, vector<16xf32>,
        %parallel_loop3A_750 = arith.constant 5 : i32
        %parallel_loop3A_751 = arith.constant 5 : i32
        %parallel_loop3A_752 = arith.index_cast %parallel_loop3A_750 : i32 to index
        %parallel_loop3A_753 = arith.index_cast %parallel_loop3A_308 : i32 to index
        %parallel_loop3A_754 = arith.index_cast %parallel_loop3A_751 : i32 to index
        %parallel_loop3A_755 = arith.index_cast %parallel_loop3A_320 : i32 to index
        %parallel_loop3A_756 = tpu.vector_load %arg9[%parallel_loop3A_752, %parallel_loop3A_753, %parallel_loop3A_754, %parallel_loop3A_755] {strides = array<i32>} : memref<8x2x8x128xf32, #tpu.memory_space<vmem>>, vector<16xf32>,
        tpu.vector_store %arg9[%parallel_loop3A_752, %parallel_loop3A_753, %parallel_loop3A_754, %parallel_loop3A_755], %parallel_loop3A_654 {strides = array<i32>} : memref<8x2x8x128xf32, #tpu.memory_space<vmem>>, vector<16xf32>,
        %parallel_loop3A_757 = arith.constant 5 : i32
        %parallel_loop3A_758 = arith.constant 6 : i32
        %parallel_loop3A_759 = arith.index_cast %parallel_loop3A_757 : i32 to index
        %parallel_loop3A_760 = arith.index_cast %parallel_loop3A_308 : i32 to index
        %parallel_loop3A_761 = arith.index_cast %parallel_loop3A_758 : i32 to index
        %parallel_loop3A_762 = arith.index_cast %parallel_loop3A_320 : i32 to index
        %parallel_loop3A_763 = tpu.vector_load %arg9[%parallel_loop3A_759, %parallel_loop3A_760, %parallel_loop3A_761, %parallel_loop3A_762] {strides = array<i32>} : memref<8x2x8x128xf32, #tpu.memory_space<vmem>>, vector<16xf32>,
        tpu.vector_store %arg9[%parallel_loop3A_759, %parallel_loop3A_760, %parallel_loop3A_761, %parallel_loop3A_762], %parallel_loop3A_656 {strides = array<i32>} : memref<8x2x8x128xf32, #tpu.memory_space<vmem>>, vector<16xf32>,
        %parallel_loop3A_764 = arith.constant 5 : i32
        %parallel_loop3A_765 = arith.constant 7 : i32
        %parallel_loop3A_766 = arith.index_cast %parallel_loop3A_764 : i32 to index
        %parallel_loop3A_767 = arith.index_cast %parallel_loop3A_308 : i32 to index
        %parallel_loop3A_768 = arith.index_cast %parallel_loop3A_765 : i32 to index
        %parallel_loop3A_769 = arith.index_cast %parallel_loop3A_320 : i32 to index
        %parallel_loop3A_770 = tpu.vector_load %arg9[%parallel_loop3A_766, %parallel_loop3A_767, %parallel_loop3A_768, %parallel_loop3A_769] {strides = array<i32>} : memref<8x2x8x128xf32, #tpu.memory_space<vmem>>, vector<16xf32>,
        tpu.vector_store %arg9[%parallel_loop3A_766, %parallel_loop3A_767, %parallel_loop3A_768, %parallel_loop3A_769], %parallel_loop3A_658 {strides = array<i32>} : memref<8x2x8x128xf32, #tpu.memory_space<vmem>>, vector<16xf32>,
        %parallel_loop3A_771 = arith.constant 48 : i32
        %parallel_loop3A_772 = arith.addi %parallel_loop3A_318, %parallel_loop3A_771 : i32
        %parallel_loop3A_773 = arith.constant 48 : i32
        %parallel_loop3A_774 = arith.addi %parallel_loop3A_318, %parallel_loop3A_773 : i32
        %parallel_loop3A_775 = arith.constant 8 : i32
        %parallel_loop3A_776 = arith.addi %parallel_loop3A_774, %parallel_loop3A_775 : i32
        %parallel_loop3A_777 = tpu.memref_slice %arg8[%parallel_loop3A_772] : memref<16704xf32, #tpu.memory_space<vmem>> -> memref<1024xf32, #tpu.memory_space<vmem>>
        %parallel_loop3A_778 = tpu.vector_load_idx %parallel_loop3A_777[%add3A_8] : memref<1024xf32, #tpu.memory_space<vmem>>[vector<16xi32>], vector<16xf32>,
        %parallel_loop3A_779 = tpu.memref_slice %arg8[%parallel_loop3A_772] : memref<16704xf32, #tpu.memory_space<vmem>> -> memref<1024xf32, #tpu.memory_space<vmem>>
        %parallel_loop3A_780 = tpu.vector_load_idx %parallel_loop3A_779[%add3A_14] : memref<1024xf32, #tpu.memory_space<vmem>>[vector<16xi32>], vector<16xf32>,
        %parallel_loop3A_781 = tpu.memref_slice %arg8[%parallel_loop3A_772] : memref<16704xf32, #tpu.memory_space<vmem>> -> memref<1024xf32, #tpu.memory_space<vmem>>
        %parallel_loop3A_782 = tpu.vector_load_idx %parallel_loop3A_781[%add3A_20] : memref<1024xf32, #tpu.memory_space<vmem>>[vector<16xi32>], vector<16xf32>,
        %parallel_loop3A_783 = tpu.memref_slice %arg8[%parallel_loop3A_772] : memref<16704xf32, #tpu.memory_space<vmem>> -> memref<1024xf32, #tpu.memory_space<vmem>>
        %parallel_loop3A_784 = tpu.vector_load_idx %parallel_loop3A_783[%add3A_26] : memref<1024xf32, #tpu.memory_space<vmem>>[vector<16xi32>], vector<16xf32>,
        %parallel_loop3A_785 = tpu.memref_slice %arg8[%parallel_loop3A_772] : memref<16704xf32, #tpu.memory_space<vmem>> -> memref<1024xf32, #tpu.memory_space<vmem>>
        %parallel_loop3A_786 = tpu.vector_load_idx %parallel_loop3A_785[%add3A_32] : memref<1024xf32, #tpu.memory_space<vmem>>[vector<16xi32>], vector<16xf32>,
        %parallel_loop3A_787 = tpu.memref_slice %arg8[%parallel_loop3A_772] : memref<16704xf32, #tpu.memory_space<vmem>> -> memref<1024xf32, #tpu.memory_space<vmem>>
        %parallel_loop3A_788 = tpu.vector_load_idx %parallel_loop3A_787[%add3A_38] : memref<1024xf32, #tpu.memory_space<vmem>>[vector<16xi32>], vector<16xf32>,
        %parallel_loop3A_789 = tpu.memref_slice %arg8[%parallel_loop3A_772] : memref<16704xf32, #tpu.memory_space<vmem>> -> memref<1024xf32, #tpu.memory_space<vmem>>
        %parallel_loop3A_790 = tpu.vector_load_idx %parallel_loop3A_789[%add3A_44] : memref<1024xf32, #tpu.memory_space<vmem>>[vector<16xi32>], vector<16xf32>,
        %parallel_loop3A_791 = tpu.memref_slice %arg8[%parallel_loop3A_772] : memref<16704xf32, #tpu.memory_space<vmem>> -> memref<1024xf32, #tpu.memory_space<vmem>>
        %parallel_loop3A_792 = tpu.vector_load_idx %parallel_loop3A_791[%add3A_50] : memref<1024xf32, #tpu.memory_space<vmem>>[vector<16xi32>], vector<16xf32>,
        %parallel_loop3A_793 = tpu.memref_slice %arg8[%parallel_loop3A_776] : memref<16704xf32, #tpu.memory_space<vmem>> -> memref<1024xf32, #tpu.memory_space<vmem>>
        %parallel_loop3A_794 = tpu.vector_load_idx %parallel_loop3A_793[%add3A_8] : memref<1024xf32, #tpu.memory_space<vmem>>[vector<16xi32>], vector<16xf32>,
        %parallel_loop3A_795 = tpu.memref_slice %arg8[%parallel_loop3A_776] : memref<16704xf32, #tpu.memory_space<vmem>> -> memref<1024xf32, #tpu.memory_space<vmem>>
        %parallel_loop3A_796 = tpu.vector_load_idx %parallel_loop3A_795[%add3A_14] : memref<1024xf32, #tpu.memory_space<vmem>>[vector<16xi32>], vector<16xf32>,
        %parallel_loop3A_797 = tpu.memref_slice %arg8[%parallel_loop3A_776] : memref<16704xf32, #tpu.memory_space<vmem>> -> memref<1024xf32, #tpu.memory_space<vmem>>
        %parallel_loop3A_798 = tpu.vector_load_idx %parallel_loop3A_797[%add3A_20] : memref<1024xf32, #tpu.memory_space<vmem>>[vector<16xi32>], vector<16xf32>,
        %parallel_loop3A_799 = tpu.memref_slice %arg8[%parallel_loop3A_776] : memref<16704xf32, #tpu.memory_space<vmem>> -> memref<1024xf32, #tpu.memory_space<vmem>>
        %parallel_loop3A_800 = tpu.vector_load_idx %parallel_loop3A_799[%add3A_26] : memref<1024xf32, #tpu.memory_space<vmem>>[vector<16xi32>], vector<16xf32>,
        %parallel_loop3A_801 = tpu.memref_slice %arg8[%parallel_loop3A_776] : memref<16704xf32, #tpu.memory_space<vmem>> -> memref<1024xf32, #tpu.memory_space<vmem>>
        %parallel_loop3A_802 = tpu.vector_load_idx %parallel_loop3A_801[%add3A_32] : memref<1024xf32, #tpu.memory_space<vmem>>[vector<16xi32>], vector<16xf32>,
        %parallel_loop3A_803 = tpu.memref_slice %arg8[%parallel_loop3A_776] : memref<16704xf32, #tpu.memory_space<vmem>> -> memref<1024xf32, #tpu.memory_space<vmem>>
        %parallel_loop3A_804 = tpu.vector_load_idx %parallel_loop3A_803[%add3A_38] : memref<1024xf32, #tpu.memory_space<vmem>>[vector<16xi32>], vector<16xf32>,
        %parallel_loop3A_805 = tpu.memref_slice %arg8[%parallel_loop3A_776] : memref<16704xf32, #tpu.memory_space<vmem>> -> memref<1024xf32, #tpu.memory_space<vmem>>
        %parallel_loop3A_806 = tpu.vector_load_idx %parallel_loop3A_805[%add3A_44] : memref<1024xf32, #tpu.memory_space<vmem>>[vector<16xi32>], vector<16xf32>,
        %parallel_loop3A_807 = tpu.memref_slice %arg8[%parallel_loop3A_776] : memref<16704xf32, #tpu.memory_space<vmem>> -> memref<1024xf32, #tpu.memory_space<vmem>>
        %parallel_loop3A_808 = tpu.vector_load_idx %parallel_loop3A_807[%add3A_50] : memref<1024xf32, #tpu.memory_space<vmem>>[vector<16xi32>], vector<16xf32>,
        %parallel_loop3A_809 = arith.constant 6 : i32
        %parallel_loop3A_810 = arith.constant 0 : i32
        %parallel_loop3A_811 = arith.index_cast %parallel_loop3A_809 : i32 to index
        %parallel_loop3A_812 = arith.index_cast %parallel_loop3A_308 : i32 to index
        %parallel_loop3A_813 = arith.index_cast %parallel_loop3A_810 : i32 to index
        %parallel_loop3A_814 = arith.index_cast %parallel_loop3A_320 : i32 to index
        %parallel_loop3A_815 = tpu.vector_load %arg9[%parallel_loop3A_811, %parallel_loop3A_812, %parallel_loop3A_813, %parallel_loop3A_814] {strides = array<i32>} : memref<8x2x8x128xf32, #tpu.memory_space<vmem>>, vector<16xf32>,
        tpu.vector_store %arg9[%parallel_loop3A_811, %parallel_loop3A_812, %parallel_loop3A_813, %parallel_loop3A_814], %parallel_loop3A_778 {strides = array<i32>} : memref<8x2x8x128xf32, #tpu.memory_space<vmem>>, vector<16xf32>,
        %parallel_loop3A_816 = arith.constant 6 : i32
        %parallel_loop3A_817 = arith.constant 1 : i32
        %parallel_loop3A_818 = arith.index_cast %parallel_loop3A_816 : i32 to index
        %parallel_loop3A_819 = arith.index_cast %parallel_loop3A_308 : i32 to index
        %parallel_loop3A_820 = arith.index_cast %parallel_loop3A_817 : i32 to index
        %parallel_loop3A_821 = arith.index_cast %parallel_loop3A_320 : i32 to index
        %parallel_loop3A_822 = tpu.vector_load %arg9[%parallel_loop3A_818, %parallel_loop3A_819, %parallel_loop3A_820, %parallel_loop3A_821] {strides = array<i32>} : memref<8x2x8x128xf32, #tpu.memory_space<vmem>>, vector<16xf32>,
        tpu.vector_store %arg9[%parallel_loop3A_818, %parallel_loop3A_819, %parallel_loop3A_820, %parallel_loop3A_821], %parallel_loop3A_780 {strides = array<i32>} : memref<8x2x8x128xf32, #tpu.memory_space<vmem>>, vector<16xf32>,
        %parallel_loop3A_823 = arith.constant 6 : i32
        %parallel_loop3A_824 = arith.constant 2 : i32
        %parallel_loop3A_825 = arith.index_cast %parallel_loop3A_823 : i32 to index
        %parallel_loop3A_826 = arith.index_cast %parallel_loop3A_308 : i32 to index
        %parallel_loop3A_827 = arith.index_cast %parallel_loop3A_824 : i32 to index
        %parallel_loop3A_828 = arith.index_cast %parallel_loop3A_320 : i32 to index
        %parallel_loop3A_829 = tpu.vector_load %arg9[%parallel_loop3A_825, %parallel_loop3A_826, %parallel_loop3A_827, %parallel_loop3A_828] {strides = array<i32>} : memref<8x2x8x128xf32, #tpu.memory_space<vmem>>, vector<16xf32>,
        tpu.vector_store %arg9[%parallel_loop3A_825, %parallel_loop3A_826, %parallel_loop3A_827, %parallel_loop3A_828], %parallel_loop3A_782 {strides = array<i32>} : memref<8x2x8x128xf32, #tpu.memory_space<vmem>>, vector<16xf32>,
        %parallel_loop3A_830 = arith.constant 6 : i32
        %parallel_loop3A_831 = arith.constant 3 : i32
        %parallel_loop3A_832 = arith.index_cast %parallel_loop3A_830 : i32 to index
        %parallel_loop3A_833 = arith.index_cast %parallel_loop3A_308 : i32 to index
        %parallel_loop3A_834 = arith.index_cast %parallel_loop3A_831 : i32 to index
        %parallel_loop3A_835 = arith.index_cast %parallel_loop3A_320 : i32 to index
        %parallel_loop3A_836 = tpu.vector_load %arg9[%parallel_loop3A_832, %parallel_loop3A_833, %parallel_loop3A_834, %parallel_loop3A_835] {strides = array<i32>} : memref<8x2x8x128xf32, #tpu.memory_space<vmem>>, vector<16xf32>,
        tpu.vector_store %arg9[%parallel_loop3A_832, %parallel_loop3A_833, %parallel_loop3A_834, %parallel_loop3A_835], %parallel_loop3A_784 {strides = array<i32>} : memref<8x2x8x128xf32, #tpu.memory_space<vmem>>, vector<16xf32>,
        %parallel_loop3A_837 = arith.constant 6 : i32
        %parallel_loop3A_838 = arith.constant 4 : i32
        %parallel_loop3A_839 = arith.index_cast %parallel_loop3A_837 : i32 to index
        %parallel_loop3A_840 = arith.index_cast %parallel_loop3A_308 : i32 to index
        %parallel_loop3A_841 = arith.index_cast %parallel_loop3A_838 : i32 to index
        %parallel_loop3A_842 = arith.index_cast %parallel_loop3A_320 : i32 to index
        %parallel_loop3A_843 = tpu.vector_load %arg9[%parallel_loop3A_839, %parallel_loop3A_840, %parallel_loop3A_841, %parallel_loop3A_842] {strides = array<i32>} : memref<8x2x8x128xf32, #tpu.memory_space<vmem>>, vector<16xf32>,
        tpu.vector_store %arg9[%parallel_loop3A_839, %parallel_loop3A_840, %parallel_loop3A_841, %parallel_loop3A_842], %parallel_loop3A_786 {strides = array<i32>} : memref<8x2x8x128xf32, #tpu.memory_space<vmem>>, vector<16xf32>,
        %parallel_loop3A_844 = arith.constant 6 : i32
        %parallel_loop3A_845 = arith.constant 5 : i32
        %parallel_loop3A_846 = arith.index_cast %parallel_loop3A_844 : i32 to index
        %parallel_loop3A_847 = arith.index_cast %parallel_loop3A_308 : i32 to index
        %parallel_loop3A_848 = arith.index_cast %parallel_loop3A_845 : i32 to index
        %parallel_loop3A_849 = arith.index_cast %parallel_loop3A_320 : i32 to index
        %parallel_loop3A_850 = tpu.vector_load %arg9[%parallel_loop3A_846, %parallel_loop3A_847, %parallel_loop3A_848, %parallel_loop3A_849] {strides = array<i32>} : memref<8x2x8x128xf32, #tpu.memory_space<vmem>>, vector<16xf32>,
        tpu.vector_store %arg9[%parallel_loop3A_846, %parallel_loop3A_847, %parallel_loop3A_848, %parallel_loop3A_849], %parallel_loop3A_788 {strides = array<i32>} : memref<8x2x8x128xf32, #tpu.memory_space<vmem>>, vector<16xf32>,
        %parallel_loop3A_851 = arith.constant 6 : i32
        %parallel_loop3A_852 = arith.constant 6 : i32
        %parallel_loop3A_853 = arith.index_cast %parallel_loop3A_851 : i32 to index
        %parallel_loop3A_854 = arith.index_cast %parallel_loop3A_308 : i32 to index
        %parallel_loop3A_855 = arith.index_cast %parallel_loop3A_852 : i32 to index
        %parallel_loop3A_856 = arith.index_cast %parallel_loop3A_320 : i32 to index
        %parallel_loop3A_857 = tpu.vector_load %arg9[%parallel_loop3A_853, %parallel_loop3A_854, %parallel_loop3A_855, %parallel_loop3A_856] {strides = array<i32>} : memref<8x2x8x128xf32, #tpu.memory_space<vmem>>, vector<16xf32>,
        tpu.vector_store %arg9[%parallel_loop3A_853, %parallel_loop3A_854, %parallel_loop3A_855, %parallel_loop3A_856], %parallel_loop3A_790 {strides = array<i32>} : memref<8x2x8x128xf32, #tpu.memory_space<vmem>>, vector<16xf32>,
        %parallel_loop3A_858 = arith.constant 6 : i32
        %parallel_loop3A_859 = arith.constant 7 : i32
        %parallel_loop3A_860 = arith.index_cast %parallel_loop3A_858 : i32 to index
        %parallel_loop3A_861 = arith.index_cast %parallel_loop3A_308 : i32 to index
        %parallel_loop3A_862 = arith.index_cast %parallel_loop3A_859 : i32 to index
        %parallel_loop3A_863 = arith.index_cast %parallel_loop3A_320 : i32 to index
        %parallel_loop3A_864 = tpu.vector_load %arg9[%parallel_loop3A_860, %parallel_loop3A_861, %parallel_loop3A_862, %parallel_loop3A_863] {strides = array<i32>} : memref<8x2x8x128xf32, #tpu.memory_space<vmem>>, vector<16xf32>,
        tpu.vector_store %arg9[%parallel_loop3A_860, %parallel_loop3A_861, %parallel_loop3A_862, %parallel_loop3A_863], %parallel_loop3A_792 {strides = array<i32>} : memref<8x2x8x128xf32, #tpu.memory_space<vmem>>, vector<16xf32>,
        %parallel_loop3A_865 = arith.constant 7 : i32
        %parallel_loop3A_866 = arith.constant 0 : i32
        %parallel_loop3A_867 = arith.index_cast %parallel_loop3A_865 : i32 to index
        %parallel_loop3A_868 = arith.index_cast %parallel_loop3A_308 : i32 to index
        %parallel_loop3A_869 = arith.index_cast %parallel_loop3A_866 : i32 to index
        %parallel_loop3A_870 = arith.index_cast %parallel_loop3A_320 : i32 to index
        %parallel_loop3A_871 = tpu.vector_load %arg9[%parallel_loop3A_867, %parallel_loop3A_868, %parallel_loop3A_869, %parallel_loop3A_870] {strides = array<i32>} : memref<8x2x8x128xf32, #tpu.memory_space<vmem>>, vector<16xf32>,
        tpu.vector_store %arg9[%parallel_loop3A_867, %parallel_loop3A_868, %parallel_loop3A_869, %parallel_loop3A_870], %parallel_loop3A_794 {strides = array<i32>} : memref<8x2x8x128xf32, #tpu.memory_space<vmem>>, vector<16xf32>,
        %parallel_loop3A_872 = arith.constant 7 : i32
        %parallel_loop3A_873 = arith.constant 1 : i32
        %parallel_loop3A_874 = arith.index_cast %parallel_loop3A_872 : i32 to index
        %parallel_loop3A_875 = arith.index_cast %parallel_loop3A_308 : i32 to index
        %parallel_loop3A_876 = arith.index_cast %parallel_loop3A_873 : i32 to index
        %parallel_loop3A_877 = arith.index_cast %parallel_loop3A_320 : i32 to index
        %parallel_loop3A_878 = tpu.vector_load %arg9[%parallel_loop3A_874, %parallel_loop3A_875, %parallel_loop3A_876, %parallel_loop3A_877] {strides = array<i32>} : memref<8x2x8x128xf32, #tpu.memory_space<vmem>>, vector<16xf32>,
        tpu.vector_store %arg9[%parallel_loop3A_874, %parallel_loop3A_875, %parallel_loop3A_876, %parallel_loop3A_877], %parallel_loop3A_796 {strides = array<i32>} : memref<8x2x8x128xf32, #tpu.memory_space<vmem>>, vector<16xf32>,
        %parallel_loop3A_879 = arith.constant 7 : i32
        %parallel_loop3A_880 = arith.constant 2 : i32
        %parallel_loop3A_881 = arith.index_cast %parallel_loop3A_879 : i32 to index
        %parallel_loop3A_882 = arith.index_cast %parallel_loop3A_308 : i32 to index
        %parallel_loop3A_883 = arith.index_cast %parallel_loop3A_880 : i32 to index
        %parallel_loop3A_884 = arith.index_cast %parallel_loop3A_320 : i32 to index
        %parallel_loop3A_885 = tpu.vector_load %arg9[%parallel_loop3A_881, %parallel_loop3A_882, %parallel_loop3A_883, %parallel_loop3A_884] {strides = array<i32>} : memref<8x2x8x128xf32, #tpu.memory_space<vmem>>, vector<16xf32>,
        tpu.vector_store %arg9[%parallel_loop3A_881, %parallel_loop3A_882, %parallel_loop3A_883, %parallel_loop3A_884], %parallel_loop3A_798 {strides = array<i32>} : memref<8x2x8x128xf32, #tpu.memory_space<vmem>>, vector<16xf32>,
        %parallel_loop3A_886 = arith.constant 7 : i32
        %parallel_loop3A_887 = arith.constant 3 : i32
        %parallel_loop3A_888 = arith.index_cast %parallel_loop3A_886 : i32 to index
        %parallel_loop3A_889 = arith.index_cast %parallel_loop3A_308 : i32 to index
        %parallel_loop3A_890 = arith.index_cast %parallel_loop3A_887 : i32 to index
        %parallel_loop3A_891 = arith.index_cast %parallel_loop3A_320 : i32 to index
        %parallel_loop3A_892 = tpu.vector_load %arg9[%parallel_loop3A_888, %parallel_loop3A_889, %parallel_loop3A_890, %parallel_loop3A_891] {strides = array<i32>} : memref<8x2x8x128xf32, #tpu.memory_space<vmem>>, vector<16xf32>,
        tpu.vector_store %arg9[%parallel_loop3A_888, %parallel_loop3A_889, %parallel_loop3A_890, %parallel_loop3A_891], %parallel_loop3A_800 {strides = array<i32>} : memref<8x2x8x128xf32, #tpu.memory_space<vmem>>, vector<16xf32>,
        %parallel_loop3A_893 = arith.constant 7 : i32
        %parallel_loop3A_894 = arith.constant 4 : i32
        %parallel_loop3A_895 = arith.index_cast %parallel_loop3A_893 : i32 to index
        %parallel_loop3A_896 = arith.index_cast %parallel_loop3A_308 : i32 to index
        %parallel_loop3A_897 = arith.index_cast %parallel_loop3A_894 : i32 to index
        %parallel_loop3A_898 = arith.index_cast %parallel_loop3A_320 : i32 to index
        %parallel_loop3A_899 = tpu.vector_load %arg9[%parallel_loop3A_895, %parallel_loop3A_896, %parallel_loop3A_897, %parallel_loop3A_898] {strides = array<i32>} : memref<8x2x8x128xf32, #tpu.memory_space<vmem>>, vector<16xf32>,
        tpu.vector_store %arg9[%parallel_loop3A_895, %parallel_loop3A_896, %parallel_loop3A_897, %parallel_loop3A_898], %parallel_loop3A_802 {strides = array<i32>} : memref<8x2x8x128xf32, #tpu.memory_space<vmem>>, vector<16xf32>,
        %parallel_loop3A_900 = arith.constant 7 : i32
        %parallel_loop3A_901 = arith.constant 5 : i32
        %parallel_loop3A_902 = arith.index_cast %parallel_loop3A_900 : i32 to index
        %parallel_loop3A_903 = arith.index_cast %parallel_loop3A_308 : i32 to index
        %parallel_loop3A_904 = arith.index_cast %parallel_loop3A_901 : i32 to index
        %parallel_loop3A_905 = arith.index_cast %parallel_loop3A_320 : i32 to index
        %parallel_loop3A_906 = tpu.vector_load %arg9[%parallel_loop3A_902, %parallel_loop3A_903, %parallel_loop3A_904, %parallel_loop3A_905] {strides = array<i32>} : memref<8x2x8x128xf32, #tpu.memory_space<vmem>>, vector<16xf32>,
        tpu.vector_store %arg9[%parallel_loop3A_902, %parallel_loop3A_903, %parallel_loop3A_904, %parallel_loop3A_905], %parallel_loop3A_804 {strides = array<i32>} : memref<8x2x8x128xf32, #tpu.memory_space<vmem>>, vector<16xf32>,
        %parallel_loop3A_907 = arith.constant 7 : i32
        %parallel_loop3A_908 = arith.constant 6 : i32
        %parallel_loop3A_909 = arith.index_cast %parallel_loop3A_907 : i32 to index
        %parallel_loop3A_910 = arith.index_cast %parallel_loop3A_308 : i32 to index
        %parallel_loop3A_911 = arith.index_cast %parallel_loop3A_908 : i32 to index
        %parallel_loop3A_912 = arith.index_cast %parallel_loop3A_320 : i32 to index
        %parallel_loop3A_913 = tpu.vector_load %arg9[%parallel_loop3A_909, %parallel_loop3A_910, %parallel_loop3A_911, %parallel_loop3A_912] {strides = array<i32>} : memref<8x2x8x128xf32, #tpu.memory_space<vmem>>, vector<16xf32>,
        tpu.vector_store %arg9[%parallel_loop3A_909, %parallel_loop3A_910, %parallel_loop3A_911, %parallel_loop3A_912], %parallel_loop3A_806 {strides = array<i32>} : memref<8x2x8x128xf32, #tpu.memory_space<vmem>>, vector<16xf32>,
        %parallel_loop3A_914 = arith.constant 7 : i32
        %parallel_loop3A_915 = arith.constant 7 : i32
        %parallel_loop3A_916 = arith.index_cast %parallel_loop3A_914 : i32 to index
        %parallel_loop3A_917 = arith.index_cast %parallel_loop3A_308 : i32 to index
        %parallel_loop3A_918 = arith.index_cast %parallel_loop3A_915 : i32 to index
        %parallel_loop3A_919 = arith.index_cast %parallel_loop3A_320 : i32 to index
        %parallel_loop3A_920 = tpu.vector_load %arg9[%parallel_loop3A_916, %parallel_loop3A_917, %parallel_loop3A_918, %parallel_loop3A_919] {strides = array<i32>} : memref<8x2x8x128xf32, #tpu.memory_space<vmem>>, vector<16xf32>,
        tpu.vector_store %arg9[%parallel_loop3A_916, %parallel_loop3A_917, %parallel_loop3A_918, %parallel_loop3A_919], %parallel_loop3A_808 {strides = array<i32>} : memref<8x2x8x128xf32, #tpu.memory_space<vmem>>, vector<16xf32>,
      } {sc.loop_unroll_factor = 1 : i64, sc.parallel_access}
      %jit3A = arith.constant 2 : i32
      %div3A = arith.divsi %mul3A_139, %jit3A : i32
      %sign3A = arith.constant 0 : i32
      %sign3A_168 = arith.cmpi sgt, %mul3A_139, %sign3A : i32
      %sign3A_169 = arith.extui %sign3A_168 : i1 to i32
      %sign3A_170 = arith.constant 0 : i32
      %sign3A_171 = arith.cmpi slt, %mul3A_139, %sign3A_170 : i32
      %sign3A_172 = arith.extui %sign3A_171 : i1 to i32
      %sign3A_173 = arith.subi %sign3A_169, %sign3A_172 : i32
      %sign3A_174 = arith.constant 0 : i32
      %sign3A_175 = arith.cmpi sgt, %jit3A, %sign3A_174 : i32
      %sign3A_176 = arith.extui %sign3A_175 : i1 to i32
      %sign3A_177 = arith.constant 0 : i32
      %sign3A_178 = arith.cmpi slt, %jit3A, %sign3A_177 : i32
      %sign3A_179 = arith.extui %sign3A_178 : i1 to i32
      %sign3A_180 = arith.subi %sign3A_176, %sign3A_179 : i32
      %ne3A = arith.cmpi ne, %sign3A_173, %sign3A_180 : i32
      %rem3A = arith.remsi %mul3A_139, %jit3A : i32
      %ne3A_181 = arith.constant 0 : i32
      %ne3A_182 = arith.cmpi ne, %rem3A, %ne3A_181 : i32
      %and3A = arith.andi %ne3A, %ne3A_182 : i1
      %sub3A = arith.constant 1 : i32
      %sub3A_183 = arith.subi %div3A, %sub3A : i32
      %select_n3A = arith.select %and3A, %sub3A_183, %div3A : i32
      %mul3A_184 = arith.constant 4 : i32
      %mul3A_185 = arith.muli %add3A, %mul3A_184 : i32
      %jit3A_186 = arith.constant 2 : i32
      %eq3A = arith.constant 0 : i32
      %eq3A_187 = arith.cmpi eq, %jit3A_186, %eq3A : i32
      %jit3A_188 = arith.constant 1 : i32
      %select_n3A_189 = arith.select %eq3A_187, %jit3A_188, %jit3A_186 : i32
      %rem3A_190 = arith.remsi %mul3A_139, %select_n3A_189 : i32
      %ne3A_191 = arith.constant 0 : i32
      %ne3A_192 = arith.cmpi ne, %rem3A_190, %ne3A_191 : i32
      %lt3A_193 = arith.constant 0 : i32
      %lt3A_194 = arith.cmpi slt, %rem3A_190, %lt3A_193 : i32
      %lt3A_195 = arith.constant 0 : i32
      %lt3A_196 = arith.cmpi slt, %select_n3A_189, %lt3A_195 : i32
      %ne3A_197 = arith.xori %lt3A_194, %lt3A_196 : i1
      %and3A_198 = arith.andi %ne3A_197, %ne3A_192 : i1
      %add3A_199 = arith.addi %rem3A_190, %select_n3A_189 : i32
      %select_n3A_200 = arith.select %and3A_198, %add3A_199, %rem3A_190 : i32
      %mul3A_201 = arith.constant 2 : i32
      %mul3A_202 = arith.muli %select_n3A_200, %mul3A_201 : i32
      %add3A_203 = arith.addi %mul3A_185, %mul3A_202 : i32
      %dma_start3A_204 = arith.constant 0 : i32
      %dma_start3A_205 = arith.constant 0 : i32
      %dma_start3A_206 = arith.constant 0 : i32
      %dma_start3A_207 = tpu.memref_slice %arg4[%select_n3A, %dma_start3A_204, %add3A_203, %dma_start3A_205, %dma_start3A_206] : memref<50x8x128x8x128xf32, #tpu.memory_space<hbm>> -> memref<1x8x2x8x128xf32, #tpu.memory_space<hbm>>
      %dma_start3A_208 = tpu.memref_squeeze %dma_start3A_207 : memref<1x8x2x8x128xf32, #tpu.memory_space<hbm>> -> memref<8x2x8x128xf32, #tpu.memory_space<hbm>>
      %dma_start3A_209 = arith.constant 0 : i32
      %dma_start3A_210 = arith.constant 0 : i32
      %dma_start3A_211 = arith.constant 0 : i32
      %dma_start3A_212 = tpu.memref_slice %arg4[%select_n3A, %dma_start3A_209, %add3A_203, %dma_start3A_210, %dma_start3A_211] : memref<50x8x128x8x128xf32, #tpu.memory_space<hbm>> -> memref<1x8x2x8x128xf32, #tpu.memory_space<hbm>>
      %dma_start3A_213 = tpu.memref_squeeze %dma_start3A_212 : memref<1x8x2x8x128xf32, #tpu.memory_space<hbm>> -> memref<8x2x8x128xf32, #tpu.memory_space<hbm>>
      tpu.enqueue_dma source(%arg9 : memref<8x2x8x128xf32, #tpu.memory_space<vmem>>) target(%dma_start3A_213 : memref<8x2x8x128xf32, #tpu.memory_space<hbm>>) target_semaphore(%arg13 : memref<!tpu.dma_semaphore, #tpu.memory_space<semaphore_mem>>)
      %mul3A_214 = arith.constant 2 : i32
      %mul3A_215 = arith.muli %mul3A_214, %scan3A_137 : i32
      %add3A_216 = arith.constant 1 : i32
      %add3A_217 = arith.addi %mul3A_215, %add3A_216 : i32
      %dma_wait3A_218 = arith.constant 1 : i32
      %dma_wait3A_219 = arith.constant 0 : i32
      %dma_wait3A_220 = arith.constant 0 : i32
      %dma_wait3A_221 = tpu.memref_slice %arg5[%dma_wait3A_218, %dma_wait3A_219, %dma_wait3A_220] : memref<2x1x256xi32, #tpu.memory_space<vmem>> -> memref<1x1x256xi32, #tpu.memory_space<vmem>>
      %dma_wait3A_222 = tpu.memref_squeeze %dma_wait3A_221 : memref<1x1x256xi32, #tpu.memory_space<vmem>> -> memref<256xi32, #tpu.memory_space<vmem>>
      %dma_wait3A_223 = arith.constant 0 : i32
      %dma_wait3A_224 = arith.constant 0 : i32
      %dma_wait3A_225 = tpu.memref_slice %arg2[%dma_wait3A_223, %dma_wait3A_224] : memref<1000000x64xf32, #tpu.memory_space<hbm>> -> memref<1000000x64xf32, #tpu.memory_space<hbm>>
      tpu.wait_indirect_dma semaphore(%arg12 : memref<!tpu.dma_semaphore, #tpu.memory_space<semaphore_mem>>) src(%dma_wait3A_225 : memref<1000000x64xf32, #tpu.memory_space<hbm>>) dst(%arg7 : memref<256x64xf32, #tpu.memory_space<vmem>>)
      %add3A_226 = arith.constant 2 : i32
      %add3A_227 = arith.addi %add3A_217, %add3A_226 : i32
      %lt3A_228 = arith.constant 100 : i32
      %lt3A_229 = arith.cmpi slt, %add3A_227, %lt3A_228 : i32
      %convert_element_type3A_230 = arith.extui %lt3A_229 : i1 to i32
      %cond3A_231 = arith.constant 0 : i32
      %cond3A_232 = arith.cmpi ne, %convert_element_type3A_230, %cond3A_231 : i32
      scf.if %cond3A_232 {
        %add3A_306 = arith.constant 2 : i32
        %add3A_307 = arith.addi %add3A_217, %add3A_306 : i32
        %jit3A_308 = arith.constant 2 : i32
        %div3A_309 = arith.divsi %add3A_307, %jit3A_308 : i32
        %sign3A_310 = arith.constant 0 : i32
        %sign3A_311 = arith.cmpi sgt, %add3A_307, %sign3A_310 : i32
        %sign3A_312 = arith.extui %sign3A_311 : i1 to i32
        %sign3A_313 = arith.constant 0 : i32
        %sign3A_314 = arith.cmpi slt, %add3A_307, %sign3A_313 : i32
        %sign3A_315 = arith.extui %sign3A_314 : i1 to i32
        %sign3A_316 = arith.subi %sign3A_312, %sign3A_315 : i32
        %sign3A_317 = arith.constant 0 : i32
        %sign3A_318 = arith.cmpi sgt, %jit3A_308, %sign3A_317 : i32
        %sign3A_319 = arith.extui %sign3A_318 : i1 to i32
        %sign3A_320 = arith.constant 0 : i32
        %sign3A_321 = arith.cmpi slt, %jit3A_308, %sign3A_320 : i32
        %sign3A_322 = arith.extui %sign3A_321 : i1 to i32
        %sign3A_323 = arith.subi %sign3A_319, %sign3A_322 : i32
        %ne3A_324 = arith.cmpi ne, %sign3A_316, %sign3A_323 : i32
        %rem3A_325 = arith.remsi %add3A_307, %jit3A_308 : i32
        %ne3A_326 = arith.constant 0 : i32
        %ne3A_327 = arith.cmpi ne, %rem3A_325, %ne3A_326 : i32
        %and3A_328 = arith.andi %ne3A_324, %ne3A_327 : i1
        %sub3A_329 = arith.constant 1 : i32
        %sub3A_330 = arith.subi %div3A_309, %sub3A_329 : i32
        %select_n3A_331 = arith.select %and3A_328, %sub3A_330, %div3A_309 : i32
        %jit3A_332 = arith.constant 2 : i32
        %eq3A_333 = arith.constant 0 : i32
        %eq3A_334 = arith.cmpi eq, %jit3A_332, %eq3A_333 : i32
        %jit3A_335 = arith.constant 1 : i32
        %select_n3A_336 = arith.select %eq3A_334, %jit3A_335, %jit3A_332 : i32
        %rem3A_337 = arith.remsi %add3A_307, %select_n3A_336 : i32
        %ne3A_338 = arith.constant 0 : i32
        %ne3A_339 = arith.cmpi ne, %rem3A_337, %ne3A_338 : i32
        %lt3A_340 = arith.constant 0 : i32
        %lt3A_341 = arith.cmpi slt, %rem3A_337, %lt3A_340 : i32
        %lt3A_342 = arith.constant 0 : i32
        %lt3A_343 = arith.cmpi slt, %select_n3A_336, %lt3A_342 : i32
        %ne3A_344 = arith.xori %lt3A_341, %lt3A_343 : i1
        %and3A_345 = arith.andi %ne3A_344, %ne3A_339 : i1
        %add3A_346 = arith.addi %rem3A_337, %select_n3A_336 : i32
        %select_n3A_347 = arith.select %and3A_345, %add3A_346, %rem3A_337 : i32
        %mul3A_348 = arith.constant 256 : i32
        %mul3A_349 = arith.muli %select_n3A_347, %mul3A_348 : i32
        %add3A_350 = arith.addi %mul3A_2, %mul3A_349 : i32
        %dma_start3A_351 = arith.constant 1 : i32
        %dma_start3A_352 = arith.constant 0 : i32
        %dma_start3A_353 = arith.constant 0 : i32
        %dma_start3A_354 = tpu.memref_slice %arg5[%dma_start3A_351, %dma_start3A_352, %dma_start3A_353] : memref<2x1x256xi32, #tpu.memory_space<vmem>> -> memref<1x1x256xi32, #tpu.memory_space<vmem>>
        %dma_start3A_355 = tpu.memref_squeeze %dma_start3A_354 : memref<1x1x256xi32, #tpu.memory_space<vmem>> -> memref<1x256xi32, #tpu.memory_space<vmem>>
        %dma_start3A_356 = tpu.memref_slice %arg3[%select_n3A_331, %add3A_350] : memref<50x16384xi32, #tpu.memory_space<hbm>> -> memref<1x256xi32, #tpu.memory_space<hbm>>
        %dma_start3A_357 = arith.constant 0 : i32
        %dma_start3A_358 = arith.constant 0 : i32
        %dma_start3A_359 = tpu.memref_slice %arg5[%dma_start3A_351, %dma_start3A_357, %dma_start3A_358] : memref<2x1x256xi32, #tpu.memory_space<vmem>> -> memref<1x1x256xi32, #tpu.memory_space<vmem>>
        %dma_start3A_360 = tpu.memref_squeeze %dma_start3A_359 : memref<1x1x256xi32, #tpu.memory_space<vmem>> -> memref<1x256xi32, #tpu.memory_space<vmem>>
        %dma_start3A_361 = tpu.memref_slice %arg3[%select_n3A_331, %add3A_350] : memref<50x16384xi32, #tpu.memory_space<hbm>> -> memref<1x256xi32, #tpu.memory_space<hbm>>
        tpu.enqueue_dma source(%dma_start3A_361 : memref<1x256xi32, #tpu.memory_space<hbm>>) target(%dma_start3A_360 : memref<1x256xi32, #tpu.memory_space<vmem>>) target_semaphore(%arg16 : memref<!tpu.dma_semaphore, #tpu.memory_space<semaphore_mem>>)
      } else {
      }
      %add3A_233 = arith.constant 1 : i32
      %add3A_234 = arith.addi %add3A_217, %add3A_233 : i32
      %lt3A_235 = arith.constant 100 : i32
      %lt3A_236 = arith.cmpi slt, %add3A_234, %lt3A_235 : i32
      %convert_element_type3A_237 = arith.extui %lt3A_236 : i1 to i32
      %cond3A_238 = arith.constant 0 : i32
      %cond3A_239 = arith.cmpi ne, %convert_element_type3A_237, %cond3A_238 : i32
      scf.if %cond3A_239 {
        %add3A_306 = arith.constant 1 : i32
        %add3A_307 = arith.addi %add3A_217, %add3A_306 : i32
        %jit3A_308 = arith.constant 2 : i32
        %div3A_309 = arith.divsi %add3A_307, %jit3A_308 : i32
        %sign3A_310 = arith.constant 0 : i32
        %sign3A_311 = arith.cmpi sgt, %add3A_307, %sign3A_310 : i32
        %sign3A_312 = arith.extui %sign3A_311 : i1 to i32
        %sign3A_313 = arith.constant 0 : i32
        %sign3A_314 = arith.cmpi slt, %add3A_307, %sign3A_313 : i32
        %sign3A_315 = arith.extui %sign3A_314 : i1 to i32
        %sign3A_316 = arith.subi %sign3A_312, %sign3A_315 : i32
        %sign3A_317 = arith.constant 0 : i32
        %sign3A_318 = arith.cmpi sgt, %jit3A_308, %sign3A_317 : i32
        %sign3A_319 = arith.extui %sign3A_318 : i1 to i32
        %sign3A_320 = arith.constant 0 : i32
        %sign3A_321 = arith.cmpi slt, %jit3A_308, %sign3A_320 : i32
        %sign3A_322 = arith.extui %sign3A_321 : i1 to i32
        %sign3A_323 = arith.subi %sign3A_319, %sign3A_322 : i32
        %ne3A_324 = arith.cmpi ne, %sign3A_316, %sign3A_323 : i32
        %rem3A_325 = arith.remsi %add3A_307, %jit3A_308 : i32
        %ne3A_326 = arith.constant 0 : i32
        %ne3A_327 = arith.cmpi ne, %rem3A_325, %ne3A_326 : i32
        %and3A_328 = arith.andi %ne3A_324, %ne3A_327 : i1
        %sub3A_329 = arith.constant 1 : i32
        %sub3A_330 = arith.subi %div3A_309, %sub3A_329 : i32
        %select_n3A_331 = arith.select %and3A_328, %sub3A_330, %div3A_309 : i32
        %jit3A_332 = arith.constant 2 : i32
        %eq3A_333 = arith.constant 0 : i32
        %eq3A_334 = arith.cmpi eq, %jit3A_332, %eq3A_333 : i32
        %jit3A_335 = arith.constant 1 : i32
        %select_n3A_336 = arith.select %eq3A_334, %jit3A_335, %jit3A_332 : i32
        %rem3A_337 = arith.remsi %add3A_307, %select_n3A_336 : i32
        %ne3A_338 = arith.constant 0 : i32
        %ne3A_339 = arith.cmpi ne, %rem3A_337, %ne3A_338 : i32
        %lt3A_340 = arith.constant 0 : i32
        %lt3A_341 = arith.cmpi slt, %rem3A_337, %lt3A_340 : i32
        %lt3A_342 = arith.constant 0 : i32
        %lt3A_343 = arith.cmpi slt, %select_n3A_336, %lt3A_342 : i32
        %ne3A_344 = arith.xori %lt3A_341, %lt3A_343 : i1
        %and3A_345 = arith.andi %ne3A_344, %ne3A_339 : i1
        %add3A_346 = arith.addi %rem3A_337, %select_n3A_336 : i32
        %select_n3A_347 = arith.select %and3A_345, %add3A_346, %rem3A_337 : i32
        %mul3A_348 = arith.constant 256 : i32
        %mul3A_349 = arith.muli %select_n3A_347, %mul3A_348 : i32
        %add3A_350 = arith.addi %mul3A_2, %mul3A_349 : i32
        %dma_wait3A_351 = arith.constant 0 : i32
        %dma_wait3A_352 = arith.constant 0 : i32
        %dma_wait3A_353 = arith.constant 0 : i32
        %dma_wait3A_354 = tpu.memref_slice %arg5[%dma_wait3A_351, %dma_wait3A_352, %dma_wait3A_353] : memref<2x1x256xi32, #tpu.memory_space<vmem>> -> memref<1x1x256xi32, #tpu.memory_space<vmem>>
        %dma_wait3A_355 = tpu.memref_squeeze %dma_wait3A_354 : memref<1x1x256xi32, #tpu.memory_space<vmem>> -> memref<1x256xi32, #tpu.memory_space<vmem>>
        %dma_wait3A_356 = tpu.memref_slice %arg3[%select_n3A_331, %add3A_350] : memref<50x16384xi32, #tpu.memory_space<hbm>> -> memref<1x256xi32, #tpu.memory_space<hbm>>
        %dma_wait3A_357 = arith.constant 0 : i32
        %dma_wait3A_358 = arith.constant 0 : i32
        %dma_wait3A_359 = tpu.memref_slice %arg5[%dma_wait3A_351, %dma_wait3A_357, %dma_wait3A_358] : memref<2x1x256xi32, #tpu.memory_space<vmem>> -> memref<1x1x256xi32, #tpu.memory_space<vmem>>
        %dma_wait3A_360 = tpu.memref_squeeze %dma_wait3A_359 : memref<1x1x256xi32, #tpu.memory_space<vmem>> -> memref<1x256xi32, #tpu.memory_space<vmem>>
        %dma_wait3A_361 = tpu.memref_slice %arg3[%select_n3A_331, %add3A_350] : memref<50x16384xi32, #tpu.memory_space<hbm>> -> memref<1x256xi32, #tpu.memory_space<hbm>>
        tpu.wait_dma2 semaphore(%arg15 : memref<!tpu.dma_semaphore, #tpu.memory_space<semaphore_mem>>) src(%dma_wait3A_361 : memref<1x256xi32, #tpu.memory_space<hbm>>) dst(%dma_wait3A_360 : memref<1x256xi32, #tpu.memory_space<vmem>>)
        %dma_start3A_362 = arith.constant 0 : i32
        %dma_start3A_363 = arith.constant 0 : i32
        %dma_start3A_364 = arith.constant 0 : i32
        %dma_start3A_365 = tpu.memref_slice %arg5[%dma_start3A_362, %dma_start3A_363, %dma_start3A_364] : memref<2x1x256xi32, #tpu.memory_space<vmem>> -> memref<1x1x256xi32, #tpu.memory_space<vmem>>
        %dma_start3A_366 = tpu.memref_squeeze %dma_start3A_365 : memref<1x1x256xi32, #tpu.memory_space<vmem>> -> memref<256xi32, #tpu.memory_space<vmem>>
        %dma_start3A_367 = arith.constant 0 : i32
        %dma_start3A_368 = arith.constant 0 : i32
        %dma_start3A_369 = tpu.memref_slice %arg2[%dma_start3A_367, %dma_start3A_368] : memref<1000000x64xf32, #tpu.memory_space<hbm>> -> memref<1000000x64xf32, #tpu.memory_space<hbm>>
        tpu.enqueue_indirect_dma source(%dma_start3A_369 : memref<1000000x64xf32, #tpu.memory_space<hbm>>) target(%arg6 : memref<256x64xf32, #tpu.memory_space<vmem>>) offsets(%dma_start3A_366 : memref<256xi32, #tpu.memory_space<vmem>>) semaphore(%arg11 : memref<!tpu.dma_semaphore, #tpu.memory_space<semaphore_mem>>)
      } else {
      }
      %ge3A_240 = arith.constant 2 : i32
      %ge3A_241 = arith.cmpi sge, %add3A_217, %ge3A_240 : i32
      %convert_element_type3A_242 = arith.extui %ge3A_241 : i1 to i32
      %cond3A_243 = arith.constant 0 : i32
      %cond3A_244 = arith.cmpi ne, %convert_element_type3A_242, %cond3A_243 : i32
      scf.if %cond3A_244 {
        %sub3A_306 = arith.constant 2 : i32
        %sub3A_307 = arith.subi %add3A_217, %sub3A_306 : i32
        %jit3A_308 = arith.constant 2 : i32
        %div3A_309 = arith.divsi %sub3A_307, %jit3A_308 : i32
        %sign3A_310 = arith.constant 0 : i32
        %sign3A_311 = arith.cmpi sgt, %sub3A_307, %sign3A_310 : i32
        %sign3A_312 = arith.extui %sign3A_311 : i1 to i32
        %sign3A_313 = arith.constant 0 : i32
        %sign3A_314 = arith.cmpi slt, %sub3A_307, %sign3A_313 : i32
        %sign3A_315 = arith.extui %sign3A_314 : i1 to i32
        %sign3A_316 = arith.subi %sign3A_312, %sign3A_315 : i32
        %sign3A_317 = arith.constant 0 : i32
        %sign3A_318 = arith.cmpi sgt, %jit3A_308, %sign3A_317 : i32
        %sign3A_319 = arith.extui %sign3A_318 : i1 to i32
        %sign3A_320 = arith.constant 0 : i32
        %sign3A_321 = arith.cmpi slt, %jit3A_308, %sign3A_320 : i32
        %sign3A_322 = arith.extui %sign3A_321 : i1 to i32
        %sign3A_323 = arith.subi %sign3A_319, %sign3A_322 : i32
        %ne3A_324 = arith.cmpi ne, %sign3A_316, %sign3A_323 : i32
        %rem3A_325 = arith.remsi %sub3A_307, %jit3A_308 : i32
        %ne3A_326 = arith.constant 0 : i32
        %ne3A_327 = arith.cmpi ne, %rem3A_325, %ne3A_326 : i32
        %and3A_328 = arith.andi %ne3A_324, %ne3A_327 : i1
        %sub3A_329 = arith.constant 1 : i32
        %sub3A_330 = arith.subi %div3A_309, %sub3A_329 : i32
        %select_n3A_331 = arith.select %and3A_328, %sub3A_330, %div3A_309 : i32
        %mul3A_332 = arith.constant 4 : i32
        %mul3A_333 = arith.muli %add3A, %mul3A_332 : i32
        %jit3A_334 = arith.constant 2 : i32
        %eq3A_335 = arith.constant 0 : i32
        %eq3A_336 = arith.cmpi eq, %jit3A_334, %eq3A_335 : i32
        %jit3A_337 = arith.constant 1 : i32
        %select_n3A_338 = arith.select %eq3A_336, %jit3A_337, %jit3A_334 : i32
        %rem3A_339 = arith.remsi %sub3A_307, %select_n3A_338 : i32
        %ne3A_340 = arith.constant 0 : i32
        %ne3A_341 = arith.cmpi ne, %rem3A_339, %ne3A_340 : i32
        %lt3A_342 = arith.constant 0 : i32
        %lt3A_343 = arith.cmpi slt, %rem3A_339, %lt3A_342 : i32
        %lt3A_344 = arith.constant 0 : i32
        %lt3A_345 = arith.cmpi slt, %select_n3A_338, %lt3A_344 : i32
        %ne3A_346 = arith.xori %lt3A_343, %lt3A_345 : i1
        %and3A_347 = arith.andi %ne3A_346, %ne3A_341 : i1
        %add3A_348 = arith.addi %rem3A_339, %select_n3A_338 : i32
        %select_n3A_349 = arith.select %and3A_347, %add3A_348, %rem3A_339 : i32
        %mul3A_350 = arith.constant 2 : i32
        %mul3A_351 = arith.muli %select_n3A_349, %mul3A_350 : i32
        %add3A_352 = arith.addi %mul3A_333, %mul3A_351 : i32
        %dma_wait3A_353 = arith.constant 0 : i32
        %dma_wait3A_354 = arith.constant 0 : i32
        %dma_wait3A_355 = arith.constant 0 : i32
        %dma_wait3A_356 = tpu.memref_slice %arg4[%select_n3A_331, %dma_wait3A_353, %add3A_352, %dma_wait3A_354, %dma_wait3A_355] : memref<50x8x128x8x128xf32, #tpu.memory_space<hbm>> -> memref<1x8x2x8x128xf32, #tpu.memory_space<hbm>>
        %dma_wait3A_357 = tpu.memref_squeeze %dma_wait3A_356 : memref<1x8x2x8x128xf32, #tpu.memory_space<hbm>> -> memref<8x2x8x128xf32, #tpu.memory_space<hbm>>
        %dma_wait3A_358 = arith.constant 0 : i32
        %dma_wait3A_359 = arith.constant 0 : i32
        %dma_wait3A_360 = arith.constant 0 : i32
        %dma_wait3A_361 = tpu.memref_slice %arg4[%select_n3A_331, %dma_wait3A_358, %add3A_352, %dma_wait3A_359, %dma_wait3A_360] : memref<50x8x128x8x128xf32, #tpu.memory_space<hbm>> -> memref<1x8x2x8x128xf32, #tpu.memory_space<hbm>>
        %dma_wait3A_362 = tpu.memref_squeeze %dma_wait3A_361 : memref<1x8x2x8x128xf32, #tpu.memory_space<hbm>> -> memref<8x2x8x128xf32, #tpu.memory_space<hbm>>
        tpu.wait_dma2 semaphore(%arg14 : memref<!tpu.dma_semaphore, #tpu.memory_space<semaphore_mem>>) src(%arg10 : memref<8x2x8x128xf32, #tpu.memory_space<vmem>>) dst(%dma_wait3A_362 : memref<8x2x8x128xf32, #tpu.memory_space<hbm>>)
      } else {
      }
      %parallel_loop3A_245 = arith.constant 0 : i32
      %parallel_loop3A_246 = arith.constant 32 : i32
      %parallel_loop3A_247 = arith.constant 1 : i32
      scf.for %parallel_loop3A_306 = %parallel_loop3A_245 to %parallel_loop3A_246 step %parallel_loop3A_247  : i32 {
        %parallel_loop3A_307 = arith.constant 8 : i32
        %parallel_loop3A_308 = arith.muli %parallel_loop3A_306, %parallel_loop3A_307 : i32
        %parallel_loop3A_309 = arith.constant 0 : i32
        %parallel_loop3A_310 = arith.addi %parallel_loop3A_309, %parallel_loop3A_308 : i32
        %parallel_loop3A_311 = arith.index_cast %parallel_loop3A_310 : i32 to index
        %parallel_loop3A_312 = arith.constant 0 : index
        %parallel_loop3A_313 = tpu.vector_load %arg7[%parallel_loop3A_311, %parallel_loop3A_312] {strides = array<i32>} : memref<256x64xf32, #tpu.memory_space<vmem>>, vector<16xf32>,
        %parallel_loop3A_314 = arith.constant 0 : i32
        %parallel_loop3A_315 = arith.addi %parallel_loop3A_314, %parallel_loop3A_308 : i32
        %parallel_loop3A_316 = arith.index_cast %parallel_loop3A_315 : i32 to index
        %parallel_loop3A_317 = arith.constant 16 : index
        %parallel_loop3A_318 = tpu.vector_load %arg7[%parallel_loop3A_316, %parallel_loop3A_317] {strides = array<i32>} : memref<256x64xf32, #tpu.memory_space<vmem>>, vector<16xf32>,
        %parallel_loop3A_319 = arith.constant 0 : i32
        %parallel_loop3A_320 = arith.addi %parallel_loop3A_319, %parallel_loop3A_308 : i32
        %parallel_loop3A_321 = arith.index_cast %parallel_loop3A_320 : i32 to index
        %parallel_loop3A_322 = arith.constant 32 : index
        %parallel_loop3A_323 = tpu.vector_load %arg7[%parallel_loop3A_321, %parallel_loop3A_322] {strides = array<i32>} : memref<256x64xf32, #tpu.memory_space<vmem>>, vector<16xf32>,
        %parallel_loop3A_324 = arith.constant 0 : i32
        %parallel_loop3A_325 = arith.addi %parallel_loop3A_324, %parallel_loop3A_308 : i32
        %parallel_loop3A_326 = arith.index_cast %parallel_loop3A_325 : i32 to index
        %parallel_loop3A_327 = arith.constant 48 : index
        %parallel_loop3A_328 = tpu.vector_load %arg7[%parallel_loop3A_326, %parallel_loop3A_327] {strides = array<i32>} : memref<256x64xf32, #tpu.memory_space<vmem>>, vector<16xf32>,
        %parallel_loop3A_329 = arith.constant 1 : i32
        %parallel_loop3A_330 = arith.addi %parallel_loop3A_329, %parallel_loop3A_308 : i32
        %parallel_loop3A_331 = arith.index_cast %parallel_loop3A_330 : i32 to index
        %parallel_loop3A_332 = arith.constant 0 : index
        %parallel_loop3A_333 = tpu.vector_load %arg7[%parallel_loop3A_331, %parallel_loop3A_332] {strides = array<i32>} : memref<256x64xf32, #tpu.memory_space<vmem>>, vector<16xf32>,
        %parallel_loop3A_334 = arith.constant 1 : i32
        %parallel_loop3A_335 = arith.addi %parallel_loop3A_334, %parallel_loop3A_308 : i32
        %parallel_loop3A_336 = arith.index_cast %parallel_loop3A_335 : i32 to index
        %parallel_loop3A_337 = arith.constant 16 : index
        %parallel_loop3A_338 = tpu.vector_load %arg7[%parallel_loop3A_336, %parallel_loop3A_337] {strides = array<i32>} : memref<256x64xf32, #tpu.memory_space<vmem>>, vector<16xf32>,
        %parallel_loop3A_339 = arith.constant 1 : i32
        %parallel_loop3A_340 = arith.addi %parallel_loop3A_339, %parallel_loop3A_308 : i32
        %parallel_loop3A_341 = arith.index_cast %parallel_loop3A_340 : i32 to index
        %parallel_loop3A_342 = arith.constant 32 : index
        %parallel_loop3A_343 = tpu.vector_load %arg7[%parallel_loop3A_341, %parallel_loop3A_342] {strides = array<i32>} : memref<256x64xf32, #tpu.memory_space<vmem>>, vector<16xf32>,
        %parallel_loop3A_344 = arith.constant 1 : i32
        %parallel_loop3A_345 = arith.addi %parallel_loop3A_344, %parallel_loop3A_308 : i32
        %parallel_loop3A_346 = arith.index_cast %parallel_loop3A_345 : i32 to index
        %parallel_loop3A_347 = arith.constant 48 : index
        %parallel_loop3A_348 = tpu.vector_load %arg7[%parallel_loop3A_346, %parallel_loop3A_347] {strides = array<i32>} : memref<256x64xf32, #tpu.memory_space<vmem>>, vector<16xf32>,
        %parallel_loop3A_349 = arith.constant 2 : i32
        %parallel_loop3A_350 = arith.addi %parallel_loop3A_349, %parallel_loop3A_308 : i32
        %parallel_loop3A_351 = arith.index_cast %parallel_loop3A_350 : i32 to index
        %parallel_loop3A_352 = arith.constant 0 : index
        %parallel_loop3A_353 = tpu.vector_load %arg7[%parallel_loop3A_351, %parallel_loop3A_352] {strides = array<i32>} : memref<256x64xf32, #tpu.memory_space<vmem>>, vector<16xf32>,
        %parallel_loop3A_354 = arith.constant 2 : i32
        %parallel_loop3A_355 = arith.addi %parallel_loop3A_354, %parallel_loop3A_308 : i32
        %parallel_loop3A_356 = arith.index_cast %parallel_loop3A_355 : i32 to index
        %parallel_loop3A_357 = arith.constant 16 : index
        %parallel_loop3A_358 = tpu.vector_load %arg7[%parallel_loop3A_356, %parallel_loop3A_357] {strides = array<i32>} : memref<256x64xf32, #tpu.memory_space<vmem>>, vector<16xf32>,
        %parallel_loop3A_359 = arith.constant 2 : i32
        %parallel_loop3A_360 = arith.addi %parallel_loop3A_359, %parallel_loop3A_308 : i32
        %parallel_loop3A_361 = arith.index_cast %parallel_loop3A_360 : i32 to index
        %parallel_loop3A_362 = arith.constant 32 : index
        %parallel_loop3A_363 = tpu.vector_load %arg7[%parallel_loop3A_361, %parallel_loop3A_362] {strides = array<i32>} : memref<256x64xf32, #tpu.memory_space<vmem>>, vector<16xf32>,
        %parallel_loop3A_364 = arith.constant 2 : i32
        %parallel_loop3A_365 = arith.addi %parallel_loop3A_364, %parallel_loop3A_308 : i32
        %parallel_loop3A_366 = arith.index_cast %parallel_loop3A_365 : i32 to index
        %parallel_loop3A_367 = arith.constant 48 : index
        %parallel_loop3A_368 = tpu.vector_load %arg7[%parallel_loop3A_366, %parallel_loop3A_367] {strides = array<i32>} : memref<256x64xf32, #tpu.memory_space<vmem>>, vector<16xf32>,
        %parallel_loop3A_369 = arith.constant 3 : i32
        %parallel_loop3A_370 = arith.addi %parallel_loop3A_369, %parallel_loop3A_308 : i32
        %parallel_loop3A_371 = arith.index_cast %parallel_loop3A_370 : i32 to index
        %parallel_loop3A_372 = arith.constant 0 : index
        %parallel_loop3A_373 = tpu.vector_load %arg7[%parallel_loop3A_371, %parallel_loop3A_372] {strides = array<i32>} : memref<256x64xf32, #tpu.memory_space<vmem>>, vector<16xf32>,
        %parallel_loop3A_374 = arith.constant 3 : i32
        %parallel_loop3A_375 = arith.addi %parallel_loop3A_374, %parallel_loop3A_308 : i32
        %parallel_loop3A_376 = arith.index_cast %parallel_loop3A_375 : i32 to index
        %parallel_loop3A_377 = arith.constant 16 : index
        %parallel_loop3A_378 = tpu.vector_load %arg7[%parallel_loop3A_376, %parallel_loop3A_377] {strides = array<i32>} : memref<256x64xf32, #tpu.memory_space<vmem>>, vector<16xf32>,
        %parallel_loop3A_379 = arith.constant 3 : i32
        %parallel_loop3A_380 = arith.addi %parallel_loop3A_379, %parallel_loop3A_308 : i32
        %parallel_loop3A_381 = arith.index_cast %parallel_loop3A_380 : i32 to index
        %parallel_loop3A_382 = arith.constant 32 : index
        %parallel_loop3A_383 = tpu.vector_load %arg7[%parallel_loop3A_381, %parallel_loop3A_382] {strides = array<i32>} : memref<256x64xf32, #tpu.memory_space<vmem>>, vector<16xf32>,
        %parallel_loop3A_384 = arith.constant 3 : i32
        %parallel_loop3A_385 = arith.addi %parallel_loop3A_384, %parallel_loop3A_308 : i32
        %parallel_loop3A_386 = arith.index_cast %parallel_loop3A_385 : i32 to index
        %parallel_loop3A_387 = arith.constant 48 : index
        %parallel_loop3A_388 = tpu.vector_load %arg7[%parallel_loop3A_386, %parallel_loop3A_387] {strides = array<i32>} : memref<256x64xf32, #tpu.memory_space<vmem>>, vector<16xf32>,
        %parallel_loop3A_389 = arith.constant 4 : i32
        %parallel_loop3A_390 = arith.addi %parallel_loop3A_389, %parallel_loop3A_308 : i32
        %parallel_loop3A_391 = arith.index_cast %parallel_loop3A_390 : i32 to index
        %parallel_loop3A_392 = arith.constant 0 : index
        %parallel_loop3A_393 = tpu.vector_load %arg7[%parallel_loop3A_391, %parallel_loop3A_392] {strides = array<i32>} : memref<256x64xf32, #tpu.memory_space<vmem>>, vector<16xf32>,
        %parallel_loop3A_394 = arith.constant 4 : i32
        %parallel_loop3A_395 = arith.addi %parallel_loop3A_394, %parallel_loop3A_308 : i32
        %parallel_loop3A_396 = arith.index_cast %parallel_loop3A_395 : i32 to index
        %parallel_loop3A_397 = arith.constant 16 : index
        %parallel_loop3A_398 = tpu.vector_load %arg7[%parallel_loop3A_396, %parallel_loop3A_397] {strides = array<i32>} : memref<256x64xf32, #tpu.memory_space<vmem>>, vector<16xf32>,
        %parallel_loop3A_399 = arith.constant 4 : i32
        %parallel_loop3A_400 = arith.addi %parallel_loop3A_399, %parallel_loop3A_308 : i32
        %parallel_loop3A_401 = arith.index_cast %parallel_loop3A_400 : i32 to index
        %parallel_loop3A_402 = arith.constant 32 : index
        %parallel_loop3A_403 = tpu.vector_load %arg7[%parallel_loop3A_401, %parallel_loop3A_402] {strides = array<i32>} : memref<256x64xf32, #tpu.memory_space<vmem>>, vector<16xf32>,
        %parallel_loop3A_404 = arith.constant 4 : i32
        %parallel_loop3A_405 = arith.addi %parallel_loop3A_404, %parallel_loop3A_308 : i32
        %parallel_loop3A_406 = arith.index_cast %parallel_loop3A_405 : i32 to index
        %parallel_loop3A_407 = arith.constant 48 : index
        %parallel_loop3A_408 = tpu.vector_load %arg7[%parallel_loop3A_406, %parallel_loop3A_407] {strides = array<i32>} : memref<256x64xf32, #tpu.memory_space<vmem>>, vector<16xf32>,
        %parallel_loop3A_409 = arith.constant 5 : i32
        %parallel_loop3A_410 = arith.addi %parallel_loop3A_409, %parallel_loop3A_308 : i32
        %parallel_loop3A_411 = arith.index_cast %parallel_loop3A_410 : i32 to index
        %parallel_loop3A_412 = arith.constant 0 : index
        %parallel_loop3A_413 = tpu.vector_load %arg7[%parallel_loop3A_411, %parallel_loop3A_412] {strides = array<i32>} : memref<256x64xf32, #tpu.memory_space<vmem>>, vector<16xf32>,
        %parallel_loop3A_414 = arith.constant 5 : i32
        %parallel_loop3A_415 = arith.addi %parallel_loop3A_414, %parallel_loop3A_308 : i32
        %parallel_loop3A_416 = arith.index_cast %parallel_loop3A_415 : i32 to index
        %parallel_loop3A_417 = arith.constant 16 : index
        %parallel_loop3A_418 = tpu.vector_load %arg7[%parallel_loop3A_416, %parallel_loop3A_417] {strides = array<i32>} : memref<256x64xf32, #tpu.memory_space<vmem>>, vector<16xf32>,
        %parallel_loop3A_419 = arith.constant 5 : i32
        %parallel_loop3A_420 = arith.addi %parallel_loop3A_419, %parallel_loop3A_308 : i32
        %parallel_loop3A_421 = arith.index_cast %parallel_loop3A_420 : i32 to index
        %parallel_loop3A_422 = arith.constant 32 : index
        %parallel_loop3A_423 = tpu.vector_load %arg7[%parallel_loop3A_421, %parallel_loop3A_422] {strides = array<i32>} : memref<256x64xf32, #tpu.memory_space<vmem>>, vector<16xf32>,
        %parallel_loop3A_424 = arith.constant 5 : i32
        %parallel_loop3A_425 = arith.addi %parallel_loop3A_424, %parallel_loop3A_308 : i32
        %parallel_loop3A_426 = arith.index_cast %parallel_loop3A_425 : i32 to index
        %parallel_loop3A_427 = arith.constant 48 : index
        %parallel_loop3A_428 = tpu.vector_load %arg7[%parallel_loop3A_426, %parallel_loop3A_427] {strides = array<i32>} : memref<256x64xf32, #tpu.memory_space<vmem>>, vector<16xf32>,
        %parallel_loop3A_429 = arith.constant 6 : i32
        %parallel_loop3A_430 = arith.addi %parallel_loop3A_429, %parallel_loop3A_308 : i32
        %parallel_loop3A_431 = arith.index_cast %parallel_loop3A_430 : i32 to index
        %parallel_loop3A_432 = arith.constant 0 : index
        %parallel_loop3A_433 = tpu.vector_load %arg7[%parallel_loop3A_431, %parallel_loop3A_432] {strides = array<i32>} : memref<256x64xf32, #tpu.memory_space<vmem>>, vector<16xf32>,
        %parallel_loop3A_434 = arith.constant 6 : i32
        %parallel_loop3A_435 = arith.addi %parallel_loop3A_434, %parallel_loop3A_308 : i32
        %parallel_loop3A_436 = arith.index_cast %parallel_loop3A_435 : i32 to index
        %parallel_loop3A_437 = arith.constant 16 : index
        %parallel_loop3A_438 = tpu.vector_load %arg7[%parallel_loop3A_436, %parallel_loop3A_437] {strides = array<i32>} : memref<256x64xf32, #tpu.memory_space<vmem>>, vector<16xf32>,
        %parallel_loop3A_439 = arith.constant 6 : i32
        %parallel_loop3A_440 = arith.addi %parallel_loop3A_439, %parallel_loop3A_308 : i32
        %parallel_loop3A_441 = arith.index_cast %parallel_loop3A_440 : i32 to index
        %parallel_loop3A_442 = arith.constant 32 : index
        %parallel_loop3A_443 = tpu.vector_load %arg7[%parallel_loop3A_441, %parallel_loop3A_442] {strides = array<i32>} : memref<256x64xf32, #tpu.memory_space<vmem>>, vector<16xf32>,
        %parallel_loop3A_444 = arith.constant 6 : i32
        %parallel_loop3A_445 = arith.addi %parallel_loop3A_444, %parallel_loop3A_308 : i32
        %parallel_loop3A_446 = arith.index_cast %parallel_loop3A_445 : i32 to index
        %parallel_loop3A_447 = arith.constant 48 : index
        %parallel_loop3A_448 = tpu.vector_load %arg7[%parallel_loop3A_446, %parallel_loop3A_447] {strides = array<i32>} : memref<256x64xf32, #tpu.memory_space<vmem>>, vector<16xf32>,
        %parallel_loop3A_449 = arith.constant 7 : i32
        %parallel_loop3A_450 = arith.addi %parallel_loop3A_449, %parallel_loop3A_308 : i32
        %parallel_loop3A_451 = arith.index_cast %parallel_loop3A_450 : i32 to index
        %parallel_loop3A_452 = arith.constant 0 : index
        %parallel_loop3A_453 = tpu.vector_load %arg7[%parallel_loop3A_451, %parallel_loop3A_452] {strides = array<i32>} : memref<256x64xf32, #tpu.memory_space<vmem>>, vector<16xf32>,
        %parallel_loop3A_454 = arith.constant 7 : i32
        %parallel_loop3A_455 = arith.addi %parallel_loop3A_454, %parallel_loop3A_308 : i32
        %parallel_loop3A_456 = arith.index_cast %parallel_loop3A_455 : i32 to index
        %parallel_loop3A_457 = arith.constant 16 : index
        %parallel_loop3A_458 = tpu.vector_load %arg7[%parallel_loop3A_456, %parallel_loop3A_457] {strides = array<i32>} : memref<256x64xf32, #tpu.memory_space<vmem>>, vector<16xf32>,
        %parallel_loop3A_459 = arith.constant 7 : i32
        %parallel_loop3A_460 = arith.addi %parallel_loop3A_459, %parallel_loop3A_308 : i32
        %parallel_loop3A_461 = arith.index_cast %parallel_loop3A_460 : i32 to index
        %parallel_loop3A_462 = arith.constant 32 : index
        %parallel_loop3A_463 = tpu.vector_load %arg7[%parallel_loop3A_461, %parallel_loop3A_462] {strides = array<i32>} : memref<256x64xf32, #tpu.memory_space<vmem>>, vector<16xf32>,
        %parallel_loop3A_464 = arith.constant 7 : i32
        %parallel_loop3A_465 = arith.addi %parallel_loop3A_464, %parallel_loop3A_308 : i32
        %parallel_loop3A_466 = arith.index_cast %parallel_loop3A_465 : i32 to index
        %parallel_loop3A_467 = arith.constant 48 : index
        %parallel_loop3A_468 = tpu.vector_load %arg7[%parallel_loop3A_466, %parallel_loop3A_467] {strides = array<i32>} : memref<256x64xf32, #tpu.memory_space<vmem>>, vector<16xf32>,
        %parallel_loop3A_469 = arith.constant 0 : i32
        %parallel_loop3A_470 = arith.addi %parallel_loop3A_308, %parallel_loop3A_469 : i32
        %parallel_loop3A_471 = arith.constant 65 : i32
        %parallel_loop3A_472 = arith.muli %parallel_loop3A_470, %parallel_loop3A_471 : i32
        %parallel_loop3A_473 = arith.constant 0 : i32
        %parallel_loop3A_474 = arith.addi %parallel_loop3A_472, %parallel_loop3A_473 : i32
        %parallel_loop3A_475 = arith.index_cast %parallel_loop3A_474 : i32 to index
        %parallel_loop3A_476 = tpu.vector_load %arg8[%parallel_loop3A_475] {strides = array<i32>} : memref<16704xf32, #tpu.memory_space<vmem>>, vector<16xf32>,
        tpu.vector_store %arg8[%parallel_loop3A_475], %parallel_loop3A_313 {strides = array<i32>} : memref<16704xf32, #tpu.memory_space<vmem>>, vector<16xf32>,
        %parallel_loop3A_477 = arith.constant 0 : i32
        %parallel_loop3A_478 = arith.addi %parallel_loop3A_308, %parallel_loop3A_477 : i32
        %parallel_loop3A_479 = arith.constant 65 : i32
        %parallel_loop3A_480 = arith.muli %parallel_loop3A_478, %parallel_loop3A_479 : i32
        %parallel_loop3A_481 = arith.constant 16 : i32
        %parallel_loop3A_482 = arith.addi %parallel_loop3A_480, %parallel_loop3A_481 : i32
        %parallel_loop3A_483 = arith.index_cast %parallel_loop3A_482 : i32 to index
        %parallel_loop3A_484 = tpu.vector_load %arg8[%parallel_loop3A_483] {strides = array<i32>} : memref<16704xf32, #tpu.memory_space<vmem>>, vector<16xf32>,
        tpu.vector_store %arg8[%parallel_loop3A_483], %parallel_loop3A_318 {strides = array<i32>} : memref<16704xf32, #tpu.memory_space<vmem>>, vector<16xf32>,
        %parallel_loop3A_485 = arith.constant 0 : i32
        %parallel_loop3A_486 = arith.addi %parallel_loop3A_308, %parallel_loop3A_485 : i32
        %parallel_loop3A_487 = arith.constant 65 : i32
        %parallel_loop3A_488 = arith.muli %parallel_loop3A_486, %parallel_loop3A_487 : i32
        %parallel_loop3A_489 = arith.constant 32 : i32
        %parallel_loop3A_490 = arith.addi %parallel_loop3A_488, %parallel_loop3A_489 : i32
        %parallel_loop3A_491 = arith.index_cast %parallel_loop3A_490 : i32 to index
        %parallel_loop3A_492 = tpu.vector_load %arg8[%parallel_loop3A_491] {strides = array<i32>} : memref<16704xf32, #tpu.memory_space<vmem>>, vector<16xf32>,
        tpu.vector_store %arg8[%parallel_loop3A_491], %parallel_loop3A_323 {strides = array<i32>} : memref<16704xf32, #tpu.memory_space<vmem>>, vector<16xf32>,
        %parallel_loop3A_493 = arith.constant 0 : i32
        %parallel_loop3A_494 = arith.addi %parallel_loop3A_308, %parallel_loop3A_493 : i32
        %parallel_loop3A_495 = arith.constant 65 : i32
        %parallel_loop3A_496 = arith.muli %parallel_loop3A_494, %parallel_loop3A_495 : i32
        %parallel_loop3A_497 = arith.constant 48 : i32
        %parallel_loop3A_498 = arith.addi %parallel_loop3A_496, %parallel_loop3A_497 : i32
        %parallel_loop3A_499 = arith.index_cast %parallel_loop3A_498 : i32 to index
        %parallel_loop3A_500 = tpu.vector_load %arg8[%parallel_loop3A_499] {strides = array<i32>} : memref<16704xf32, #tpu.memory_space<vmem>>, vector<16xf32>,
        tpu.vector_store %arg8[%parallel_loop3A_499], %parallel_loop3A_328 {strides = array<i32>} : memref<16704xf32, #tpu.memory_space<vmem>>, vector<16xf32>,
        %parallel_loop3A_501 = arith.constant 1 : i32
        %parallel_loop3A_502 = arith.addi %parallel_loop3A_308, %parallel_loop3A_501 : i32
        %parallel_loop3A_503 = arith.constant 65 : i32
        %parallel_loop3A_504 = arith.muli %parallel_loop3A_502, %parallel_loop3A_503 : i32
        %parallel_loop3A_505 = arith.constant 0 : i32
        %parallel_loop3A_506 = arith.addi %parallel_loop3A_504, %parallel_loop3A_505 : i32
        %parallel_loop3A_507 = arith.index_cast %parallel_loop3A_506 : i32 to index
        %parallel_loop3A_508 = tpu.vector_load %arg8[%parallel_loop3A_507] {strides = array<i32>} : memref<16704xf32, #tpu.memory_space<vmem>>, vector<16xf32>,
        tpu.vector_store %arg8[%parallel_loop3A_507], %parallel_loop3A_333 {strides = array<i32>} : memref<16704xf32, #tpu.memory_space<vmem>>, vector<16xf32>,
        %parallel_loop3A_509 = arith.constant 1 : i32
        %parallel_loop3A_510 = arith.addi %parallel_loop3A_308, %parallel_loop3A_509 : i32
        %parallel_loop3A_511 = arith.constant 65 : i32
        %parallel_loop3A_512 = arith.muli %parallel_loop3A_510, %parallel_loop3A_511 : i32
        %parallel_loop3A_513 = arith.constant 16 : i32
        %parallel_loop3A_514 = arith.addi %parallel_loop3A_512, %parallel_loop3A_513 : i32
        %parallel_loop3A_515 = arith.index_cast %parallel_loop3A_514 : i32 to index
        %parallel_loop3A_516 = tpu.vector_load %arg8[%parallel_loop3A_515] {strides = array<i32>} : memref<16704xf32, #tpu.memory_space<vmem>>, vector<16xf32>,
        tpu.vector_store %arg8[%parallel_loop3A_515], %parallel_loop3A_338 {strides = array<i32>} : memref<16704xf32, #tpu.memory_space<vmem>>, vector<16xf32>,
        %parallel_loop3A_517 = arith.constant 1 : i32
        %parallel_loop3A_518 = arith.addi %parallel_loop3A_308, %parallel_loop3A_517 : i32
        %parallel_loop3A_519 = arith.constant 65 : i32
        %parallel_loop3A_520 = arith.muli %parallel_loop3A_518, %parallel_loop3A_519 : i32
        %parallel_loop3A_521 = arith.constant 32 : i32
        %parallel_loop3A_522 = arith.addi %parallel_loop3A_520, %parallel_loop3A_521 : i32
        %parallel_loop3A_523 = arith.index_cast %parallel_loop3A_522 : i32 to index
        %parallel_loop3A_524 = tpu.vector_load %arg8[%parallel_loop3A_523] {strides = array<i32>} : memref<16704xf32, #tpu.memory_space<vmem>>, vector<16xf32>,
        tpu.vector_store %arg8[%parallel_loop3A_523], %parallel_loop3A_343 {strides = array<i32>} : memref<16704xf32, #tpu.memory_space<vmem>>, vector<16xf32>,
        %parallel_loop3A_525 = arith.constant 1 : i32
        %parallel_loop3A_526 = arith.addi %parallel_loop3A_308, %parallel_loop3A_525 : i32
        %parallel_loop3A_527 = arith.constant 65 : i32
        %parallel_loop3A_528 = arith.muli %parallel_loop3A_526, %parallel_loop3A_527 : i32
        %parallel_loop3A_529 = arith.constant 48 : i32
        %parallel_loop3A_530 = arith.addi %parallel_loop3A_528, %parallel_loop3A_529 : i32
        %parallel_loop3A_531 = arith.index_cast %parallel_loop3A_530 : i32 to index
        %parallel_loop3A_532 = tpu.vector_load %arg8[%parallel_loop3A_531] {strides = array<i32>} : memref<16704xf32, #tpu.memory_space<vmem>>, vector<16xf32>,
        tpu.vector_store %arg8[%parallel_loop3A_531], %parallel_loop3A_348 {strides = array<i32>} : memref<16704xf32, #tpu.memory_space<vmem>>, vector<16xf32>,
        %parallel_loop3A_533 = arith.constant 2 : i32
        %parallel_loop3A_534 = arith.addi %parallel_loop3A_308, %parallel_loop3A_533 : i32
        %parallel_loop3A_535 = arith.constant 65 : i32
        %parallel_loop3A_536 = arith.muli %parallel_loop3A_534, %parallel_loop3A_535 : i32
        %parallel_loop3A_537 = arith.constant 0 : i32
        %parallel_loop3A_538 = arith.addi %parallel_loop3A_536, %parallel_loop3A_537 : i32
        %parallel_loop3A_539 = arith.index_cast %parallel_loop3A_538 : i32 to index
        %parallel_loop3A_540 = tpu.vector_load %arg8[%parallel_loop3A_539] {strides = array<i32>} : memref<16704xf32, #tpu.memory_space<vmem>>, vector<16xf32>,
        tpu.vector_store %arg8[%parallel_loop3A_539], %parallel_loop3A_353 {strides = array<i32>} : memref<16704xf32, #tpu.memory_space<vmem>>, vector<16xf32>,
        %parallel_loop3A_541 = arith.constant 2 : i32
        %parallel_loop3A_542 = arith.addi %parallel_loop3A_308, %parallel_loop3A_541 : i32
        %parallel_loop3A_543 = arith.constant 65 : i32
        %parallel_loop3A_544 = arith.muli %parallel_loop3A_542, %parallel_loop3A_543 : i32
        %parallel_loop3A_545 = arith.constant 16 : i32
        %parallel_loop3A_546 = arith.addi %parallel_loop3A_544, %parallel_loop3A_545 : i32
        %parallel_loop3A_547 = arith.index_cast %parallel_loop3A_546 : i32 to index
        %parallel_loop3A_548 = tpu.vector_load %arg8[%parallel_loop3A_547] {strides = array<i32>} : memref<16704xf32, #tpu.memory_space<vmem>>, vector<16xf32>,
        tpu.vector_store %arg8[%parallel_loop3A_547], %parallel_loop3A_358 {strides = array<i32>} : memref<16704xf32, #tpu.memory_space<vmem>>, vector<16xf32>,
        %parallel_loop3A_549 = arith.constant 2 : i32
        %parallel_loop3A_550 = arith.addi %parallel_loop3A_308, %parallel_loop3A_549 : i32
        %parallel_loop3A_551 = arith.constant 65 : i32
        %parallel_loop3A_552 = arith.muli %parallel_loop3A_550, %parallel_loop3A_551 : i32
        %parallel_loop3A_553 = arith.constant 32 : i32
        %parallel_loop3A_554 = arith.addi %parallel_loop3A_552, %parallel_loop3A_553 : i32
        %parallel_loop3A_555 = arith.index_cast %parallel_loop3A_554 : i32 to index
        %parallel_loop3A_556 = tpu.vector_load %arg8[%parallel_loop3A_555] {strides = array<i32>} : memref<16704xf32, #tpu.memory_space<vmem>>, vector<16xf32>,
        tpu.vector_store %arg8[%parallel_loop3A_555], %parallel_loop3A_363 {strides = array<i32>} : memref<16704xf32, #tpu.memory_space<vmem>>, vector<16xf32>,
        %parallel_loop3A_557 = arith.constant 2 : i32
        %parallel_loop3A_558 = arith.addi %parallel_loop3A_308, %parallel_loop3A_557 : i32
        %parallel_loop3A_559 = arith.constant 65 : i32
        %parallel_loop3A_560 = arith.muli %parallel_loop3A_558, %parallel_loop3A_559 : i32
        %parallel_loop3A_561 = arith.constant 48 : i32
        %parallel_loop3A_562 = arith.addi %parallel_loop3A_560, %parallel_loop3A_561 : i32
        %parallel_loop3A_563 = arith.index_cast %parallel_loop3A_562 : i32 to index
        %parallel_loop3A_564 = tpu.vector_load %arg8[%parallel_loop3A_563] {strides = array<i32>} : memref<16704xf32, #tpu.memory_space<vmem>>, vector<16xf32>,
        tpu.vector_store %arg8[%parallel_loop3A_563], %parallel_loop3A_368 {strides = array<i32>} : memref<16704xf32, #tpu.memory_space<vmem>>, vector<16xf32>,
        %parallel_loop3A_565 = arith.constant 3 : i32
        %parallel_loop3A_566 = arith.addi %parallel_loop3A_308, %parallel_loop3A_565 : i32
        %parallel_loop3A_567 = arith.constant 65 : i32
        %parallel_loop3A_568 = arith.muli %parallel_loop3A_566, %parallel_loop3A_567 : i32
        %parallel_loop3A_569 = arith.constant 0 : i32
        %parallel_loop3A_570 = arith.addi %parallel_loop3A_568, %parallel_loop3A_569 : i32
        %parallel_loop3A_571 = arith.index_cast %parallel_loop3A_570 : i32 to index
        %parallel_loop3A_572 = tpu.vector_load %arg8[%parallel_loop3A_571] {strides = array<i32>} : memref<16704xf32, #tpu.memory_space<vmem>>, vector<16xf32>,
        tpu.vector_store %arg8[%parallel_loop3A_571], %parallel_loop3A_373 {strides = array<i32>} : memref<16704xf32, #tpu.memory_space<vmem>>, vector<16xf32>,
        %parallel_loop3A_573 = arith.constant 3 : i32
        %parallel_loop3A_574 = arith.addi %parallel_loop3A_308, %parallel_loop3A_573 : i32
        %parallel_loop3A_575 = arith.constant 65 : i32
        %parallel_loop3A_576 = arith.muli %parallel_loop3A_574, %parallel_loop3A_575 : i32
        %parallel_loop3A_577 = arith.constant 16 : i32
        %parallel_loop3A_578 = arith.addi %parallel_loop3A_576, %parallel_loop3A_577 : i32
        %parallel_loop3A_579 = arith.index_cast %parallel_loop3A_578 : i32 to index
        %parallel_loop3A_580 = tpu.vector_load %arg8[%parallel_loop3A_579] {strides = array<i32>} : memref<16704xf32, #tpu.memory_space<vmem>>, vector<16xf32>,
        tpu.vector_store %arg8[%parallel_loop3A_579], %parallel_loop3A_378 {strides = array<i32>} : memref<16704xf32, #tpu.memory_space<vmem>>, vector<16xf32>,
        %parallel_loop3A_581 = arith.constant 3 : i32
        %parallel_loop3A_582 = arith.addi %parallel_loop3A_308, %parallel_loop3A_581 : i32
        %parallel_loop3A_583 = arith.constant 65 : i32
        %parallel_loop3A_584 = arith.muli %parallel_loop3A_582, %parallel_loop3A_583 : i32
        %parallel_loop3A_585 = arith.constant 32 : i32
        %parallel_loop3A_586 = arith.addi %parallel_loop3A_584, %parallel_loop3A_585 : i32
        %parallel_loop3A_587 = arith.index_cast %parallel_loop3A_586 : i32 to index
        %parallel_loop3A_588 = tpu.vector_load %arg8[%parallel_loop3A_587] {strides = array<i32>} : memref<16704xf32, #tpu.memory_space<vmem>>, vector<16xf32>,
        tpu.vector_store %arg8[%parallel_loop3A_587], %parallel_loop3A_383 {strides = array<i32>} : memref<16704xf32, #tpu.memory_space<vmem>>, vector<16xf32>,
        %parallel_loop3A_589 = arith.constant 3 : i32
        %parallel_loop3A_590 = arith.addi %parallel_loop3A_308, %parallel_loop3A_589 : i32
        %parallel_loop3A_591 = arith.constant 65 : i32
        %parallel_loop3A_592 = arith.muli %parallel_loop3A_590, %parallel_loop3A_591 : i32
        %parallel_loop3A_593 = arith.constant 48 : i32
        %parallel_loop3A_594 = arith.addi %parallel_loop3A_592, %parallel_loop3A_593 : i32
        %parallel_loop3A_595 = arith.index_cast %parallel_loop3A_594 : i32 to index
        %parallel_loop3A_596 = tpu.vector_load %arg8[%parallel_loop3A_595] {strides = array<i32>} : memref<16704xf32, #tpu.memory_space<vmem>>, vector<16xf32>,
        tpu.vector_store %arg8[%parallel_loop3A_595], %parallel_loop3A_388 {strides = array<i32>} : memref<16704xf32, #tpu.memory_space<vmem>>, vector<16xf32>,
        %parallel_loop3A_597 = arith.constant 4 : i32
        %parallel_loop3A_598 = arith.addi %parallel_loop3A_308, %parallel_loop3A_597 : i32
        %parallel_loop3A_599 = arith.constant 65 : i32
        %parallel_loop3A_600 = arith.muli %parallel_loop3A_598, %parallel_loop3A_599 : i32
        %parallel_loop3A_601 = arith.constant 0 : i32
        %parallel_loop3A_602 = arith.addi %parallel_loop3A_600, %parallel_loop3A_601 : i32
        %parallel_loop3A_603 = arith.index_cast %parallel_loop3A_602 : i32 to index
        %parallel_loop3A_604 = tpu.vector_load %arg8[%parallel_loop3A_603] {strides = array<i32>} : memref<16704xf32, #tpu.memory_space<vmem>>, vector<16xf32>,
        tpu.vector_store %arg8[%parallel_loop3A_603], %parallel_loop3A_393 {strides = array<i32>} : memref<16704xf32, #tpu.memory_space<vmem>>, vector<16xf32>,
        %parallel_loop3A_605 = arith.constant 4 : i32
        %parallel_loop3A_606 = arith.addi %parallel_loop3A_308, %parallel_loop3A_605 : i32
        %parallel_loop3A_607 = arith.constant 65 : i32
        %parallel_loop3A_608 = arith.muli %parallel_loop3A_606, %parallel_loop3A_607 : i32
        %parallel_loop3A_609 = arith.constant 16 : i32
        %parallel_loop3A_610 = arith.addi %parallel_loop3A_608, %parallel_loop3A_609 : i32
        %parallel_loop3A_611 = arith.index_cast %parallel_loop3A_610 : i32 to index
        %parallel_loop3A_612 = tpu.vector_load %arg8[%parallel_loop3A_611] {strides = array<i32>} : memref<16704xf32, #tpu.memory_space<vmem>>, vector<16xf32>,
        tpu.vector_store %arg8[%parallel_loop3A_611], %parallel_loop3A_398 {strides = array<i32>} : memref<16704xf32, #tpu.memory_space<vmem>>, vector<16xf32>,
        %parallel_loop3A_613 = arith.constant 4 : i32
        %parallel_loop3A_614 = arith.addi %parallel_loop3A_308, %parallel_loop3A_613 : i32
        %parallel_loop3A_615 = arith.constant 65 : i32
        %parallel_loop3A_616 = arith.muli %parallel_loop3A_614, %parallel_loop3A_615 : i32
        %parallel_loop3A_617 = arith.constant 32 : i32
        %parallel_loop3A_618 = arith.addi %parallel_loop3A_616, %parallel_loop3A_617 : i32
        %parallel_loop3A_619 = arith.index_cast %parallel_loop3A_618 : i32 to index
        %parallel_loop3A_620 = tpu.vector_load %arg8[%parallel_loop3A_619] {strides = array<i32>} : memref<16704xf32, #tpu.memory_space<vmem>>, vector<16xf32>,
        tpu.vector_store %arg8[%parallel_loop3A_619], %parallel_loop3A_403 {strides = array<i32>} : memref<16704xf32, #tpu.memory_space<vmem>>, vector<16xf32>,
        %parallel_loop3A_621 = arith.constant 4 : i32
        %parallel_loop3A_622 = arith.addi %parallel_loop3A_308, %parallel_loop3A_621 : i32
        %parallel_loop3A_623 = arith.constant 65 : i32
        %parallel_loop3A_624 = arith.muli %parallel_loop3A_622, %parallel_loop3A_623 : i32
        %parallel_loop3A_625 = arith.constant 48 : i32
        %parallel_loop3A_626 = arith.addi %parallel_loop3A_624, %parallel_loop3A_625 : i32
        %parallel_loop3A_627 = arith.index_cast %parallel_loop3A_626 : i32 to index
        %parallel_loop3A_628 = tpu.vector_load %arg8[%parallel_loop3A_627] {strides = array<i32>} : memref<16704xf32, #tpu.memory_space<vmem>>, vector<16xf32>,
        tpu.vector_store %arg8[%parallel_loop3A_627], %parallel_loop3A_408 {strides = array<i32>} : memref<16704xf32, #tpu.memory_space<vmem>>, vector<16xf32>,
        %parallel_loop3A_629 = arith.constant 5 : i32
        %parallel_loop3A_630 = arith.addi %parallel_loop3A_308, %parallel_loop3A_629 : i32
        %parallel_loop3A_631 = arith.constant 65 : i32
        %parallel_loop3A_632 = arith.muli %parallel_loop3A_630, %parallel_loop3A_631 : i32
        %parallel_loop3A_633 = arith.constant 0 : i32
        %parallel_loop3A_634 = arith.addi %parallel_loop3A_632, %parallel_loop3A_633 : i32
        %parallel_loop3A_635 = arith.index_cast %parallel_loop3A_634 : i32 to index
        %parallel_loop3A_636 = tpu.vector_load %arg8[%parallel_loop3A_635] {strides = array<i32>} : memref<16704xf32, #tpu.memory_space<vmem>>, vector<16xf32>,
        tpu.vector_store %arg8[%parallel_loop3A_635], %parallel_loop3A_413 {strides = array<i32>} : memref<16704xf32, #tpu.memory_space<vmem>>, vector<16xf32>,
        %parallel_loop3A_637 = arith.constant 5 : i32
        %parallel_loop3A_638 = arith.addi %parallel_loop3A_308, %parallel_loop3A_637 : i32
        %parallel_loop3A_639 = arith.constant 65 : i32
        %parallel_loop3A_640 = arith.muli %parallel_loop3A_638, %parallel_loop3A_639 : i32
        %parallel_loop3A_641 = arith.constant 16 : i32
        %parallel_loop3A_642 = arith.addi %parallel_loop3A_640, %parallel_loop3A_641 : i32
        %parallel_loop3A_643 = arith.index_cast %parallel_loop3A_642 : i32 to index
        %parallel_loop3A_644 = tpu.vector_load %arg8[%parallel_loop3A_643] {strides = array<i32>} : memref<16704xf32, #tpu.memory_space<vmem>>, vector<16xf32>,
        tpu.vector_store %arg8[%parallel_loop3A_643], %parallel_loop3A_418 {strides = array<i32>} : memref<16704xf32, #tpu.memory_space<vmem>>, vector<16xf32>,
        %parallel_loop3A_645 = arith.constant 5 : i32
        %parallel_loop3A_646 = arith.addi %parallel_loop3A_308, %parallel_loop3A_645 : i32
        %parallel_loop3A_647 = arith.constant 65 : i32
        %parallel_loop3A_648 = arith.muli %parallel_loop3A_646, %parallel_loop3A_647 : i32
        %parallel_loop3A_649 = arith.constant 32 : i32
        %parallel_loop3A_650 = arith.addi %parallel_loop3A_648, %parallel_loop3A_649 : i32
        %parallel_loop3A_651 = arith.index_cast %parallel_loop3A_650 : i32 to index
        %parallel_loop3A_652 = tpu.vector_load %arg8[%parallel_loop3A_651] {strides = array<i32>} : memref<16704xf32, #tpu.memory_space<vmem>>, vector<16xf32>,
        tpu.vector_store %arg8[%parallel_loop3A_651], %parallel_loop3A_423 {strides = array<i32>} : memref<16704xf32, #tpu.memory_space<vmem>>, vector<16xf32>,
        %parallel_loop3A_653 = arith.constant 5 : i32
        %parallel_loop3A_654 = arith.addi %parallel_loop3A_308, %parallel_loop3A_653 : i32
        %parallel_loop3A_655 = arith.constant 65 : i32
        %parallel_loop3A_656 = arith.muli %parallel_loop3A_654, %parallel_loop3A_655 : i32
        %parallel_loop3A_657 = arith.constant 48 : i32
        %parallel_loop3A_658 = arith.addi %parallel_loop3A_656, %parallel_loop3A_657 : i32
        %parallel_loop3A_659 = arith.index_cast %parallel_loop3A_658 : i32 to index
        %parallel_loop3A_660 = tpu.vector_load %arg8[%parallel_loop3A_659] {strides = array<i32>} : memref<16704xf32, #tpu.memory_space<vmem>>, vector<16xf32>,
        tpu.vector_store %arg8[%parallel_loop3A_659], %parallel_loop3A_428 {strides = array<i32>} : memref<16704xf32, #tpu.memory_space<vmem>>, vector<16xf32>,
        %parallel_loop3A_661 = arith.constant 6 : i32
        %parallel_loop3A_662 = arith.addi %parallel_loop3A_308, %parallel_loop3A_661 : i32
        %parallel_loop3A_663 = arith.constant 65 : i32
        %parallel_loop3A_664 = arith.muli %parallel_loop3A_662, %parallel_loop3A_663 : i32
        %parallel_loop3A_665 = arith.constant 0 : i32
        %parallel_loop3A_666 = arith.addi %parallel_loop3A_664, %parallel_loop3A_665 : i32
        %parallel_loop3A_667 = arith.index_cast %parallel_loop3A_666 : i32 to index
        %parallel_loop3A_668 = tpu.vector_load %arg8[%parallel_loop3A_667] {strides = array<i32>} : memref<16704xf32, #tpu.memory_space<vmem>>, vector<16xf32>,
        tpu.vector_store %arg8[%parallel_loop3A_667], %parallel_loop3A_433 {strides = array<i32>} : memref<16704xf32, #tpu.memory_space<vmem>>, vector<16xf32>,
        %parallel_loop3A_669 = arith.constant 6 : i32
        %parallel_loop3A_670 = arith.addi %parallel_loop3A_308, %parallel_loop3A_669 : i32
        %parallel_loop3A_671 = arith.constant 65 : i32
        %parallel_loop3A_672 = arith.muli %parallel_loop3A_670, %parallel_loop3A_671 : i32
        %parallel_loop3A_673 = arith.constant 16 : i32
        %parallel_loop3A_674 = arith.addi %parallel_loop3A_672, %parallel_loop3A_673 : i32
        %parallel_loop3A_675 = arith.index_cast %parallel_loop3A_674 : i32 to index
        %parallel_loop3A_676 = tpu.vector_load %arg8[%parallel_loop3A_675] {strides = array<i32>} : memref<16704xf32, #tpu.memory_space<vmem>>, vector<16xf32>,
        tpu.vector_store %arg8[%parallel_loop3A_675], %parallel_loop3A_438 {strides = array<i32>} : memref<16704xf32, #tpu.memory_space<vmem>>, vector<16xf32>,
        %parallel_loop3A_677 = arith.constant 6 : i32
        %parallel_loop3A_678 = arith.addi %parallel_loop3A_308, %parallel_loop3A_677 : i32
        %parallel_loop3A_679 = arith.constant 65 : i32
        %parallel_loop3A_680 = arith.muli %parallel_loop3A_678, %parallel_loop3A_679 : i32
        %parallel_loop3A_681 = arith.constant 32 : i32
        %parallel_loop3A_682 = arith.addi %parallel_loop3A_680, %parallel_loop3A_681 : i32
        %parallel_loop3A_683 = arith.index_cast %parallel_loop3A_682 : i32 to index
        %parallel_loop3A_684 = tpu.vector_load %arg8[%parallel_loop3A_683] {strides = array<i32>} : memref<16704xf32, #tpu.memory_space<vmem>>, vector<16xf32>,
        tpu.vector_store %arg8[%parallel_loop3A_683], %parallel_loop3A_443 {strides = array<i32>} : memref<16704xf32, #tpu.memory_space<vmem>>, vector<16xf32>,
        %parallel_loop3A_685 = arith.constant 6 : i32
        %parallel_loop3A_686 = arith.addi %parallel_loop3A_308, %parallel_loop3A_685 : i32
        %parallel_loop3A_687 = arith.constant 65 : i32
        %parallel_loop3A_688 = arith.muli %parallel_loop3A_686, %parallel_loop3A_687 : i32
        %parallel_loop3A_689 = arith.constant 48 : i32
        %parallel_loop3A_690 = arith.addi %parallel_loop3A_688, %parallel_loop3A_689 : i32
        %parallel_loop3A_691 = arith.index_cast %parallel_loop3A_690 : i32 to index
        %parallel_loop3A_692 = tpu.vector_load %arg8[%parallel_loop3A_691] {strides = array<i32>} : memref<16704xf32, #tpu.memory_space<vmem>>, vector<16xf32>,
        tpu.vector_store %arg8[%parallel_loop3A_691], %parallel_loop3A_448 {strides = array<i32>} : memref<16704xf32, #tpu.memory_space<vmem>>, vector<16xf32>,
        %parallel_loop3A_693 = arith.constant 7 : i32
        %parallel_loop3A_694 = arith.addi %parallel_loop3A_308, %parallel_loop3A_693 : i32
        %parallel_loop3A_695 = arith.constant 65 : i32
        %parallel_loop3A_696 = arith.muli %parallel_loop3A_694, %parallel_loop3A_695 : i32
        %parallel_loop3A_697 = arith.constant 0 : i32
        %parallel_loop3A_698 = arith.addi %parallel_loop3A_696, %parallel_loop3A_697 : i32
        %parallel_loop3A_699 = arith.index_cast %parallel_loop3A_698 : i32 to index
        %parallel_loop3A_700 = tpu.vector_load %arg8[%parallel_loop3A_699] {strides = array<i32>} : memref<16704xf32, #tpu.memory_space<vmem>>, vector<16xf32>,
        tpu.vector_store %arg8[%parallel_loop3A_699], %parallel_loop3A_453 {strides = array<i32>} : memref<16704xf32, #tpu.memory_space<vmem>>, vector<16xf32>,
        %parallel_loop3A_701 = arith.constant 7 : i32
        %parallel_loop3A_702 = arith.addi %parallel_loop3A_308, %parallel_loop3A_701 : i32
        %parallel_loop3A_703 = arith.constant 65 : i32
        %parallel_loop3A_704 = arith.muli %parallel_loop3A_702, %parallel_loop3A_703 : i32
        %parallel_loop3A_705 = arith.constant 16 : i32
        %parallel_loop3A_706 = arith.addi %parallel_loop3A_704, %parallel_loop3A_705 : i32
        %parallel_loop3A_707 = arith.index_cast %parallel_loop3A_706 : i32 to index
        %parallel_loop3A_708 = tpu.vector_load %arg8[%parallel_loop3A_707] {strides = array<i32>} : memref<16704xf32, #tpu.memory_space<vmem>>, vector<16xf32>,
        tpu.vector_store %arg8[%parallel_loop3A_707], %parallel_loop3A_458 {strides = array<i32>} : memref<16704xf32, #tpu.memory_space<vmem>>, vector<16xf32>,
        %parallel_loop3A_709 = arith.constant 7 : i32
        %parallel_loop3A_710 = arith.addi %parallel_loop3A_308, %parallel_loop3A_709 : i32
        %parallel_loop3A_711 = arith.constant 65 : i32
        %parallel_loop3A_712 = arith.muli %parallel_loop3A_710, %parallel_loop3A_711 : i32
        %parallel_loop3A_713 = arith.constant 32 : i32
        %parallel_loop3A_714 = arith.addi %parallel_loop3A_712, %parallel_loop3A_713 : i32
        %parallel_loop3A_715 = arith.index_cast %parallel_loop3A_714 : i32 to index
        %parallel_loop3A_716 = tpu.vector_load %arg8[%parallel_loop3A_715] {strides = array<i32>} : memref<16704xf32, #tpu.memory_space<vmem>>, vector<16xf32>,
        tpu.vector_store %arg8[%parallel_loop3A_715], %parallel_loop3A_463 {strides = array<i32>} : memref<16704xf32, #tpu.memory_space<vmem>>, vector<16xf32>,
        %parallel_loop3A_717 = arith.constant 7 : i32
        %parallel_loop3A_718 = arith.addi %parallel_loop3A_308, %parallel_loop3A_717 : i32
        %parallel_loop3A_719 = arith.constant 65 : i32
        %parallel_loop3A_720 = arith.muli %parallel_loop3A_718, %parallel_loop3A_719 : i32
        %parallel_loop3A_721 = arith.constant 48 : i32
        %parallel_loop3A_722 = arith.addi %parallel_loop3A_720, %parallel_loop3A_721 : i32
        %parallel_loop3A_723 = arith.index_cast %parallel_loop3A_722 : i32 to index
        %parallel_loop3A_724 = tpu.vector_load %arg8[%parallel_loop3A_723] {strides = array<i32>} : memref<16704xf32, #tpu.memory_space<vmem>>, vector<16xf32>,
        tpu.vector_store %arg8[%parallel_loop3A_723], %parallel_loop3A_468 {strides = array<i32>} : memref<16704xf32, #tpu.memory_space<vmem>>, vector<16xf32>,
      } {sc.loop_unroll_factor = 1 : i64, sc.parallel_access}
      %parallel_loop3A_248 = arith.constant 0 : i32
      %parallel_loop3A_249 = arith.constant 16 : i32
      %parallel_loop3A_250 = arith.constant 1 : i32
      scf.for %parallel_loop3A_306 = %parallel_loop3A_248 to %parallel_loop3A_249 step %parallel_loop3A_250  : i32 {
        %parallel_loop3A_307 = arith.constant 3 : i32
        %parallel_loop3A_308 = arith.shrsi %parallel_loop3A_306, %parallel_loop3A_307 : i32
        %parallel_loop3A_309 = arith.constant 7 : i32
        %parallel_loop3A_310 = arith.andi %parallel_loop3A_306, %parallel_loop3A_309 : i32
        %parallel_loop3A_311 = arith.constant 128 : i32
        %parallel_loop3A_312 = arith.muli %parallel_loop3A_308, %parallel_loop3A_311 : i32
        %parallel_loop3A_313 = arith.constant 16 : i32
        %parallel_loop3A_314 = arith.muli %parallel_loop3A_310, %parallel_loop3A_313 : i32
        %parallel_loop3A_315 = arith.addi %parallel_loop3A_312, %parallel_loop3A_314 : i32
        %parallel_loop3A_316 = arith.constant 65 : i32
        %parallel_loop3A_317 = arith.muli %parallel_loop3A_315, %parallel_loop3A_316 : i32
        %parallel_loop3A_318 = tpu.assume_multiple %parallel_loop3A_317, 8 : i32
        %parallel_loop3A_319 = arith.constant 16 : i32
        %parallel_loop3A_320 = arith.muli %parallel_loop3A_310, %parallel_loop3A_319 : i32
        %parallel_loop3A_321 = arith.constant 0 : i32
        %parallel_loop3A_322 = arith.addi %parallel_loop3A_318, %parallel_loop3A_321 : i32
        %parallel_loop3A_323 = arith.constant 0 : i32
        %parallel_loop3A_324 = arith.addi %parallel_loop3A_318, %parallel_loop3A_323 : i32
        %parallel_loop3A_325 = arith.constant 8 : i32
        %parallel_loop3A_326 = arith.addi %parallel_loop3A_324, %parallel_loop3A_325 : i32
        %parallel_loop3A_327 = tpu.memref_slice %arg8[%parallel_loop3A_322] : memref<16704xf32, #tpu.memory_space<vmem>> -> memref<1024xf32, #tpu.memory_space<vmem>>
        %parallel_loop3A_328 = tpu.vector_load_idx %parallel_loop3A_327[%add3A_8] : memref<1024xf32, #tpu.memory_space<vmem>>[vector<16xi32>], vector<16xf32>,
        %parallel_loop3A_329 = tpu.memref_slice %arg8[%parallel_loop3A_322] : memref<16704xf32, #tpu.memory_space<vmem>> -> memref<1024xf32, #tpu.memory_space<vmem>>
        %parallel_loop3A_330 = tpu.vector_load_idx %parallel_loop3A_329[%add3A_14] : memref<1024xf32, #tpu.memory_space<vmem>>[vector<16xi32>], vector<16xf32>,
        %parallel_loop3A_331 = tpu.memref_slice %arg8[%parallel_loop3A_322] : memref<16704xf32, #tpu.memory_space<vmem>> -> memref<1024xf32, #tpu.memory_space<vmem>>
        %parallel_loop3A_332 = tpu.vector_load_idx %parallel_loop3A_331[%add3A_20] : memref<1024xf32, #tpu.memory_space<vmem>>[vector<16xi32>], vector<16xf32>,
        %parallel_loop3A_333 = tpu.memref_slice %arg8[%parallel_loop3A_322] : memref<16704xf32, #tpu.memory_space<vmem>> -> memref<1024xf32, #tpu.memory_space<vmem>>
        %parallel_loop3A_334 = tpu.vector_load_idx %parallel_loop3A_333[%add3A_26] : memref<1024xf32, #tpu.memory_space<vmem>>[vector<16xi32>], vector<16xf32>,
        %parallel_loop3A_335 = tpu.memref_slice %arg8[%parallel_loop3A_322] : memref<16704xf32, #tpu.memory_space<vmem>> -> memref<1024xf32, #tpu.memory_space<vmem>>
        %parallel_loop3A_336 = tpu.vector_load_idx %parallel_loop3A_335[%add3A_32] : memref<1024xf32, #tpu.memory_space<vmem>>[vector<16xi32>], vector<16xf32>,
        %parallel_loop3A_337 = tpu.memref_slice %arg8[%parallel_loop3A_322] : memref<16704xf32, #tpu.memory_space<vmem>> -> memref<1024xf32, #tpu.memory_space<vmem>>
        %parallel_loop3A_338 = tpu.vector_load_idx %parallel_loop3A_337[%add3A_38] : memref<1024xf32, #tpu.memory_space<vmem>>[vector<16xi32>], vector<16xf32>,
        %parallel_loop3A_339 = tpu.memref_slice %arg8[%parallel_loop3A_322] : memref<16704xf32, #tpu.memory_space<vmem>> -> memref<1024xf32, #tpu.memory_space<vmem>>
        %parallel_loop3A_340 = tpu.vector_load_idx %parallel_loop3A_339[%add3A_44] : memref<1024xf32, #tpu.memory_space<vmem>>[vector<16xi32>], vector<16xf32>,
        %parallel_loop3A_341 = tpu.memref_slice %arg8[%parallel_loop3A_322] : memref<16704xf32, #tpu.memory_space<vmem>> -> memref<1024xf32, #tpu.memory_space<vmem>>
        %parallel_loop3A_342 = tpu.vector_load_idx %parallel_loop3A_341[%add3A_50] : memref<1024xf32, #tpu.memory_space<vmem>>[vector<16xi32>], vector<16xf32>,
        %parallel_loop3A_343 = tpu.memref_slice %arg8[%parallel_loop3A_326] : memref<16704xf32, #tpu.memory_space<vmem>> -> memref<1024xf32, #tpu.memory_space<vmem>>
        %parallel_loop3A_344 = tpu.vector_load_idx %parallel_loop3A_343[%add3A_8] : memref<1024xf32, #tpu.memory_space<vmem>>[vector<16xi32>], vector<16xf32>,
        %parallel_loop3A_345 = tpu.memref_slice %arg8[%parallel_loop3A_326] : memref<16704xf32, #tpu.memory_space<vmem>> -> memref<1024xf32, #tpu.memory_space<vmem>>
        %parallel_loop3A_346 = tpu.vector_load_idx %parallel_loop3A_345[%add3A_14] : memref<1024xf32, #tpu.memory_space<vmem>>[vector<16xi32>], vector<16xf32>,
        %parallel_loop3A_347 = tpu.memref_slice %arg8[%parallel_loop3A_326] : memref<16704xf32, #tpu.memory_space<vmem>> -> memref<1024xf32, #tpu.memory_space<vmem>>
        %parallel_loop3A_348 = tpu.vector_load_idx %parallel_loop3A_347[%add3A_20] : memref<1024xf32, #tpu.memory_space<vmem>>[vector<16xi32>], vector<16xf32>,
        %parallel_loop3A_349 = tpu.memref_slice %arg8[%parallel_loop3A_326] : memref<16704xf32, #tpu.memory_space<vmem>> -> memref<1024xf32, #tpu.memory_space<vmem>>
        %parallel_loop3A_350 = tpu.vector_load_idx %parallel_loop3A_349[%add3A_26] : memref<1024xf32, #tpu.memory_space<vmem>>[vector<16xi32>], vector<16xf32>,
        %parallel_loop3A_351 = tpu.memref_slice %arg8[%parallel_loop3A_326] : memref<16704xf32, #tpu.memory_space<vmem>> -> memref<1024xf32, #tpu.memory_space<vmem>>
        %parallel_loop3A_352 = tpu.vector_load_idx %parallel_loop3A_351[%add3A_32] : memref<1024xf32, #tpu.memory_space<vmem>>[vector<16xi32>], vector<16xf32>,
        %parallel_loop3A_353 = tpu.memref_slice %arg8[%parallel_loop3A_326] : memref<16704xf32, #tpu.memory_space<vmem>> -> memref<1024xf32, #tpu.memory_space<vmem>>
        %parallel_loop3A_354 = tpu.vector_load_idx %parallel_loop3A_353[%add3A_38] : memref<1024xf32, #tpu.memory_space<vmem>>[vector<16xi32>], vector<16xf32>,
        %parallel_loop3A_355 = tpu.memref_slice %arg8[%parallel_loop3A_326] : memref<16704xf32, #tpu.memory_space<vmem>> -> memref<1024xf32, #tpu.memory_space<vmem>>
        %parallel_loop3A_356 = tpu.vector_load_idx %parallel_loop3A_355[%add3A_44] : memref<1024xf32, #tpu.memory_space<vmem>>[vector<16xi32>], vector<16xf32>,
        %parallel_loop3A_357 = tpu.memref_slice %arg8[%parallel_loop3A_326] : memref<16704xf32, #tpu.memory_space<vmem>> -> memref<1024xf32, #tpu.memory_space<vmem>>
        %parallel_loop3A_358 = tpu.vector_load_idx %parallel_loop3A_357[%add3A_50] : memref<1024xf32, #tpu.memory_space<vmem>>[vector<16xi32>], vector<16xf32>,
        %parallel_loop3A_359 = arith.constant 0 : i32
        %parallel_loop3A_360 = arith.constant 0 : i32
        %parallel_loop3A_361 = arith.index_cast %parallel_loop3A_359 : i32 to index
        %parallel_loop3A_362 = arith.index_cast %parallel_loop3A_308 : i32 to index
        %parallel_loop3A_363 = arith.index_cast %parallel_loop3A_360 : i32 to index
        %parallel_loop3A_364 = arith.index_cast %parallel_loop3A_320 : i32 to index
        %parallel_loop3A_365 = tpu.vector_load %arg10[%parallel_loop3A_361, %parallel_loop3A_362, %parallel_loop3A_363, %parallel_loop3A_364] {strides = array<i32>} : memref<8x2x8x128xf32, #tpu.memory_space<vmem>>, vector<16xf32>,
        tpu.vector_store %arg10[%parallel_loop3A_361, %parallel_loop3A_362, %parallel_loop3A_363, %parallel_loop3A_364], %parallel_loop3A_328 {strides = array<i32>} : memref<8x2x8x128xf32, #tpu.memory_space<vmem>>, vector<16xf32>,
        %parallel_loop3A_366 = arith.constant 0 : i32
        %parallel_loop3A_367 = arith.constant 1 : i32
        %parallel_loop3A_368 = arith.index_cast %parallel_loop3A_366 : i32 to index
        %parallel_loop3A_369 = arith.index_cast %parallel_loop3A_308 : i32 to index
        %parallel_loop3A_370 = arith.index_cast %parallel_loop3A_367 : i32 to index
        %parallel_loop3A_371 = arith.index_cast %parallel_loop3A_320 : i32 to index
        %parallel_loop3A_372 = tpu.vector_load %arg10[%parallel_loop3A_368, %parallel_loop3A_369, %parallel_loop3A_370, %parallel_loop3A_371] {strides = array<i32>} : memref<8x2x8x128xf32, #tpu.memory_space<vmem>>, vector<16xf32>,
        tpu.vector_store %arg10[%parallel_loop3A_368, %parallel_loop3A_369, %parallel_loop3A_370, %parallel_loop3A_371], %parallel_loop3A_330 {strides = array<i32>} : memref<8x2x8x128xf32, #tpu.memory_space<vmem>>, vector<16xf32>,
        %parallel_loop3A_373 = arith.constant 0 : i32
        %parallel_loop3A_374 = arith.constant 2 : i32
        %parallel_loop3A_375 = arith.index_cast %parallel_loop3A_373 : i32 to index
        %parallel_loop3A_376 = arith.index_cast %parallel_loop3A_308 : i32 to index
        %parallel_loop3A_377 = arith.index_cast %parallel_loop3A_374 : i32 to index
        %parallel_loop3A_378 = arith.index_cast %parallel_loop3A_320 : i32 to index
        %parallel_loop3A_379 = tpu.vector_load %arg10[%parallel_loop3A_375, %parallel_loop3A_376, %parallel_loop3A_377, %parallel_loop3A_378] {strides = array<i32>} : memref<8x2x8x128xf32, #tpu.memory_space<vmem>>, vector<16xf32>,
        tpu.vector_store %arg10[%parallel_loop3A_375, %parallel_loop3A_376, %parallel_loop3A_377, %parallel_loop3A_378], %parallel_loop3A_332 {strides = array<i32>} : memref<8x2x8x128xf32, #tpu.memory_space<vmem>>, vector<16xf32>,
        %parallel_loop3A_380 = arith.constant 0 : i32
        %parallel_loop3A_381 = arith.constant 3 : i32
        %parallel_loop3A_382 = arith.index_cast %parallel_loop3A_380 : i32 to index
        %parallel_loop3A_383 = arith.index_cast %parallel_loop3A_308 : i32 to index
        %parallel_loop3A_384 = arith.index_cast %parallel_loop3A_381 : i32 to index
        %parallel_loop3A_385 = arith.index_cast %parallel_loop3A_320 : i32 to index
        %parallel_loop3A_386 = tpu.vector_load %arg10[%parallel_loop3A_382, %parallel_loop3A_383, %parallel_loop3A_384, %parallel_loop3A_385] {strides = array<i32>} : memref<8x2x8x128xf32, #tpu.memory_space<vmem>>, vector<16xf32>,
        tpu.vector_store %arg10[%parallel_loop3A_382, %parallel_loop3A_383, %parallel_loop3A_384, %parallel_loop3A_385], %parallel_loop3A_334 {strides = array<i32>} : memref<8x2x8x128xf32, #tpu.memory_space<vmem>>, vector<16xf32>,
        %parallel_loop3A_387 = arith.constant 0 : i32
        %parallel_loop3A_388 = arith.constant 4 : i32
        %parallel_loop3A_389 = arith.index_cast %parallel_loop3A_387 : i32 to index
        %parallel_loop3A_390 = arith.index_cast %parallel_loop3A_308 : i32 to index
        %parallel_loop3A_391 = arith.index_cast %parallel_loop3A_388 : i32 to index
        %parallel_loop3A_392 = arith.index_cast %parallel_loop3A_320 : i32 to index
        %parallel_loop3A_393 = tpu.vector_load %arg10[%parallel_loop3A_389, %parallel_loop3A_390, %parallel_loop3A_391, %parallel_loop3A_392] {strides = array<i32>} : memref<8x2x8x128xf32, #tpu.memory_space<vmem>>, vector<16xf32>,
        tpu.vector_store %arg10[%parallel_loop3A_389, %parallel_loop3A_390, %parallel_loop3A_391, %parallel_loop3A_392], %parallel_loop3A_336 {strides = array<i32>} : memref<8x2x8x128xf32, #tpu.memory_space<vmem>>, vector<16xf32>,
        %parallel_loop3A_394 = arith.constant 0 : i32
        %parallel_loop3A_395 = arith.constant 5 : i32
        %parallel_loop3A_396 = arith.index_cast %parallel_loop3A_394 : i32 to index
        %parallel_loop3A_397 = arith.index_cast %parallel_loop3A_308 : i32 to index
        %parallel_loop3A_398 = arith.index_cast %parallel_loop3A_395 : i32 to index
        %parallel_loop3A_399 = arith.index_cast %parallel_loop3A_320 : i32 to index
        %parallel_loop3A_400 = tpu.vector_load %arg10[%parallel_loop3A_396, %parallel_loop3A_397, %parallel_loop3A_398, %parallel_loop3A_399] {strides = array<i32>} : memref<8x2x8x128xf32, #tpu.memory_space<vmem>>, vector<16xf32>,
        tpu.vector_store %arg10[%parallel_loop3A_396, %parallel_loop3A_397, %parallel_loop3A_398, %parallel_loop3A_399], %parallel_loop3A_338 {strides = array<i32>} : memref<8x2x8x128xf32, #tpu.memory_space<vmem>>, vector<16xf32>,
        %parallel_loop3A_401 = arith.constant 0 : i32
        %parallel_loop3A_402 = arith.constant 6 : i32
        %parallel_loop3A_403 = arith.index_cast %parallel_loop3A_401 : i32 to index
        %parallel_loop3A_404 = arith.index_cast %parallel_loop3A_308 : i32 to index
        %parallel_loop3A_405 = arith.index_cast %parallel_loop3A_402 : i32 to index
        %parallel_loop3A_406 = arith.index_cast %parallel_loop3A_320 : i32 to index
        %parallel_loop3A_407 = tpu.vector_load %arg10[%parallel_loop3A_403, %parallel_loop3A_404, %parallel_loop3A_405, %parallel_loop3A_406] {strides = array<i32>} : memref<8x2x8x128xf32, #tpu.memory_space<vmem>>, vector<16xf32>,
        tpu.vector_store %arg10[%parallel_loop3A_403, %parallel_loop3A_404, %parallel_loop3A_405, %parallel_loop3A_406], %parallel_loop3A_340 {strides = array<i32>} : memref<8x2x8x128xf32, #tpu.memory_space<vmem>>, vector<16xf32>,
        %parallel_loop3A_408 = arith.constant 0 : i32
        %parallel_loop3A_409 = arith.constant 7 : i32
        %parallel_loop3A_410 = arith.index_cast %parallel_loop3A_408 : i32 to index
        %parallel_loop3A_411 = arith.index_cast %parallel_loop3A_308 : i32 to index
        %parallel_loop3A_412 = arith.index_cast %parallel_loop3A_409 : i32 to index
        %parallel_loop3A_413 = arith.index_cast %parallel_loop3A_320 : i32 to index
        %parallel_loop3A_414 = tpu.vector_load %arg10[%parallel_loop3A_410, %parallel_loop3A_411, %parallel_loop3A_412, %parallel_loop3A_413] {strides = array<i32>} : memref<8x2x8x128xf32, #tpu.memory_space<vmem>>, vector<16xf32>,
        tpu.vector_store %arg10[%parallel_loop3A_410, %parallel_loop3A_411, %parallel_loop3A_412, %parallel_loop3A_413], %parallel_loop3A_342 {strides = array<i32>} : memref<8x2x8x128xf32, #tpu.memory_space<vmem>>, vector<16xf32>,
        %parallel_loop3A_415 = arith.constant 1 : i32
        %parallel_loop3A_416 = arith.constant 0 : i32
        %parallel_loop3A_417 = arith.index_cast %parallel_loop3A_415 : i32 to index
        %parallel_loop3A_418 = arith.index_cast %parallel_loop3A_308 : i32 to index
        %parallel_loop3A_419 = arith.index_cast %parallel_loop3A_416 : i32 to index
        %parallel_loop3A_420 = arith.index_cast %parallel_loop3A_320 : i32 to index
        %parallel_loop3A_421 = tpu.vector_load %arg10[%parallel_loop3A_417, %parallel_loop3A_418, %parallel_loop3A_419, %parallel_loop3A_420] {strides = array<i32>} : memref<8x2x8x128xf32, #tpu.memory_space<vmem>>, vector<16xf32>,
        tpu.vector_store %arg10[%parallel_loop3A_417, %parallel_loop3A_418, %parallel_loop3A_419, %parallel_loop3A_420], %parallel_loop3A_344 {strides = array<i32>} : memref<8x2x8x128xf32, #tpu.memory_space<vmem>>, vector<16xf32>,
        %parallel_loop3A_422 = arith.constant 1 : i32
        %parallel_loop3A_423 = arith.constant 1 : i32
        %parallel_loop3A_424 = arith.index_cast %parallel_loop3A_422 : i32 to index
        %parallel_loop3A_425 = arith.index_cast %parallel_loop3A_308 : i32 to index
        %parallel_loop3A_426 = arith.index_cast %parallel_loop3A_423 : i32 to index
        %parallel_loop3A_427 = arith.index_cast %parallel_loop3A_320 : i32 to index
        %parallel_loop3A_428 = tpu.vector_load %arg10[%parallel_loop3A_424, %parallel_loop3A_425, %parallel_loop3A_426, %parallel_loop3A_427] {strides = array<i32>} : memref<8x2x8x128xf32, #tpu.memory_space<vmem>>, vector<16xf32>,
        tpu.vector_store %arg10[%parallel_loop3A_424, %parallel_loop3A_425, %parallel_loop3A_426, %parallel_loop3A_427], %parallel_loop3A_346 {strides = array<i32>} : memref<8x2x8x128xf32, #tpu.memory_space<vmem>>, vector<16xf32>,
        %parallel_loop3A_429 = arith.constant 1 : i32
        %parallel_loop3A_430 = arith.constant 2 : i32
        %parallel_loop3A_431 = arith.index_cast %parallel_loop3A_429 : i32 to index
        %parallel_loop3A_432 = arith.index_cast %parallel_loop3A_308 : i32 to index
        %parallel_loop3A_433 = arith.index_cast %parallel_loop3A_430 : i32 to index
        %parallel_loop3A_434 = arith.index_cast %parallel_loop3A_320 : i32 to index
        %parallel_loop3A_435 = tpu.vector_load %arg10[%parallel_loop3A_431, %parallel_loop3A_432, %parallel_loop3A_433, %parallel_loop3A_434] {strides = array<i32>} : memref<8x2x8x128xf32, #tpu.memory_space<vmem>>, vector<16xf32>,
        tpu.vector_store %arg10[%parallel_loop3A_431, %parallel_loop3A_432, %parallel_loop3A_433, %parallel_loop3A_434], %parallel_loop3A_348 {strides = array<i32>} : memref<8x2x8x128xf32, #tpu.memory_space<vmem>>, vector<16xf32>,
        %parallel_loop3A_436 = arith.constant 1 : i32
        %parallel_loop3A_437 = arith.constant 3 : i32
        %parallel_loop3A_438 = arith.index_cast %parallel_loop3A_436 : i32 to index
        %parallel_loop3A_439 = arith.index_cast %parallel_loop3A_308 : i32 to index
        %parallel_loop3A_440 = arith.index_cast %parallel_loop3A_437 : i32 to index
        %parallel_loop3A_441 = arith.index_cast %parallel_loop3A_320 : i32 to index
        %parallel_loop3A_442 = tpu.vector_load %arg10[%parallel_loop3A_438, %parallel_loop3A_439, %parallel_loop3A_440, %parallel_loop3A_441] {strides = array<i32>} : memref<8x2x8x128xf32, #tpu.memory_space<vmem>>, vector<16xf32>,
        tpu.vector_store %arg10[%parallel_loop3A_438, %parallel_loop3A_439, %parallel_loop3A_440, %parallel_loop3A_441], %parallel_loop3A_350 {strides = array<i32>} : memref<8x2x8x128xf32, #tpu.memory_space<vmem>>, vector<16xf32>,
        %parallel_loop3A_443 = arith.constant 1 : i32
        %parallel_loop3A_444 = arith.constant 4 : i32
        %parallel_loop3A_445 = arith.index_cast %parallel_loop3A_443 : i32 to index
        %parallel_loop3A_446 = arith.index_cast %parallel_loop3A_308 : i32 to index
        %parallel_loop3A_447 = arith.index_cast %parallel_loop3A_444 : i32 to index
        %parallel_loop3A_448 = arith.index_cast %parallel_loop3A_320 : i32 to index
        %parallel_loop3A_449 = tpu.vector_load %arg10[%parallel_loop3A_445, %parallel_loop3A_446, %parallel_loop3A_447, %parallel_loop3A_448] {strides = array<i32>} : memref<8x2x8x128xf32, #tpu.memory_space<vmem>>, vector<16xf32>,
        tpu.vector_store %arg10[%parallel_loop3A_445, %parallel_loop3A_446, %parallel_loop3A_447, %parallel_loop3A_448], %parallel_loop3A_352 {strides = array<i32>} : memref<8x2x8x128xf32, #tpu.memory_space<vmem>>, vector<16xf32>,
        %parallel_loop3A_450 = arith.constant 1 : i32
        %parallel_loop3A_451 = arith.constant 5 : i32
        %parallel_loop3A_452 = arith.index_cast %parallel_loop3A_450 : i32 to index
        %parallel_loop3A_453 = arith.index_cast %parallel_loop3A_308 : i32 to index
        %parallel_loop3A_454 = arith.index_cast %parallel_loop3A_451 : i32 to index
        %parallel_loop3A_455 = arith.index_cast %parallel_loop3A_320 : i32 to index
        %parallel_loop3A_456 = tpu.vector_load %arg10[%parallel_loop3A_452, %parallel_loop3A_453, %parallel_loop3A_454, %parallel_loop3A_455] {strides = array<i32>} : memref<8x2x8x128xf32, #tpu.memory_space<vmem>>, vector<16xf32>,
        tpu.vector_store %arg10[%parallel_loop3A_452, %parallel_loop3A_453, %parallel_loop3A_454, %parallel_loop3A_455], %parallel_loop3A_354 {strides = array<i32>} : memref<8x2x8x128xf32, #tpu.memory_space<vmem>>, vector<16xf32>,
        %parallel_loop3A_457 = arith.constant 1 : i32
        %parallel_loop3A_458 = arith.constant 6 : i32
        %parallel_loop3A_459 = arith.index_cast %parallel_loop3A_457 : i32 to index
        %parallel_loop3A_460 = arith.index_cast %parallel_loop3A_308 : i32 to index
        %parallel_loop3A_461 = arith.index_cast %parallel_loop3A_458 : i32 to index
        %parallel_loop3A_462 = arith.index_cast %parallel_loop3A_320 : i32 to index
        %parallel_loop3A_463 = tpu.vector_load %arg10[%parallel_loop3A_459, %parallel_loop3A_460, %parallel_loop3A_461, %parallel_loop3A_462] {strides = array<i32>} : memref<8x2x8x128xf32, #tpu.memory_space<vmem>>, vector<16xf32>,
        tpu.vector_store %arg10[%parallel_loop3A_459, %parallel_loop3A_460, %parallel_loop3A_461, %parallel_loop3A_462], %parallel_loop3A_356 {strides = array<i32>} : memref<8x2x8x128xf32, #tpu.memory_space<vmem>>, vector<16xf32>,
        %parallel_loop3A_464 = arith.constant 1 : i32
        %parallel_loop3A_465 = arith.constant 7 : i32
        %parallel_loop3A_466 = arith.index_cast %parallel_loop3A_464 : i32 to index
        %parallel_loop3A_467 = arith.index_cast %parallel_loop3A_308 : i32 to index
        %parallel_loop3A_468 = arith.index_cast %parallel_loop3A_465 : i32 to index
        %parallel_loop3A_469 = arith.index_cast %parallel_loop3A_320 : i32 to index
        %parallel_loop3A_470 = tpu.vector_load %arg10[%parallel_loop3A_466, %parallel_loop3A_467, %parallel_loop3A_468, %parallel_loop3A_469] {strides = array<i32>} : memref<8x2x8x128xf32, #tpu.memory_space<vmem>>, vector<16xf32>,
        tpu.vector_store %arg10[%parallel_loop3A_466, %parallel_loop3A_467, %parallel_loop3A_468, %parallel_loop3A_469], %parallel_loop3A_358 {strides = array<i32>} : memref<8x2x8x128xf32, #tpu.memory_space<vmem>>, vector<16xf32>,
        %parallel_loop3A_471 = arith.constant 16 : i32
        %parallel_loop3A_472 = arith.addi %parallel_loop3A_318, %parallel_loop3A_471 : i32
        %parallel_loop3A_473 = arith.constant 16 : i32
        %parallel_loop3A_474 = arith.addi %parallel_loop3A_318, %parallel_loop3A_473 : i32
        %parallel_loop3A_475 = arith.constant 8 : i32
        %parallel_loop3A_476 = arith.addi %parallel_loop3A_474, %parallel_loop3A_475 : i32
        %parallel_loop3A_477 = tpu.memref_slice %arg8[%parallel_loop3A_472] : memref<16704xf32, #tpu.memory_space<vmem>> -> memref<1024xf32, #tpu.memory_space<vmem>>
        %parallel_loop3A_478 = tpu.vector_load_idx %parallel_loop3A_477[%add3A_8] : memref<1024xf32, #tpu.memory_space<vmem>>[vector<16xi32>], vector<16xf32>,
        %parallel_loop3A_479 = tpu.memref_slice %arg8[%parallel_loop3A_472] : memref<16704xf32, #tpu.memory_space<vmem>> -> memref<1024xf32, #tpu.memory_space<vmem>>
        %parallel_loop3A_480 = tpu.vector_load_idx %parallel_loop3A_479[%add3A_14] : memref<1024xf32, #tpu.memory_space<vmem>>[vector<16xi32>], vector<16xf32>,
        %parallel_loop3A_481 = tpu.memref_slice %arg8[%parallel_loop3A_472] : memref<16704xf32, #tpu.memory_space<vmem>> -> memref<1024xf32, #tpu.memory_space<vmem>>
        %parallel_loop3A_482 = tpu.vector_load_idx %parallel_loop3A_481[%add3A_20] : memref<1024xf32, #tpu.memory_space<vmem>>[vector<16xi32>], vector<16xf32>,
        %parallel_loop3A_483 = tpu.memref_slice %arg8[%parallel_loop3A_472] : memref<16704xf32, #tpu.memory_space<vmem>> -> memref<1024xf32, #tpu.memory_space<vmem>>
        %parallel_loop3A_484 = tpu.vector_load_idx %parallel_loop3A_483[%add3A_26] : memref<1024xf32, #tpu.memory_space<vmem>>[vector<16xi32>], vector<16xf32>,
        %parallel_loop3A_485 = tpu.memref_slice %arg8[%parallel_loop3A_472] : memref<16704xf32, #tpu.memory_space<vmem>> -> memref<1024xf32, #tpu.memory_space<vmem>>
        %parallel_loop3A_486 = tpu.vector_load_idx %parallel_loop3A_485[%add3A_32] : memref<1024xf32, #tpu.memory_space<vmem>>[vector<16xi32>], vector<16xf32>,
        %parallel_loop3A_487 = tpu.memref_slice %arg8[%parallel_loop3A_472] : memref<16704xf32, #tpu.memory_space<vmem>> -> memref<1024xf32, #tpu.memory_space<vmem>>
        %parallel_loop3A_488 = tpu.vector_load_idx %parallel_loop3A_487[%add3A_38] : memref<1024xf32, #tpu.memory_space<vmem>>[vector<16xi32>], vector<16xf32>,
        %parallel_loop3A_489 = tpu.memref_slice %arg8[%parallel_loop3A_472] : memref<16704xf32, #tpu.memory_space<vmem>> -> memref<1024xf32, #tpu.memory_space<vmem>>
        %parallel_loop3A_490 = tpu.vector_load_idx %parallel_loop3A_489[%add3A_44] : memref<1024xf32, #tpu.memory_space<vmem>>[vector<16xi32>], vector<16xf32>,
        %parallel_loop3A_491 = tpu.memref_slice %arg8[%parallel_loop3A_472] : memref<16704xf32, #tpu.memory_space<vmem>> -> memref<1024xf32, #tpu.memory_space<vmem>>
        %parallel_loop3A_492 = tpu.vector_load_idx %parallel_loop3A_491[%add3A_50] : memref<1024xf32, #tpu.memory_space<vmem>>[vector<16xi32>], vector<16xf32>,
        %parallel_loop3A_493 = tpu.memref_slice %arg8[%parallel_loop3A_476] : memref<16704xf32, #tpu.memory_space<vmem>> -> memref<1024xf32, #tpu.memory_space<vmem>>
        %parallel_loop3A_494 = tpu.vector_load_idx %parallel_loop3A_493[%add3A_8] : memref<1024xf32, #tpu.memory_space<vmem>>[vector<16xi32>], vector<16xf32>,
        %parallel_loop3A_495 = tpu.memref_slice %arg8[%parallel_loop3A_476] : memref<16704xf32, #tpu.memory_space<vmem>> -> memref<1024xf32, #tpu.memory_space<vmem>>
        %parallel_loop3A_496 = tpu.vector_load_idx %parallel_loop3A_495[%add3A_14] : memref<1024xf32, #tpu.memory_space<vmem>>[vector<16xi32>], vector<16xf32>,
        %parallel_loop3A_497 = tpu.memref_slice %arg8[%parallel_loop3A_476] : memref<16704xf32, #tpu.memory_space<vmem>> -> memref<1024xf32, #tpu.memory_space<vmem>>
        %parallel_loop3A_498 = tpu.vector_load_idx %parallel_loop3A_497[%add3A_20] : memref<1024xf32, #tpu.memory_space<vmem>>[vector<16xi32>], vector<16xf32>,
        %parallel_loop3A_499 = tpu.memref_slice %arg8[%parallel_loop3A_476] : memref<16704xf32, #tpu.memory_space<vmem>> -> memref<1024xf32, #tpu.memory_space<vmem>>
        %parallel_loop3A_500 = tpu.vector_load_idx %parallel_loop3A_499[%add3A_26] : memref<1024xf32, #tpu.memory_space<vmem>>[vector<16xi32>], vector<16xf32>,
        %parallel_loop3A_501 = tpu.memref_slice %arg8[%parallel_loop3A_476] : memref<16704xf32, #tpu.memory_space<vmem>> -> memref<1024xf32, #tpu.memory_space<vmem>>
        %parallel_loop3A_502 = tpu.vector_load_idx %parallel_loop3A_501[%add3A_32] : memref<1024xf32, #tpu.memory_space<vmem>>[vector<16xi32>], vector<16xf32>,
        %parallel_loop3A_503 = tpu.memref_slice %arg8[%parallel_loop3A_476] : memref<16704xf32, #tpu.memory_space<vmem>> -> memref<1024xf32, #tpu.memory_space<vmem>>
        %parallel_loop3A_504 = tpu.vector_load_idx %parallel_loop3A_503[%add3A_38] : memref<1024xf32, #tpu.memory_space<vmem>>[vector<16xi32>], vector<16xf32>,
        %parallel_loop3A_505 = tpu.memref_slice %arg8[%parallel_loop3A_476] : memref<16704xf32, #tpu.memory_space<vmem>> -> memref<1024xf32, #tpu.memory_space<vmem>>
        %parallel_loop3A_506 = tpu.vector_load_idx %parallel_loop3A_505[%add3A_44] : memref<1024xf32, #tpu.memory_space<vmem>>[vector<16xi32>], vector<16xf32>,
        %parallel_loop3A_507 = tpu.memref_slice %arg8[%parallel_loop3A_476] : memref<16704xf32, #tpu.memory_space<vmem>> -> memref<1024xf32, #tpu.memory_space<vmem>>
        %parallel_loop3A_508 = tpu.vector_load_idx %parallel_loop3A_507[%add3A_50] : memref<1024xf32, #tpu.memory_space<vmem>>[vector<16xi32>], vector<16xf32>,
        %parallel_loop3A_509 = arith.constant 2 : i32
        %parallel_loop3A_510 = arith.constant 0 : i32
        %parallel_loop3A_511 = arith.index_cast %parallel_loop3A_509 : i32 to index
        %parallel_loop3A_512 = arith.index_cast %parallel_loop3A_308 : i32 to index
        %parallel_loop3A_513 = arith.index_cast %parallel_loop3A_510 : i32 to index
        %parallel_loop3A_514 = arith.index_cast %parallel_loop3A_320 : i32 to index
        %parallel_loop3A_515 = tpu.vector_load %arg10[%parallel_loop3A_511, %parallel_loop3A_512, %parallel_loop3A_513, %parallel_loop3A_514] {strides = array<i32>} : memref<8x2x8x128xf32, #tpu.memory_space<vmem>>, vector<16xf32>,
        tpu.vector_store %arg10[%parallel_loop3A_511, %parallel_loop3A_512, %parallel_loop3A_513, %parallel_loop3A_514], %parallel_loop3A_478 {strides = array<i32>} : memref<8x2x8x128xf32, #tpu.memory_space<vmem>>, vector<16xf32>,
        %parallel_loop3A_516 = arith.constant 2 : i32
        %parallel_loop3A_517 = arith.constant 1 : i32
        %parallel_loop3A_518 = arith.index_cast %parallel_loop3A_516 : i32 to index
        %parallel_loop3A_519 = arith.index_cast %parallel_loop3A_308 : i32 to index
        %parallel_loop3A_520 = arith.index_cast %parallel_loop3A_517 : i32 to index
        %parallel_loop3A_521 = arith.index_cast %parallel_loop3A_320 : i32 to index
        %parallel_loop3A_522 = tpu.vector_load %arg10[%parallel_loop3A_518, %parallel_loop3A_519, %parallel_loop3A_520, %parallel_loop3A_521] {strides = array<i32>} : memref<8x2x8x128xf32, #tpu.memory_space<vmem>>, vector<16xf32>,
        tpu.vector_store %arg10[%parallel_loop3A_518, %parallel_loop3A_519, %parallel_loop3A_520, %parallel_loop3A_521], %parallel_loop3A_480 {strides = array<i32>} : memref<8x2x8x128xf32, #tpu.memory_space<vmem>>, vector<16xf32>,
        %parallel_loop3A_523 = arith.constant 2 : i32
        %parallel_loop3A_524 = arith.constant 2 : i32
        %parallel_loop3A_525 = arith.index_cast %parallel_loop3A_523 : i32 to index
        %parallel_loop3A_526 = arith.index_cast %parallel_loop3A_308 : i32 to index
        %parallel_loop3A_527 = arith.index_cast %parallel_loop3A_524 : i32 to index
        %parallel_loop3A_528 = arith.index_cast %parallel_loop3A_320 : i32 to index
        %parallel_loop3A_529 = tpu.vector_load %arg10[%parallel_loop3A_525, %parallel_loop3A_526, %parallel_loop3A_527, %parallel_loop3A_528] {strides = array<i32>} : memref<8x2x8x128xf32, #tpu.memory_space<vmem>>, vector<16xf32>,
        tpu.vector_store %arg10[%parallel_loop3A_525, %parallel_loop3A_526, %parallel_loop3A_527, %parallel_loop3A_528], %parallel_loop3A_482 {strides = array<i32>} : memref<8x2x8x128xf32, #tpu.memory_space<vmem>>, vector<16xf32>,
        %parallel_loop3A_530 = arith.constant 2 : i32
        %parallel_loop3A_531 = arith.constant 3 : i32
        %parallel_loop3A_532 = arith.index_cast %parallel_loop3A_530 : i32 to index
        %parallel_loop3A_533 = arith.index_cast %parallel_loop3A_308 : i32 to index
        %parallel_loop3A_534 = arith.index_cast %parallel_loop3A_531 : i32 to index
        %parallel_loop3A_535 = arith.index_cast %parallel_loop3A_320 : i32 to index
        %parallel_loop3A_536 = tpu.vector_load %arg10[%parallel_loop3A_532, %parallel_loop3A_533, %parallel_loop3A_534, %parallel_loop3A_535] {strides = array<i32>} : memref<8x2x8x128xf32, #tpu.memory_space<vmem>>, vector<16xf32>,
        tpu.vector_store %arg10[%parallel_loop3A_532, %parallel_loop3A_533, %parallel_loop3A_534, %parallel_loop3A_535], %parallel_loop3A_484 {strides = array<i32>} : memref<8x2x8x128xf32, #tpu.memory_space<vmem>>, vector<16xf32>,
        %parallel_loop3A_537 = arith.constant 2 : i32
        %parallel_loop3A_538 = arith.constant 4 : i32
        %parallel_loop3A_539 = arith.index_cast %parallel_loop3A_537 : i32 to index
        %parallel_loop3A_540 = arith.index_cast %parallel_loop3A_308 : i32 to index
        %parallel_loop3A_541 = arith.index_cast %parallel_loop3A_538 : i32 to index
        %parallel_loop3A_542 = arith.index_cast %parallel_loop3A_320 : i32 to index
        %parallel_loop3A_543 = tpu.vector_load %arg10[%parallel_loop3A_539, %parallel_loop3A_540, %parallel_loop3A_541, %parallel_loop3A_542] {strides = array<i32>} : memref<8x2x8x128xf32, #tpu.memory_space<vmem>>, vector<16xf32>,
        tpu.vector_store %arg10[%parallel_loop3A_539, %parallel_loop3A_540, %parallel_loop3A_541, %parallel_loop3A_542], %parallel_loop3A_486 {strides = array<i32>} : memref<8x2x8x128xf32, #tpu.memory_space<vmem>>, vector<16xf32>,
        %parallel_loop3A_544 = arith.constant 2 : i32
        %parallel_loop3A_545 = arith.constant 5 : i32
        %parallel_loop3A_546 = arith.index_cast %parallel_loop3A_544 : i32 to index
        %parallel_loop3A_547 = arith.index_cast %parallel_loop3A_308 : i32 to index
        %parallel_loop3A_548 = arith.index_cast %parallel_loop3A_545 : i32 to index
        %parallel_loop3A_549 = arith.index_cast %parallel_loop3A_320 : i32 to index
        %parallel_loop3A_550 = tpu.vector_load %arg10[%parallel_loop3A_546, %parallel_loop3A_547, %parallel_loop3A_548, %parallel_loop3A_549] {strides = array<i32>} : memref<8x2x8x128xf32, #tpu.memory_space<vmem>>, vector<16xf32>,
        tpu.vector_store %arg10[%parallel_loop3A_546, %parallel_loop3A_547, %parallel_loop3A_548, %parallel_loop3A_549], %parallel_loop3A_488 {strides = array<i32>} : memref<8x2x8x128xf32, #tpu.memory_space<vmem>>, vector<16xf32>,
        %parallel_loop3A_551 = arith.constant 2 : i32
        %parallel_loop3A_552 = arith.constant 6 : i32
        %parallel_loop3A_553 = arith.index_cast %parallel_loop3A_551 : i32 to index
        %parallel_loop3A_554 = arith.index_cast %parallel_loop3A_308 : i32 to index
        %parallel_loop3A_555 = arith.index_cast %parallel_loop3A_552 : i32 to index
        %parallel_loop3A_556 = arith.index_cast %parallel_loop3A_320 : i32 to index
        %parallel_loop3A_557 = tpu.vector_load %arg10[%parallel_loop3A_553, %parallel_loop3A_554, %parallel_loop3A_555, %parallel_loop3A_556] {strides = array<i32>} : memref<8x2x8x128xf32, #tpu.memory_space<vmem>>, vector<16xf32>,
        tpu.vector_store %arg10[%parallel_loop3A_553, %parallel_loop3A_554, %parallel_loop3A_555, %parallel_loop3A_556], %parallel_loop3A_490 {strides = array<i32>} : memref<8x2x8x128xf32, #tpu.memory_space<vmem>>, vector<16xf32>,
        %parallel_loop3A_558 = arith.constant 2 : i32
        %parallel_loop3A_559 = arith.constant 7 : i32
        %parallel_loop3A_560 = arith.index_cast %parallel_loop3A_558 : i32 to index
        %parallel_loop3A_561 = arith.index_cast %parallel_loop3A_308 : i32 to index
        %parallel_loop3A_562 = arith.index_cast %parallel_loop3A_559 : i32 to index
        %parallel_loop3A_563 = arith.index_cast %parallel_loop3A_320 : i32 to index
        %parallel_loop3A_564 = tpu.vector_load %arg10[%parallel_loop3A_560, %parallel_loop3A_561, %parallel_loop3A_562, %parallel_loop3A_563] {strides = array<i32>} : memref<8x2x8x128xf32, #tpu.memory_space<vmem>>, vector<16xf32>,
        tpu.vector_store %arg10[%parallel_loop3A_560, %parallel_loop3A_561, %parallel_loop3A_562, %parallel_loop3A_563], %parallel_loop3A_492 {strides = array<i32>} : memref<8x2x8x128xf32, #tpu.memory_space<vmem>>, vector<16xf32>,
        %parallel_loop3A_565 = arith.constant 3 : i32
        %parallel_loop3A_566 = arith.constant 0 : i32
        %parallel_loop3A_567 = arith.index_cast %parallel_loop3A_565 : i32 to index
        %parallel_loop3A_568 = arith.index_cast %parallel_loop3A_308 : i32 to index
        %parallel_loop3A_569 = arith.index_cast %parallel_loop3A_566 : i32 to index
        %parallel_loop3A_570 = arith.index_cast %parallel_loop3A_320 : i32 to index
        %parallel_loop3A_571 = tpu.vector_load %arg10[%parallel_loop3A_567, %parallel_loop3A_568, %parallel_loop3A_569, %parallel_loop3A_570] {strides = array<i32>} : memref<8x2x8x128xf32, #tpu.memory_space<vmem>>, vector<16xf32>,
        tpu.vector_store %arg10[%parallel_loop3A_567, %parallel_loop3A_568, %parallel_loop3A_569, %parallel_loop3A_570], %parallel_loop3A_494 {strides = array<i32>} : memref<8x2x8x128xf32, #tpu.memory_space<vmem>>, vector<16xf32>,
        %parallel_loop3A_572 = arith.constant 3 : i32
        %parallel_loop3A_573 = arith.constant 1 : i32
        %parallel_loop3A_574 = arith.index_cast %parallel_loop3A_572 : i32 to index
        %parallel_loop3A_575 = arith.index_cast %parallel_loop3A_308 : i32 to index
        %parallel_loop3A_576 = arith.index_cast %parallel_loop3A_573 : i32 to index
        %parallel_loop3A_577 = arith.index_cast %parallel_loop3A_320 : i32 to index
        %parallel_loop3A_578 = tpu.vector_load %arg10[%parallel_loop3A_574, %parallel_loop3A_575, %parallel_loop3A_576, %parallel_loop3A_577] {strides = array<i32>} : memref<8x2x8x128xf32, #tpu.memory_space<vmem>>, vector<16xf32>,
        tpu.vector_store %arg10[%parallel_loop3A_574, %parallel_loop3A_575, %parallel_loop3A_576, %parallel_loop3A_577], %parallel_loop3A_496 {strides = array<i32>} : memref<8x2x8x128xf32, #tpu.memory_space<vmem>>, vector<16xf32>,
        %parallel_loop3A_579 = arith.constant 3 : i32
        %parallel_loop3A_580 = arith.constant 2 : i32
        %parallel_loop3A_581 = arith.index_cast %parallel_loop3A_579 : i32 to index
        %parallel_loop3A_582 = arith.index_cast %parallel_loop3A_308 : i32 to index
        %parallel_loop3A_583 = arith.index_cast %parallel_loop3A_580 : i32 to index
        %parallel_loop3A_584 = arith.index_cast %parallel_loop3A_320 : i32 to index
        %parallel_loop3A_585 = tpu.vector_load %arg10[%parallel_loop3A_581, %parallel_loop3A_582, %parallel_loop3A_583, %parallel_loop3A_584] {strides = array<i32>} : memref<8x2x8x128xf32, #tpu.memory_space<vmem>>, vector<16xf32>,
        tpu.vector_store %arg10[%parallel_loop3A_581, %parallel_loop3A_582, %parallel_loop3A_583, %parallel_loop3A_584], %parallel_loop3A_498 {strides = array<i32>} : memref<8x2x8x128xf32, #tpu.memory_space<vmem>>, vector<16xf32>,
        %parallel_loop3A_586 = arith.constant 3 : i32
        %parallel_loop3A_587 = arith.constant 3 : i32
        %parallel_loop3A_588 = arith.index_cast %parallel_loop3A_586 : i32 to index
        %parallel_loop3A_589 = arith.index_cast %parallel_loop3A_308 : i32 to index
        %parallel_loop3A_590 = arith.index_cast %parallel_loop3A_587 : i32 to index
        %parallel_loop3A_591 = arith.index_cast %parallel_loop3A_320 : i32 to index
        %parallel_loop3A_592 = tpu.vector_load %arg10[%parallel_loop3A_588, %parallel_loop3A_589, %parallel_loop3A_590, %parallel_loop3A_591] {strides = array<i32>} : memref<8x2x8x128xf32, #tpu.memory_space<vmem>>, vector<16xf32>,
        tpu.vector_store %arg10[%parallel_loop3A_588, %parallel_loop3A_589, %parallel_loop3A_590, %parallel_loop3A_591], %parallel_loop3A_500 {strides = array<i32>} : memref<8x2x8x128xf32, #tpu.memory_space<vmem>>, vector<16xf32>,
        %parallel_loop3A_593 = arith.constant 3 : i32
        %parallel_loop3A_594 = arith.constant 4 : i32
        %parallel_loop3A_595 = arith.index_cast %parallel_loop3A_593 : i32 to index
        %parallel_loop3A_596 = arith.index_cast %parallel_loop3A_308 : i32 to index
        %parallel_loop3A_597 = arith.index_cast %parallel_loop3A_594 : i32 to index
        %parallel_loop3A_598 = arith.index_cast %parallel_loop3A_320 : i32 to index
        %parallel_loop3A_599 = tpu.vector_load %arg10[%parallel_loop3A_595, %parallel_loop3A_596, %parallel_loop3A_597, %parallel_loop3A_598] {strides = array<i32>} : memref<8x2x8x128xf32, #tpu.memory_space<vmem>>, vector<16xf32>,
        tpu.vector_store %arg10[%parallel_loop3A_595, %parallel_loop3A_596, %parallel_loop3A_597, %parallel_loop3A_598], %parallel_loop3A_502 {strides = array<i32>} : memref<8x2x8x128xf32, #tpu.memory_space<vmem>>, vector<16xf32>,
        %parallel_loop3A_600 = arith.constant 3 : i32
        %parallel_loop3A_601 = arith.constant 5 : i32
        %parallel_loop3A_602 = arith.index_cast %parallel_loop3A_600 : i32 to index
        %parallel_loop3A_603 = arith.index_cast %parallel_loop3A_308 : i32 to index
        %parallel_loop3A_604 = arith.index_cast %parallel_loop3A_601 : i32 to index
        %parallel_loop3A_605 = arith.index_cast %parallel_loop3A_320 : i32 to index
        %parallel_loop3A_606 = tpu.vector_load %arg10[%parallel_loop3A_602, %parallel_loop3A_603, %parallel_loop3A_604, %parallel_loop3A_605] {strides = array<i32>} : memref<8x2x8x128xf32, #tpu.memory_space<vmem>>, vector<16xf32>,
        tpu.vector_store %arg10[%parallel_loop3A_602, %parallel_loop3A_603, %parallel_loop3A_604, %parallel_loop3A_605], %parallel_loop3A_504 {strides = array<i32>} : memref<8x2x8x128xf32, #tpu.memory_space<vmem>>, vector<16xf32>,
        %parallel_loop3A_607 = arith.constant 3 : i32
        %parallel_loop3A_608 = arith.constant 6 : i32
        %parallel_loop3A_609 = arith.index_cast %parallel_loop3A_607 : i32 to index
        %parallel_loop3A_610 = arith.index_cast %parallel_loop3A_308 : i32 to index
        %parallel_loop3A_611 = arith.index_cast %parallel_loop3A_608 : i32 to index
        %parallel_loop3A_612 = arith.index_cast %parallel_loop3A_320 : i32 to index
        %parallel_loop3A_613 = tpu.vector_load %arg10[%parallel_loop3A_609, %parallel_loop3A_610, %parallel_loop3A_611, %parallel_loop3A_612] {strides = array<i32>} : memref<8x2x8x128xf32, #tpu.memory_space<vmem>>, vector<16xf32>,
        tpu.vector_store %arg10[%parallel_loop3A_609, %parallel_loop3A_610, %parallel_loop3A_611, %parallel_loop3A_612], %parallel_loop3A_506 {strides = array<i32>} : memref<8x2x8x128xf32, #tpu.memory_space<vmem>>, vector<16xf32>,
        %parallel_loop3A_614 = arith.constant 3 : i32
        %parallel_loop3A_615 = arith.constant 7 : i32
        %parallel_loop3A_616 = arith.index_cast %parallel_loop3A_614 : i32 to index
        %parallel_loop3A_617 = arith.index_cast %parallel_loop3A_308 : i32 to index
        %parallel_loop3A_618 = arith.index_cast %parallel_loop3A_615 : i32 to index
        %parallel_loop3A_619 = arith.index_cast %parallel_loop3A_320 : i32 to index
        %parallel_loop3A_620 = tpu.vector_load %arg10[%parallel_loop3A_616, %parallel_loop3A_617, %parallel_loop3A_618, %parallel_loop3A_619] {strides = array<i32>} : memref<8x2x8x128xf32, #tpu.memory_space<vmem>>, vector<16xf32>,
        tpu.vector_store %arg10[%parallel_loop3A_616, %parallel_loop3A_617, %parallel_loop3A_618, %parallel_loop3A_619], %parallel_loop3A_508 {strides = array<i32>} : memref<8x2x8x128xf32, #tpu.memory_space<vmem>>, vector<16xf32>,
        %parallel_loop3A_621 = arith.constant 32 : i32
        %parallel_loop3A_622 = arith.addi %parallel_loop3A_318, %parallel_loop3A_621 : i32
        %parallel_loop3A_623 = arith.constant 32 : i32
        %parallel_loop3A_624 = arith.addi %parallel_loop3A_318, %parallel_loop3A_623 : i32
        %parallel_loop3A_625 = arith.constant 8 : i32
        %parallel_loop3A_626 = arith.addi %parallel_loop3A_624, %parallel_loop3A_625 : i32
        %parallel_loop3A_627 = tpu.memref_slice %arg8[%parallel_loop3A_622] : memref<16704xf32, #tpu.memory_space<vmem>> -> memref<1024xf32, #tpu.memory_space<vmem>>
        %parallel_loop3A_628 = tpu.vector_load_idx %parallel_loop3A_627[%add3A_8] : memref<1024xf32, #tpu.memory_space<vmem>>[vector<16xi32>], vector<16xf32>,
        %parallel_loop3A_629 = tpu.memref_slice %arg8[%parallel_loop3A_622] : memref<16704xf32, #tpu.memory_space<vmem>> -> memref<1024xf32, #tpu.memory_space<vmem>>
        %parallel_loop3A_630 = tpu.vector_load_idx %parallel_loop3A_629[%add3A_14] : memref<1024xf32, #tpu.memory_space<vmem>>[vector<16xi32>], vector<16xf32>,
        %parallel_loop3A_631 = tpu.memref_slice %arg8[%parallel_loop3A_622] : memref<16704xf32, #tpu.memory_space<vmem>> -> memref<1024xf32, #tpu.memory_space<vmem>>
        %parallel_loop3A_632 = tpu.vector_load_idx %parallel_loop3A_631[%add3A_20] : memref<1024xf32, #tpu.memory_space<vmem>>[vector<16xi32>], vector<16xf32>,
        %parallel_loop3A_633 = tpu.memref_slice %arg8[%parallel_loop3A_622] : memref<16704xf32, #tpu.memory_space<vmem>> -> memref<1024xf32, #tpu.memory_space<vmem>>
        %parallel_loop3A_634 = tpu.vector_load_idx %parallel_loop3A_633[%add3A_26] : memref<1024xf32, #tpu.memory_space<vmem>>[vector<16xi32>], vector<16xf32>,
        %parallel_loop3A_635 = tpu.memref_slice %arg8[%parallel_loop3A_622] : memref<16704xf32, #tpu.memory_space<vmem>> -> memref<1024xf32, #tpu.memory_space<vmem>>
        %parallel_loop3A_636 = tpu.vector_load_idx %parallel_loop3A_635[%add3A_32] : memref<1024xf32, #tpu.memory_space<vmem>>[vector<16xi32>], vector<16xf32>,
        %parallel_loop3A_637 = tpu.memref_slice %arg8[%parallel_loop3A_622] : memref<16704xf32, #tpu.memory_space<vmem>> -> memref<1024xf32, #tpu.memory_space<vmem>>
        %parallel_loop3A_638 = tpu.vector_load_idx %parallel_loop3A_637[%add3A_38] : memref<1024xf32, #tpu.memory_space<vmem>>[vector<16xi32>], vector<16xf32>,
        %parallel_loop3A_639 = tpu.memref_slice %arg8[%parallel_loop3A_622] : memref<16704xf32, #tpu.memory_space<vmem>> -> memref<1024xf32, #tpu.memory_space<vmem>>
        %parallel_loop3A_640 = tpu.vector_load_idx %parallel_loop3A_639[%add3A_44] : memref<1024xf32, #tpu.memory_space<vmem>>[vector<16xi32>], vector<16xf32>,
        %parallel_loop3A_641 = tpu.memref_slice %arg8[%parallel_loop3A_622] : memref<16704xf32, #tpu.memory_space<vmem>> -> memref<1024xf32, #tpu.memory_space<vmem>>
        %parallel_loop3A_642 = tpu.vector_load_idx %parallel_loop3A_641[%add3A_50] : memref<1024xf32, #tpu.memory_space<vmem>>[vector<16xi32>], vector<16xf32>,
        %parallel_loop3A_643 = tpu.memref_slice %arg8[%parallel_loop3A_626] : memref<16704xf32, #tpu.memory_space<vmem>> -> memref<1024xf32, #tpu.memory_space<vmem>>
        %parallel_loop3A_644 = tpu.vector_load_idx %parallel_loop3A_643[%add3A_8] : memref<1024xf32, #tpu.memory_space<vmem>>[vector<16xi32>], vector<16xf32>,
        %parallel_loop3A_645 = tpu.memref_slice %arg8[%parallel_loop3A_626] : memref<16704xf32, #tpu.memory_space<vmem>> -> memref<1024xf32, #tpu.memory_space<vmem>>
        %parallel_loop3A_646 = tpu.vector_load_idx %parallel_loop3A_645[%add3A_14] : memref<1024xf32, #tpu.memory_space<vmem>>[vector<16xi32>], vector<16xf32>,
        %parallel_loop3A_647 = tpu.memref_slice %arg8[%parallel_loop3A_626] : memref<16704xf32, #tpu.memory_space<vmem>> -> memref<1024xf32, #tpu.memory_space<vmem>>
        %parallel_loop3A_648 = tpu.vector_load_idx %parallel_loop3A_647[%add3A_20] : memref<1024xf32, #tpu.memory_space<vmem>>[vector<16xi32>], vector<16xf32>,
        %parallel_loop3A_649 = tpu.memref_slice %arg8[%parallel_loop3A_626] : memref<16704xf32, #tpu.memory_space<vmem>> -> memref<1024xf32, #tpu.memory_space<vmem>>
        %parallel_loop3A_650 = tpu.vector_load_idx %parallel_loop3A_649[%add3A_26] : memref<1024xf32, #tpu.memory_space<vmem>>[vector<16xi32>], vector<16xf32>,
        %parallel_loop3A_651 = tpu.memref_slice %arg8[%parallel_loop3A_626] : memref<16704xf32, #tpu.memory_space<vmem>> -> memref<1024xf32, #tpu.memory_space<vmem>>
        %parallel_loop3A_652 = tpu.vector_load_idx %parallel_loop3A_651[%add3A_32] : memref<1024xf32, #tpu.memory_space<vmem>>[vector<16xi32>], vector<16xf32>,
        %parallel_loop3A_653 = tpu.memref_slice %arg8[%parallel_loop3A_626] : memref<16704xf32, #tpu.memory_space<vmem>> -> memref<1024xf32, #tpu.memory_space<vmem>>
        %parallel_loop3A_654 = tpu.vector_load_idx %parallel_loop3A_653[%add3A_38] : memref<1024xf32, #tpu.memory_space<vmem>>[vector<16xi32>], vector<16xf32>,
        %parallel_loop3A_655 = tpu.memref_slice %arg8[%parallel_loop3A_626] : memref<16704xf32, #tpu.memory_space<vmem>> -> memref<1024xf32, #tpu.memory_space<vmem>>
        %parallel_loop3A_656 = tpu.vector_load_idx %parallel_loop3A_655[%add3A_44] : memref<1024xf32, #tpu.memory_space<vmem>>[vector<16xi32>], vector<16xf32>,
        %parallel_loop3A_657 = tpu.memref_slice %arg8[%parallel_loop3A_626] : memref<16704xf32, #tpu.memory_space<vmem>> -> memref<1024xf32, #tpu.memory_space<vmem>>
        %parallel_loop3A_658 = tpu.vector_load_idx %parallel_loop3A_657[%add3A_50] : memref<1024xf32, #tpu.memory_space<vmem>>[vector<16xi32>], vector<16xf32>,
        %parallel_loop3A_659 = arith.constant 4 : i32
        %parallel_loop3A_660 = arith.constant 0 : i32
        %parallel_loop3A_661 = arith.index_cast %parallel_loop3A_659 : i32 to index
        %parallel_loop3A_662 = arith.index_cast %parallel_loop3A_308 : i32 to index
        %parallel_loop3A_663 = arith.index_cast %parallel_loop3A_660 : i32 to index
        %parallel_loop3A_664 = arith.index_cast %parallel_loop3A_320 : i32 to index
        %parallel_loop3A_665 = tpu.vector_load %arg10[%parallel_loop3A_661, %parallel_loop3A_662, %parallel_loop3A_663, %parallel_loop3A_664] {strides = array<i32>} : memref<8x2x8x128xf32, #tpu.memory_space<vmem>>, vector<16xf32>,
        tpu.vector_store %arg10[%parallel_loop3A_661, %parallel_loop3A_662, %parallel_loop3A_663, %parallel_loop3A_664], %parallel_loop3A_628 {strides = array<i32>} : memref<8x2x8x128xf32, #tpu.memory_space<vmem>>, vector<16xf32>,
        %parallel_loop3A_666 = arith.constant 4 : i32
        %parallel_loop3A_667 = arith.constant 1 : i32
        %parallel_loop3A_668 = arith.index_cast %parallel_loop3A_666 : i32 to index
        %parallel_loop3A_669 = arith.index_cast %parallel_loop3A_308 : i32 to index
        %parallel_loop3A_670 = arith.index_cast %parallel_loop3A_667 : i32 to index
        %parallel_loop3A_671 = arith.index_cast %parallel_loop3A_320 : i32 to index
        %parallel_loop3A_672 = tpu.vector_load %arg10[%parallel_loop3A_668, %parallel_loop3A_669, %parallel_loop3A_670, %parallel_loop3A_671] {strides = array<i32>} : memref<8x2x8x128xf32, #tpu.memory_space<vmem>>, vector<16xf32>,
        tpu.vector_store %arg10[%parallel_loop3A_668, %parallel_loop3A_669, %parallel_loop3A_670, %parallel_loop3A_671], %parallel_loop3A_630 {strides = array<i32>} : memref<8x2x8x128xf32, #tpu.memory_space<vmem>>, vector<16xf32>,
        %parallel_loop3A_673 = arith.constant 4 : i32
        %parallel_loop3A_674 = arith.constant 2 : i32
        %parallel_loop3A_675 = arith.index_cast %parallel_loop3A_673 : i32 to index
        %parallel_loop3A_676 = arith.index_cast %parallel_loop3A_308 : i32 to index
        %parallel_loop3A_677 = arith.index_cast %parallel_loop3A_674 : i32 to index
        %parallel_loop3A_678 = arith.index_cast %parallel_loop3A_320 : i32 to index
        %parallel_loop3A_679 = tpu.vector_load %arg10[%parallel_loop3A_675, %parallel_loop3A_676, %parallel_loop3A_677, %parallel_loop3A_678] {strides = array<i32>} : memref<8x2x8x128xf32, #tpu.memory_space<vmem>>, vector<16xf32>,
        tpu.vector_store %arg10[%parallel_loop3A_675, %parallel_loop3A_676, %parallel_loop3A_677, %parallel_loop3A_678], %parallel_loop3A_632 {strides = array<i32>} : memref<8x2x8x128xf32, #tpu.memory_space<vmem>>, vector<16xf32>,
        %parallel_loop3A_680 = arith.constant 4 : i32
        %parallel_loop3A_681 = arith.constant 3 : i32
        %parallel_loop3A_682 = arith.index_cast %parallel_loop3A_680 : i32 to index
        %parallel_loop3A_683 = arith.index_cast %parallel_loop3A_308 : i32 to index
        %parallel_loop3A_684 = arith.index_cast %parallel_loop3A_681 : i32 to index
        %parallel_loop3A_685 = arith.index_cast %parallel_loop3A_320 : i32 to index
        %parallel_loop3A_686 = tpu.vector_load %arg10[%parallel_loop3A_682, %parallel_loop3A_683, %parallel_loop3A_684, %parallel_loop3A_685] {strides = array<i32>} : memref<8x2x8x128xf32, #tpu.memory_space<vmem>>, vector<16xf32>,
        tpu.vector_store %arg10[%parallel_loop3A_682, %parallel_loop3A_683, %parallel_loop3A_684, %parallel_loop3A_685], %parallel_loop3A_634 {strides = array<i32>} : memref<8x2x8x128xf32, #tpu.memory_space<vmem>>, vector<16xf32>,
        %parallel_loop3A_687 = arith.constant 4 : i32
        %parallel_loop3A_688 = arith.constant 4 : i32
        %parallel_loop3A_689 = arith.index_cast %parallel_loop3A_687 : i32 to index
        %parallel_loop3A_690 = arith.index_cast %parallel_loop3A_308 : i32 to index
        %parallel_loop3A_691 = arith.index_cast %parallel_loop3A_688 : i32 to index
        %parallel_loop3A_692 = arith.index_cast %parallel_loop3A_320 : i32 to index
        %parallel_loop3A_693 = tpu.vector_load %arg10[%parallel_loop3A_689, %parallel_loop3A_690, %parallel_loop3A_691, %parallel_loop3A_692] {strides = array<i32>} : memref<8x2x8x128xf32, #tpu.memory_space<vmem>>, vector<16xf32>,
        tpu.vector_store %arg10[%parallel_loop3A_689, %parallel_loop3A_690, %parallel_loop3A_691, %parallel_loop3A_692], %parallel_loop3A_636 {strides = array<i32>} : memref<8x2x8x128xf32, #tpu.memory_space<vmem>>, vector<16xf32>,
        %parallel_loop3A_694 = arith.constant 4 : i32
        %parallel_loop3A_695 = arith.constant 5 : i32
        %parallel_loop3A_696 = arith.index_cast %parallel_loop3A_694 : i32 to index
        %parallel_loop3A_697 = arith.index_cast %parallel_loop3A_308 : i32 to index
        %parallel_loop3A_698 = arith.index_cast %parallel_loop3A_695 : i32 to index
        %parallel_loop3A_699 = arith.index_cast %parallel_loop3A_320 : i32 to index
        %parallel_loop3A_700 = tpu.vector_load %arg10[%parallel_loop3A_696, %parallel_loop3A_697, %parallel_loop3A_698, %parallel_loop3A_699] {strides = array<i32>} : memref<8x2x8x128xf32, #tpu.memory_space<vmem>>, vector<16xf32>,
        tpu.vector_store %arg10[%parallel_loop3A_696, %parallel_loop3A_697, %parallel_loop3A_698, %parallel_loop3A_699], %parallel_loop3A_638 {strides = array<i32>} : memref<8x2x8x128xf32, #tpu.memory_space<vmem>>, vector<16xf32>,
        %parallel_loop3A_701 = arith.constant 4 : i32
        %parallel_loop3A_702 = arith.constant 6 : i32
        %parallel_loop3A_703 = arith.index_cast %parallel_loop3A_701 : i32 to index
        %parallel_loop3A_704 = arith.index_cast %parallel_loop3A_308 : i32 to index
        %parallel_loop3A_705 = arith.index_cast %parallel_loop3A_702 : i32 to index
        %parallel_loop3A_706 = arith.index_cast %parallel_loop3A_320 : i32 to index
        %parallel_loop3A_707 = tpu.vector_load %arg10[%parallel_loop3A_703, %parallel_loop3A_704, %parallel_loop3A_705, %parallel_loop3A_706] {strides = array<i32>} : memref<8x2x8x128xf32, #tpu.memory_space<vmem>>, vector<16xf32>,
        tpu.vector_store %arg10[%parallel_loop3A_703, %parallel_loop3A_704, %parallel_loop3A_705, %parallel_loop3A_706], %parallel_loop3A_640 {strides = array<i32>} : memref<8x2x8x128xf32, #tpu.memory_space<vmem>>, vector<16xf32>,
        %parallel_loop3A_708 = arith.constant 4 : i32
        %parallel_loop3A_709 = arith.constant 7 : i32
        %parallel_loop3A_710 = arith.index_cast %parallel_loop3A_708 : i32 to index
        %parallel_loop3A_711 = arith.index_cast %parallel_loop3A_308 : i32 to index
        %parallel_loop3A_712 = arith.index_cast %parallel_loop3A_709 : i32 to index
        %parallel_loop3A_713 = arith.index_cast %parallel_loop3A_320 : i32 to index
        %parallel_loop3A_714 = tpu.vector_load %arg10[%parallel_loop3A_710, %parallel_loop3A_711, %parallel_loop3A_712, %parallel_loop3A_713] {strides = array<i32>} : memref<8x2x8x128xf32, #tpu.memory_space<vmem>>, vector<16xf32>,
        tpu.vector_store %arg10[%parallel_loop3A_710, %parallel_loop3A_711, %parallel_loop3A_712, %parallel_loop3A_713], %parallel_loop3A_642 {strides = array<i32>} : memref<8x2x8x128xf32, #tpu.memory_space<vmem>>, vector<16xf32>,
        %parallel_loop3A_715 = arith.constant 5 : i32
        %parallel_loop3A_716 = arith.constant 0 : i32
        %parallel_loop3A_717 = arith.index_cast %parallel_loop3A_715 : i32 to index
        %parallel_loop3A_718 = arith.index_cast %parallel_loop3A_308 : i32 to index
        %parallel_loop3A_719 = arith.index_cast %parallel_loop3A_716 : i32 to index
        %parallel_loop3A_720 = arith.index_cast %parallel_loop3A_320 : i32 to index
        %parallel_loop3A_721 = tpu.vector_load %arg10[%parallel_loop3A_717, %parallel_loop3A_718, %parallel_loop3A_719, %parallel_loop3A_720] {strides = array<i32>} : memref<8x2x8x128xf32, #tpu.memory_space<vmem>>, vector<16xf32>,
        tpu.vector_store %arg10[%parallel_loop3A_717, %parallel_loop3A_718, %parallel_loop3A_719, %parallel_loop3A_720], %parallel_loop3A_644 {strides = array<i32>} : memref<8x2x8x128xf32, #tpu.memory_space<vmem>>, vector<16xf32>,
        %parallel_loop3A_722 = arith.constant 5 : i32
        %parallel_loop3A_723 = arith.constant 1 : i32
        %parallel_loop3A_724 = arith.index_cast %parallel_loop3A_722 : i32 to index
        %parallel_loop3A_725 = arith.index_cast %parallel_loop3A_308 : i32 to index
        %parallel_loop3A_726 = arith.index_cast %parallel_loop3A_723 : i32 to index
        %parallel_loop3A_727 = arith.index_cast %parallel_loop3A_320 : i32 to index
        %parallel_loop3A_728 = tpu.vector_load %arg10[%parallel_loop3A_724, %parallel_loop3A_725, %parallel_loop3A_726, %parallel_loop3A_727] {strides = array<i32>} : memref<8x2x8x128xf32, #tpu.memory_space<vmem>>, vector<16xf32>,
        tpu.vector_store %arg10[%parallel_loop3A_724, %parallel_loop3A_725, %parallel_loop3A_726, %parallel_loop3A_727], %parallel_loop3A_646 {strides = array<i32>} : memref<8x2x8x128xf32, #tpu.memory_space<vmem>>, vector<16xf32>,
        %parallel_loop3A_729 = arith.constant 5 : i32
        %parallel_loop3A_730 = arith.constant 2 : i32
        %parallel_loop3A_731 = arith.index_cast %parallel_loop3A_729 : i32 to index
        %parallel_loop3A_732 = arith.index_cast %parallel_loop3A_308 : i32 to index
        %parallel_loop3A_733 = arith.index_cast %parallel_loop3A_730 : i32 to index
        %parallel_loop3A_734 = arith.index_cast %parallel_loop3A_320 : i32 to index
        %parallel_loop3A_735 = tpu.vector_load %arg10[%parallel_loop3A_731, %parallel_loop3A_732, %parallel_loop3A_733, %parallel_loop3A_734] {strides = array<i32>} : memref<8x2x8x128xf32, #tpu.memory_space<vmem>>, vector<16xf32>,
        tpu.vector_store %arg10[%parallel_loop3A_731, %parallel_loop3A_732, %parallel_loop3A_733, %parallel_loop3A_734], %parallel_loop3A_648 {strides = array<i32>} : memref<8x2x8x128xf32, #tpu.memory_space<vmem>>, vector<16xf32>,
        %parallel_loop3A_736 = arith.constant 5 : i32
        %parallel_loop3A_737 = arith.constant 3 : i32
        %parallel_loop3A_738 = arith.index_cast %parallel_loop3A_736 : i32 to index
        %parallel_loop3A_739 = arith.index_cast %parallel_loop3A_308 : i32 to index
        %parallel_loop3A_740 = arith.index_cast %parallel_loop3A_737 : i32 to index
        %parallel_loop3A_741 = arith.index_cast %parallel_loop3A_320 : i32 to index
        %parallel_loop3A_742 = tpu.vector_load %arg10[%parallel_loop3A_738, %parallel_loop3A_739, %parallel_loop3A_740, %parallel_loop3A_741] {strides = array<i32>} : memref<8x2x8x128xf32, #tpu.memory_space<vmem>>, vector<16xf32>,
        tpu.vector_store %arg10[%parallel_loop3A_738, %parallel_loop3A_739, %parallel_loop3A_740, %parallel_loop3A_741], %parallel_loop3A_650 {strides = array<i32>} : memref<8x2x8x128xf32, #tpu.memory_space<vmem>>, vector<16xf32>,
        %parallel_loop3A_743 = arith.constant 5 : i32
        %parallel_loop3A_744 = arith.constant 4 : i32
        %parallel_loop3A_745 = arith.index_cast %parallel_loop3A_743 : i32 to index
        %parallel_loop3A_746 = arith.index_cast %parallel_loop3A_308 : i32 to index
        %parallel_loop3A_747 = arith.index_cast %parallel_loop3A_744 : i32 to index
        %parallel_loop3A_748 = arith.index_cast %parallel_loop3A_320 : i32 to index
        %parallel_loop3A_749 = tpu.vector_load %arg10[%parallel_loop3A_745, %parallel_loop3A_746, %parallel_loop3A_747, %parallel_loop3A_748] {strides = array<i32>} : memref<8x2x8x128xf32, #tpu.memory_space<vmem>>, vector<16xf32>,
        tpu.vector_store %arg10[%parallel_loop3A_745, %parallel_loop3A_746, %parallel_loop3A_747, %parallel_loop3A_748], %parallel_loop3A_652 {strides = array<i32>} : memref<8x2x8x128xf32, #tpu.memory_space<vmem>>, vector<16xf32>,
        %parallel_loop3A_750 = arith.constant 5 : i32
        %parallel_loop3A_751 = arith.constant 5 : i32
        %parallel_loop3A_752 = arith.index_cast %parallel_loop3A_750 : i32 to index
        %parallel_loop3A_753 = arith.index_cast %parallel_loop3A_308 : i32 to index
        %parallel_loop3A_754 = arith.index_cast %parallel_loop3A_751 : i32 to index
        %parallel_loop3A_755 = arith.index_cast %parallel_loop3A_320 : i32 to index
        %parallel_loop3A_756 = tpu.vector_load %arg10[%parallel_loop3A_752, %parallel_loop3A_753, %parallel_loop3A_754, %parallel_loop3A_755] {strides = array<i32>} : memref<8x2x8x128xf32, #tpu.memory_space<vmem>>, vector<16xf32>,
        tpu.vector_store %arg10[%parallel_loop3A_752, %parallel_loop3A_753, %parallel_loop3A_754, %parallel_loop3A_755], %parallel_loop3A_654 {strides = array<i32>} : memref<8x2x8x128xf32, #tpu.memory_space<vmem>>, vector<16xf32>,
        %parallel_loop3A_757 = arith.constant 5 : i32
        %parallel_loop3A_758 = arith.constant 6 : i32
        %parallel_loop3A_759 = arith.index_cast %parallel_loop3A_757 : i32 to index
        %parallel_loop3A_760 = arith.index_cast %parallel_loop3A_308 : i32 to index
        %parallel_loop3A_761 = arith.index_cast %parallel_loop3A_758 : i32 to index
        %parallel_loop3A_762 = arith.index_cast %parallel_loop3A_320 : i32 to index
        %parallel_loop3A_763 = tpu.vector_load %arg10[%parallel_loop3A_759, %parallel_loop3A_760, %parallel_loop3A_761, %parallel_loop3A_762] {strides = array<i32>} : memref<8x2x8x128xf32, #tpu.memory_space<vmem>>, vector<16xf32>,
        tpu.vector_store %arg10[%parallel_loop3A_759, %parallel_loop3A_760, %parallel_loop3A_761, %parallel_loop3A_762], %parallel_loop3A_656 {strides = array<i32>} : memref<8x2x8x128xf32, #tpu.memory_space<vmem>>, vector<16xf32>,
        %parallel_loop3A_764 = arith.constant 5 : i32
        %parallel_loop3A_765 = arith.constant 7 : i32
        %parallel_loop3A_766 = arith.index_cast %parallel_loop3A_764 : i32 to index
        %parallel_loop3A_767 = arith.index_cast %parallel_loop3A_308 : i32 to index
        %parallel_loop3A_768 = arith.index_cast %parallel_loop3A_765 : i32 to index
        %parallel_loop3A_769 = arith.index_cast %parallel_loop3A_320 : i32 to index
        %parallel_loop3A_770 = tpu.vector_load %arg10[%parallel_loop3A_766, %parallel_loop3A_767, %parallel_loop3A_768, %parallel_loop3A_769] {strides = array<i32>} : memref<8x2x8x128xf32, #tpu.memory_space<vmem>>, vector<16xf32>,
        tpu.vector_store %arg10[%parallel_loop3A_766, %parallel_loop3A_767, %parallel_loop3A_768, %parallel_loop3A_769], %parallel_loop3A_658 {strides = array<i32>} : memref<8x2x8x128xf32, #tpu.memory_space<vmem>>, vector<16xf32>,
        %parallel_loop3A_771 = arith.constant 48 : i32
        %parallel_loop3A_772 = arith.addi %parallel_loop3A_318, %parallel_loop3A_771 : i32
        %parallel_loop3A_773 = arith.constant 48 : i32
        %parallel_loop3A_774 = arith.addi %parallel_loop3A_318, %parallel_loop3A_773 : i32
        %parallel_loop3A_775 = arith.constant 8 : i32
        %parallel_loop3A_776 = arith.addi %parallel_loop3A_774, %parallel_loop3A_775 : i32
        %parallel_loop3A_777 = tpu.memref_slice %arg8[%parallel_loop3A_772] : memref<16704xf32, #tpu.memory_space<vmem>> -> memref<1024xf32, #tpu.memory_space<vmem>>
        %parallel_loop3A_778 = tpu.vector_load_idx %parallel_loop3A_777[%add3A_8] : memref<1024xf32, #tpu.memory_space<vmem>>[vector<16xi32>], vector<16xf32>,
        %parallel_loop3A_779 = tpu.memref_slice %arg8[%parallel_loop3A_772] : memref<16704xf32, #tpu.memory_space<vmem>> -> memref<1024xf32, #tpu.memory_space<vmem>>
        %parallel_loop3A_780 = tpu.vector_load_idx %parallel_loop3A_779[%add3A_14] : memref<1024xf32, #tpu.memory_space<vmem>>[vector<16xi32>], vector<16xf32>,
        %parallel_loop3A_781 = tpu.memref_slice %arg8[%parallel_loop3A_772] : memref<16704xf32, #tpu.memory_space<vmem>> -> memref<1024xf32, #tpu.memory_space<vmem>>
        %parallel_loop3A_782 = tpu.vector_load_idx %parallel_loop3A_781[%add3A_20] : memref<1024xf32, #tpu.memory_space<vmem>>[vector<16xi32>], vector<16xf32>,
        %parallel_loop3A_783 = tpu.memref_slice %arg8[%parallel_loop3A_772] : memref<16704xf32, #tpu.memory_space<vmem>> -> memref<1024xf32, #tpu.memory_space<vmem>>
        %parallel_loop3A_784 = tpu.vector_load_idx %parallel_loop3A_783[%add3A_26] : memref<1024xf32, #tpu.memory_space<vmem>>[vector<16xi32>], vector<16xf32>,
        %parallel_loop3A_785 = tpu.memref_slice %arg8[%parallel_loop3A_772] : memref<16704xf32, #tpu.memory_space<vmem>> -> memref<1024xf32, #tpu.memory_space<vmem>>
        %parallel_loop3A_786 = tpu.vector_load_idx %parallel_loop3A_785[%add3A_32] : memref<1024xf32, #tpu.memory_space<vmem>>[vector<16xi32>], vector<16xf32>,
        %parallel_loop3A_787 = tpu.memref_slice %arg8[%parallel_loop3A_772] : memref<16704xf32, #tpu.memory_space<vmem>> -> memref<1024xf32, #tpu.memory_space<vmem>>
        %parallel_loop3A_788 = tpu.vector_load_idx %parallel_loop3A_787[%add3A_38] : memref<1024xf32, #tpu.memory_space<vmem>>[vector<16xi32>], vector<16xf32>,
        %parallel_loop3A_789 = tpu.memref_slice %arg8[%parallel_loop3A_772] : memref<16704xf32, #tpu.memory_space<vmem>> -> memref<1024xf32, #tpu.memory_space<vmem>>
        %parallel_loop3A_790 = tpu.vector_load_idx %parallel_loop3A_789[%add3A_44] : memref<1024xf32, #tpu.memory_space<vmem>>[vector<16xi32>], vector<16xf32>,
        %parallel_loop3A_791 = tpu.memref_slice %arg8[%parallel_loop3A_772] : memref<16704xf32, #tpu.memory_space<vmem>> -> memref<1024xf32, #tpu.memory_space<vmem>>
        %parallel_loop3A_792 = tpu.vector_load_idx %parallel_loop3A_791[%add3A_50] : memref<1024xf32, #tpu.memory_space<vmem>>[vector<16xi32>], vector<16xf32>,
        %parallel_loop3A_793 = tpu.memref_slice %arg8[%parallel_loop3A_776] : memref<16704xf32, #tpu.memory_space<vmem>> -> memref<1024xf32, #tpu.memory_space<vmem>>
        %parallel_loop3A_794 = tpu.vector_load_idx %parallel_loop3A_793[%add3A_8] : memref<1024xf32, #tpu.memory_space<vmem>>[vector<16xi32>], vector<16xf32>,
        %parallel_loop3A_795 = tpu.memref_slice %arg8[%parallel_loop3A_776] : memref<16704xf32, #tpu.memory_space<vmem>> -> memref<1024xf32, #tpu.memory_space<vmem>>
        %parallel_loop3A_796 = tpu.vector_load_idx %parallel_loop3A_795[%add3A_14] : memref<1024xf32, #tpu.memory_space<vmem>>[vector<16xi32>], vector<16xf32>,
        %parallel_loop3A_797 = tpu.memref_slice %arg8[%parallel_loop3A_776] : memref<16704xf32, #tpu.memory_space<vmem>> -> memref<1024xf32, #tpu.memory_space<vmem>>
        %parallel_loop3A_798 = tpu.vector_load_idx %parallel_loop3A_797[%add3A_20] : memref<1024xf32, #tpu.memory_space<vmem>>[vector<16xi32>], vector<16xf32>,
        %parallel_loop3A_799 = tpu.memref_slice %arg8[%parallel_loop3A_776] : memref<16704xf32, #tpu.memory_space<vmem>> -> memref<1024xf32, #tpu.memory_space<vmem>>
        %parallel_loop3A_800 = tpu.vector_load_idx %parallel_loop3A_799[%add3A_26] : memref<1024xf32, #tpu.memory_space<vmem>>[vector<16xi32>], vector<16xf32>,
        %parallel_loop3A_801 = tpu.memref_slice %arg8[%parallel_loop3A_776] : memref<16704xf32, #tpu.memory_space<vmem>> -> memref<1024xf32, #tpu.memory_space<vmem>>
        %parallel_loop3A_802 = tpu.vector_load_idx %parallel_loop3A_801[%add3A_32] : memref<1024xf32, #tpu.memory_space<vmem>>[vector<16xi32>], vector<16xf32>,
        %parallel_loop3A_803 = tpu.memref_slice %arg8[%parallel_loop3A_776] : memref<16704xf32, #tpu.memory_space<vmem>> -> memref<1024xf32, #tpu.memory_space<vmem>>
        %parallel_loop3A_804 = tpu.vector_load_idx %parallel_loop3A_803[%add3A_38] : memref<1024xf32, #tpu.memory_space<vmem>>[vector<16xi32>], vector<16xf32>,
        %parallel_loop3A_805 = tpu.memref_slice %arg8[%parallel_loop3A_776] : memref<16704xf32, #tpu.memory_space<vmem>> -> memref<1024xf32, #tpu.memory_space<vmem>>
        %parallel_loop3A_806 = tpu.vector_load_idx %parallel_loop3A_805[%add3A_44] : memref<1024xf32, #tpu.memory_space<vmem>>[vector<16xi32>], vector<16xf32>,
        %parallel_loop3A_807 = tpu.memref_slice %arg8[%parallel_loop3A_776] : memref<16704xf32, #tpu.memory_space<vmem>> -> memref<1024xf32, #tpu.memory_space<vmem>>
        %parallel_loop3A_808 = tpu.vector_load_idx %parallel_loop3A_807[%add3A_50] : memref<1024xf32, #tpu.memory_space<vmem>>[vector<16xi32>], vector<16xf32>,
        %parallel_loop3A_809 = arith.constant 6 : i32
        %parallel_loop3A_810 = arith.constant 0 : i32
        %parallel_loop3A_811 = arith.index_cast %parallel_loop3A_809 : i32 to index
        %parallel_loop3A_812 = arith.index_cast %parallel_loop3A_308 : i32 to index
        %parallel_loop3A_813 = arith.index_cast %parallel_loop3A_810 : i32 to index
        %parallel_loop3A_814 = arith.index_cast %parallel_loop3A_320 : i32 to index
        %parallel_loop3A_815 = tpu.vector_load %arg10[%parallel_loop3A_811, %parallel_loop3A_812, %parallel_loop3A_813, %parallel_loop3A_814] {strides = array<i32>} : memref<8x2x8x128xf32, #tpu.memory_space<vmem>>, vector<16xf32>,
        tpu.vector_store %arg10[%parallel_loop3A_811, %parallel_loop3A_812, %parallel_loop3A_813, %parallel_loop3A_814], %parallel_loop3A_778 {strides = array<i32>} : memref<8x2x8x128xf32, #tpu.memory_space<vmem>>, vector<16xf32>,
        %parallel_loop3A_816 = arith.constant 6 : i32
        %parallel_loop3A_817 = arith.constant 1 : i32
        %parallel_loop3A_818 = arith.index_cast %parallel_loop3A_816 : i32 to index
        %parallel_loop3A_819 = arith.index_cast %parallel_loop3A_308 : i32 to index
        %parallel_loop3A_820 = arith.index_cast %parallel_loop3A_817 : i32 to index
        %parallel_loop3A_821 = arith.index_cast %parallel_loop3A_320 : i32 to index
        %parallel_loop3A_822 = tpu.vector_load %arg10[%parallel_loop3A_818, %parallel_loop3A_819, %parallel_loop3A_820, %parallel_loop3A_821] {strides = array<i32>} : memref<8x2x8x128xf32, #tpu.memory_space<vmem>>, vector<16xf32>,
        tpu.vector_store %arg10[%parallel_loop3A_818, %parallel_loop3A_819, %parallel_loop3A_820, %parallel_loop3A_821], %parallel_loop3A_780 {strides = array<i32>} : memref<8x2x8x128xf32, #tpu.memory_space<vmem>>, vector<16xf32>,
        %parallel_loop3A_823 = arith.constant 6 : i32
        %parallel_loop3A_824 = arith.constant 2 : i32
        %parallel_loop3A_825 = arith.index_cast %parallel_loop3A_823 : i32 to index
        %parallel_loop3A_826 = arith.index_cast %parallel_loop3A_308 : i32 to index
        %parallel_loop3A_827 = arith.index_cast %parallel_loop3A_824 : i32 to index
        %parallel_loop3A_828 = arith.index_cast %parallel_loop3A_320 : i32 to index
        %parallel_loop3A_829 = tpu.vector_load %arg10[%parallel_loop3A_825, %parallel_loop3A_826, %parallel_loop3A_827, %parallel_loop3A_828] {strides = array<i32>} : memref<8x2x8x128xf32, #tpu.memory_space<vmem>>, vector<16xf32>,
        tpu.vector_store %arg10[%parallel_loop3A_825, %parallel_loop3A_826, %parallel_loop3A_827, %parallel_loop3A_828], %parallel_loop3A_782 {strides = array<i32>} : memref<8x2x8x128xf32, #tpu.memory_space<vmem>>, vector<16xf32>,
        %parallel_loop3A_830 = arith.constant 6 : i32
        %parallel_loop3A_831 = arith.constant 3 : i32
        %parallel_loop3A_832 = arith.index_cast %parallel_loop3A_830 : i32 to index
        %parallel_loop3A_833 = arith.index_cast %parallel_loop3A_308 : i32 to index
        %parallel_loop3A_834 = arith.index_cast %parallel_loop3A_831 : i32 to index
        %parallel_loop3A_835 = arith.index_cast %parallel_loop3A_320 : i32 to index
        %parallel_loop3A_836 = tpu.vector_load %arg10[%parallel_loop3A_832, %parallel_loop3A_833, %parallel_loop3A_834, %parallel_loop3A_835] {strides = array<i32>} : memref<8x2x8x128xf32, #tpu.memory_space<vmem>>, vector<16xf32>,
        tpu.vector_store %arg10[%parallel_loop3A_832, %parallel_loop3A_833, %parallel_loop3A_834, %parallel_loop3A_835], %parallel_loop3A_784 {strides = array<i32>} : memref<8x2x8x128xf32, #tpu.memory_space<vmem>>, vector<16xf32>,
        %parallel_loop3A_837 = arith.constant 6 : i32
        %parallel_loop3A_838 = arith.constant 4 : i32
        %parallel_loop3A_839 = arith.index_cast %parallel_loop3A_837 : i32 to index
        %parallel_loop3A_840 = arith.index_cast %parallel_loop3A_308 : i32 to index
        %parallel_loop3A_841 = arith.index_cast %parallel_loop3A_838 : i32 to index
        %parallel_loop3A_842 = arith.index_cast %parallel_loop3A_320 : i32 to index
        %parallel_loop3A_843 = tpu.vector_load %arg10[%parallel_loop3A_839, %parallel_loop3A_840, %parallel_loop3A_841, %parallel_loop3A_842] {strides = array<i32>} : memref<8x2x8x128xf32, #tpu.memory_space<vmem>>, vector<16xf32>,
        tpu.vector_store %arg10[%parallel_loop3A_839, %parallel_loop3A_840, %parallel_loop3A_841, %parallel_loop3A_842], %parallel_loop3A_786 {strides = array<i32>} : memref<8x2x8x128xf32, #tpu.memory_space<vmem>>, vector<16xf32>,
        %parallel_loop3A_844 = arith.constant 6 : i32
        %parallel_loop3A_845 = arith.constant 5 : i32
        %parallel_loop3A_846 = arith.index_cast %parallel_loop3A_844 : i32 to index
        %parallel_loop3A_847 = arith.index_cast %parallel_loop3A_308 : i32 to index
        %parallel_loop3A_848 = arith.index_cast %parallel_loop3A_845 : i32 to index
        %parallel_loop3A_849 = arith.index_cast %parallel_loop3A_320 : i32 to index
        %parallel_loop3A_850 = tpu.vector_load %arg10[%parallel_loop3A_846, %parallel_loop3A_847, %parallel_loop3A_848, %parallel_loop3A_849] {strides = array<i32>} : memref<8x2x8x128xf32, #tpu.memory_space<vmem>>, vector<16xf32>,
        tpu.vector_store %arg10[%parallel_loop3A_846, %parallel_loop3A_847, %parallel_loop3A_848, %parallel_loop3A_849], %parallel_loop3A_788 {strides = array<i32>} : memref<8x2x8x128xf32, #tpu.memory_space<vmem>>, vector<16xf32>,
        %parallel_loop3A_851 = arith.constant 6 : i32
        %parallel_loop3A_852 = arith.constant 6 : i32
        %parallel_loop3A_853 = arith.index_cast %parallel_loop3A_851 : i32 to index
        %parallel_loop3A_854 = arith.index_cast %parallel_loop3A_308 : i32 to index
        %parallel_loop3A_855 = arith.index_cast %parallel_loop3A_852 : i32 to index
        %parallel_loop3A_856 = arith.index_cast %parallel_loop3A_320 : i32 to index
        %parallel_loop3A_857 = tpu.vector_load %arg10[%parallel_loop3A_853, %parallel_loop3A_854, %parallel_loop3A_855, %parallel_loop3A_856] {strides = array<i32>} : memref<8x2x8x128xf32, #tpu.memory_space<vmem>>, vector<16xf32>,
        tpu.vector_store %arg10[%parallel_loop3A_853, %parallel_loop3A_854, %parallel_loop3A_855, %parallel_loop3A_856], %parallel_loop3A_790 {strides = array<i32>} : memref<8x2x8x128xf32, #tpu.memory_space<vmem>>, vector<16xf32>,
        %parallel_loop3A_858 = arith.constant 6 : i32
        %parallel_loop3A_859 = arith.constant 7 : i32
        %parallel_loop3A_860 = arith.index_cast %parallel_loop3A_858 : i32 to index
        %parallel_loop3A_861 = arith.index_cast %parallel_loop3A_308 : i32 to index
        %parallel_loop3A_862 = arith.index_cast %parallel_loop3A_859 : i32 to index
        %parallel_loop3A_863 = arith.index_cast %parallel_loop3A_320 : i32 to index
        %parallel_loop3A_864 = tpu.vector_load %arg10[%parallel_loop3A_860, %parallel_loop3A_861, %parallel_loop3A_862, %parallel_loop3A_863] {strides = array<i32>} : memref<8x2x8x128xf32, #tpu.memory_space<vmem>>, vector<16xf32>,
        tpu.vector_store %arg10[%parallel_loop3A_860, %parallel_loop3A_861, %parallel_loop3A_862, %parallel_loop3A_863], %parallel_loop3A_792 {strides = array<i32>} : memref<8x2x8x128xf32, #tpu.memory_space<vmem>>, vector<16xf32>,
        %parallel_loop3A_865 = arith.constant 7 : i32
        %parallel_loop3A_866 = arith.constant 0 : i32
        %parallel_loop3A_867 = arith.index_cast %parallel_loop3A_865 : i32 to index
        %parallel_loop3A_868 = arith.index_cast %parallel_loop3A_308 : i32 to index
        %parallel_loop3A_869 = arith.index_cast %parallel_loop3A_866 : i32 to index
        %parallel_loop3A_870 = arith.index_cast %parallel_loop3A_320 : i32 to index
        %parallel_loop3A_871 = tpu.vector_load %arg10[%parallel_loop3A_867, %parallel_loop3A_868, %parallel_loop3A_869, %parallel_loop3A_870] {strides = array<i32>} : memref<8x2x8x128xf32, #tpu.memory_space<vmem>>, vector<16xf32>,
        tpu.vector_store %arg10[%parallel_loop3A_867, %parallel_loop3A_868, %parallel_loop3A_869, %parallel_loop3A_870], %parallel_loop3A_794 {strides = array<i32>} : memref<8x2x8x128xf32, #tpu.memory_space<vmem>>, vector<16xf32>,
        %parallel_loop3A_872 = arith.constant 7 : i32
        %parallel_loop3A_873 = arith.constant 1 : i32
        %parallel_loop3A_874 = arith.index_cast %parallel_loop3A_872 : i32 to index
        %parallel_loop3A_875 = arith.index_cast %parallel_loop3A_308 : i32 to index
        %parallel_loop3A_876 = arith.index_cast %parallel_loop3A_873 : i32 to index
        %parallel_loop3A_877 = arith.index_cast %parallel_loop3A_320 : i32 to index
        %parallel_loop3A_878 = tpu.vector_load %arg10[%parallel_loop3A_874, %parallel_loop3A_875, %parallel_loop3A_876, %parallel_loop3A_877] {strides = array<i32>} : memref<8x2x8x128xf32, #tpu.memory_space<vmem>>, vector<16xf32>,
        tpu.vector_store %arg10[%parallel_loop3A_874, %parallel_loop3A_875, %parallel_loop3A_876, %parallel_loop3A_877], %parallel_loop3A_796 {strides = array<i32>} : memref<8x2x8x128xf32, #tpu.memory_space<vmem>>, vector<16xf32>,
        %parallel_loop3A_879 = arith.constant 7 : i32
        %parallel_loop3A_880 = arith.constant 2 : i32
        %parallel_loop3A_881 = arith.index_cast %parallel_loop3A_879 : i32 to index
        %parallel_loop3A_882 = arith.index_cast %parallel_loop3A_308 : i32 to index
        %parallel_loop3A_883 = arith.index_cast %parallel_loop3A_880 : i32 to index
        %parallel_loop3A_884 = arith.index_cast %parallel_loop3A_320 : i32 to index
        %parallel_loop3A_885 = tpu.vector_load %arg10[%parallel_loop3A_881, %parallel_loop3A_882, %parallel_loop3A_883, %parallel_loop3A_884] {strides = array<i32>} : memref<8x2x8x128xf32, #tpu.memory_space<vmem>>, vector<16xf32>,
        tpu.vector_store %arg10[%parallel_loop3A_881, %parallel_loop3A_882, %parallel_loop3A_883, %parallel_loop3A_884], %parallel_loop3A_798 {strides = array<i32>} : memref<8x2x8x128xf32, #tpu.memory_space<vmem>>, vector<16xf32>,
        %parallel_loop3A_886 = arith.constant 7 : i32
        %parallel_loop3A_887 = arith.constant 3 : i32
        %parallel_loop3A_888 = arith.index_cast %parallel_loop3A_886 : i32 to index
        %parallel_loop3A_889 = arith.index_cast %parallel_loop3A_308 : i32 to index
        %parallel_loop3A_890 = arith.index_cast %parallel_loop3A_887 : i32 to index
        %parallel_loop3A_891 = arith.index_cast %parallel_loop3A_320 : i32 to index
        %parallel_loop3A_892 = tpu.vector_load %arg10[%parallel_loop3A_888, %parallel_loop3A_889, %parallel_loop3A_890, %parallel_loop3A_891] {strides = array<i32>} : memref<8x2x8x128xf32, #tpu.memory_space<vmem>>, vector<16xf32>,
        tpu.vector_store %arg10[%parallel_loop3A_888, %parallel_loop3A_889, %parallel_loop3A_890, %parallel_loop3A_891], %parallel_loop3A_800 {strides = array<i32>} : memref<8x2x8x128xf32, #tpu.memory_space<vmem>>, vector<16xf32>,
        %parallel_loop3A_893 = arith.constant 7 : i32
        %parallel_loop3A_894 = arith.constant 4 : i32
        %parallel_loop3A_895 = arith.index_cast %parallel_loop3A_893 : i32 to index
        %parallel_loop3A_896 = arith.index_cast %parallel_loop3A_308 : i32 to index
        %parallel_loop3A_897 = arith.index_cast %parallel_loop3A_894 : i32 to index
        %parallel_loop3A_898 = arith.index_cast %parallel_loop3A_320 : i32 to index
        %parallel_loop3A_899 = tpu.vector_load %arg10[%parallel_loop3A_895, %parallel_loop3A_896, %parallel_loop3A_897, %parallel_loop3A_898] {strides = array<i32>} : memref<8x2x8x128xf32, #tpu.memory_space<vmem>>, vector<16xf32>,
        tpu.vector_store %arg10[%parallel_loop3A_895, %parallel_loop3A_896, %parallel_loop3A_897, %parallel_loop3A_898], %parallel_loop3A_802 {strides = array<i32>} : memref<8x2x8x128xf32, #tpu.memory_space<vmem>>, vector<16xf32>,
        %parallel_loop3A_900 = arith.constant 7 : i32
        %parallel_loop3A_901 = arith.constant 5 : i32
        %parallel_loop3A_902 = arith.index_cast %parallel_loop3A_900 : i32 to index
        %parallel_loop3A_903 = arith.index_cast %parallel_loop3A_308 : i32 to index
        %parallel_loop3A_904 = arith.index_cast %parallel_loop3A_901 : i32 to index
        %parallel_loop3A_905 = arith.index_cast %parallel_loop3A_320 : i32 to index
        %parallel_loop3A_906 = tpu.vector_load %arg10[%parallel_loop3A_902, %parallel_loop3A_903, %parallel_loop3A_904, %parallel_loop3A_905] {strides = array<i32>} : memref<8x2x8x128xf32, #tpu.memory_space<vmem>>, vector<16xf32>,
        tpu.vector_store %arg10[%parallel_loop3A_902, %parallel_loop3A_903, %parallel_loop3A_904, %parallel_loop3A_905], %parallel_loop3A_804 {strides = array<i32>} : memref<8x2x8x128xf32, #tpu.memory_space<vmem>>, vector<16xf32>,
        %parallel_loop3A_907 = arith.constant 7 : i32
        %parallel_loop3A_908 = arith.constant 6 : i32
        %parallel_loop3A_909 = arith.index_cast %parallel_loop3A_907 : i32 to index
        %parallel_loop3A_910 = arith.index_cast %parallel_loop3A_308 : i32 to index
        %parallel_loop3A_911 = arith.index_cast %parallel_loop3A_908 : i32 to index
        %parallel_loop3A_912 = arith.index_cast %parallel_loop3A_320 : i32 to index
        %parallel_loop3A_913 = tpu.vector_load %arg10[%parallel_loop3A_909, %parallel_loop3A_910, %parallel_loop3A_911, %parallel_loop3A_912] {strides = array<i32>} : memref<8x2x8x128xf32, #tpu.memory_space<vmem>>, vector<16xf32>,
        tpu.vector_store %arg10[%parallel_loop3A_909, %parallel_loop3A_910, %parallel_loop3A_911, %parallel_loop3A_912], %parallel_loop3A_806 {strides = array<i32>} : memref<8x2x8x128xf32, #tpu.memory_space<vmem>>, vector<16xf32>,
        %parallel_loop3A_914 = arith.constant 7 : i32
        %parallel_loop3A_915 = arith.constant 7 : i32
        %parallel_loop3A_916 = arith.index_cast %parallel_loop3A_914 : i32 to index
        %parallel_loop3A_917 = arith.index_cast %parallel_loop3A_308 : i32 to index
        %parallel_loop3A_918 = arith.index_cast %parallel_loop3A_915 : i32 to index
        %parallel_loop3A_919 = arith.index_cast %parallel_loop3A_320 : i32 to index
        %parallel_loop3A_920 = tpu.vector_load %arg10[%parallel_loop3A_916, %parallel_loop3A_917, %parallel_loop3A_918, %parallel_loop3A_919] {strides = array<i32>} : memref<8x2x8x128xf32, #tpu.memory_space<vmem>>, vector<16xf32>,
        tpu.vector_store %arg10[%parallel_loop3A_916, %parallel_loop3A_917, %parallel_loop3A_918, %parallel_loop3A_919], %parallel_loop3A_808 {strides = array<i32>} : memref<8x2x8x128xf32, #tpu.memory_space<vmem>>, vector<16xf32>,
      } {sc.loop_unroll_factor = 1 : i64, sc.parallel_access}
      %jit3A_251 = arith.constant 2 : i32
      %div3A_252 = arith.divsi %add3A_217, %jit3A_251 : i32
      %sign3A_253 = arith.constant 0 : i32
      %sign3A_254 = arith.cmpi sgt, %add3A_217, %sign3A_253 : i32
      %sign3A_255 = arith.extui %sign3A_254 : i1 to i32
      %sign3A_256 = arith.constant 0 : i32
      %sign3A_257 = arith.cmpi slt, %add3A_217, %sign3A_256 : i32
      %sign3A_258 = arith.extui %sign3A_257 : i1 to i32
      %sign3A_259 = arith.subi %sign3A_255, %sign3A_258 : i32
      %sign3A_260 = arith.constant 0 : i32
      %sign3A_261 = arith.cmpi sgt, %jit3A_251, %sign3A_260 : i32
      %sign3A_262 = arith.extui %sign3A_261 : i1 to i32
      %sign3A_263 = arith.constant 0 : i32
      %sign3A_264 = arith.cmpi slt, %jit3A_251, %sign3A_263 : i32
      %sign3A_265 = arith.extui %sign3A_264 : i1 to i32
      %sign3A_266 = arith.subi %sign3A_262, %sign3A_265 : i32
      %ne3A_267 = arith.cmpi ne, %sign3A_259, %sign3A_266 : i32
      %rem3A_268 = arith.remsi %add3A_217, %jit3A_251 : i32
      %ne3A_269 = arith.constant 0 : i32
      %ne3A_270 = arith.cmpi ne, %rem3A_268, %ne3A_269 : i32
      %and3A_271 = arith.andi %ne3A_267, %ne3A_270 : i1
      %sub3A_272 = arith.constant 1 : i32
      %sub3A_273 = arith.subi %div3A_252, %sub3A_272 : i32
      %select_n3A_274 = arith.select %and3A_271, %sub3A_273, %div3A_252 : i32
      %mul3A_275 = arith.constant 4 : i32
      %mul3A_276 = arith.muli %add3A, %mul3A_275 : i32
      %jit3A_277 = arith.constant 2 : i32
      %eq3A_278 = arith.constant 0 : i32
      %eq3A_279 = arith.cmpi eq, %jit3A_277, %eq3A_278 : i32
      %jit3A_280 = arith.constant 1 : i32
      %select_n3A_281 = arith.select %eq3A_279, %jit3A_280, %jit3A_277 : i32
      %rem3A_282 = arith.remsi %add3A_217, %select_n3A_281 : i32
      %ne3A_283 = arith.constant 0 : i32
      %ne3A_284 = arith.cmpi ne, %rem3A_282, %ne3A_283 : i32
      %lt3A_285 = arith.constant 0 : i32
      %lt3A_286 = arith.cmpi slt, %rem3A_282, %lt3A_285 : i32
      %lt3A_287 = arith.constant 0 : i32
      %lt3A_288 = arith.cmpi slt, %select_n3A_281, %lt3A_287 : i32
      %ne3A_289 = arith.xori %lt3A_286, %lt3A_288 : i1
      %and3A_290 = arith.andi %ne3A_289, %ne3A_284 : i1
      %add3A_291 = arith.addi %rem3A_282, %select_n3A_281 : i32
      %select_n3A_292 = arith.select %and3A_290, %add3A_291, %rem3A_282 : i32
      %mul3A_293 = arith.constant 2 : i32
      %mul3A_294 = arith.muli %select_n3A_292, %mul3A_293 : i32
      %add3A_295 = arith.addi %mul3A_276, %mul3A_294 : i32
      %dma_start3A_296 = arith.constant 0 : i32
      %dma_start3A_297 = arith.constant 0 : i32
      %dma_start3A_298 = arith.constant 0 : i32
      %dma_start3A_299 = tpu.memref_slice %arg4[%select_n3A_274, %dma_start3A_296, %add3A_295, %dma_start3A_297, %dma_start3A_298] : memref<50x8x128x8x128xf32, #tpu.memory_space<hbm>> -> memref<1x8x2x8x128xf32, #tpu.memory_space<hbm>>
      %dma_start3A_300 = tpu.memref_squeeze %dma_start3A_299 : memref<1x8x2x8x128xf32, #tpu.memory_space<hbm>> -> memref<8x2x8x128xf32, #tpu.memory_space<hbm>>
      %dma_start3A_301 = arith.constant 0 : i32
      %dma_start3A_302 = arith.constant 0 : i32
      %dma_start3A_303 = arith.constant 0 : i32
      %dma_start3A_304 = tpu.memref_slice %arg4[%select_n3A_274, %dma_start3A_301, %add3A_295, %dma_start3A_302, %dma_start3A_303] : memref<50x8x128x8x128xf32, #tpu.memory_space<hbm>> -> memref<1x8x2x8x128xf32, #tpu.memory_space<hbm>>
      %dma_start3A_305 = tpu.memref_squeeze %dma_start3A_304 : memref<1x8x2x8x128xf32, #tpu.memory_space<hbm>> -> memref<8x2x8x128xf32, #tpu.memory_space<hbm>>
      tpu.enqueue_dma source(%arg10 : memref<8x2x8x128xf32, #tpu.memory_space<vmem>>) target(%dma_start3A_305 : memref<8x2x8x128xf32, #tpu.memory_space<hbm>>) target_semaphore(%arg14 : memref<!tpu.dma_semaphore, #tpu.memory_space<semaphore_mem>>)
    }
    %scan3A_106 = arith.constant 50 : i32
    %mul3A_107 = arith.constant 4 : i32
    %mul3A_108 = arith.muli %add3A, %mul3A_107 : i32
    %add3A_109 = arith.constant 0 : i32
    %add3A_110 = arith.addi %mul3A_108, %add3A_109 : i32
    %dma_wait3A_111 = arith.constant 49 : i32
    %dma_wait3A_112 = arith.constant 0 : i32
    %dma_wait3A_113 = arith.constant 0 : i32
    %dma_wait3A_114 = arith.constant 0 : i32
    %dma_wait3A_115 = tpu.memref_slice %arg4[%dma_wait3A_111, %dma_wait3A_112, %add3A_110, %dma_wait3A_113, %dma_wait3A_114] : memref<50x8x128x8x128xf32, #tpu.memory_space<hbm>> -> memref<1x8x2x8x128xf32, #tpu.memory_space<hbm>>
    %dma_wait3A_116 = tpu.memref_squeeze %dma_wait3A_115 : memref<1x8x2x8x128xf32, #tpu.memory_space<hbm>> -> memref<8x2x8x128xf32, #tpu.memory_space<hbm>>
    %dma_wait3A_117 = arith.constant 0 : i32
    %dma_wait3A_118 = arith.constant 0 : i32
    %dma_wait3A_119 = arith.constant 0 : i32
    %dma_wait3A_120 = tpu.memref_slice %arg4[%dma_wait3A_111, %dma_wait3A_117, %add3A_110, %dma_wait3A_118, %dma_wait3A_119] : memref<50x8x128x8x128xf32, #tpu.memory_space<hbm>> -> memref<1x8x2x8x128xf32, #tpu.memory_space<hbm>>
    %dma_wait3A_121 = tpu.memref_squeeze %dma_wait3A_120 : memref<1x8x2x8x128xf32, #tpu.memory_space<hbm>> -> memref<8x2x8x128xf32, #tpu.memory_space<hbm>>
    tpu.wait_dma2 semaphore(%arg13 : memref<!tpu.dma_semaphore, #tpu.memory_space<semaphore_mem>>) src(%arg9 : memref<8x2x8x128xf32, #tpu.memory_space<vmem>>) dst(%dma_wait3A_121 : memref<8x2x8x128xf32, #tpu.memory_space<hbm>>)
    %mul3A_122 = arith.constant 4 : i32
    %mul3A_123 = arith.muli %add3A, %mul3A_122 : i32
    %add3A_124 = arith.constant 2 : i32
    %add3A_125 = arith.addi %mul3A_123, %add3A_124 : i32
    %dma_wait3A_126 = arith.constant 49 : i32
    %dma_wait3A_127 = arith.constant 0 : i32
    %dma_wait3A_128 = arith.constant 0 : i32
    %dma_wait3A_129 = arith.constant 0 : i32
    %dma_wait3A_130 = tpu.memref_slice %arg4[%dma_wait3A_126, %dma_wait3A_127, %add3A_125, %dma_wait3A_128, %dma_wait3A_129] : memref<50x8x128x8x128xf32, #tpu.memory_space<hbm>> -> memref<1x8x2x8x128xf32, #tpu.memory_space<hbm>>
    %dma_wait3A_131 = tpu.memref_squeeze %dma_wait3A_130 : memref<1x8x2x8x128xf32, #tpu.memory_space<hbm>> -> memref<8x2x8x128xf32, #tpu.memory_space<hbm>>
    %dma_wait3A_132 = arith.constant 0 : i32
    %dma_wait3A_133 = arith.constant 0 : i32
    %dma_wait3A_134 = arith.constant 0 : i32
    %dma_wait3A_135 = tpu.memref_slice %arg4[%dma_wait3A_126, %dma_wait3A_132, %add3A_125, %dma_wait3A_133, %dma_wait3A_134] : memref<50x8x128x8x128xf32, #tpu.memory_space<hbm>> -> memref<1x8x2x8x128xf32, #tpu.memory_space<hbm>>
    %dma_wait3A_136 = tpu.memref_squeeze %dma_wait3A_135 : memref<1x8x2x8x128xf32, #tpu.memory_space<hbm>> -> memref<8x2x8x128xf32, #tpu.memory_space<hbm>>
    tpu.wait_dma2 semaphore(%arg14 : memref<!tpu.dma_semaphore, #tpu.memory_space<semaphore_mem>>) src(%arg10 : memref<8x2x8x128xf32, #tpu.memory_space<vmem>>) dst(%dma_wait3A_136 : memref<8x2x8x128xf32, #tpu.memory_space<hbm>>)
    return
  }
}

</mosaic_0001>

<sc_bundles>
// kernel: _sc_lookup.3.cloned.1.call-start
scs
__scs_entry_jumppad:
0x0: {  	(pc) =	sbr.rel $0x88, $3  }
0x1: {  	(tag) =	ssettag $0x0;
	lr =	simm.s32 $0x1  }
0x2: {  	[smem:$0x3F9F] =	sst lr;
	_ =	strace $0xD0000000  }
0x3: {  	_ = 	snop  }
0x4: {  	_ = 	snop  }
0x5: {  	_ = 	snop  }
0x6: {  	_ = 	snop  }
0x7: {  	_ = 	snop  }
__scs_overlays_trampoline_lowered:
0x8: {  	[smem:$0x3FAE] =	sst s0  }
0x9: {  	[smem:$0x3FAF] =	sst s1  }
0xa: {  	[smem:$0x3FB0] =	sst s2  }
0xb: {  	[smem:$0x3FB1] =	sst s3  }
0xc: {  	[smem:$0x3FB2] =	sst s4  }
0xd: {  	[smem:$0x3FB3] =	sst s5  }
0xe: {  	[smem:$0x3FB4] =	sst s6  }
0xf: {  	[smem:$0x3FB5] =	sst s7  }
0x10: {  	[smem:$0x3FB6] =	sst s8  }
0x11: {  	[smem:$0x3FB7] =	sst s9;
	s0 =	simm.s32 @!p0 $0x0  }
0x12: {  	s1 =	sld [smem:$0x3F9D];
	s0 =	simm.s32 @p0 $0x1  }
0x13: {  	[smem:$0x3FB8] =	sst s0;
	s0 =	simm.s32 @!p1 $0x0  }
0x14: {  	s2 =	sld [smem:$0x3F9C];
	s0 =	simm.s32 @p1 $0x1  }
0x15: {  	[smem:$0x3FB9] =	sst s0;
	s0 =	simm.s32 @!p2 $0x0  }
0x16: {  	s3 =	sld [smem:$0x3FDB];
	s0 =	simm.s32 @p2 $0x1  }
0x17: {  	s4 =	simm.s32 $0x1BF5;
	[smem:$0x3FBB] =	sst s0  }
0x18: {  	s0 =	sld [smem:$0x3F9E];
	_ =	swait.ge [sflag:s4], $0x0  }
0x19: {  	s7 =	sld [smem:$0x3F9F]  }
0x1a: {  	s8 =	sadd.s32 $0xFFFFE003, lr  }
0x1b: {  	s9 =	sadd.s32 $0xFFFFFEF7, lr;
	s5 =	simm.s32 $0xFFFFFFFF;
	p2 =	slt.u32 s8, $0xFFFFF086  }
0x1c: {  	p1 =	slt.u32 s9, $0xF7A;
	s5 =	simm.s32 @!p2 $0x0  }
0x1d: {  	s5 =	simm.s32 @p1 $0x1;
	p0 =	seq.s32 s7, s2  }
0x1e: {  	s7 =	smul.u32 @!p0 $0xF7A, s2;
	p2 =	seq.s32 @!p0 s5, $0x0  }
0x1f: {  	s9 =	smul.u32 $0xF7A, s1;
	s8 =	simm.s32 @!p0 $0x1BF5;
	p2 =	por !p2, p0  }
0x20: {  	[sflag:s8] =	ssyncset.s32 @!p0 $0xFFFFF086;
	s6 =	sadd.s32 @!p0 s3, s7;
	s7 =	simm.s32 @!p0 $0x108  }
0x21: {  	s3 =	sadd.s32 s3, s9;
	s6 =	sadd.s32 @!p0 $0x88, s6;
	s7 =	simm.s32 @p2 $0x1082  }
0x22: {  	[simem:s7], [sflag:s8] =	dma.local @!p0 [hbm:s6], $0xF7A  }
0x23: {  	s9 =	sor.u32 $0xD0000000, s2;
	s6 =	simm.s32 $0x108;
	_ =	swait.ge @!p0 [sflag:s8], $0x0  }
0x24: {  	s3 =	sadd.s32 $0x88, s3;
	s6 =	simm.s32 @!p1 $0x1082;
	[sflag:s4] =	ssyncset.s32 $0xFFFFF086  }
0x25: {  	[simem:s6], [sflag:s4] =	dma.local [hbm:s3], $0xF7A  }
0x26: {  	[smem:$0x3F9F] =	sst s1;
	(tag) =	ssettag s2;
	_ =	strace s9  }
0x27: {  	s1 =	sld [smem:$0x3FAF]  }
0x28: {  	s2 =	sld [smem:$0x3FB0]  }
0x29: {  	s4 =	sld [smem:$0x3FB2]  }
0x2a: {  	p0 =	seq.s32 s5, $0x0;
	s5 =	sld [smem:$0x3FB3]  }
0x2b: {  	s6 =	sld [smem:$0x3FB4]  }
0x2c: {  	s7 =	sld [smem:$0x3FB5]  }
0x2d: {  	s3 =	simm.s32 $0x108;
	s8 =	sld [smem:$0x3FB6]  }
0x2e: {  	s3 =	simm.s32 @!p0 $0x1082;
	s9 =	sld [smem:$0x3FB7]  }
0x2f: {  	lr =	sadd.s32 s0, s3;
	s0 =	sld [smem:$0x3FAE]  }
0x30: {  	s3 =	sld [smem:$0x3FB1]  }
0x31: {  	[smem:$0x3FBA] =	sst s10  }
0x32: {  	s10 =	sld [smem:$0x3FB8];
	_ =	sdelay $0x3  }
0x33: {  	p0 =	seq.s32 s10, $0x1;
	s10 =	sld [smem:$0x3FBA];
	_ =	sdelay $0x3  }
0x34: {  	[smem:$0x3FBA] =	sst s10  }
0x35: {  	s10 =	sld [smem:$0x3FB9];
	_ =	sdelay $0x3  }
0x36: {  	p1 =	seq.s32 s10, $0x1;
	s10 =	sld [smem:$0x3FBA];
	_ =	sdelay $0x3  }
0x37: {  	[smem:$0x3FBA] =	sst s10  }
0x38: {  	s10 =	sld [smem:$0x3FBB]  }
0x39: {  	_ = 	snop;
	(pc) =	sbr.ind lr, $3  }
0x3a: {  	_ = 	snop  }
0x3b: {  	_ = 	snop  }
0x3c: {  	p2 =	seq.s32 s10, $0x1;
	s10 =	sld [smem:$0x3FBA]  }
0x3d: {  	_ =	shalt  }
0x3e: {  	_ =	shalt  }
0x3f: {  	_ =	shalt  }
0x40: {  	_ =	shalt  }
0x41: {  	_ =	shalt  }
0x42: {  	_ =	shalt  }
0x43: {  	_ =	shalt  }
0x44: {  	_ =	shalt  }
0x45: {  	_ =	shalt  }
0x46: {  	_ =	shalt  }
0x47: {  	_ =	shalt  }
0x48: {  	_ =	shalt  }
0x49: {  	_ =	shalt  }
0x4a: {  	_ =	shalt  }
0x4b: {  	_ =	shalt  }
0x4c: {  	_ =	shalt  }
0x4d: {  	_ =	shalt  }
0x4e: {  	_ =	shalt  }
0x4f: {  	_ =	shalt  }
0x50: {  	_ =	shalt  }
0x51: {  	_ =	shalt  }
0x52: {  	_ =	shalt  }
0x53: {  	_ =	shalt  }
0x54: {  	_ =	shalt  }
0x55: {  	_ =	shalt  }
0x56: {  	_ =	shalt  }
0x57: {  	_ =	shalt  }
0x58: {  	_ =	shalt  }
0x59: {  	_ =	shalt  }
0x5a: {  	_ =	shalt  }
0x5b: {  	_ =	shalt  }
0x5c: {  	_ =	shalt  }
0x5d: {  	_ =	shalt  }
0x5e: {  	_ =	shalt  }
0x5f: {  	_ =	shalt  }
0x60: {  	_ =	shalt  }
0x61: {  	_ =	shalt  }
0x62: {  	_ =	shalt  }
0x63: {  	_ =	shalt  }
0x64: {  	_ =	shalt  }
0x65: {  	_ =	shalt  }
0x66: {  	_ =	shalt  }
0x67: {  	_ =	shalt  }
0x68: {  	_ =	shalt  }
0x69: {  	_ =	shalt  }
0x6a: {  	_ =	shalt  }
0x6b: {  	_ =	shalt  }
0x6c: {  	_ =	shalt  }
0x6d: {  	_ =	shalt  }
0x6e: {  	_ =	shalt  }
0x6f: {  	_ =	shalt  }
0x70: {  	_ =	shalt  }
0x71: {  	_ =	shalt  }
0x72: {  	_ =	shalt  }
0x73: {  	_ =	shalt  }
0x74: {  	_ =	shalt  }
0x75: {  	_ =	shalt  }
0x76: {  	_ =	shalt  }
0x77: {  	_ =	shalt  }
0x78: {  	_ =	shalt  }
0x79: {  	_ =	shalt  }
0x7a: {  	_ =	shalt  }
0x7b: {  	_ =	shalt  }
0x7c: {  	_ =	shalt  }
0x7d: {  	_ =	shalt  }
0x7e: {  	_ =	shalt  }
0x7f: {  	_ =	shalt  }
0x80: {  	_ =	shalt  }
0x81: {  	_ =	shalt  }
0x82: {  	_ =	shalt  }
0x83: {  	_ =	shalt  }
0x84: {  	_ =	shalt  }
0x85: {  	_ =	shalt  }
0x86: {  	_ =	shalt  }
0x87: {  	_ =	shalt  }
.Lfunc_end0:
.L_simem_size_0:
called_computation_lowered:
.L_overlay_start_0:
0x88: {  	s2 =	sld [smem:$0x3FD9]  }
0x89: {  	s3 =	sld [smem:$0x3FFE];
	_ =	sdelay $0x1  }
0x8a: {  	s1 =	srdreg.scid  }
0x8b: {  	s0 =	sand.u32 $0x1, s1  }
0x8c: {  	s17 =	sshll.u32 s0, $0xA;
	s2 =	sadd.s32 s3, s2  }
0x8d: {  	s2 =	sadd.s32 s2, s17  }
0x8e: {  	[smem:$0x3FC6] =	sst s2  }
0x8f: {  	_ = 	snop  }
0x90: {  	s2 =	sld [smem:$0x3FD0];
	(tm) =	ssettm $0x1  }
0x91: {  	s18 =	sld [smem:$0x3FFB];
	_ =	sdelay $0x3  }
0x92: {  	_ =	strace s18  }
0x93: {  	s3 =	sld [smem:$0x3FFC];
	_ =	sdelay $0x3  }
0x94: {  	_ =	strace s3  }
0x95: {  	s3 =	sld [smem:$0x3FFD];
	_ =	sdelay $0x3  }
0x96: {  	_ =	strace s3  }
0x97: {  	_ =	strace $0x8FFFFFFF  }
0x98: {  	s19 =	sld [smem:$0x3FDB];
	_ =	sdelay $0x1  }
0x99: {  	s4 =	simm.s32 $_scs_section_size  }
0x9a: {  	s5 =	simm.s32 $_size__tile_overlayer_lowered;
	s6 =	simm.s32 $_tile_overlayer_lowered  }
0x9b: {  	s22 =	simm.s32 $0x1BFF;
	s21 =	sshll.u32 s6, $0x1;
	s3 =	sadd.s32 s4, s19  }
0x9c: {  	s7 =	simm.s32 $0x0;
	s20 =	sshll.u32 s5, $0x1;
	s5 =	sadd.s32 s21, s3  }
0x9d: {  	[timem:s7], [sflag:s22] =	dma.local [hbm:s5], s20  }
0x9e: {  	_ =	swait.ge [sflag:s22], s20  }
0x9f: {  	s4 =	ssub.s32 $0x0, s20;
	[sflag:s22] =	ssyncset.done $0x0  }
0xa0: {  	[sflag:s22] =	ssyncadd.s32 s4;
	_ =	sdelay $0x1  }
0xa1: {  	s23 =	simm.s32 $0x1B8B  }
0xa2: {  	_ =	swait.ge [sflag:s23], $0x1  }
0xa3: {  	[sflag:s23] =	ssyncset.done $0x0  }
0xa4: {  	s25 =	simm.s32 $0x1B8E;
	s24 =	sld [smem:$0x3FFE];
	[sflag:s23] =	ssyncadd.s32 $0xFFFFFFFF  }
0xa5: {  	s26 =	simm.s32 $execute0_lowered;
	[smem:$0x3FD2] =	sst s25  }
0xa6: {  	s5 =	sshll.u32 s26, $0x1;
	_ =	strace $0x80000046;
	[dreg:$0x1] =	wrdreg $0xFFFFFFFF  }
0xa7: {  	s28 =	simm.s32 $_size_execute0_lowered;
	s3 =	sadd.s32 s3, s5;
	[dreg:$0x0] =	wrdreg $0x0  }
0xa8: {  	s5 =	sshll.u32 s28, $0x1;
	[dreg:$0x2] =	wrdreg s3  }
0xa9: {  	[dreg:$0x3] =	wrdreg s5  }
0xaa: {  	[dreg:$0x4] =	wrdreg $0xC0  }
0xab: {  	_ =	task [dreg:s7], $0x5FFFF  }
0xac: {  	[dreg:$0x1] =	wrdreg $0xFFFFFFFF  }
0xad: {  	[dreg:$0x0] =	wrdreg $0x60  }
0xae: {  	[dreg:$0x2] =	wrdreg s24  }
0xaf: {  	[dreg:$0x3] =	wrdreg s2  }
0xb0: {  	[dreg:$0x4] =	wrdreg $0x9  }
0xb1: {  	_ =	task.clear_ibuf [dreg:s7], $0x5FFFF;
	_ =	strace $0x90000046  }
0xb2: {  	s29 =	simm.s32 $0x9;
	_ =	strace $0x80000048  }
0xb3: {  	_ =	swait.ge [sflag:s29], $0x1  }
0xb4: {  	[sflag:s29] =	ssyncadd.s32 $0xFFFFFFFF  }
0xb5: {  	_ =	strace $0x90000048  }
0xb6: {  	_ =	sfence  }
0xb7: {  	s30 =	sld [smem:$0x0];
	_ =	sdelay $0x2  }
0xb8: {  	s31 =	sshll.u32 s1, $0xD;
	s1 =	sshrl.u32 s1, $0x2  }
0xb9: {  	s3 =	sand.u32 $0x4000, s31;
	s1 =	sadd.s32 s1, s30  }
0xba: {  	s0 =	sor.u32 s3, s0;
	s1 =	sshll.u32 s1, $0x11  }
0xbb: {  	s0 =	sor.u32 s1, s0  }
0xbc: {  	s0 =	sadd.s32 $0x8F2B, s0  }
0xbd: {  	[sflag:s0] =	ssyncadd.remote.s32 $0x1  }
0xbe: {  	_ =	sfence.sel $0xFFFF  }
0xbf: {  	[dreg:$0x0] =	wrdreg $0xFFFFFFFF;
	(pc) =	sbr.abs _section_cstart, $3  }
0xc0: {  	[dreg:$0x1] =	wrdreg $0xFFFFFFFF  }
0xc1: {  	_ =	task.clear_ibuf [dreg:s7], $0x2FFFF;
	_ =	strace $0x9FFFFFFF  }
0xc2: {  	(tm) =	ssettm $0x7FFFFFFF  }
0xc3: {  	_ =	shalt  }
tec
execute0_lowered:
.L_overlay_start_1:
0x0: {  	(tag) =	ssettag $0x1  }
0x1: {  	s0 =	rddreg [dreg:$0x0]  }
0x2: {  	s1 =	rddreg [dreg:$0x1];
	s2 =	simm.s32 $0x0;
	s3 =	srdreg.scid  }
0x3: {  	s4 =	stileid.u32;
	s12 =	simm.s32 $0x100;
	s13 =	simm.s32 $0x5  }
0x4: {  	s15 =	simm.s32 $0x1;
	s16 =	simm.s32 $0x6;
	s17 =	simm.s32 $0x4200  }
0x5: {  	s18 =	simm.s32 $0x800;
	s19 =	simm.s32 $0x20000;
	s20 =	simm.s32 $0xC340  }
0x6: {  	v0 =	vlaneseq.u32;
	s21 =	simm.s32 $0x2;
	s22 =	simm.s32 $0x10340;
	s23 =	simm.s32 $0x3  }
0x7: {  	s24 =	simm.s32 $0x4;
	s25 =	simm.s32 $0x0;
	[smem:$0x7FF] =	sst s2;
	v0 =	vmul.u32 $0x41, v0  }
0x8: {  	s5 =	sand.u32 $0x1, s3;
	s4 =	sshll.u32 s4, $0x1;
	s3 =	sadd.s32 $0xF42A00, s0  }
0x9: {  	_ =	strace $0x80000047;
	s6 =	sor.u32 s5, s4;
	s30 =	ssub.s32 $0x2, s5;
	v6 =	vadd.s32 $0x6, v0  }
0xa: {  	s4 =	sadd.s32 $0x600, s0;
	s31 =	sshll.u32 s6, $0x6;
	s7 =	sshrl.u32 s30, $0x1;
	v7 =	vadd.s32 $0x7, v0  }
0xb: {  	s9 =	sshll.u32 s6, $0x9;
	s5 =	sadd.s32 s4, s31;
	s0 =	ssub.s32 s30, s7  }
0xc: {  	v1 =	vadd.s32 $0x1, v0;
	v2 =	vadd.s32 $0x2, v0;
	s7 =	sadd.s32 s1, s9;
	s8 =	sor.u32 $0x4000, s9;
	s9 =	sor.u32 $0x4100, s9  }
0xd: {  	v3 =	vadd.s32 $0x3, v0;
	v4 =	vadd.s32 $0x4, v0;
	v5 =	vadd.s32 $0x5, v0;
	s6 =	sadd.s32 $0x20, s5;
	s10 =	sadd.s32 $0x100, s7;
	s11 =	smax.u32 s0, $0x1  }
.LBB2_1:
0xe: {  	[tilespmem:s2], [sflag:$0x5] =	stream.linear.gather [hbm4b:s5+s2], $0x100, $0x38;
	[tilespmem:$0x14340] =	vst v63  }
0xf: {  	_ = 	snop  }
0x10: {  	[tilespmem:s12], [sflag:$0x6] =	stream.linear.gather [hbm4b:s6+s2], $0x100, $0x38;
	[tilespmem:$0x14340] =	vst v63  }
0x11: {  	_ =	swait.ge [sflag:s13], $0x100  }
0x12: {  	[sflag:s13] =	ssyncset.done $0x0  }
0x13: {  	s0 =	simm.s32 $0x200;
	s26 =	simm.s32 $0x0;
	[sflag:s13] =	ssyncadd.s32 $0xFFFFFF00  }
0x14: {  	[tilespmem:s0], [sflag:$0x1] =	stream.indirect.gather [hbm4b:s3+s12], $0x40, s2, s12, $0xb8;
	[tilespmem:$0x14340] =	vst v63  }
.LBB2_2:
0x15: {  	p0 =	seq.s32 s26, $0x31  }
0x16: {  	s29 =	sshll.u32 @!p0 s26, $0xE  }
0x17: {  	_ =	swait.ge [sflag:s15], $0x4000;
	s0 =	sadd.s32 @!p0 s8, s29  }
0x18: {  	[sflag:s15] =	ssyncset.done $0x0;
	s0 =	sshrl.u32 @!p0 s0, $0x3  }
0x19: {  	s1 =	simm.s32 @!p0 $0x0;
	[sflag:s15] =	ssyncadd.s32 $0xFFFFC000;
	s0 =	sadd.s32 @!p0 s4, s0  }
0x1a: {  	[tilespmem:s1], [sflag:$0x5] =	stream.linear.gather @!p0 [hbm4b:s0+s1], $0x100, $0x38;
	[tilespmem:$0x14340] =	vst v63  }
0x1b: {  	_ =	swait.ge [sflag:s16], $0x100  }
0x1c: {  	p1 =	seq.s32 s26, $0x0;
	[sflag:s16] =	ssyncset.done $0x0  }
0x1d: {  	s0 =	simm.s32 @!p1 $0x3;
	[sflag:s16] =	ssyncadd.s32 $0xFFFFFF00  }
0x1e: {  	[tilespmem:s17], [sflag:$0x2] =	stream.indirect.gather [hbm4b:s3+s12], $0x40, s12, s12, $0xb8;
	[tilespmem:$0x14340] =	vst v63  }
0x1f: {  	_ =	swait.ge @!p1 [sflag:s0], $0x4000  }
0x20: {  	[sflag:s0] =	ssyncset.done @!p1 $0x0  }
0x21: {  	s14 =	simm.s32 $0x300;
	[sflag:s0] =	ssyncadd.s32 @!p1 $0xFFFFC000  }
0x22: {  	v9 =	vld [tilespmem:s14+$0xFFFFFF00]  }
0x23: {  	v11 =	vld [tilespmem:s14+$0xFFFFFF10]  }
0x24: {  	v14 =	vld [tilespmem:s14+$0xFFFFFF20]  }
0x25: {  	v16 =	vld [tilespmem:s14+$0xFFFFFF30]  }
0x26: {  	v17 =	vld [tilespmem:s14+$0xFFFFFF40]  }
0x27: {  	v18 =	vld [tilespmem:s14+$0xFFFFFF50]  }
0x28: {  	v19 =	vld [tilespmem:s14+$0xFFFFFF60]  }
0x29: {  	v20 =	vld [tilespmem:s14+$0xFFFFFF70]  }
0x2a: {  	v21 =	vld [tilespmem:s14+$0xFFFFFF80]  }
0x2b: {  	v22 =	vld [tilespmem:s14+$0xFFFFFF90]  }
0x2c: {  	v23 =	vld [tilespmem:s14+$0xFFFFFFA0]  }
0x2d: {  	v24 =	vld [tilespmem:s14+$0xFFFFFFB0]  }
0x2e: {  	v25 =	vld [tilespmem:s14+$0xFFFFFFC0]  }
0x2f: {  	v26 =	vld [tilespmem:s14+$0xFFFFFFD0]  }
0x30: {  	v27 =	vld [tilespmem:s14+$0xFFFFFFE0]  }
0x31: {  	v28 =	vld [tilespmem:s14+$0xFFFFFFF0]  }
0x32: {  	v29 =	vld [tilespmem:s14+$0x0]  }
0x33: {  	v30 =	vld [tilespmem:s14+$0x10]  }
0x34: {  	v31 =	vld [tilespmem:s14+$0x20]  }
0x35: {  	v32 =	vld [tilespmem:s14+$0x30]  }
0x36: {  	v33 =	vld [tilespmem:s14+$0x40]  }
0x37: {  	v34 =	vld [tilespmem:s14+$0x50]  }
0x38: {  	v35 =	vld [tilespmem:s14+$0x60]  }
0x39: {  	v36 =	vld [tilespmem:s14+$0x70]  }
0x3a: {  	v37 =	vld [tilespmem:s14+$0x80]  }
0x3b: {  	v38 =	vld [tilespmem:s14+$0x90]  }
0x3c: {  	v8 =	vld [tilespmem:s14+$0xF0]  }
0x3d: {  	v39 =	vld [tilespmem:s14+$0xA0]  }
0x3e: {  	v15 =	vld [tilespmem:s14+$0xB0]  }
0x3f: {  	v12 =	vld [tilespmem:s14+$0xC0]  }
0x40: {  	s0 =	simm.s32 $0x1F7;
	v10 =	vld [tilespmem:s14+$0xD0]  }
0x41: {  	s28 =	simm.s32 $0x500;
	v13 =	vld [tilespmem:s14+$0xE0];
	[tilespmem:s0+$0x8200] =	vst v8  }
0x42: {  	v8 =	vld [tilespmem:s28+$0xFFFFFF00];
	[tilespmem:s0+$0x8009] =	vst v9  }
0x43: {  	v9 =	vld [tilespmem:s28+$0xFFFFFF10];
	[tilespmem:s0+$0x8019] =	vst v11  }
0x44: {  	v11 =	vld [tilespmem:s28+$0xFFFFFF20];
	[tilespmem:s0+$0x8029] =	vst v14  }
0x45: {  	v14 =	vld [tilespmem:s28+$0xFFFFFF30];
	[tilespmem:s0+$0x8039] =	vst v16  }
0x46: {  	v16 =	vld [tilespmem:s28+$0xFFFFFF40];
	[tilespmem:s0+$0x804A] =	vst v17  }
0x47: {  	v17 =	vld [tilespmem:s28+$0xFFFFFF50];
	[tilespmem:s0+$0x805A] =	vst v18  }
0x48: {  	v18 =	vld [tilespmem:s28+$0xFFFFFF60];
	[tilespmem:s0+$0x806A] =	vst v19  }
0x49: {  	v19 =	vld [tilespmem:s28+$0xFFFFFF70];
	[tilespmem:s0+$0x807A] =	vst v20  }
0x4a: {  	v20 =	vld [tilespmem:s28+$0xFFFFFF80];
	[tilespmem:s0+$0x808B] =	vst v21  }
0x4b: {  	v21 =	vld [tilespmem:s28+$0xFFFFFF90];
	[tilespmem:s0+$0x809B] =	vst v22  }
0x4c: {  	v22 =	vld [tilespmem:s28+$0xFFFFFFA0];
	[tilespmem:s0+$0x80AB] =	vst v23  }
0x4d: {  	v23 =	vld [tilespmem:s28+$0xFFFFFFB0];
	[tilespmem:s0+$0x80BB] =	vst v24  }
0x4e: {  	v24 =	vld [tilespmem:s28+$0xFFFFFFC0];
	[tilespmem:s0+$0x80CC] =	vst v25  }
0x4f: {  	v25 =	vld [tilespmem:s28+$0xFFFFFFD0];
	[tilespmem:s0+$0x80DC] =	vst v26  }
0x50: {  	v26 =	vld [tilespmem:s28+$0xFFFFFFE0];
	[tilespmem:s0+$0x80EC] =	vst v27  }
0x51: {  	v27 =	vld [tilespmem:s28+$0xFFFFFFF0];
	[tilespmem:s0+$0x80FC] =	vst v28  }
0x52: {  	v28 =	vld [tilespmem:s28+$0x0];
	[tilespmem:s0+$0x810D] =	vst v29  }
0x53: {  	v29 =	vld [tilespmem:s28+$0x10];
	[tilespmem:s0+$0x811D] =	vst v30  }
0x54: {  	v30 =	vld [tilespmem:s28+$0x20];
	[tilespmem:s0+$0x812D] =	vst v31  }
0x55: {  	v31 =	vld [tilespmem:s28+$0x30];
	[tilespmem:s0+$0x813D] =	vst v32  }
0x56: {  	v32 =	vld [tilespmem:s28+$0x40];
	[tilespmem:s0+$0x814E] =	vst v33  }
0x57: {  	v33 =	vld [tilespmem:s28+$0x50];
	[tilespmem:s0+$0x815E] =	vst v34  }
0x58: {  	v34 =	vld [tilespmem:s28+$0x60];
	[tilespmem:s0+$0x816E] =	vst v35  }
0x59: {  	v35 =	vld [tilespmem:s28+$0x70];
	[tilespmem:s0+$0x817E] =	vst v36  }
0x5a: {  	v36 =	vld [tilespmem:s28+$0x80];
	[tilespmem:s0+$0x818F] =	vst v37  }
0x5b: {  	v37 =	vld [tilespmem:s28+$0x90];
	[tilespmem:s0+$0x819F] =	vst v38  }
0x5c: {  	s30 =	simm.s32 $0xFFC;
	s31 =	simm.s32 $0x181C;
	v38 =	vld [tilespmem:s28+$0xF0];
	[tilespmem:s0+$0x81AF] =	vst v39  }
.LBB2_3:
0x5d: {  	p1 =	sne.s32 s31, $0x103BC;
	v39 =	vld [tilespmem:s28+$0xA0];
	[tilespmem:s0+$0x81BF] =	vst v15  }
0x5e: {  	v15 =	vld [tilespmem:s28+$0xB0];
	[tilespmem:s0+$0x81D0] =	vst v12  }
0x5f: {  	v12 =	vld [tilespmem:s28+$0xC0];
	[tilespmem:s0+$0x81E0] =	vst v10  }
0x60: {  	v10 =	vld [tilespmem:s28+$0xD0];
	[tilespmem:s0+$0x81F0] =	vst v13;
	s0 =	sshra.s32 s30, $0x2;
	s30 =	smov.u32 s31  }
0x61: {  	v13 =	vld [tilespmem:s28+$0xE0];
	[tilespmem:s0+$0x8200] =	vst v38;
	s28 =	sadd.s32 $0x200, s28  }
0x62: {  	[tilespmem:s0+$0x8009] =	vst v8;
	v8 =	vld [tilespmem:s28+$0xFFFFFF00]  }
0x63: {  	[tilespmem:s0+$0x8019] =	vst v9;
	v9 =	vld [tilespmem:s28+$0xFFFFFF10]  }
0x64: {  	[tilespmem:s0+$0x8029] =	vst v11;
	v11 =	vld [tilespmem:s28+$0xFFFFFF20]  }
0x65: {  	[tilespmem:s0+$0x8039] =	vst v14;
	v14 =	vld [tilespmem:s28+$0xFFFFFF30]  }
0x66: {  	[tilespmem:s0+$0x804A] =	vst v16;
	v16 =	vld [tilespmem:s28+$0xFFFFFF40]  }
0x67: {  	[tilespmem:s0+$0x805A] =	vst v17;
	v17 =	vld [tilespmem:s28+$0xFFFFFF50]  }
0x68: {  	[tilespmem:s0+$0x806A] =	vst v18;
	v18 =	vld [tilespmem:s28+$0xFFFFFF60]  }
0x69: {  	[tilespmem:s0+$0x807A] =	vst v19;
	v19 =	vld [tilespmem:s28+$0xFFFFFF70]  }
0x6a: {  	[tilespmem:s0+$0x808B] =	vst v20;
	v20 =	vld [tilespmem:s28+$0xFFFFFF80]  }
0x6b: {  	[tilespmem:s0+$0x809B] =	vst v21;
	v21 =	vld [tilespmem:s28+$0xFFFFFF90]  }
0x6c: {  	[tilespmem:s0+$0x80AB] =	vst v22;
	v22 =	vld [tilespmem:s28+$0xFFFFFFA0]  }
0x6d: {  	[tilespmem:s0+$0x80BB] =	vst v23;
	v23 =	vld [tilespmem:s28+$0xFFFFFFB0]  }
0x6e: {  	[tilespmem:s0+$0x80CC] =	vst v24;
	v24 =	vld [tilespmem:s28+$0xFFFFFFC0]  }
0x6f: {  	[tilespmem:s0+$0x80DC] =	vst v25;
	v25 =	vld [tilespmem:s28+$0xFFFFFFD0]  }
0x70: {  	[tilespmem:s0+$0x80EC] =	vst v26;
	v26 =	vld [tilespmem:s28+$0xFFFFFFE0]  }
0x71: {  	[tilespmem:s0+$0x80FC] =	vst v27;
	v27 =	vld [tilespmem:s28+$0xFFFFFFF0]  }
0x72: {  	[tilespmem:s0+$0x810D] =	vst v28;
	v28 =	vld [tilespmem:s28+$0x0]  }
0x73: {  	[tilespmem:s0+$0x811D] =	vst v29;
	v29 =	vld [tilespmem:s28+$0x10]  }
0x74: {  	[tilespmem:s0+$0x812D] =	vst v30;
	v30 =	vld [tilespmem:s28+$0x20]  }
0x75: {  	[tilespmem:s0+$0x813D] =	vst v31;
	v31 =	vld [tilespmem:s28+$0x30]  }
0x76: {  	[tilespmem:s0+$0x814E] =	vst v32;
	v32 =	vld [tilespmem:s28+$0x40]  }
0x77: {  	[tilespmem:s0+$0x815E] =	vst v33;
	v33 =	vld [tilespmem:s28+$0x50]  }
.Ltmp0:
0x78: {  	[tilespmem:s0+$0x816E] =	vst v34;
	v34 =	vld [tilespmem:s28+$0x60];
	(pc) =	sbr.rel @p1 .LBB2_3-.Ltmp0, $4  }
0x79: {  	[tilespmem:s0+$0x817E] =	vst v35;
	v35 =	vld [tilespmem:s28+$0x70]  }
0x7a: {  	[tilespmem:s0+$0x818F] =	vst v36;
	v36 =	vld [tilespmem:s28+$0x80]  }
0x7b: {  	[tilespmem:s0+$0x819F] =	vst v37;
	v37 =	vld [tilespmem:s28+$0x90]  }
0x7c: {  	s31 =	sadd.s32 $0x820, s31;
	v38 =	vld [tilespmem:s28+$0xF0];
	[tilespmem:s0+$0x81AF] =	vst v39  }
0x7d: {  	v39 =	vld [tilespmem:s28+$0xA0];
	[tilespmem:s0+$0x81BF] =	vst v15  }
0x7e: {  	v15 =	vld [tilespmem:s28+$0xB0];
	[tilespmem:s0+$0x81D0] =	vst v12  }
0x7f: {  	v12 =	vld [tilespmem:s28+$0xC0];
	[tilespmem:s0+$0x81E0] =	vst v10  }
0x80: {  	v10 =	vld [tilespmem:s28+$0xD0];
	s1 =	sshra.s32 s30, $0x2;
	[tilespmem:s0+$0x81F0] =	vst v13  }
0x81: {  	v13 =	vld [tilespmem:s28+$0xE0];
	[tilespmem:s1+$0x8009] =	vst v8  }
0x82: {  	[tilespmem:s1+$0x8019] =	vst v9  }
0x83: {  	[tilespmem:s1+$0x8029] =	vst v11  }
0x84: {  	[tilespmem:s1+$0x8039] =	vst v14  }
0x85: {  	[tilespmem:s1+$0x804A] =	vst v16  }
0x86: {  	[tilespmem:s1+$0x805A] =	vst v17  }
0x87: {  	[tilespmem:s1+$0x806A] =	vst v18  }
0x88: {  	[tilespmem:s1+$0x807A] =	vst v19  }
0x89: {  	[tilespmem:s1+$0x808B] =	vst v20  }
0x8a: {  	[tilespmem:s1+$0x809B] =	vst v21  }
0x8b: {  	[tilespmem:s1+$0x80AB] =	vst v22  }
0x8c: {  	[tilespmem:s1+$0x80BB] =	vst v23  }
0x8d: {  	[tilespmem:s1+$0x80CC] =	vst v24  }
0x8e: {  	[tilespmem:s1+$0x80DC] =	vst v25  }
0x8f: {  	[tilespmem:s1+$0x80EC] =	vst v26  }
0x90: {  	[tilespmem:s1+$0x80FC] =	vst v27  }
0x91: {  	[tilespmem:s1+$0x810D] =	vst v28  }
0x92: {  	[tilespmem:s1+$0x811D] =	vst v29  }
0x93: {  	[tilespmem:s1+$0x812D] =	vst v30  }
0x94: {  	[tilespmem:s1+$0x813D] =	vst v31  }
0x95: {  	[tilespmem:s1+$0x814E] =	vst v32  }
0x96: {  	[tilespmem:s1+$0x815E] =	vst v33  }
0x97: {  	[tilespmem:s1+$0x816E] =	vst v34  }
0x98: {  	[tilespmem:s1+$0x817E] =	vst v35  }
0x99: {  	[tilespmem:s1+$0x818F] =	vst v36  }
0x9a: {  	[tilespmem:s1+$0x819F] =	vst v37  }
0x9b: {  	s31 =	simm.s32 $0x0;
	s14 =	simm.s32 $0x0;
	[tilespmem:s1+$0x8200] =	vst v38  }
0x9c: {  	s0 =	sand.u32 $0x3FFFFF80, s14;
	s14 =	sand.u32 $0x70, s31;
	[tilespmem:s1+$0x81AF] =	vst v39  }
0x9d: {  	s0 =	sor.u32 s14, s0;
	[tilespmem:s1+$0x81BF] =	vst v15  }
0x9e: {  	s0 =	smul.u32 $0x104, s0;
	[tilespmem:s1+$0x81D0] =	vst v12  }
0x9f: {  	[tilespmem:s1+$0x81E0] =	vst v10  }
0xa0: {  	[tilespmem:s1+$0x81F0] =	vst v13;
	s28 =	sshra.s32 s0, $0x2  }
0xa1: {  	v8 =	vld.idx.msk [tilespmem:v0+s28+$0x8200], $0xffff  }
0xa2: {  	v9 =	vld.idx.msk [tilespmem:v1+s28+$0x8200], $0xffff  }
0xa3: {  	v10 =	vld.idx.msk [tilespmem:v2+s28+$0x8200], $0xffff  }
0xa4: {  	v11 =	vld.idx.msk [tilespmem:v3+s28+$0x8200], $0xffff  }
0xa5: {  	v12 =	vld.idx.msk [tilespmem:v4+s28+$0x8200], $0xffff  }
0xa6: {  	v13 =	vld.idx.msk [tilespmem:v5+s28+$0x8200], $0xffff  }
0xa7: {  	v14 =	vld.idx.msk [tilespmem:v6+s28+$0x8200], $0xffff  }
0xa8: {  	v15 =	vld.idx.msk [tilespmem:v7+s28+$0x8200], $0xffff  }
0xa9: {  	v16 =	vld.idx.msk [tilespmem:v0+s28+$0x8208], $0xffff  }
0xaa: {  	v17 =	vld.idx.msk [tilespmem:v1+s28+$0x8208], $0xffff  }
0xab: {  	v18 =	vld.idx.msk [tilespmem:v2+s28+$0x8208], $0xffff  }
0xac: {  	v19 =	vld.idx.msk [tilespmem:v3+s28+$0x8208], $0xffff  }
0xad: {  	s1 =	simm.s32 $0x0;
	v20 =	vld.idx.msk [tilespmem:v4+s28+$0x8208], $0xffff  }
0xae: {  	v21 =	vld.idx.msk [tilespmem:v5+s28+$0x8208], $0xffff;
	s0 =	sand.u32 $0x3FFFFC00, s1  }
0xaf: {  	v22 =	vld.idx.msk [tilespmem:v6+s28+$0x8208], $0xffff;
	s30 =	sor.u32 s14, s0  }
0xb0: {  	v23 =	vld.idx.msk [tilespmem:v7+s28+$0x8208], $0xffff;
	[tilespmem:s30+$0xC340] =	vst v8  }
0xb1: {  	[tilespmem:s30+$0xC3C0] =	vst v9  }
0xb2: {  	[tilespmem:s30+$0xC440] =	vst v10  }
0xb3: {  	[tilespmem:s30+$0xC4C0] =	vst v11  }
0xb4: {  	[tilespmem:s30+$0xC540] =	vst v12  }
0xb5: {  	[tilespmem:s30+$0xC5C0] =	vst v13  }
0xb6: {  	[tilespmem:s30+$0xC640] =	vst v14  }
0xb7: {  	[tilespmem:s30+$0xC6C0] =	vst v15  }
0xb8: {  	[tilespmem:s30+$0xCB40] =	vst v16  }
0xb9: {  	[tilespmem:s30+$0xCBC0] =	vst v17  }
0xba: {  	[tilespmem:s30+$0xCC40] =	vst v18  }
0xbb: {  	[tilespmem:s30+$0xCCC0] =	vst v19  }
0xbc: {  	[tilespmem:s30+$0xCD40] =	vst v20  }
0xbd: {  	[tilespmem:s30+$0xCDC0] =	vst v21  }
0xbe: {  	[tilespmem:s30+$0xCE40] =	vst v22  }
0xbf: {  	[tilespmem:s30+$0xCEC0] =	vst v23  }
0xc0: {  	v8 =	vld.idx.msk [tilespmem:v0+s28+$0x8210], $0xffff  }
0xc1: {  	v9 =	vld.idx.msk [tilespmem:v1+s28+$0x8210], $0xffff  }
0xc2: {  	v10 =	vld.idx.msk [tilespmem:v2+s28+$0x8210], $0xffff  }
0xc3: {  	v11 =	vld.idx.msk [tilespmem:v3+s28+$0x8210], $0xffff  }
0xc4: {  	v12 =	vld.idx.msk [tilespmem:v4+s28+$0x8210], $0xffff  }
0xc5: {  	v13 =	vld.idx.msk [tilespmem:v5+s28+$0x8210], $0xffff  }
0xc6: {  	v14 =	vld.idx.msk [tilespmem:v6+s28+$0x8210], $0xffff  }
0xc7: {  	v15 =	vld.idx.msk [tilespmem:v7+s28+$0x8210], $0xffff  }
0xc8: {  	v16 =	vld.idx.msk [tilespmem:v0+s28+$0x8218], $0xffff  }
0xc9: {  	v17 =	vld.idx.msk [tilespmem:v1+s28+$0x8218], $0xffff  }
0xca: {  	v18 =	vld.idx.msk [tilespmem:v2+s28+$0x8218], $0xffff  }
0xcb: {  	v19 =	vld.idx.msk [tilespmem:v3+s28+$0x8218], $0xffff  }
0xcc: {  	v20 =	vld.idx.msk [tilespmem:v4+s28+$0x8218], $0xffff  }
0xcd: {  	v21 =	vld.idx.msk [tilespmem:v5+s28+$0x8218], $0xffff  }
0xce: {  	v22 =	vld.idx.msk [tilespmem:v6+s28+$0x8218], $0xffff  }
0xcf: {  	v23 =	vld.idx.msk [tilespmem:v7+s28+$0x8218], $0xffff;
	[tilespmem:s30+$0xD340] =	vst v8  }
0xd0: {  	[tilespmem:s30+$0xD3C0] =	vst v9  }
0xd1: {  	[tilespmem:s30+$0xD440] =	vst v10  }
0xd2: {  	[tilespmem:s30+$0xD4C0] =	vst v11  }
0xd3: {  	[tilespmem:s30+$0xD540] =	vst v12  }
0xd4: {  	[tilespmem:s30+$0xD5C0] =	vst v13  }
0xd5: {  	[tilespmem:s30+$0xD640] =	vst v14  }
0xd6: {  	[tilespmem:s30+$0xD6C0] =	vst v15  }
0xd7: {  	[tilespmem:s30+$0xDB40] =	vst v16  }
0xd8: {  	[tilespmem:s30+$0xDBC0] =	vst v17  }
0xd9: {  	[tilespmem:s30+$0xDC40] =	vst v18  }
0xda: {  	[tilespmem:s30+$0xDCC0] =	vst v19  }
0xdb: {  	[tilespmem:s30+$0xDD40] =	vst v20  }
0xdc: {  	[tilespmem:s30+$0xDDC0] =	vst v21  }
0xdd: {  	[tilespmem:s30+$0xDE40] =	vst v22  }
0xde: {  	[tilespmem:s30+$0xDEC0] =	vst v23  }
0xdf: {  	v21 =	vld.idx.msk [tilespmem:v0+s28+$0x8220], $0xffff  }
0xe0: {  	v20 =	vld.idx.msk [tilespmem:v1+s28+$0x8220], $0xffff  }
0xe1: {  	v18 =	vld.idx.msk [tilespmem:v2+s28+$0x8220], $0xffff  }
0xe2: {  	v19 =	vld.idx.msk [tilespmem:v3+s28+$0x8220], $0xffff  }
0xe3: {  	v17 =	vld.idx.msk [tilespmem:v4+s28+$0x8220], $0xffff  }
0xe4: {  	v16 =	vld.idx.msk [tilespmem:v5+s28+$0x8220], $0xffff  }
0xe5: {  	v15 =	vld.idx.msk [tilespmem:v6+s28+$0x8220], $0xffff  }
0xe6: {  	v14 =	vld.idx.msk [tilespmem:v7+s28+$0x8220], $0xffff  }
0xe7: {  	v13 =	vld.idx.msk [tilespmem:v0+s28+$0x8228], $0xffff  }
0xe8: {  	v12 =	vld.idx.msk [tilespmem:v1+s28+$0x8228], $0xffff  }
0xe9: {  	v11 =	vld.idx.msk [tilespmem:v2+s28+$0x8228], $0xffff  }
0xea: {  	v10 =	vld.idx.msk [tilespmem:v3+s28+$0x8228], $0xffff  }
0xeb: {  	v9 =	vld.idx.msk [tilespmem:v4+s28+$0x8228], $0xffff  }
0xec: {  	s0 =	simm.s32 $0x1;
	v8 =	vld.idx.msk [tilespmem:v5+s28+$0x8228], $0xffff  }
.LBB2_5:
0xed: {  	s1 =	sshll.u32 s0, $0x4;
	p1 =	sne.s32 s0, $0xF;
	v22 =	vld.idx.msk [tilespmem:v6+s28+$0x8228], $0xffff;
	s31 =	sadd.s32 $0x10, s31  }
0xee: {  	s14 =	sand.u32 $0x3FFFFF80, s1;
	s1 =	sand.u32 $0x70, s31;
	v23 =	vld.idx.msk [tilespmem:v7+s28+$0x8228], $0xffff;
	[tilespmem:s30+$0xE340] =	vst v21  }
0xef: {  	s14 =	sor.u32 s1, s14;
	[tilespmem:s30+$0xE3C0] =	vst v20  }
0xf0: {  	s14 =	smul.u32 $0x104, s14;
	[tilespmem:s30+$0xE440] =	vst v18  }
0xf1: {  	[tilespmem:s30+$0xE4C0] =	vst v19  }
0xf2: {  	s14 =	sshra.s32 s14, $0x2;
	[tilespmem:s30+$0xE540] =	vst v17  }
0xf3: {  	v17 =	vld.idx.msk [tilespmem:v0+s14+$0x8200], $0xffff;
	[tilespmem:s30+$0xE5C0] =	vst v16  }
0xf4: {  	v16 =	vld.idx.msk [tilespmem:v1+s14+$0x8200], $0xffff;
	[tilespmem:s30+$0xE640] =	vst v15  }
0xf5: {  	v15 =	vld.idx.msk [tilespmem:v2+s14+$0x8200], $0xffff;
	[tilespmem:s30+$0xE6C0] =	vst v14  }
0xf6: {  	v14 =	vld.idx.msk [tilespmem:v3+s14+$0x8200], $0xffff;
	[tilespmem:s30+$0xEB40] =	vst v13  }
0xf7: {  	v13 =	vld.idx.msk [tilespmem:v4+s14+$0x8200], $0xffff;
	[tilespmem:s30+$0xEBC0] =	vst v12  }
0xf8: {  	v12 =	vld.idx.msk [tilespmem:v5+s14+$0x8200], $0xffff;
	[tilespmem:s30+$0xEC40] =	vst v11  }
0xf9: {  	v11 =	vld.idx.msk [tilespmem:v6+s14+$0x8200], $0xffff;
	[tilespmem:s30+$0xECC0] =	vst v10  }
0xfa: {  	v10 =	vld.idx.msk [tilespmem:v7+s14+$0x8200], $0xffff;
	[tilespmem:s30+$0xED40] =	vst v9  }
0xfb: {  	v9 =	vld.idx.msk [tilespmem:v0+s14+$0x8208], $0xffff;
	[tilespmem:s30+$0xEDC0] =	vst v8  }
0xfc: {  	v8 =	vld.idx.msk [tilespmem:v1+s14+$0x8208], $0xffff;
	[tilespmem:s30+$0xEE40] =	vst v22  }
0xfd: {  	v18 =	vld.idx.msk [tilespmem:v2+s14+$0x8208], $0xffff;
	[tilespmem:s30+$0xEEC0] =	vst v23  }
0xfe: {  	v19 =	vld.idx.msk [tilespmem:v0+s28+$0x8230], $0xffff  }
0xff: {  	v20 =	vld.idx.msk [tilespmem:v1+s28+$0x8230], $0xffff  }
0x100: {  	v21 =	vld.idx.msk [tilespmem:v2+s28+$0x8230], $0xffff  }
0x101: {  	v22 =	vld.idx.msk [tilespmem:v3+s28+$0x8230], $0xffff  }
0x102: {  	v23 =	vld.idx.msk [tilespmem:v4+s28+$0x8230], $0xffff  }
0x103: {  	v24 =	vld.idx.msk [tilespmem:v5+s28+$0x8230], $0xffff  }
0x104: {  	v25 =	vld.idx.msk [tilespmem:v6+s28+$0x8230], $0xffff  }
0x105: {  	v26 =	vld.idx.msk [tilespmem:v7+s28+$0x8230], $0xffff  }
0x106: {  	v27 =	vld.idx.msk [tilespmem:v0+s28+$0x8238], $0xffff  }
0x107: {  	v28 =	vld.idx.msk [tilespmem:v7+s28+$0x8238], $0xffff  }
0x108: {  	v29 =	vld.idx.msk [tilespmem:v1+s28+$0x8238], $0xffff  }
0x109: {  	v30 =	vld.idx.msk [tilespmem:v2+s28+$0x8238], $0xffff  }
0x10a: {  	v31 =	vld.idx.msk [tilespmem:v3+s28+$0x8238], $0xffff  }
0x10b: {  	v32 =	vld.idx.msk [tilespmem:v4+s28+$0x8238], $0xffff  }
0x10c: {  	v33 =	vld.idx.msk [tilespmem:v5+s28+$0x8238], $0xffff  }
0x10d: {  	v34 =	vld.idx.msk [tilespmem:v6+s28+$0x8238], $0xffff;
	[tilespmem:s30+$0xFEC0] =	vst v28;
	s28 =	smov.u32 s14  }
0x10e: {  	v28 =	vld.idx.msk [tilespmem:v3+s28+$0x8208], $0xffff;
	[tilespmem:s30+$0xF340] =	vst v19  }
0x10f: {  	s14 =	sshll.u32 s0, $0x7;
	v19 =	vld.idx.msk [tilespmem:v4+s28+$0x8208], $0xffff;
	[tilespmem:s30+$0xF3C0] =	vst v20  }
0x110: {  	s14 =	sand.u32 $0x3FFFFC00, s14;
	v20 =	vld.idx.msk [tilespmem:v5+s28+$0x8208], $0xffff;
	[tilespmem:s30+$0xF440] =	vst v21  }
0x111: {  	s1 =	sor.u32 s1, s14;
	v21 =	vld.idx.msk [tilespmem:v6+s28+$0x8208], $0xffff;
	[tilespmem:s30+$0xF4C0] =	vst v22  }
0x112: {  	v22 =	vld.idx.msk [tilespmem:v7+s28+$0x8208], $0xffff;
	[tilespmem:s1+$0xC340] =	vst v17  }
0x113: {  	[tilespmem:s1+$0xC3C0] =	vst v16  }
0x114: {  	[tilespmem:s1+$0xC440] =	vst v15  }
0x115: {  	[tilespmem:s1+$0xC4C0] =	vst v14  }
0x116: {  	[tilespmem:s1+$0xC540] =	vst v13  }
0x117: {  	[tilespmem:s1+$0xC5C0] =	vst v12  }
0x118: {  	[tilespmem:s1+$0xC640] =	vst v11  }
0x119: {  	[tilespmem:s1+$0xC6C0] =	vst v10  }
0x11a: {  	[tilespmem:s1+$0xCB40] =	vst v9  }
0x11b: {  	[tilespmem:s1+$0xCBC0] =	vst v8  }
0x11c: {  	[tilespmem:s1+$0xCC40] =	vst v18  }
0x11d: {  	[tilespmem:s1+$0xCCC0] =	vst v28  }
0x11e: {  	[tilespmem:s1+$0xCD40] =	vst v19  }
0x11f: {  	[tilespmem:s1+$0xCDC0] =	vst v20  }
0x120: {  	[tilespmem:s1+$0xCE40] =	vst v21  }
0x121: {  	[tilespmem:s1+$0xCEC0] =	vst v22  }
0x122: {  	v8 =	vld.idx.msk [tilespmem:v0+s28+$0x8210], $0xffff;
	[tilespmem:s30+$0xF540] =	vst v23  }
0x123: {  	v9 =	vld.idx.msk [tilespmem:v1+s28+$0x8210], $0xffff;
	[tilespmem:s30+$0xF5C0] =	vst v24  }
0x124: {  	v10 =	vld.idx.msk [tilespmem:v2+s28+$0x8210], $0xffff;
	[tilespmem:s30+$0xF640] =	vst v25  }
0x125: {  	v11 =	vld.idx.msk [tilespmem:v3+s28+$0x8210], $0xffff;
	[tilespmem:s30+$0xF6C0] =	vst v26  }
0x126: {  	v12 =	vld.idx.msk [tilespmem:v4+s28+$0x8210], $0xffff;
	[tilespmem:s30+$0xFB40] =	vst v27  }
0x127: {  	v13 =	vld.idx.msk [tilespmem:v5+s28+$0x8210], $0xffff;
	[tilespmem:s30+$0xFBC0] =	vst v29  }
0x128: {  	v14 =	vld.idx.msk [tilespmem:v6+s28+$0x8210], $0xffff;
	[tilespmem:s30+$0xFC40] =	vst v30  }
0x129: {  	v15 =	vld.idx.msk [tilespmem:v7+s28+$0x8210], $0xffff;
	[tilespmem:s30+$0xFCC0] =	vst v31  }
0x12a: {  	v16 =	vld.idx.msk [tilespmem:v0+s28+$0x8218], $0xffff;
	[tilespmem:s30+$0xFD40] =	vst v32  }
0x12b: {  	v17 =	vld.idx.msk [tilespmem:v1+s28+$0x8218], $0xffff;
	[tilespmem:s30+$0xFDC0] =	vst v33  }
0x12c: {  	v18 =	vld.idx.msk [tilespmem:v2+s28+$0x8218], $0xffff;
	[tilespmem:s30+$0xFE40] =	vst v34;
	s30 =	smov.u32 s1  }
0x12d: {  	v19 =	vld.idx.msk [tilespmem:v3+s28+$0x8218], $0xffff  }
0x12e: {  	v20 =	vld.idx.msk [tilespmem:v4+s28+$0x8218], $0xffff  }
0x12f: {  	v21 =	vld.idx.msk [tilespmem:v5+s28+$0x8218], $0xffff  }
0x130: {  	v22 =	vld.idx.msk [tilespmem:v6+s28+$0x8218], $0xffff  }
0x131: {  	v23 =	vld.idx.msk [tilespmem:v7+s28+$0x8218], $0xffff;
	[tilespmem:s30+$0xD340] =	vst v8  }
0x132: {  	[tilespmem:s30+$0xD3C0] =	vst v9  }
0x133: {  	[tilespmem:s30+$0xD440] =	vst v10  }
0x134: {  	[tilespmem:s30+$0xD4C0] =	vst v11  }
0x135: {  	[tilespmem:s30+$0xD540] =	vst v12  }
0x136: {  	[tilespmem:s30+$0xD5C0] =	vst v13  }
0x137: {  	[tilespmem:s30+$0xD640] =	vst v14  }
0x138: {  	[tilespmem:s30+$0xD6C0] =	vst v15  }
0x139: {  	[tilespmem:s30+$0xDB40] =	vst v16  }
0x13a: {  	[tilespmem:s30+$0xDBC0] =	vst v17  }
0x13b: {  	[tilespmem:s30+$0xDC40] =	vst v18  }
0x13c: {  	[tilespmem:s30+$0xDCC0] =	vst v19  }
0x13d: {  	[tilespmem:s30+$0xDD40] =	vst v20  }
0x13e: {  	[tilespmem:s30+$0xDDC0] =	vst v21  }
0x13f: {  	[tilespmem:s30+$0xDE40] =	vst v22  }
0x140: {  	[tilespmem:s30+$0xDEC0] =	vst v23  }
0x141: {  	v21 =	vld.idx.msk [tilespmem:v0+s28+$0x8220], $0xffff  }
0x142: {  	v20 =	vld.idx.msk [tilespmem:v1+s28+$0x8220], $0xffff  }
0x143: {  	v18 =	vld.idx.msk [tilespmem:v2+s28+$0x8220], $0xffff  }
0x144: {  	v19 =	vld.idx.msk [tilespmem:v3+s28+$0x8220], $0xffff  }
0x145: {  	v17 =	vld.idx.msk [tilespmem:v4+s28+$0x8220], $0xffff  }
0x146: {  	v16 =	vld.idx.msk [tilespmem:v5+s28+$0x8220], $0xffff  }
0x147: {  	v15 =	vld.idx.msk [tilespmem:v6+s28+$0x8220], $0xffff  }
0x148: {  	v14 =	vld.idx.msk [tilespmem:v7+s28+$0x8220], $0xffff  }
0x149: {  	v13 =	vld.idx.msk [tilespmem:v0+s28+$0x8228], $0xffff  }
.Ltmp1:
0x14a: {  	v12 =	vld.idx.msk [tilespmem:v1+s28+$0x8228], $0xffff;
	(pc) =	sbr.rel @p1 .LBB2_5-.Ltmp1, $4  }
0x14b: {  	v11 =	vld.idx.msk [tilespmem:v2+s28+$0x8228], $0xffff  }
0x14c: {  	v10 =	vld.idx.msk [tilespmem:v3+s28+$0x8228], $0xffff  }
0x14d: {  	v9 =	vld.idx.msk [tilespmem:v4+s28+$0x8228], $0xffff  }
0x14e: {  	s0 =	sadd.s32 $0x1, s0;
	v8 =	vld.idx.msk [tilespmem:v5+s28+$0x8228], $0xffff  }
0x14f: {  	_ =	sdelay $0x3  }
0x150: {  	v22 =	vld.idx.msk [tilespmem:v6+s28+$0x8228], $0xffff  }
0x151: {  	v23 =	vld.idx.msk [tilespmem:v7+s28+$0x8228], $0xffff;
	[tilespmem:s30+$0xE340] =	vst v21  }
0x152: {  	[tilespmem:s30+$0xE3C0] =	vst v20  }
0x153: {  	[tilespmem:s30+$0xE440] =	vst v18  }
0x154: {  	[tilespmem:s30+$0xE4C0] =	vst v19  }
0x155: {  	[tilespmem:s30+$0xE540] =	vst v17  }
0x156: {  	[tilespmem:s30+$0xE5C0] =	vst v16  }
0x157: {  	[tilespmem:s30+$0xE640] =	vst v15  }
0x158: {  	[tilespmem:s30+$0xE6C0] =	vst v14  }
0x159: {  	[tilespmem:s30+$0xEB40] =	vst v13  }
0x15a: {  	[tilespmem:s30+$0xEBC0] =	vst v12  }
0x15b: {  	[tilespmem:s30+$0xEC40] =	vst v11  }
0x15c: {  	[tilespmem:s30+$0xECC0] =	vst v10  }
0x15d: {  	[tilespmem:s30+$0xED40] =	vst v9  }
0x15e: {  	[tilespmem:s30+$0xEDC0] =	vst v8  }
0x15f: {  	[tilespmem:s30+$0xEE40] =	vst v22  }
0x160: {  	[tilespmem:s30+$0xEEC0] =	vst v23  }
0x161: {  	v8 =	vld.idx.msk [tilespmem:v0+s28+$0x8230], $0xffff  }
0x162: {  	v9 =	vld.idx.msk [tilespmem:v1+s28+$0x8230], $0xffff  }
0x163: {  	v10 =	vld.idx.msk [tilespmem:v2+s28+$0x8230], $0xffff  }
0x164: {  	v11 =	vld.idx.msk [tilespmem:v3+s28+$0x8230], $0xffff  }
0x165: {  	v12 =	vld.idx.msk [tilespmem:v4+s28+$0x8230], $0xffff  }
0x166: {  	v13 =	vld.idx.msk [tilespmem:v5+s28+$0x8230], $0xffff  }
0x167: {  	v14 =	vld.idx.msk [tilespmem:v6+s28+$0x8230], $0xffff  }
0x168: {  	v15 =	vld.idx.msk [tilespmem:v7+s28+$0x8230], $0xffff  }
0x169: {  	v16 =	vld.idx.msk [tilespmem:v0+s28+$0x8238], $0xffff  }
0x16a: {  	v17 =	vld.idx.msk [tilespmem:v7+s28+$0x8238], $0xffff  }
0x16b: {  	v18 =	vld.idx.msk [tilespmem:v1+s28+$0x8238], $0xffff  }
0x16c: {  	v19 =	vld.idx.msk [tilespmem:v2+s28+$0x8238], $0xffff  }
0x16d: {  	v20 =	vld.idx.msk [tilespmem:v3+s28+$0x8238], $0xffff  }
0x16e: {  	v21 =	vld.idx.msk [tilespmem:v4+s28+$0x8238], $0xffff  }
0x16f: {  	v22 =	vld.idx.msk [tilespmem:v5+s28+$0x8238], $0xffff  }
0x170: {  	v23 =	vld.idx.msk [tilespmem:v6+s28+$0x8238], $0xffff;
	[tilespmem:s30+$0xFEC0] =	vst v17  }
0x171: {  	[tilespmem:s30+$0xF340] =	vst v8  }
0x172: {  	[tilespmem:s30+$0xF3C0] =	vst v9  }
0x173: {  	[tilespmem:s30+$0xF440] =	vst v10  }
0x174: {  	[tilespmem:s30+$0xF4C0] =	vst v11  }
0x175: {  	[tilespmem:s30+$0xF540] =	vst v12  }
0x176: {  	[tilespmem:s30+$0xF5C0] =	vst v13  }
0x177: {  	[tilespmem:s30+$0xF640] =	vst v14  }
0x178: {  	[tilespmem:s30+$0xF6C0] =	vst v15  }
0x179: {  	[tilespmem:s30+$0xFB40] =	vst v16  }
0x17a: {  	[tilespmem:s30+$0xFBC0] =	vst v18  }
0x17b: {  	[tilespmem:s30+$0xFC40] =	vst v19  }
0x17c: {  	[tilespmem:s30+$0xFCC0] =	vst v20  }
0x17d: {  	[tilespmem:s30+$0xFD40] =	vst v21  }
0x17e: {  	s28 =	sshll.u32 s26, $0x11;
	[tilespmem:s30+$0xFDC0] =	vst v22  }
0x17f: {  	s0 =	sadd.s32 s28, s7;
	[tilespmem:s30+$0xFE40] =	vst v23  }
0x180: {  	[hbm4b:s0+s18] =	stream.strided.scatter [tilespmem:s20], [sflag:$0x3], $0x4000, s19, s18, $0x38;
	[tilespmem:$0x14340] =	vst v63  }
0x181: {  	s0 =	sadd.s32 @!p0 s9, s29;
	_ =	swait.ge [sflag:s21], $0x4000  }
0x182: {  	s1 =	simm.s32 @!p0 $0x0;
	s0 =	sshrl.u32 @!p0 s0, $0x3;
	[sflag:s21] =	ssyncset.done $0x0  }
0x183: {  	s14 =	simm.s32 @!p0 $0x100;
	s0 =	sadd.s32 @!p0 s4, s0;
	[sflag:s21] =	ssyncadd.s32 $0xFFFFC000  }
0x184: {  	[tilespmem:s14], [sflag:$0x6] =	stream.linear.gather @!p0 [hbm4b:s0+s1], $0x100, $0x38;
	[tilespmem:$0x14340] =	vst v63  }
0x185: {  	s0 =	simm.s32 @!p0 $0x5  }
0x186: {  	_ =	swait.ge @!p0 [sflag:s0], $0x100  }
0x187: {  	[sflag:s0] =	ssyncset.done @!p0 $0x0  }
0x188: {  	p1 =	seq.s32 @!p0 s26, $0x0;
	[sflag:s0] =	ssyncadd.s32 @!p0 $0xFFFFFF00;
	s0 =	simm.s32 @!p0 $0x200  }
0x189: {  	[tilespmem:s0], [sflag:$0x1] =	stream.indirect.gather @!p0 [hbm4b:s3+s14], $0x40, s1, s14, $0xb8;
	[tilespmem:$0x14340] =	vst v63  }
0x18a: {  	p0 =	por p0, !p1  }
0x18b: {  	_ =	swait.ge @p0 [sflag:s24], $0x4000  }
0x18c: {  	[sflag:s24] =	ssyncset.done @p0 $0x0  }
0x18d: {  	s14 =	simm.s32 $0x4300;
	[sflag:s24] =	ssyncadd.s32 @p0 $0xFFFFC000  }
0x18e: {  	v9 =	vld [tilespmem:s14+$0xFFFFFF00]  }
0x18f: {  	v11 =	vld [tilespmem:s14+$0xFFFFFF10]  }
0x190: {  	v14 =	vld [tilespmem:s14+$0xFFFFFF20]  }
0x191: {  	v16 =	vld [tilespmem:s14+$0xFFFFFF30]  }
0x192: {  	v17 =	vld [tilespmem:s14+$0xFFFFFF40]  }
0x193: {  	v18 =	vld [tilespmem:s14+$0xFFFFFF50]  }
0x194: {  	v19 =	vld [tilespmem:s14+$0xFFFFFF60]  }
0x195: {  	v20 =	vld [tilespmem:s14+$0xFFFFFF70]  }
0x196: {  	v21 =	vld [tilespmem:s14+$0xFFFFFF80]  }
0x197: {  	v22 =	vld [tilespmem:s14+$0xFFFFFF90]  }
0x198: {  	v23 =	vld [tilespmem:s14+$0xFFFFFFA0]  }
0x199: {  	v24 =	vld [tilespmem:s14+$0xFFFFFFB0]  }
0x19a: {  	v25 =	vld [tilespmem:s14+$0xFFFFFFC0]  }
0x19b: {  	v26 =	vld [tilespmem:s14+$0xFFFFFFD0]  }
0x19c: {  	v27 =	vld [tilespmem:s14+$0xFFFFFFE0]  }
0x19d: {  	v28 =	vld [tilespmem:s14+$0xFFFFFFF0]  }
0x19e: {  	v29 =	vld [tilespmem:s14+$0x0]  }
0x19f: {  	v30 =	vld [tilespmem:s14+$0x10]  }
0x1a0: {  	v31 =	vld [tilespmem:s14+$0x20]  }
0x1a1: {  	v32 =	vld [tilespmem:s14+$0x30]  }
0x1a2: {  	v33 =	vld [tilespmem:s14+$0x40]  }
0x1a3: {  	v34 =	vld [tilespmem:s14+$0x50]  }
0x1a4: {  	v35 =	vld [tilespmem:s14+$0x60]  }
0x1a5: {  	v36 =	vld [tilespmem:s14+$0x70]  }
0x1a6: {  	v37 =	vld [tilespmem:s14+$0x80]  }
0x1a7: {  	v38 =	vld [tilespmem:s14+$0x90]  }
0x1a8: {  	v8 =	vld [tilespmem:s14+$0xF0]  }
0x1a9: {  	v39 =	vld [tilespmem:s14+$0xA0]  }
0x1aa: {  	v15 =	vld [tilespmem:s14+$0xB0]  }
0x1ab: {  	v12 =	vld [tilespmem:s14+$0xC0]  }
0x1ac: {  	s0 =	simm.s32 $0x1F7;
	v10 =	vld [tilespmem:s14+$0xD0]  }
0x1ad: {  	s29 =	simm.s32 $0x4500;
	v13 =	vld [tilespmem:s14+$0xE0];
	[tilespmem:s0+$0x8200] =	vst v8  }
0x1ae: {  	v8 =	vld [tilespmem:s29+$0xFFFFFF00];
	[tilespmem:s0+$0x8009] =	vst v9  }
0x1af: {  	v9 =	vld [tilespmem:s29+$0xFFFFFF10];
	[tilespmem:s0+$0x8019] =	vst v11  }
0x1b0: {  	v11 =	vld [tilespmem:s29+$0xFFFFFF20];
	[tilespmem:s0+$0x8029] =	vst v14  }
0x1b1: {  	v14 =	vld [tilespmem:s29+$0xFFFFFF30];
	[tilespmem:s0+$0x8039] =	vst v16  }
0x1b2: {  	v16 =	vld [tilespmem:s29+$0xFFFFFF40];
	[tilespmem:s0+$0x804A] =	vst v17  }
0x1b3: {  	v17 =	vld [tilespmem:s29+$0xFFFFFF50];
	[tilespmem:s0+$0x805A] =	vst v18  }
0x1b4: {  	v18 =	vld [tilespmem:s29+$0xFFFFFF60];
	[tilespmem:s0+$0x806A] =	vst v19  }
0x1b5: {  	v19 =	vld [tilespmem:s29+$0xFFFFFF70];
	[tilespmem:s0+$0x807A] =	vst v20  }
0x1b6: {  	v20 =	vld [tilespmem:s29+$0xFFFFFF80];
	[tilespmem:s0+$0x808B] =	vst v21  }
0x1b7: {  	v21 =	vld [tilespmem:s29+$0xFFFFFF90];
	[tilespmem:s0+$0x809B] =	vst v22  }
0x1b8: {  	v22 =	vld [tilespmem:s29+$0xFFFFFFA0];
	[tilespmem:s0+$0x80AB] =	vst v23  }
0x1b9: {  	v23 =	vld [tilespmem:s29+$0xFFFFFFB0];
	[tilespmem:s0+$0x80BB] =	vst v24  }
0x1ba: {  	v24 =	vld [tilespmem:s29+$0xFFFFFFC0];
	[tilespmem:s0+$0x80CC] =	vst v25  }
0x1bb: {  	v25 =	vld [tilespmem:s29+$0xFFFFFFD0];
	[tilespmem:s0+$0x80DC] =	vst v26  }
0x1bc: {  	v26 =	vld [tilespmem:s29+$0xFFFFFFE0];
	[tilespmem:s0+$0x80EC] =	vst v27  }
0x1bd: {  	v27 =	vld [tilespmem:s29+$0xFFFFFFF0];
	[tilespmem:s0+$0x80FC] =	vst v28  }
0x1be: {  	v28 =	vld [tilespmem:s29+$0x0];
	[tilespmem:s0+$0x810D] =	vst v29  }
0x1bf: {  	v29 =	vld [tilespmem:s29+$0x10];
	[tilespmem:s0+$0x811D] =	vst v30  }
0x1c0: {  	v30 =	vld [tilespmem:s29+$0x20];
	[tilespmem:s0+$0x812D] =	vst v31  }
0x1c1: {  	v31 =	vld [tilespmem:s29+$0x30];
	[tilespmem:s0+$0x813D] =	vst v32  }
0x1c2: {  	v32 =	vld [tilespmem:s29+$0x40];
	[tilespmem:s0+$0x814E] =	vst v33  }
0x1c3: {  	v33 =	vld [tilespmem:s29+$0x50];
	[tilespmem:s0+$0x815E] =	vst v34  }
0x1c4: {  	v34 =	vld [tilespmem:s29+$0x60];
	[tilespmem:s0+$0x816E] =	vst v35  }
0x1c5: {  	v35 =	vld [tilespmem:s29+$0x70];
	[tilespmem:s0+$0x817E] =	vst v36  }
0x1c6: {  	v36 =	vld [tilespmem:s29+$0x80];
	[tilespmem:s0+$0x818F] =	vst v37  }
0x1c7: {  	v37 =	vld [tilespmem:s29+$0x90];
	[tilespmem:s0+$0x819F] =	vst v38  }
0x1c8: {  	s31 =	simm.s32 $0x181C;
	s30 =	simm.s32 $0xFFC;
	v38 =	vld [tilespmem:s29+$0xF0];
	[tilespmem:s0+$0x81AF] =	vst v39  }
.LBB2_7:
0x1c9: {  	p0 =	sne.s32 s31, $0x103BC;
	v39 =	vld [tilespmem:s29+$0xA0];
	[tilespmem:s0+$0x81BF] =	vst v15  }
0x1ca: {  	v15 =	vld [tilespmem:s29+$0xB0];
	[tilespmem:s0+$0x81D0] =	vst v12  }
0x1cb: {  	v12 =	vld [tilespmem:s29+$0xC0];
	[tilespmem:s0+$0x81E0] =	vst v10  }
0x1cc: {  	v10 =	vld [tilespmem:s29+$0xD0];
	[tilespmem:s0+$0x81F0] =	vst v13;
	s0 =	sshra.s32 s30, $0x2;
	s30 =	smov.u32 s31  }
0x1cd: {  	v13 =	vld [tilespmem:s29+$0xE0];
	[tilespmem:s0+$0x8200] =	vst v38;
	s29 =	sadd.s32 $0x200, s29  }
0x1ce: {  	[tilespmem:s0+$0x8009] =	vst v8;
	v8 =	vld [tilespmem:s29+$0xFFFFFF00]  }
0x1cf: {  	[tilespmem:s0+$0x8019] =	vst v9;
	v9 =	vld [tilespmem:s29+$0xFFFFFF10]  }
0x1d0: {  	[tilespmem:s0+$0x8029] =	vst v11;
	v11 =	vld [tilespmem:s29+$0xFFFFFF20]  }
0x1d1: {  	[tilespmem:s0+$0x8039] =	vst v14;
	v14 =	vld [tilespmem:s29+$0xFFFFFF30]  }
0x1d2: {  	[tilespmem:s0+$0x804A] =	vst v16;
	v16 =	vld [tilespmem:s29+$0xFFFFFF40]  }
0x1d3: {  	[tilespmem:s0+$0x805A] =	vst v17;
	v17 =	vld [tilespmem:s29+$0xFFFFFF50]  }
0x1d4: {  	[tilespmem:s0+$0x806A] =	vst v18;
	v18 =	vld [tilespmem:s29+$0xFFFFFF60]  }
0x1d5: {  	[tilespmem:s0+$0x807A] =	vst v19;
	v19 =	vld [tilespmem:s29+$0xFFFFFF70]  }
0x1d6: {  	[tilespmem:s0+$0x808B] =	vst v20;
	v20 =	vld [tilespmem:s29+$0xFFFFFF80]  }
0x1d7: {  	[tilespmem:s0+$0x809B] =	vst v21;
	v21 =	vld [tilespmem:s29+$0xFFFFFF90]  }
0x1d8: {  	[tilespmem:s0+$0x80AB] =	vst v22;
	v22 =	vld [tilespmem:s29+$0xFFFFFFA0]  }
0x1d9: {  	[tilespmem:s0+$0x80BB] =	vst v23;
	v23 =	vld [tilespmem:s29+$0xFFFFFFB0]  }
0x1da: {  	[tilespmem:s0+$0x80CC] =	vst v24;
	v24 =	vld [tilespmem:s29+$0xFFFFFFC0]  }
0x1db: {  	[tilespmem:s0+$0x80DC] =	vst v25;
	v25 =	vld [tilespmem:s29+$0xFFFFFFD0]  }
0x1dc: {  	[tilespmem:s0+$0x80EC] =	vst v26;
	v26 =	vld [tilespmem:s29+$0xFFFFFFE0]  }
0x1dd: {  	[tilespmem:s0+$0x80FC] =	vst v27;
	v27 =	vld [tilespmem:s29+$0xFFFFFFF0]  }
0x1de: {  	[tilespmem:s0+$0x810D] =	vst v28;
	v28 =	vld [tilespmem:s29+$0x0]  }
0x1df: {  	[tilespmem:s0+$0x811D] =	vst v29;
	v29 =	vld [tilespmem:s29+$0x10]  }
0x1e0: {  	[tilespmem:s0+$0x812D] =	vst v30;
	v30 =	vld [tilespmem:s29+$0x20]  }
0x1e1: {  	[tilespmem:s0+$0x813D] =	vst v31;
	v31 =	vld [tilespmem:s29+$0x30]  }
0x1e2: {  	[tilespmem:s0+$0x814E] =	vst v32;
	v32 =	vld [tilespmem:s29+$0x40]  }
0x1e3: {  	[tilespmem:s0+$0x815E] =	vst v33;
	v33 =	vld [tilespmem:s29+$0x50]  }
.Ltmp2:
0x1e4: {  	[tilespmem:s0+$0x816E] =	vst v34;
	v34 =	vld [tilespmem:s29+$0x60];
	(pc) =	sbr.rel @p0 .LBB2_7-.Ltmp2, $4  }
0x1e5: {  	[tilespmem:s0+$0x817E] =	vst v35;
	v35 =	vld [tilespmem:s29+$0x70]  }
0x1e6: {  	[tilespmem:s0+$0x818F] =	vst v36;
	v36 =	vld [tilespmem:s29+$0x80]  }
0x1e7: {  	[tilespmem:s0+$0x819F] =	vst v37;
	v37 =	vld [tilespmem:s29+$0x90]  }
0x1e8: {  	s31 =	sadd.s32 $0x820, s31;
	v38 =	vld [tilespmem:s29+$0xF0];
	[tilespmem:s0+$0x81AF] =	vst v39  }
0x1e9: {  	v39 =	vld [tilespmem:s29+$0xA0];
	[tilespmem:s0+$0x81BF] =	vst v15  }
0x1ea: {  	v15 =	vld [tilespmem:s29+$0xB0];
	[tilespmem:s0+$0x81D0] =	vst v12  }
0x1eb: {  	v12 =	vld [tilespmem:s29+$0xC0];
	[tilespmem:s0+$0x81E0] =	vst v10  }
0x1ec: {  	v10 =	vld [tilespmem:s29+$0xD0];
	s1 =	sshra.s32 s30, $0x2;
	[tilespmem:s0+$0x81F0] =	vst v13  }
0x1ed: {  	v13 =	vld [tilespmem:s29+$0xE0];
	[tilespmem:s1+$0x8009] =	vst v8  }
0x1ee: {  	[tilespmem:s1+$0x8019] =	vst v9  }
0x1ef: {  	[tilespmem:s1+$0x8029] =	vst v11  }
0x1f0: {  	[tilespmem:s1+$0x8039] =	vst v14  }
0x1f1: {  	[tilespmem:s1+$0x804A] =	vst v16  }
0x1f2: {  	[tilespmem:s1+$0x805A] =	vst v17  }
0x1f3: {  	[tilespmem:s1+$0x806A] =	vst v18  }
0x1f4: {  	[tilespmem:s1+$0x807A] =	vst v19  }
0x1f5: {  	[tilespmem:s1+$0x808B] =	vst v20  }
0x1f6: {  	[tilespmem:s1+$0x809B] =	vst v21  }
0x1f7: {  	[tilespmem:s1+$0x80AB] =	vst v22  }
0x1f8: {  	[tilespmem:s1+$0x80BB] =	vst v23  }
0x1f9: {  	[tilespmem:s1+$0x80CC] =	vst v24  }
0x1fa: {  	[tilespmem:s1+$0x80DC] =	vst v25  }
0x1fb: {  	[tilespmem:s1+$0x80EC] =	vst v26  }
0x1fc: {  	[tilespmem:s1+$0x80FC] =	vst v27  }
0x1fd: {  	[tilespmem:s1+$0x810D] =	vst v28  }
0x1fe: {  	[tilespmem:s1+$0x811D] =	vst v29  }
0x1ff: {  	[tilespmem:s1+$0x812D] =	vst v30  }
0x200: {  	[tilespmem:s1+$0x813D] =	vst v31  }
0x201: {  	[tilespmem:s1+$0x814E] =	vst v32  }
0x202: {  	[tilespmem:s1+$0x815E] =	vst v33  }
0x203: {  	[tilespmem:s1+$0x816E] =	vst v34  }
0x204: {  	[tilespmem:s1+$0x817E] =	vst v35  }
0x205: {  	[tilespmem:s1+$0x818F] =	vst v36  }
0x206: {  	[tilespmem:s1+$0x819F] =	vst v37  }
0x207: {  	s31 =	simm.s32 $0x0;
	s14 =	simm.s32 $0x0;
	[tilespmem:s1+$0x8200] =	vst v38  }
0x208: {  	s0 =	sand.u32 $0x3FFFFF80, s14;
	s14 =	sand.u32 $0x70, s31;
	[tilespmem:s1+$0x81AF] =	vst v39  }
0x209: {  	s0 =	sor.u32 s14, s0;
	[tilespmem:s1+$0x81BF] =	vst v15  }
0x20a: {  	s0 =	smul.u32 $0x104, s0;
	[tilespmem:s1+$0x81D0] =	vst v12  }
0x20b: {  	[tilespmem:s1+$0x81E0] =	vst v10  }
0x20c: {  	[tilespmem:s1+$0x81F0] =	vst v13;
	s29 =	sshra.s32 s0, $0x2  }
0x20d: {  	v8 =	vld.idx.msk [tilespmem:v0+s29+$0x8200], $0xffff  }
0x20e: {  	v9 =	vld.idx.msk [tilespmem:v1+s29+$0x8200], $0xffff  }
0x20f: {  	v10 =	vld.idx.msk [tilespmem:v2+s29+$0x8200], $0xffff  }
0x210: {  	v11 =	vld.idx.msk [tilespmem:v3+s29+$0x8200], $0xffff  }
0x211: {  	v12 =	vld.idx.msk [tilespmem:v4+s29+$0x8200], $0xffff  }
0x212: {  	v13 =	vld.idx.msk [tilespmem:v5+s29+$0x8200], $0xffff  }
0x213: {  	v14 =	vld.idx.msk [tilespmem:v6+s29+$0x8200], $0xffff  }
0x214: {  	v15 =	vld.idx.msk [tilespmem:v7+s29+$0x8200], $0xffff  }
0x215: {  	v16 =	vld.idx.msk [tilespmem:v0+s29+$0x8208], $0xffff  }
0x216: {  	v17 =	vld.idx.msk [tilespmem:v1+s29+$0x8208], $0xffff  }
0x217: {  	v18 =	vld.idx.msk [tilespmem:v2+s29+$0x8208], $0xffff  }
0x218: {  	v19 =	vld.idx.msk [tilespmem:v3+s29+$0x8208], $0xffff  }
0x219: {  	s1 =	simm.s32 $0x0;
	v20 =	vld.idx.msk [tilespmem:v4+s29+$0x8208], $0xffff  }
0x21a: {  	v21 =	vld.idx.msk [tilespmem:v5+s29+$0x8208], $0xffff;
	s0 =	sand.u32 $0x3FFFFC00, s1  }
0x21b: {  	v22 =	vld.idx.msk [tilespmem:v6+s29+$0x8208], $0xffff;
	s30 =	sor.u32 s14, s0  }
0x21c: {  	v23 =	vld.idx.msk [tilespmem:v7+s29+$0x8208], $0xffff;
	s0 =	sadd.s32 $0x10340, s30;
	[tilespmem:s30+$0x10340] =	vst v8  }
0x21d: {  	[tilespmem:s0+$0x80] =	vst v9  }
0x21e: {  	[tilespmem:s0+$0x100] =	vst v10  }
0x21f: {  	[tilespmem:s0+$0x180] =	vst v11  }
0x220: {  	[tilespmem:s0+$0x200] =	vst v12  }
0x221: {  	[tilespmem:s0+$0x280] =	vst v13  }
0x222: {  	[tilespmem:s0+$0x300] =	vst v14  }
0x223: {  	[tilespmem:s0+$0x380] =	vst v15  }
0x224: {  	[tilespmem:s30+$0x10B40] =	vst v16  }
0x225: {  	[tilespmem:s30+$0x10BC0] =	vst v17  }
0x226: {  	[tilespmem:s30+$0x10C40] =	vst v18  }
0x227: {  	[tilespmem:s30+$0x10CC0] =	vst v19  }
0x228: {  	[tilespmem:s30+$0x10D40] =	vst v20  }
0x229: {  	[tilespmem:s30+$0x10DC0] =	vst v21  }
0x22a: {  	[tilespmem:s30+$0x10E40] =	vst v22  }
0x22b: {  	[tilespmem:s30+$0x10EC0] =	vst v23  }
0x22c: {  	v8 =	vld.idx.msk [tilespmem:v0+s29+$0x8210], $0xffff  }
0x22d: {  	v9 =	vld.idx.msk [tilespmem:v1+s29+$0x8210], $0xffff  }
0x22e: {  	v10 =	vld.idx.msk [tilespmem:v2+s29+$0x8210], $0xffff  }
0x22f: {  	v11 =	vld.idx.msk [tilespmem:v3+s29+$0x8210], $0xffff  }
0x230: {  	v12 =	vld.idx.msk [tilespmem:v4+s29+$0x8210], $0xffff  }
0x231: {  	v13 =	vld.idx.msk [tilespmem:v5+s29+$0x8210], $0xffff  }
0x232: {  	v14 =	vld.idx.msk [tilespmem:v6+s29+$0x8210], $0xffff  }
0x233: {  	v15 =	vld.idx.msk [tilespmem:v7+s29+$0x8210], $0xffff  }
0x234: {  	v16 =	vld.idx.msk [tilespmem:v0+s29+$0x8218], $0xffff  }
0x235: {  	v17 =	vld.idx.msk [tilespmem:v1+s29+$0x8218], $0xffff  }
0x236: {  	v18 =	vld.idx.msk [tilespmem:v2+s29+$0x8218], $0xffff  }
0x237: {  	v19 =	vld.idx.msk [tilespmem:v3+s29+$0x8218], $0xffff  }
0x238: {  	v20 =	vld.idx.msk [tilespmem:v4+s29+$0x8218], $0xffff  }
0x239: {  	v21 =	vld.idx.msk [tilespmem:v5+s29+$0x8218], $0xffff  }
0x23a: {  	v22 =	vld.idx.msk [tilespmem:v6+s29+$0x8218], $0xffff  }
0x23b: {  	v23 =	vld.idx.msk [tilespmem:v7+s29+$0x8218], $0xffff;
	[tilespmem:s30+$0x11340] =	vst v8  }
0x23c: {  	[tilespmem:s30+$0x113C0] =	vst v9  }
0x23d: {  	[tilespmem:s30+$0x11440] =	vst v10  }
0x23e: {  	[tilespmem:s30+$0x114C0] =	vst v11  }
0x23f: {  	[tilespmem:s30+$0x11540] =	vst v12  }
0x240: {  	[tilespmem:s30+$0x115C0] =	vst v13  }
0x241: {  	[tilespmem:s30+$0x11640] =	vst v14  }
0x242: {  	[tilespmem:s30+$0x116C0] =	vst v15  }
0x243: {  	[tilespmem:s30+$0x11B40] =	vst v16  }
0x244: {  	[tilespmem:s30+$0x11BC0] =	vst v17  }
0x245: {  	[tilespmem:s30+$0x11C40] =	vst v18  }
0x246: {  	[tilespmem:s30+$0x11CC0] =	vst v19  }
0x247: {  	[tilespmem:s30+$0x11D40] =	vst v20  }
0x248: {  	[tilespmem:s30+$0x11DC0] =	vst v21  }
0x249: {  	[tilespmem:s30+$0x11E40] =	vst v22  }
0x24a: {  	[tilespmem:s30+$0x11EC0] =	vst v23  }
0x24b: {  	v21 =	vld.idx.msk [tilespmem:v0+s29+$0x8220], $0xffff  }
0x24c: {  	v20 =	vld.idx.msk [tilespmem:v1+s29+$0x8220], $0xffff  }
0x24d: {  	v18 =	vld.idx.msk [tilespmem:v2+s29+$0x8220], $0xffff  }
0x24e: {  	v19 =	vld.idx.msk [tilespmem:v3+s29+$0x8220], $0xffff  }
0x24f: {  	v17 =	vld.idx.msk [tilespmem:v4+s29+$0x8220], $0xffff  }
0x250: {  	v16 =	vld.idx.msk [tilespmem:v5+s29+$0x8220], $0xffff  }
0x251: {  	v15 =	vld.idx.msk [tilespmem:v6+s29+$0x8220], $0xffff  }
0x252: {  	v14 =	vld.idx.msk [tilespmem:v7+s29+$0x8220], $0xffff  }
0x253: {  	v13 =	vld.idx.msk [tilespmem:v0+s29+$0x8228], $0xffff  }
0x254: {  	v12 =	vld.idx.msk [tilespmem:v1+s29+$0x8228], $0xffff  }
0x255: {  	v11 =	vld.idx.msk [tilespmem:v2+s29+$0x8228], $0xffff  }
0x256: {  	v10 =	vld.idx.msk [tilespmem:v3+s29+$0x8228], $0xffff  }
0x257: {  	v9 =	vld.idx.msk [tilespmem:v4+s29+$0x8228], $0xffff  }
0x258: {  	s0 =	simm.s32 $0x1;
	v8 =	vld.idx.msk [tilespmem:v5+s29+$0x8228], $0xffff  }
.LBB2_9:
0x259: {  	s1 =	sshll.u32 s0, $0x4;
	p0 =	sne.s32 s0, $0xF;
	v22 =	vld.idx.msk [tilespmem:v6+s29+$0x8228], $0xffff;
	s31 =	sadd.s32 $0x10, s31  }
0x25a: {  	s14 =	sand.u32 $0x3FFFFF80, s1;
	s1 =	sand.u32 $0x70, s31;
	v23 =	vld.idx.msk [tilespmem:v7+s29+$0x8228], $0xffff;
	[tilespmem:s30+$0x12340] =	vst v21  }
0x25b: {  	s14 =	sor.u32 s1, s14;
	[tilespmem:s30+$0x123C0] =	vst v20  }
0x25c: {  	s14 =	smul.u32 $0x104, s14;
	[tilespmem:s30+$0x12440] =	vst v18  }
0x25d: {  	[tilespmem:s30+$0x124C0] =	vst v19  }
0x25e: {  	s14 =	sshra.s32 s14, $0x2;
	[tilespmem:s30+$0x12540] =	vst v17  }
0x25f: {  	v17 =	vld.idx.msk [tilespmem:v0+s14+$0x8200], $0xffff;
	[tilespmem:s30+$0x125C0] =	vst v16  }
0x260: {  	v16 =	vld.idx.msk [tilespmem:v1+s14+$0x8200], $0xffff;
	[tilespmem:s30+$0x12640] =	vst v15  }
0x261: {  	v15 =	vld.idx.msk [tilespmem:v2+s14+$0x8200], $0xffff;
	[tilespmem:s30+$0x126C0] =	vst v14  }
0x262: {  	v14 =	vld.idx.msk [tilespmem:v3+s14+$0x8200], $0xffff;
	[tilespmem:s30+$0x12B40] =	vst v13  }
0x263: {  	v13 =	vld.idx.msk [tilespmem:v4+s14+$0x8200], $0xffff;
	[tilespmem:s30+$0x12BC0] =	vst v12  }
0x264: {  	v12 =	vld.idx.msk [tilespmem:v5+s14+$0x8200], $0xffff;
	[tilespmem:s30+$0x12C40] =	vst v11  }
0x265: {  	v11 =	vld.idx.msk [tilespmem:v6+s14+$0x8200], $0xffff;
	[tilespmem:s30+$0x12CC0] =	vst v10  }
0x266: {  	v10 =	vld.idx.msk [tilespmem:v7+s14+$0x8200], $0xffff;
	[tilespmem:s30+$0x12D40] =	vst v9  }
0x267: {  	v9 =	vld.idx.msk [tilespmem:v0+s14+$0x8208], $0xffff;
	[tilespmem:s30+$0x12DC0] =	vst v8  }
0x268: {  	v8 =	vld.idx.msk [tilespmem:v1+s14+$0x8208], $0xffff;
	[tilespmem:s30+$0x12E40] =	vst v22  }
0x269: {  	v18 =	vld.idx.msk [tilespmem:v2+s14+$0x8208], $0xffff;
	[tilespmem:s30+$0x12EC0] =	vst v23  }
0x26a: {  	v19 =	vld.idx.msk [tilespmem:v0+s29+$0x8230], $0xffff  }
0x26b: {  	v20 =	vld.idx.msk [tilespmem:v1+s29+$0x8230], $0xffff  }
0x26c: {  	v21 =	vld.idx.msk [tilespmem:v2+s29+$0x8230], $0xffff  }
0x26d: {  	v22 =	vld.idx.msk [tilespmem:v3+s29+$0x8230], $0xffff  }
0x26e: {  	v23 =	vld.idx.msk [tilespmem:v4+s29+$0x8230], $0xffff  }
0x26f: {  	v24 =	vld.idx.msk [tilespmem:v5+s29+$0x8230], $0xffff  }
0x270: {  	v25 =	vld.idx.msk [tilespmem:v6+s29+$0x8230], $0xffff  }
0x271: {  	v26 =	vld.idx.msk [tilespmem:v7+s29+$0x8230], $0xffff  }
0x272: {  	v27 =	vld.idx.msk [tilespmem:v0+s29+$0x8238], $0xffff  }
0x273: {  	v28 =	vld.idx.msk [tilespmem:v7+s29+$0x8238], $0xffff  }
0x274: {  	v29 =	vld.idx.msk [tilespmem:v1+s29+$0x8238], $0xffff  }
0x275: {  	v30 =	vld.idx.msk [tilespmem:v2+s29+$0x8238], $0xffff  }
0x276: {  	v31 =	vld.idx.msk [tilespmem:v3+s29+$0x8238], $0xffff  }
0x277: {  	v32 =	vld.idx.msk [tilespmem:v4+s29+$0x8238], $0xffff  }
0x278: {  	v33 =	vld.idx.msk [tilespmem:v5+s29+$0x8238], $0xffff  }
0x279: {  	v34 =	vld.idx.msk [tilespmem:v6+s29+$0x8238], $0xffff;
	[tilespmem:s30+$0x13EC0] =	vst v28;
	s29 =	smov.u32 s14  }
0x27a: {  	v28 =	vld.idx.msk [tilespmem:v3+s29+$0x8208], $0xffff;
	[tilespmem:s30+$0x13340] =	vst v19  }
0x27b: {  	s14 =	sshll.u32 s0, $0x7;
	v19 =	vld.idx.msk [tilespmem:v4+s29+$0x8208], $0xffff;
	[tilespmem:s30+$0x133C0] =	vst v20  }
0x27c: {  	s14 =	sand.u32 $0x3FFFFC00, s14;
	v20 =	vld.idx.msk [tilespmem:v5+s29+$0x8208], $0xffff;
	[tilespmem:s30+$0x13440] =	vst v21  }
0x27d: {  	s1 =	sor.u32 s1, s14;
	v21 =	vld.idx.msk [tilespmem:v6+s29+$0x8208], $0xffff;
	[tilespmem:s30+$0x134C0] =	vst v22  }
0x27e: {  	s14 =	sadd.s32 $0x10340, s1;
	v22 =	vld.idx.msk [tilespmem:v7+s29+$0x8208], $0xffff;
	[tilespmem:s1+$0x10340] =	vst v17  }
0x27f: {  	[tilespmem:s14+$0x80] =	vst v16  }
0x280: {  	[tilespmem:s14+$0x100] =	vst v15  }
0x281: {  	[tilespmem:s14+$0x180] =	vst v14  }
0x282: {  	[tilespmem:s14+$0x200] =	vst v13  }
0x283: {  	[tilespmem:s14+$0x280] =	vst v12  }
0x284: {  	[tilespmem:s14+$0x300] =	vst v11  }
0x285: {  	[tilespmem:s14+$0x380] =	vst v10  }
0x286: {  	[tilespmem:s1+$0x10B40] =	vst v9  }
0x287: {  	[tilespmem:s1+$0x10BC0] =	vst v8  }
0x288: {  	[tilespmem:s1+$0x10C40] =	vst v18  }
0x289: {  	[tilespmem:s1+$0x10CC0] =	vst v28  }
0x28a: {  	[tilespmem:s1+$0x10D40] =	vst v19  }
0x28b: {  	[tilespmem:s1+$0x10DC0] =	vst v20  }
0x28c: {  	[tilespmem:s1+$0x10E40] =	vst v21  }
0x28d: {  	[tilespmem:s1+$0x10EC0] =	vst v22  }
0x28e: {  	v8 =	vld.idx.msk [tilespmem:v0+s29+$0x8210], $0xffff;
	[tilespmem:s30+$0x13540] =	vst v23  }
0x28f: {  	v9 =	vld.idx.msk [tilespmem:v1+s29+$0x8210], $0xffff;
	[tilespmem:s30+$0x135C0] =	vst v24  }
0x290: {  	v10 =	vld.idx.msk [tilespmem:v2+s29+$0x8210], $0xffff;
	[tilespmem:s30+$0x13640] =	vst v25  }
0x291: {  	v11 =	vld.idx.msk [tilespmem:v3+s29+$0x8210], $0xffff;
	[tilespmem:s30+$0x136C0] =	vst v26  }
0x292: {  	v12 =	vld.idx.msk [tilespmem:v4+s29+$0x8210], $0xffff;
	[tilespmem:s30+$0x13B40] =	vst v27  }
0x293: {  	v13 =	vld.idx.msk [tilespmem:v5+s29+$0x8210], $0xffff;
	[tilespmem:s30+$0x13BC0] =	vst v29  }
0x294: {  	v14 =	vld.idx.msk [tilespmem:v6+s29+$0x8210], $0xffff;
	[tilespmem:s30+$0x13C40] =	vst v30  }
0x295: {  	v15 =	vld.idx.msk [tilespmem:v7+s29+$0x8210], $0xffff;
	[tilespmem:s30+$0x13CC0] =	vst v31  }
0x296: {  	v16 =	vld.idx.msk [tilespmem:v0+s29+$0x8218], $0xffff;
	[tilespmem:s30+$0x13D40] =	vst v32  }
0x297: {  	v17 =	vld.idx.msk [tilespmem:v1+s29+$0x8218], $0xffff;
	[tilespmem:s30+$0x13DC0] =	vst v33  }
0x298: {  	v18 =	vld.idx.msk [tilespmem:v2+s29+$0x8218], $0xffff;
	[tilespmem:s30+$0x13E40] =	vst v34;
	s30 =	smov.u32 s1  }
0x299: {  	v19 =	vld.idx.msk [tilespmem:v3+s29+$0x8218], $0xffff  }
0x29a: {  	v20 =	vld.idx.msk [tilespmem:v4+s29+$0x8218], $0xffff  }
0x29b: {  	v21 =	vld.idx.msk [tilespmem:v5+s29+$0x8218], $0xffff  }
0x29c: {  	v22 =	vld.idx.msk [tilespmem:v6+s29+$0x8218], $0xffff  }
0x29d: {  	v23 =	vld.idx.msk [tilespmem:v7+s29+$0x8218], $0xffff;
	[tilespmem:s30+$0x11340] =	vst v8  }
0x29e: {  	[tilespmem:s30+$0x113C0] =	vst v9  }
0x29f: {  	[tilespmem:s30+$0x11440] =	vst v10  }
0x2a0: {  	[tilespmem:s30+$0x114C0] =	vst v11  }
0x2a1: {  	[tilespmem:s30+$0x11540] =	vst v12  }
0x2a2: {  	[tilespmem:s30+$0x115C0] =	vst v13  }
0x2a3: {  	[tilespmem:s30+$0x11640] =	vst v14  }
0x2a4: {  	[tilespmem:s30+$0x116C0] =	vst v15  }
0x2a5: {  	[tilespmem:s30+$0x11B40] =	vst v16  }
0x2a6: {  	[tilespmem:s30+$0x11BC0] =	vst v17  }
0x2a7: {  	[tilespmem:s30+$0x11C40] =	vst v18  }
0x2a8: {  	[tilespmem:s30+$0x11CC0] =	vst v19  }
0x2a9: {  	[tilespmem:s30+$0x11D40] =	vst v20  }
0x2aa: {  	[tilespmem:s30+$0x11DC0] =	vst v21  }
0x2ab: {  	[tilespmem:s30+$0x11E40] =	vst v22  }
0x2ac: {  	[tilespmem:s30+$0x11EC0] =	vst v23  }
0x2ad: {  	v21 =	vld.idx.msk [tilespmem:v0+s29+$0x8220], $0xffff  }
0x2ae: {  	v20 =	vld.idx.msk [tilespmem:v1+s29+$0x8220], $0xffff  }
0x2af: {  	v18 =	vld.idx.msk [tilespmem:v2+s29+$0x8220], $0xffff  }
0x2b0: {  	v19 =	vld.idx.msk [tilespmem:v3+s29+$0x8220], $0xffff  }
0x2b1: {  	v17 =	vld.idx.msk [tilespmem:v4+s29+$0x8220], $0xffff  }
0x2b2: {  	v16 =	vld.idx.msk [tilespmem:v5+s29+$0x8220], $0xffff  }
0x2b3: {  	v15 =	vld.idx.msk [tilespmem:v6+s29+$0x8220], $0xffff  }
0x2b4: {  	v14 =	vld.idx.msk [tilespmem:v7+s29+$0x8220], $0xffff  }
0x2b5: {  	v13 =	vld.idx.msk [tilespmem:v0+s29+$0x8228], $0xffff  }
.Ltmp3:
0x2b6: {  	v12 =	vld.idx.msk [tilespmem:v1+s29+$0x8228], $0xffff;
	(pc) =	sbr.rel @p0 .LBB2_9-.Ltmp3, $4  }
0x2b7: {  	v11 =	vld.idx.msk [tilespmem:v2+s29+$0x8228], $0xffff  }
0x2b8: {  	v10 =	vld.idx.msk [tilespmem:v3+s29+$0x8228], $0xffff  }
0x2b9: {  	v9 =	vld.idx.msk [tilespmem:v4+s29+$0x8228], $0xffff  }
0x2ba: {  	s0 =	sadd.s32 $0x1, s0;
	v8 =	vld.idx.msk [tilespmem:v5+s29+$0x8228], $0xffff  }
0x2bb: {  	_ =	sdelay $0x3  }
0x2bc: {  	v22 =	vld.idx.msk [tilespmem:v6+s29+$0x8228], $0xffff  }
0x2bd: {  	v23 =	vld.idx.msk [tilespmem:v7+s29+$0x8228], $0xffff;
	[tilespmem:s30+$0x12340] =	vst v21  }
0x2be: {  	[tilespmem:s30+$0x123C0] =	vst v20  }
0x2bf: {  	[tilespmem:s30+$0x12440] =	vst v18  }
0x2c0: {  	[tilespmem:s30+$0x124C0] =	vst v19  }
0x2c1: {  	[tilespmem:s30+$0x12540] =	vst v17  }
0x2c2: {  	[tilespmem:s30+$0x125C0] =	vst v16  }
0x2c3: {  	[tilespmem:s30+$0x12640] =	vst v15  }
0x2c4: {  	[tilespmem:s30+$0x126C0] =	vst v14  }
0x2c5: {  	[tilespmem:s30+$0x12B40] =	vst v13  }
0x2c6: {  	[tilespmem:s30+$0x12BC0] =	vst v12  }
0x2c7: {  	[tilespmem:s30+$0x12C40] =	vst v11  }
0x2c8: {  	[tilespmem:s30+$0x12CC0] =	vst v10  }
0x2c9: {  	[tilespmem:s30+$0x12D40] =	vst v9  }
0x2ca: {  	[tilespmem:s30+$0x12DC0] =	vst v8  }
0x2cb: {  	[tilespmem:s30+$0x12E40] =	vst v22  }
0x2cc: {  	[tilespmem:s30+$0x12EC0] =	vst v23  }
0x2cd: {  	v8 =	vld.idx.msk [tilespmem:v0+s29+$0x8230], $0xffff  }
0x2ce: {  	v9 =	vld.idx.msk [tilespmem:v1+s29+$0x8230], $0xffff  }
0x2cf: {  	v10 =	vld.idx.msk [tilespmem:v2+s29+$0x8230], $0xffff  }
0x2d0: {  	v11 =	vld.idx.msk [tilespmem:v3+s29+$0x8230], $0xffff  }
0x2d1: {  	v12 =	vld.idx.msk [tilespmem:v4+s29+$0x8230], $0xffff  }
0x2d2: {  	v13 =	vld.idx.msk [tilespmem:v5+s29+$0x8230], $0xffff  }
0x2d3: {  	v14 =	vld.idx.msk [tilespmem:v6+s29+$0x8230], $0xffff  }
0x2d4: {  	v15 =	vld.idx.msk [tilespmem:v7+s29+$0x8230], $0xffff  }
0x2d5: {  	v16 =	vld.idx.msk [tilespmem:v0+s29+$0x8238], $0xffff  }
0x2d6: {  	v17 =	vld.idx.msk [tilespmem:v7+s29+$0x8238], $0xffff  }
0x2d7: {  	v18 =	vld.idx.msk [tilespmem:v1+s29+$0x8238], $0xffff  }
0x2d8: {  	v19 =	vld.idx.msk [tilespmem:v2+s29+$0x8238], $0xffff  }
0x2d9: {  	v20 =	vld.idx.msk [tilespmem:v3+s29+$0x8238], $0xffff  }
0x2da: {  	v21 =	vld.idx.msk [tilespmem:v4+s29+$0x8238], $0xffff  }
0x2db: {  	v22 =	vld.idx.msk [tilespmem:v5+s29+$0x8238], $0xffff  }
0x2dc: {  	v23 =	vld.idx.msk [tilespmem:v6+s29+$0x8238], $0xffff;
	[tilespmem:s30+$0x13EC0] =	vst v17  }
0x2dd: {  	[tilespmem:s30+$0x13340] =	vst v8  }
0x2de: {  	[tilespmem:s30+$0x133C0] =	vst v9  }
0x2df: {  	[tilespmem:s30+$0x13440] =	vst v10  }
0x2e0: {  	[tilespmem:s30+$0x134C0] =	vst v11  }
0x2e1: {  	[tilespmem:s30+$0x13540] =	vst v12  }
0x2e2: {  	[tilespmem:s30+$0x135C0] =	vst v13  }
0x2e3: {  	[tilespmem:s30+$0x13640] =	vst v14  }
0x2e4: {  	[tilespmem:s30+$0x136C0] =	vst v15  }
0x2e5: {  	[tilespmem:s30+$0x13B40] =	vst v16  }
0x2e6: {  	s26 =	sadd.s32 $0x1, s26;
	[tilespmem:s30+$0x13BC0] =	vst v18  }
0x2e7: {  	p0 =	sne.s32 s26, $0x32;
	[tilespmem:s30+$0x13C40] =	vst v19  }
.Ltmp4:
0x2e8: {  	[tilespmem:s30+$0x13CC0] =	vst v20;
	(pc) =	sbr.rel @p0 .LBB2_2-.Ltmp4, $4  }
0x2e9: {  	[tilespmem:s30+$0x13D40] =	vst v21  }
0x2ea: {  	[tilespmem:s30+$0x13DC0] =	vst v22  }
0x2eb: {  	s0 =	sadd.s32 s28, s10;
	[tilespmem:s30+$0x13E40] =	vst v23  }
0x2ec: {  	[hbm4b:s0+s18] =	stream.strided.scatter [tilespmem:s22], [sflag:$0x4], $0x4000, s19, s18, $0x38;
	[tilespmem:$0x14340] =	vst v63  }
0x2ed: {  	s25 =	sadd.s32 $0x1, s25  }
0x2ee: {  	_ =	swait.ge [sflag:s23], $0x4000;
	p0 =	sne.s32 s25, s11  }
.Ltmp5:
0x2ef: {  	[sflag:s23] =	ssyncset.done $0x0;
	(pc) =	sbr.rel @p0 .LBB2_1-.Ltmp5, $4  }
0x2f0: {  	[sflag:s23] =	ssyncadd.s32 $0xFFFFC000  }
0x2f1: {  	_ =	swait.ge [sflag:s24], $0x4000  }
0x2f2: {  	[sflag:s24] =	ssyncset.done $0x0  }
0x2f3: {  	[sflag:s24] =	ssyncadd.s32 $0xFFFFC000  }
0x2f4: {  	_ =	sfence.sel $0x180000  }
0x2f5: {  	[bflag:$0x0] =	sbarrier.arrive $0xFFFF  }
0x2f6: {  	_ =	strace $0x90000047  }
0x2f7: {  	s0 =	stileid.u32;
	[bflag:$0x2] =	sbarrier.arrive $0xFFFF  }
0x2f8: {  	p0 =	sne.s32 s0, $0x0;
	s0 =	rddreg [dreg:$0x2]  }
0x2f9: {  	s0 =	sadd.s32 @!p0 $0x100000, s0  }
0x2fa: {  	[sflag:s0] =	ssyncadd.tile.s32 @!p0 $0x1;
	_ =	shalt  }
.Lfunc_end2:
_tile_overlayer_lowered:
.L_overlay_start_2:
0x2fb: {  	(tag) =	ssettag $0x2  }
0x2fc: {  	s0 =	rddreg [dreg:$0x0];
	s2 =	stileid.u32  }
0x2fd: {  	s1 =	rddreg [dreg:$0x1];
	p0 =	sne.s32 s2, $0x0  }
0x2fe: {  	s3 =	rddreg [dreg:$0x2];
	[bflag:$0x3] =	sbarrier.arrive $0xFFFF;
	s2 =	simm.s32 @!p0 $0x1C07  }
0x2ff: {  	[timem:s3], [sflag:s2] =	dma.local @!p0 [hbm:s0], s1  }
0x300: {  	s0 =	simm.s32 @!p0 $0x7  }
0x301: {  	_ =	swait.ge @!p0 [sflag:s0], s1  }
0x302: {  	s1 =	ssub.s32 @!p0 $0x0, s1;
	[sflag:s0] =	ssyncset.done @!p0 $0x0  }
0x303: {  	[sflag:s0] =	ssyncadd.s32 @!p0 s1  }
0x304: {  	[bflag:$0x3] =	sbarrier.arrive $0xFFFF  }
0x305: {  	_ =	shalt  }

</sc_bundles>
